<compile_context>
chip_gen: v7x
topology: tpu7x:2x2x1
jax: 0.10.2.dev20260603
libtpu: 0.0.44.dev20260713+nightly
codegen_flags: <defaults>
</compile_context>

<pallas_src>
import functools

import jax
import jax.numpy as jnp
from jax import lax
from jax.experimental import pallas as pl
from jax.experimental.pallas import tpu as pltpu
from jax.experimental.pallas import tpu_sc as plsc

DT = 0.5
A = 0.02
B = 0.2

NTILE = 16

EC_N, DG_N, CA3_N, CA1_N = 1500, 8000, 2500, 1500
EC_P, DG_P, CA3_P, CA1_P = 1536, 8192, 2560, 1536

O_EC = 0
O_DGV = O_EC + EC_P
O_DGU = O_DGV + DG_P
O_DGC = O_DGU + DG_P
O_DGD = O_DGC + DG_P
O_C3V = O_DGD + DG_P
O_C3U = O_C3V + CA3_P
O_C3C = O_C3U + CA3_P
O_C3D = O_C3C + CA3_P
O_C1V = O_C3D + CA3_P
O_C1U = O_C1V + CA1_P
O_C1C = O_C1U + CA1_P
O_C1D = O_C1C + CA1_P
CMB_N = O_C1D + CA1_P

T_PP, T_MF, T_REC, T_SC = 0, EC_N, EC_N + DG_N, EC_N + DG_N + CA3_N
T_ROWS = EC_N + DG_N + 2 * CA3_N


def _izh(v, u, c, d, I):
    dv = 0.04 * v * v + 5.0 * v + 140.0 - u + I
    v = jnp.clip(v + dv * DT, -90.0, 40.0)
    du = A * (B * v - u)
    u = u + du * DT
    sp = (v >= 30.0).astype(jnp.float32)
    vo = jnp.where(sp > 0, c, v)
    uo = jnp.where(sp > 0, u + d, u)
    return sp, vo, uo



def _front_body(x_ref, win_ref, st_ref,
                ppb_ref, mfb_ref, recb_ref, scb_ref,
                comb_o, tails_o):
    st = st_ref[...]
    ecv = st[:, 0:1500]
    ecu = st[:, 1500:3000]
    ecc = st[:, 3000:4500]
    ecd = st[:, 4500:6000]
    I = jnp.dot(x_ref[...], win_ref[...], preferred_element_type=jnp.float32)
    sp, _, _ = _izh(ecv, ecu, ecc, ecd, I)
    comb_o[:, 0:EC_N] = sp
    comb_o[:, EC_N:EC_P] = jnp.zeros((1, EC_P - EC_N), jnp.float32)

    def padst(o_off, n_pad, i_off, n, fill):
        comb_o[:, o_off:o_off + n] = st[:, i_off:i_off + n]
        comb_o[:, o_off + n:o_off + n_pad] = jnp.full(
            (1, n_pad - n), fill, jnp.float32)

    padst(O_DGV, DG_P, 6000, DG_N, -65.0)
    padst(O_DGU, DG_P, 14000, DG_N, 0.0)
    padst(O_DGC, DG_P, 22000, DG_N, 0.0)
    padst(O_DGD, DG_P, 30000, DG_N, 0.0)
    padst(O_C3V, CA3_P, 38000, CA3_N, -65.0)
    padst(O_C3U, CA3_P, 40500, CA3_N, 0.0)
    padst(O_C3C, CA3_P, 43000, CA3_N, 0.0)
    padst(O_C3D, CA3_P, 45500, CA3_N, 0.0)
    padst(O_C1V, CA1_P, 48000, CA1_N, -65.0)
    padst(O_C1U, CA1_P, 49500, CA1_N, 0.0)
    padst(O_C1C, CA1_P, 51000, CA1_N, 0.0)
    padst(O_C1D, CA1_P, 52500, CA1_N, 0.0)

    def tail(base, b_ref, ns, r128):
        tails_o[base:base + ns, 0:r128] = b_ref[...][:, :r128]
        tails_o[base:base + ns, r128:128] = jnp.zeros(
            (ns, 128 - r128), jnp.float32)

    tail(T_PP, ppb_ref, EC_N, 64)
    tail(T_MF, mfb_ref, DG_N, 68)
    tail(T_REC, recb_ref, CA3_N, 68)
    tail(T_SC, scb_ref, CA3_N, 92)


def _front(bridge, W_in, W_pp, W_mf, W_rec, W_sc, states):
    whole = lambda shp: pl.BlockSpec(shp, lambda i: tuple(0 for _ in shp))

    def colblk(ns, n128):
        return pl.BlockSpec((ns, 128), lambda i: (0, n128))

    in_specs = [whole((1, 1984)), whole((1984, EC_N)), whole((1, 54000)),
                colblk(EC_N, 62), colblk(DG_N, 19), colblk(CA3_N, 19),
                colblk(CA3_N, 11)]
    out_specs = [whole((1, CMB_N)), whole((T_ROWS, 128))]
    out_shape = [jax.ShapeDtypeStruct((1, CMB_N), jnp.float32),
                 jax.ShapeDtypeStruct((T_ROWS, 128), jnp.float32)]
    return pl.pallas_call(_front_body, grid=(1,), in_specs=in_specs,
                          out_specs=out_specs, out_shape=out_shape)(
        bridge.reshape(1, -1), W_in, states.reshape(1, -1),
        W_pp, W_mf, W_rec, W_sc)



def _sc_chain(comb, tails, W_pp, W_mf, W_rec, W_sc):
    mesh = plsc.VectorSubcoreMesh(core_axis_name="c", subcore_axis_name="s",
                                  num_cores=1)

    @functools.partial(
        pl.kernel, mesh=mesh,
        out_type=jax.ShapeDtypeStruct((CA1_P,), jnp.float32),
        scratch_types=[
            pltpu.VMEM((528,), jnp.float32),
            pltpu.VMEM((528,), jnp.float32),
            pltpu.VMEM((8064,), jnp.float32),
            pltpu.VMEM((8192,), jnp.float32),
            pltpu.VMEM((16 * 512,), jnp.float32),
            pltpu.VMEM((512,), jnp.float32),
            pltpu.VMEM((512,), jnp.float32),
            pltpu.VMEM((512,), jnp.float32),
            pltpu.VMEM((512,), jnp.float32),
            pltpu.VMEM((512,), jnp.float32),
            pltpu.VMEM((512,), jnp.float32),
            pltpu.VMEM((128,), jnp.float32),
            pltpu.VMEM_SHARED((NTILE * DG_P,), jnp.float32),
            pltpu.SemaphoreType.DMA,
        ],
    )
    def sck(comb_h, tails_h, wpp, wmf, wrec, wsc,
            out_hbm,
            spA, spB, row, acc, tmp, red, imf, vb, ub, cb, db, rembuf, shared,
            dsem):
        wid = lax.axis_index("s")

        def zero_acc(nt_pad):
            def zb(i, _):
                acc[pl.ds(i * 16, 16)] = jnp.zeros((16,), jnp.float32)
                return 0
            lax.fori_loop(0, nt_pad // 16, zb, 0)

        def gather_accum(W, tbase, nt, per_src, sp_buf):
            n128 = nt // 128
            r128 = nt - n128 * 128

            def scal(i, _):
                sval = sp_buf[pl.ds(i, 16)][0]

                @pl.when(sval > 0.0)
                def _():
                    s = wid * per_src + i
                    def dmac(j, _):
                        c = pl.multiple_of(j * 128, 128)
                        pltpu.sync_copy(W.at[s, pl.ds(c, 128)],
                                        row.at[pl.ds(c, 128)])
                        return 0
                    lax.fori_loop(0, n128, dmac, 0)

                    def addc(j, _):
                        a = acc[pl.ds(j * 16, 16)]
                        acc[pl.ds(j * 16, 16)] = a + row[pl.ds(j * 16, 16)]
                        return 0
                    lax.fori_loop(0, n128 * 8, addc, 0)

                    if r128:
                        pltpu.sync_copy(tails_h.at[tbase + s, pl.ds(0, 128)],
                                        rembuf.at[pl.ds(0, 128)])

                        def addr(j, _):
                            a = acc[pl.ds(n128 * 128 + j * 16, 16)]
                            acc[pl.ds(n128 * 128 + j * 16, 16)] = (
                                a + rembuf[pl.ds(j * 16, 16)])
                            return 0
                        lax.fori_loop(0, 8, addr, 0)
                return 0
            lax.fori_loop(0, per_src, scal, 0)

        def reduce_stage(nt_pad, per_tgt):
            pltpu.sync_copy(acc.at[pl.ds(0, nt_pad)],
                            shared.at[pl.ds(wid * DG_P, nt_pad)])
            plsc.subcore_barrier()
            cps = [pltpu.make_async_copy(
                shared.at[pl.ds(r * DG_P + wid * per_tgt, per_tgt)],
                tmp.at[pl.ds(r * 512, per_tgt)],
                dsem) for r in range(NTILE)]
            for cp in cps:
                cp.start()
            for cp in cps:
                cp.wait()
            plsc.subcore_barrier()

            def rb(j, _):
                acc16 = tmp[pl.ds(j * 16, 16)]
                for r in range(1, NTILE):
                    acc16 = acc16 + tmp[pl.ds(r * 512 + j * 16, 16)]
                red[pl.ds(j * 16, 16)] = acc16
                return 0
            lax.fori_loop(0, per_tgt // 16, rb, 0)

        def izh_stage(per_tgt, ov, ou, oc, od, sp_out,
                      load_state=True, add_imf=False, save_imf=False,
                      write_out=False):
            if load_state:
                pltpu.sync_copy(comb_h.at[pl.ds(ov + wid * per_tgt, per_tgt)],
                                vb.at[pl.ds(0, per_tgt)])
                pltpu.sync_copy(comb_h.at[pl.ds(ou + wid * per_tgt, per_tgt)],
                                ub.at[pl.ds(0, per_tgt)])
                pltpu.sync_copy(comb_h.at[pl.ds(oc + wid * per_tgt, per_tgt)],
                                cb.at[pl.ds(0, per_tgt)])
                pltpu.sync_copy(comb_h.at[pl.ds(od + wid * per_tgt, per_tgt)],
                                db.at[pl.ds(0, per_tgt)])

            def ch(j, _):
                ds = pl.ds(j * 16, 16)
                I = red[ds]
                if add_imf:
                    I = I + imf[ds]
                if save_imf:
                    imf[ds] = I
                v = vb[ds]
                u = ub[ds]
                dv = 0.04 * v * v + 5.0 * v + 140.0 - u + I
                v = jnp.clip(v + dv * DT, -90.0, 40.0)
                du = A * (B * v - u)
                u = u + du * DT
                fired = v >= 30.0
                vb[ds] = jnp.where(fired, cb[ds], v)
                ub[ds] = jnp.where(fired, u + db[ds], u)
                sp_out[ds] = jnp.where(fired, 1.0, 0.0)
                return 0
            lax.fori_loop(0, per_tgt // 16, ch, 0)
            if write_out:
                pltpu.sync_copy(vb.at[pl.ds(0, per_tgt)],
                                out_hbm.at[pl.ds(wid * per_tgt, per_tgt)])

        pltpu.sync_copy(
            comb_h.at[pl.ds(O_EC + wid * (EC_P // NTILE), EC_P // NTILE)],
            spA.at[pl.ds(0, EC_P // NTILE)])

        zero_acc(DG_P)
        gather_accum(wpp, T_PP, 8000, EC_P // NTILE, spA)
        reduce_stage(DG_P, DG_P // NTILE)
        izh_stage(DG_P // NTILE, O_DGV, O_DGU, O_DGC, O_DGD, spB)

        zero_acc(CA3_P)
        gather_accum(wmf, T_MF, 2500, DG_P // NTILE, spB)
        reduce_stage(CA3_P, CA3_P // NTILE)
        izh_stage(CA3_P // NTILE, O_C3V, O_C3U, O_C3C, O_C3D, spA,
                  save_imf=True)

        zero_acc(CA3_P)
        gather_accum(wrec, T_REC, 2500, CA3_P // NTILE, spA)
        reduce_stage(CA3_P, CA3_P // NTILE)
        izh_stage(CA3_P // NTILE, O_C3V, O_C3U, O_C3C, O_C3D, spB,
                  load_state=False, add_imf=True)

        zero_acc(CA1_P)
        gather_accum(wsc, T_SC, 1500, CA3_P // NTILE, spB)
        reduce_stage(CA1_P, CA1_P // NTILE)
        izh_stage(CA1_P // NTILE, O_C1V, O_C1U, O_C1C, O_C1D, spA,
                  write_out=True)

    return sck(comb, tails, W_pp, W_mf, W_rec, W_sc)


def kernel(bridge_input, W_in, W_pp, W_mf, W_rec, W_sc,
           ec_v, ec_u, ec_c, ec_d,
           dg_v, dg_u, dg_c, dg_d,
           ca3_v, ca3_u, ca3_c, ca3_d,
           ca1_v, ca1_u, ca1_c, ca1_d):
    states = jnp.concatenate([
        ec_v, ec_u, ec_c, ec_d, dg_v, dg_u, dg_c, dg_d,
        ca3_v, ca3_u, ca3_c, ca3_d, ca1_v, ca1_u, ca1_c, ca1_d])
    comb, tails = _front(bridge_input, W_in, W_pp, W_mf, W_rec, W_sc, states)
    out = _sc_chain(comb.reshape(-1), tails, W_pp, W_mf, W_rec, W_sc)
    return out[:CA1_N]

# --- scband reference (transcript-rebuilt; emitter-appended) ---
"""Pipeline reference for scband-dynamic-hippocampus-45243185496633 (READ-ONLY COPY).

The authoritative reference and input builder live on the scoring server;
editing this copy changes nothing except your own understanding.
"""

import jax, jax.numpy as jnp
import numpy as np

DT = 0.5
A = 0.02
B = 0.2

def izh_step(v, u, c_reset, d_reset, I):
    dv = 0.04 * v * v + 5.0 * v + 140.0 - u + I
    v = jnp.clip(v + dv * DT, -90.0, 40.0)
    du = A * (B * v - u)
    u = u + du * DT
    spikes = (v >= 30.0).astype(jnp.float32)
    v = jnp.where(spikes > 0, c_reset, v)
    u = jnp.where(spikes > 0, u + d_reset, u)
    return spikes, v, u


def setup_inputs():
    rng = np.random.default_rng(0)

    def pop(n, c, d, b=0.2):
        r = rng.random(n).astype(np.float32)
        v = np.full(n, -65.0, np.float32)
        u = np.full(n, b * -65.0, np.float32)
        cr = (c + 10.0 * r ** 2).astype(np.float32)
        dr = (d - 4.0 * r ** 2).astype(np.float32)
        return v, u, cr, dr

    ec_v, ec_u, ec_c, ec_d = pop(1500, -65.0, 8.0)
    dg_v, dg_u, dg_c, dg_d = pop(8000, -65.0, 8.0)
    ca3_v, ca3_u, ca3_c, ca3_d = pop(2500, -55.0, 4.0)
    ca1_v, ca1_u, ca1_c, ca1_d = pop(1500, -65.0, 6.0)

    def sparse_w(ns, nt, density):
        nnz = max(int(density * ns * nt), ns)
        si = rng.integers(0, ns, nnz)
        ti = rng.integers(0, nt, nnz)
        vals = np.clip(rng.normal(0.5, 0.1, nnz), 0.0, None).astype(np.float32)
        W = np.zeros((ns, nt), np.float32)
        np.add.at(W, (si, ti), vals)
        return W

    inp = {
        'bridge_input': jnp.asarray(rng.normal(0.0, 1.0, 1984).astype(np.float32)),
        'W_in': jnp.asarray((rng.normal(0.0, 1.0, (1984, 1500)) * (8.0 / np.sqrt(1984.0))).astype(np.float32)),
        'W_pp': jnp.asarray(sparse_w(1500, 8000, 0.05)),
        'W_mf': jnp.asarray(sparse_w(8000, 2500, 0.006)),
        'W_rec': jnp.asarray(sparse_w(2500, 2500, 0.02)),
        'W_sc': jnp.asarray(sparse_w(2500, 1500, 0.1)),
        'ec_v': jnp.asarray(ec_v), 'ec_u': jnp.asarray(ec_u), 'ec_c': jnp.asarray(ec_c), 'ec_d': jnp.asarray(ec_d),
        'dg_v': jnp.asarray(dg_v), 'dg_u': jnp.asarray(dg_u), 'dg_c': jnp.asarray(dg_c), 'dg_d': jnp.asarray(dg_d),
        'ca3_v': jnp.asarray(ca3_v), 'ca3_u': jnp.asarray(ca3_u), 'ca3_c': jnp.asarray(ca3_c), 'ca3_d': jnp.asarray(ca3_d),
        'ca1_v': jnp.asarray(ca1_v), 'ca1_u': jnp.asarray(ca1_u), 'ca1_c': jnp.asarray(ca1_c), 'ca1_d': jnp.asarray(ca1_d),
    }
    return inp


def reference(bridge_input, W_in, W_pp, W_mf, W_rec, W_sc,
              ec_v, ec_u, ec_c, ec_d,
              dg_v, dg_u, dg_c, dg_d,
              ca3_v, ca3_u, ca3_c, ca3_d,
              ca1_v, ca1_u, ca1_c, ca1_d):
    # EC: project bridge input onto entorhinal cortex neurons
    ec_I = bridge_input @ W_in
    ec_sp, ec_v, ec_u = izh_step(ec_v, ec_u, ec_c, ec_d, ec_I)
    # Perforant path: EC -> DG (sparse transmit = W.T @ spikes, here spikes @ W)
    dg_I = ec_sp @ W_pp
    dg_sp, dg_v, dg_u = izh_step(dg_v, dg_u, dg_c, dg_d, dg_I)
    # Mossy fibers DG -> CA3 plus CA3 recurrent collaterals (2 micro-steps)
    ca3_sp = jnp.zeros_like(ca3_v)
    for _ in range(2):
        ca3_I = dg_sp @ W_mf + ca3_sp @ W_rec
        ca3_sp, ca3_v, ca3_u = izh_step(ca3_v, ca3_u, ca3_c, ca3_d, ca3_I)
    # Schaffer collaterals CA3 -> CA1
    ca1_I = ca3_sp @ W_sc
    ca1_sp, ca1_v, ca1_u = izh_step(ca1_v, ca1_u, ca1_c, ca1_d, ca1_I)
    return ca1_v

if __name__ == "__main__":
    import jax
    _d = setup_inputs()
    print(jax.jit(kernel)(*tuple(_d.values())))

</pallas_src>

<mosaic_0001>
#map = affine_map<(d0, d1) -> (0)>
#map1 = affine_map<(d0, d1) -> (0, 0)>
module attributes {stable_mosaic.version = 14 : i64} {
  func.func @sck(%arg0: i32, %arg1: i32, %arg2: memref<50688xf32, #tpu.memory_space<hbm>>, %arg3: memref<14500x128xf32, #tpu.memory_space<hbm>>, %arg4: memref<1500x8000xf32, #tpu.memory_space<hbm>>, %arg5: memref<8000x2500xf32, #tpu.memory_space<hbm>>, %arg6: memref<2500x2500xf32, #tpu.memory_space<hbm>>, %arg7: memref<2500x1500xf32, #tpu.memory_space<hbm>>, %arg8: memref<1536xf32, #tpu.memory_space<hbm>>, %arg9: memref<528xf32, #tpu.memory_space<vmem>>, %arg10: memref<528xf32, #tpu.memory_space<vmem>>, %arg11: memref<8064xf32, #tpu.memory_space<vmem>>, %arg12: memref<8192xf32, #tpu.memory_space<vmem>>, %arg13: memref<8192xf32, #tpu.memory_space<vmem>>, %arg14: memref<512xf32, #tpu.memory_space<vmem>>, %arg15: memref<512xf32, #tpu.memory_space<vmem>>, %arg16: memref<512xf32, #tpu.memory_space<vmem>>, %arg17: memref<512xf32, #tpu.memory_space<vmem>>, %arg18: memref<512xf32, #tpu.memory_space<vmem>>, %arg19: memref<512xf32, #tpu.memory_space<vmem>>, %arg20: memref<128xf32, #tpu.memory_space<vmem>>, %arg21: memref<131072xf32, #tpu.memory_space<vmem_shared>>, %arg22: memref<!tpu.dma_semaphore, #tpu.memory_space<semaphore_mem>>) attributes {dimension_semantics = [#tpu.dimension_semantics<core_parallel>, #tpu.dimension_semantics<subcore_parallel>], iteration_bounds = array<i64: 1, 16>, scalar_prefetch = 0 : i64, scratch_operands = 14 : i64, tpu.core_type = #tpu.core_type<sc_vector_subcore>, window_params = [{transform_indices = #map}, {transform_indices = #map1}, {transform_indices = #map1}, {transform_indices = #map1}, {transform_indices = #map1}, {transform_indices = #map1}, {transform_indices = #map}]} {
    %mul3A = arith.constant 96 : i32
    %mul3A_0 = arith.muli %arg1, %mul3A : i32
    %add3A = arith.constant 0 : i32
    %add3A_1 = arith.addi %add3A, %mul3A_0 : i32
    "tpu.region"() ({
      %run_scoped3A = tpu.sem_alloc : memref<!tpu.dma_semaphore, #tpu.memory_space<semaphore_mem>>
      %dma_start3A_1200 = arith.constant 0 : i32
      %dma_start3A_1201 = tpu.memref_slice %arg9[%dma_start3A_1200] : memref<528xf32, #tpu.memory_space<vmem>> -> memref<96xf32, #tpu.memory_space<vmem>>
      %dma_start3A_1202 = tpu.memref_slice %arg2[%add3A_1] : memref<50688xf32, #tpu.memory_space<hbm>> -> memref<96xf32, #tpu.memory_space<hbm>>
      %dma_start3A_1203 = arith.constant 0 : i32
      %dma_start3A_1204 = tpu.memref_slice %arg9[%dma_start3A_1203] : memref<528xf32, #tpu.memory_space<vmem>> -> memref<96xf32, #tpu.memory_space<vmem>>
      %dma_start3A_1205 = tpu.memref_slice %arg2[%add3A_1] : memref<50688xf32, #tpu.memory_space<hbm>> -> memref<96xf32, #tpu.memory_space<hbm>>
      tpu.enqueue_dma source(%dma_start3A_1205 : memref<96xf32, #tpu.memory_space<hbm>>) target(%dma_start3A_1204 : memref<96xf32, #tpu.memory_space<vmem>>) target_semaphore(%run_scoped3A : memref<!tpu.dma_semaphore, #tpu.memory_space<semaphore_mem>>)
      %dma_wait3A_1206 = arith.constant 0 : i32
      %dma_wait3A_1207 = tpu.memref_slice %arg9[%dma_wait3A_1206] : memref<528xf32, #tpu.memory_space<vmem>> -> memref<96xf32, #tpu.memory_space<vmem>>
      %dma_wait3A_1208 = tpu.memref_slice %arg2[%add3A_1] : memref<50688xf32, #tpu.memory_space<hbm>> -> memref<96xf32, #tpu.memory_space<hbm>>
      %dma_wait3A_1209 = arith.constant 0 : i32
      %dma_wait3A_1210 = tpu.memref_slice %arg9[%dma_wait3A_1209] : memref<528xf32, #tpu.memory_space<vmem>> -> memref<96xf32, #tpu.memory_space<vmem>>
      %dma_wait3A_1211 = tpu.memref_slice %arg2[%add3A_1] : memref<50688xf32, #tpu.memory_space<hbm>> -> memref<96xf32, #tpu.memory_space<hbm>>
      tpu.wait_dma2 semaphore(%run_scoped3A : memref<!tpu.dma_semaphore, #tpu.memory_space<semaphore_mem>>) src(%dma_wait3A_1211 : memref<96xf32, #tpu.memory_space<hbm>>) dst(%dma_wait3A_1210 : memref<96xf32, #tpu.memory_space<vmem>>)
      tpu.yield
    }) : () -> ()
    %scan3A = arith.constant 0 : i32
    %scan3A_2 = arith.constant 0 : i32
    %scan3A_3 = arith.constant 512 : i32
    %scan3A_4 = arith.addi %scan3A_2, %scan3A_3 : i32
    %scan3A_5 = arith.constant 1 : i32
    %scan3A_6 = scf.for %scan3A_1200 = %scan3A_2 to %scan3A_4 step %scan3A_5 iter_args(%scan3A_1201 = %scan3A) -> (i32)  : i32 {
      %broadcast_in_dim3A = arith.constant 0.000000e+00 : f32
      %broadcast_in_dim3A_1202 = vector.broadcast %broadcast_in_dim3A : f32 to vector<16xf32>
      %mul3A_1203 = arith.constant 16 : i32
      %mul3A_1204 = arith.muli %scan3A_1200, %mul3A_1203 : i32
      %swap3A = arith.index_cast %mul3A_1204 : i32 to index
      %swap3A_1205 = tpu.vector_load %arg12[%swap3A] {strides = array<i32>} : memref<8192xf32, #tpu.memory_space<vmem>>, vector<16xf32>,
      %swap3A_1206 = vector.shape_cast %swap3A_1205 : vector<16xf32> to vector<16xf32>
      %swap3A_1207 = vector.shape_cast %broadcast_in_dim3A_1202 : vector<16xf32> to vector<16xf32>
      tpu.vector_store %arg12[%swap3A], %swap3A_1207 {strides = array<i32>} : memref<8192xf32, #tpu.memory_space<vmem>>, vector<16xf32>,
      %scan3A_1208 = arith.constant 0 : i32
      scf.yield %scan3A_1208 : i32
    }
    %scan3A_7 = arith.constant 512 : i32
    %scan3A_8 = arith.constant 0 : i32
    %scan3A_9 = arith.constant 0 : i32
    %scan3A_10 = arith.constant 96 : i32
    %scan3A_11 = arith.addi %scan3A_9, %scan3A_10 : i32
    %scan3A_12 = arith.constant 1 : i32
    %scan3A_13 = scf.for %scan3A_1200 = %scan3A_9 to %scan3A_11 step %scan3A_12 iter_args(%scan3A_1201 = %scan3A_8) -> (i32)  : i32 {
      %get3A = arith.index_cast %scan3A_1200 : i32 to index
      %get3A_1202 = tpu.vector_load %arg9[%get3A] {strides = array<i32>} : memref<528xf32, #tpu.memory_space<vmem>>, vector<16xf32>,
      %get3A_1203 = vector.shape_cast %get3A_1202 : vector<16xf32> to vector<16xf32>
      %slice3A = vector.extract_strided_slice %get3A_1203 {offsets = [0], sizes = [1], strides = [1]} : vector<16xf32> to vector<1xf32>
      %squeeze3A = vector.extract %slice3A[0] : f32 from vector<1xf32>
      %gt3A = arith.constant 0.000000e+00 : f32
      %gt3A_1204 = arith.cmpf ogt, %squeeze3A, %gt3A : f32
      %convert_element_type3A = arith.extui %gt3A_1204 : i1 to i32
      %cond3A = arith.constant 0 : i32
      %cond3A_1205 = arith.cmpi ne, %convert_element_type3A, %cond3A : i32
      scf.if %cond3A_1205 {
        %mul3A_1207 = arith.constant 96 : i32
        %mul3A_1208 = arith.muli %arg1, %mul3A_1207 : i32
        %add3A_1209 = arith.addi %mul3A_1208, %scan3A_1200 : i32
        %scan3A_1210 = arith.constant 0 : i32
        %scan3A_1211 = arith.constant 0 : i32
        %scan3A_1212 = arith.constant 62 : i32
        %scan3A_1213 = arith.addi %scan3A_1211, %scan3A_1212 : i32
        %scan3A_1214 = arith.constant 1 : i32
        %scan3A_1215 = scf.for %scan3A_1233 = %scan3A_1211 to %scan3A_1213 step %scan3A_1214 iter_args(%scan3A_1234 = %scan3A_1210) -> (i32)  : i32 {
          %mul3A_1235 = arith.constant 128 : i32
          %mul3A_1236 = arith.muli %scan3A_1233, %mul3A_1235 : i32
          %multiple_of3A = tpu.assume_multiple %mul3A_1236, 128 : i32
          "tpu.region"() ({
            %run_scoped3A = tpu.sem_alloc : memref<!tpu.dma_semaphore, #tpu.memory_space<semaphore_mem>>
            %dma_start3A_1238 = tpu.memref_slice %arg11[%multiple_of3A] : memref<8064xf32, #tpu.memory_space<vmem>> -> memref<128xf32, #tpu.memory_space<vmem>>
            %dma_start3A_1239 = tpu.memref_slice %arg4[%add3A_1209, %multiple_of3A] : memref<1500x8000xf32, #tpu.memory_space<hbm>> -> memref<1x128xf32, #tpu.memory_space<hbm>>
            %dma_start3A_1240 = tpu.memref_squeeze %dma_start3A_1239 : memref<1x128xf32, #tpu.memory_space<hbm>> -> memref<128xf32, #tpu.memory_space<hbm>>
            %dma_start3A_1241 = tpu.memref_slice %arg11[%multiple_of3A] : memref<8064xf32, #tpu.memory_space<vmem>> -> memref<128xf32, #tpu.memory_space<vmem>>
            %dma_start3A_1242 = tpu.memref_slice %arg4[%add3A_1209, %multiple_of3A] : memref<1500x8000xf32, #tpu.memory_space<hbm>> -> memref<1x128xf32, #tpu.memory_space<hbm>>
            %dma_start3A_1243 = tpu.memref_squeeze %dma_start3A_1242 : memref<1x128xf32, #tpu.memory_space<hbm>> -> memref<128xf32, #tpu.memory_space<hbm>>
            tpu.enqueue_dma source(%dma_start3A_1243 : memref<128xf32, #tpu.memory_space<hbm>>) target(%dma_start3A_1241 : memref<128xf32, #tpu.memory_space<vmem>>) target_semaphore(%run_scoped3A : memref<!tpu.dma_semaphore, #tpu.memory_space<semaphore_mem>>)
            %dma_wait3A_1244 = tpu.memref_slice %arg11[%multiple_of3A] : memref<8064xf32, #tpu.memory_space<vmem>> -> memref<128xf32, #tpu.memory_space<vmem>>
            %dma_wait3A_1245 = tpu.memref_slice %arg4[%add3A_1209, %multiple_of3A] : memref<1500x8000xf32, #tpu.memory_space<hbm>> -> memref<1x128xf32, #tpu.memory_space<hbm>>
            %dma_wait3A_1246 = tpu.memref_squeeze %dma_wait3A_1245 : memref<1x128xf32, #tpu.memory_space<hbm>> -> memref<128xf32, #tpu.memory_space<hbm>>
            %dma_wait3A_1247 = tpu.memref_slice %arg11[%multiple_of3A] : memref<8064xf32, #tpu.memory_space<vmem>> -> memref<128xf32, #tpu.memory_space<vmem>>
            %dma_wait3A_1248 = tpu.memref_slice %arg4[%add3A_1209, %multiple_of3A] : memref<1500x8000xf32, #tpu.memory_space<hbm>> -> memref<1x128xf32, #tpu.memory_space<hbm>>
            %dma_wait3A_1249 = tpu.memref_squeeze %dma_wait3A_1248 : memref<1x128xf32, #tpu.memory_space<hbm>> -> memref<128xf32, #tpu.memory_space<hbm>>
            tpu.wait_dma2 semaphore(%run_scoped3A : memref<!tpu.dma_semaphore, #tpu.memory_space<semaphore_mem>>) src(%dma_wait3A_1249 : memref<128xf32, #tpu.memory_space<hbm>>) dst(%dma_wait3A_1247 : memref<128xf32, #tpu.memory_space<vmem>>)
            tpu.yield
          }) : () -> ()
          %scan3A_1237 = arith.constant 0 : i32
          scf.yield %scan3A_1237 : i32
        }
        %scan3A_1216 = arith.constant 62 : i32
        %scan3A_1217 = arith.constant 0 : i32
        %scan3A_1218 = arith.constant 0 : i32
        %scan3A_1219 = arith.constant 496 : i32
        %scan3A_1220 = arith.addi %scan3A_1218, %scan3A_1219 : i32
        %scan3A_1221 = arith.constant 1 : i32
        %scan3A_1222 = scf.for %scan3A_1233 = %scan3A_1218 to %scan3A_1220 step %scan3A_1221 iter_args(%scan3A_1234 = %scan3A_1217) -> (i32)  : i32 {
          %mul3A_1235 = arith.constant 16 : i32
          %mul3A_1236 = arith.muli %scan3A_1233, %mul3A_1235 : i32
          %get3A_1237 = arith.index_cast %mul3A_1236 : i32 to index
          %get3A_1238 = tpu.vector_load %arg12[%get3A_1237] {strides = array<i32>} : memref<8192xf32, #tpu.memory_space<vmem>>, vector<16xf32>,
          %get3A_1239 = vector.shape_cast %get3A_1238 : vector<16xf32> to vector<16xf32>
          %mul3A_1240 = arith.constant 16 : i32
          %mul3A_1241 = arith.muli %scan3A_1233, %mul3A_1240 : i32
          %get3A_1242 = arith.index_cast %mul3A_1241 : i32 to index
          %get3A_1243 = tpu.vector_load %arg11[%get3A_1242] {strides = array<i32>} : memref<8064xf32, #tpu.memory_space<vmem>>, vector<16xf32>,
          %get3A_1244 = vector.shape_cast %get3A_1243 : vector<16xf32> to vector<16xf32>
          %add3A_1245 = arith.addf %get3A_1239, %get3A_1244 : vector<16xf32>
          %mul3A_1246 = arith.constant 16 : i32
          %mul3A_1247 = arith.muli %scan3A_1233, %mul3A_1246 : i32
          %swap3A = arith.index_cast %mul3A_1247 : i32 to index
          %swap3A_1248 = tpu.vector_load %arg12[%swap3A] {strides = array<i32>} : memref<8192xf32, #tpu.memory_space<vmem>>, vector<16xf32>,
          %swap3A_1249 = vector.shape_cast %swap3A_1248 : vector<16xf32> to vector<16xf32>
          %swap3A_1250 = vector.shape_cast %add3A_1245 : vector<16xf32> to vector<16xf32>
          tpu.vector_store %arg12[%swap3A], %swap3A_1250 {strides = array<i32>} : memref<8192xf32, #tpu.memory_space<vmem>>, vector<16xf32>,
          %scan3A_1251 = arith.constant 0 : i32
          scf.yield %scan3A_1251 : i32
        }
        %scan3A_1223 = arith.constant 496 : i32
        %add3A_1224 = arith.constant 0 : i32
        %add3A_1225 = arith.addi %add3A_1224, %add3A_1209 : i32
        "tpu.region"() ({
          %run_scoped3A = tpu.sem_alloc : memref<!tpu.dma_semaphore, #tpu.memory_space<semaphore_mem>>
          %dma_start3A_1233 = arith.constant 0 : i32
          %dma_start3A_1234 = tpu.memref_slice %arg20[%dma_start3A_1233] : memref<128xf32, #tpu.memory_space<vmem>> -> memref<128xf32, #tpu.memory_space<vmem>>
          %dma_start3A_1235 = arith.constant 0 : i32
          %dma_start3A_1236 = tpu.memref_slice %arg3[%add3A_1225, %dma_start3A_1235] : memref<14500x128xf32, #tpu.memory_space<hbm>> -> memref<1x128xf32, #tpu.memory_space<hbm>>
          %dma_start3A_1237 = tpu.memref_squeeze %dma_start3A_1236 : memref<1x128xf32, #tpu.memory_space<hbm>> -> memref<128xf32, #tpu.memory_space<hbm>>
          %dma_start3A_1238 = arith.constant 0 : i32
          %dma_start3A_1239 = tpu.memref_slice %arg20[%dma_start3A_1238] : memref<128xf32, #tpu.memory_space<vmem>> -> memref<128xf32, #tpu.memory_space<vmem>>
          %dma_start3A_1240 = arith.constant 0 : i32
          %dma_start3A_1241 = tpu.memref_slice %arg3[%add3A_1225, %dma_start3A_1240] : memref<14500x128xf32, #tpu.memory_space<hbm>> -> memref<1x128xf32, #tpu.memory_space<hbm>>
          %dma_start3A_1242 = tpu.memref_squeeze %dma_start3A_1241 : memref<1x128xf32, #tpu.memory_space<hbm>> -> memref<128xf32, #tpu.memory_space<hbm>>
          tpu.enqueue_dma source(%dma_start3A_1242 : memref<128xf32, #tpu.memory_space<hbm>>) target(%dma_start3A_1239 : memref<128xf32, #tpu.memory_space<vmem>>) target_semaphore(%run_scoped3A : memref<!tpu.dma_semaphore, #tpu.memory_space<semaphore_mem>>)
          %dma_wait3A_1243 = arith.constant 0 : i32
          %dma_wait3A_1244 = tpu.memref_slice %arg20[%dma_wait3A_1243] : memref<128xf32, #tpu.memory_space<vmem>> -> memref<128xf32, #tpu.memory_space<vmem>>
          %dma_wait3A_1245 = arith.constant 0 : i32
          %dma_wait3A_1246 = tpu.memref_slice %arg3[%add3A_1225, %dma_wait3A_1245] : memref<14500x128xf32, #tpu.memory_space<hbm>> -> memref<1x128xf32, #tpu.memory_space<hbm>>
          %dma_wait3A_1247 = tpu.memref_squeeze %dma_wait3A_1246 : memref<1x128xf32, #tpu.memory_space<hbm>> -> memref<128xf32, #tpu.memory_space<hbm>>
          %dma_wait3A_1248 = arith.constant 0 : i32
          %dma_wait3A_1249 = tpu.memref_slice %arg20[%dma_wait3A_1248] : memref<128xf32, #tpu.memory_space<vmem>> -> memref<128xf32, #tpu.memory_space<vmem>>
          %dma_wait3A_1250 = arith.constant 0 : i32
          %dma_wait3A_1251 = tpu.memref_slice %arg3[%add3A_1225, %dma_wait3A_1250] : memref<14500x128xf32, #tpu.memory_space<hbm>> -> memref<1x128xf32, #tpu.memory_space<hbm>>
          %dma_wait3A_1252 = tpu.memref_squeeze %dma_wait3A_1251 : memref<1x128xf32, #tpu.memory_space<hbm>> -> memref<128xf32, #tpu.memory_space<hbm>>
          tpu.wait_dma2 semaphore(%run_scoped3A : memref<!tpu.dma_semaphore, #tpu.memory_space<semaphore_mem>>) src(%dma_wait3A_1252 : memref<128xf32, #tpu.memory_space<hbm>>) dst(%dma_wait3A_1249 : memref<128xf32, #tpu.memory_space<vmem>>)
          tpu.yield
        }) : () -> ()
        %scan3A_1226 = arith.constant 0 : i32
        %scan3A_1227 = arith.constant 0 : i32
        %scan3A_1228 = arith.constant 8 : i32
        %scan3A_1229 = arith.addi %scan3A_1227, %scan3A_1228 : i32
        %scan3A_1230 = arith.constant 1 : i32
        %scan3A_1231 = scf.for %scan3A_1233 = %scan3A_1227 to %scan3A_1229 step %scan3A_1230 iter_args(%scan3A_1234 = %scan3A_1226) -> (i32)  : i32 {
          %mul3A_1235 = arith.constant 16 : i32
          %mul3A_1236 = arith.muli %scan3A_1233, %mul3A_1235 : i32
          %add3A_1237 = arith.constant 7936 : i32
          %add3A_1238 = arith.addi %add3A_1237, %mul3A_1236 : i32
          %get3A_1239 = arith.index_cast %add3A_1238 : i32 to index
          %get3A_1240 = tpu.vector_load %arg12[%get3A_1239] {strides = array<i32>} : memref<8192xf32, #tpu.memory_space<vmem>>, vector<16xf32>,
          %get3A_1241 = vector.shape_cast %get3A_1240 : vector<16xf32> to vector<16xf32>
          %mul3A_1242 = arith.constant 16 : i32
          %mul3A_1243 = arith.muli %scan3A_1233, %mul3A_1242 : i32
          %get3A_1244 = arith.index_cast %mul3A_1243 : i32 to index
          %get3A_1245 = tpu.vector_load %arg20[%get3A_1244] {strides = array<i32>} : memref<128xf32, #tpu.memory_space<vmem>>, vector<16xf32>,
          %get3A_1246 = vector.shape_cast %get3A_1245 : vector<16xf32> to vector<16xf32>
          %add3A_1247 = arith.addf %get3A_1241, %get3A_1246 : vector<16xf32>
          %mul3A_1248 = arith.constant 16 : i32
          %mul3A_1249 = arith.muli %scan3A_1233, %mul3A_1248 : i32
          %add3A_1250 = arith.constant 7936 : i32
          %add3A_1251 = arith.addi %add3A_1250, %mul3A_1249 : i32
          %swap3A = arith.index_cast %add3A_1251 : i32 to index
          %swap3A_1252 = tpu.vector_load %arg12[%swap3A] {strides = array<i32>} : memref<8192xf32, #tpu.memory_space<vmem>>, vector<16xf32>,
          %swap3A_1253 = vector.shape_cast %swap3A_1252 : vector<16xf32> to vector<16xf32>
          %swap3A_1254 = vector.shape_cast %add3A_1247 : vector<16xf32> to vector<16xf32>
          tpu.vector_store %arg12[%swap3A], %swap3A_1254 {strides = array<i32>} : memref<8192xf32, #tpu.memory_space<vmem>>, vector<16xf32>,
          %scan3A_1255 = arith.constant 0 : i32
          scf.yield %scan3A_1255 : i32
        }
        %scan3A_1232 = arith.constant 8 : i32
      } else {
      }
      %scan3A_1206 = arith.constant 0 : i32
      scf.yield %scan3A_1206 : i32
    }
    %scan3A_14 = arith.constant 96 : i32
    %mul3A_15 = arith.constant 8192 : i32
    %mul3A_16 = arith.muli %arg1, %mul3A_15 : i32
    "tpu.region"() ({
      %run_scoped3A = tpu.sem_alloc : memref<!tpu.dma_semaphore, #tpu.memory_space<semaphore_mem>>
      %dma_start3A_1200 = arith.constant 0 : i32
      %dma_start3A_1201 = tpu.memref_slice %arg12[%dma_start3A_1200] : memref<8192xf32, #tpu.memory_space<vmem>> -> memref<8192xf32, #tpu.memory_space<vmem>>
      %dma_start3A_1202 = tpu.memref_slice %arg21[%mul3A_16] : memref<131072xf32, #tpu.memory_space<vmem_shared>> -> memref<8192xf32, #tpu.memory_space<vmem_shared>>
      %dma_start3A_1203 = tpu.memref_slice %arg21[%mul3A_16] : memref<131072xf32, #tpu.memory_space<vmem_shared>> -> memref<8192xf32, #tpu.memory_space<vmem_shared>>
      %dma_start3A_1204 = arith.constant 0 : i32
      %dma_start3A_1205 = tpu.memref_slice %arg12[%dma_start3A_1204] : memref<8192xf32, #tpu.memory_space<vmem>> -> memref<8192xf32, #tpu.memory_space<vmem>>
      tpu.enqueue_dma source(%dma_start3A_1205 : memref<8192xf32, #tpu.memory_space<vmem>>) target(%dma_start3A_1203 : memref<8192xf32, #tpu.memory_space<vmem_shared>>) target_semaphore(%run_scoped3A : memref<!tpu.dma_semaphore, #tpu.memory_space<semaphore_mem>>)
      %dma_wait3A_1206 = arith.constant 0 : i32
      %dma_wait3A_1207 = tpu.memref_slice %arg12[%dma_wait3A_1206] : memref<8192xf32, #tpu.memory_space<vmem>> -> memref<8192xf32, #tpu.memory_space<vmem>>
      %dma_wait3A_1208 = tpu.memref_slice %arg21[%mul3A_16] : memref<131072xf32, #tpu.memory_space<vmem_shared>> -> memref<8192xf32, #tpu.memory_space<vmem_shared>>
      %dma_wait3A_1209 = tpu.memref_slice %arg21[%mul3A_16] : memref<131072xf32, #tpu.memory_space<vmem_shared>> -> memref<8192xf32, #tpu.memory_space<vmem_shared>>
      %dma_wait3A_1210 = arith.constant 0 : i32
      %dma_wait3A_1211 = tpu.memref_slice %arg12[%dma_wait3A_1210] : memref<8192xf32, #tpu.memory_space<vmem>> -> memref<8192xf32, #tpu.memory_space<vmem>>
      tpu.wait_dma2 semaphore(%run_scoped3A : memref<!tpu.dma_semaphore, #tpu.memory_space<semaphore_mem>>) src(%dma_wait3A_1211 : memref<8192xf32, #tpu.memory_space<vmem>>) dst(%dma_wait3A_1209 : memref<8192xf32, #tpu.memory_space<vmem_shared>>)
      tpu.yield
    }) : () -> ()
    %barrier3A = arith.constant 0 : index
    tpu.barrier barrier_id(%barrier3A)
    %mul3A_17 = arith.constant 512 : i32
    %mul3A_18 = arith.muli %arg1, %mul3A_17 : i32
    %add3A_19 = arith.constant 0 : i32
    %add3A_20 = arith.addi %add3A_19, %mul3A_18 : i32
    %mul3A_21 = arith.constant 512 : i32
    %mul3A_22 = arith.muli %arg1, %mul3A_21 : i32
    %add3A_23 = arith.constant 8192 : i32
    %add3A_24 = arith.addi %add3A_23, %mul3A_22 : i32
    %mul3A_25 = arith.constant 512 : i32
    %mul3A_26 = arith.muli %arg1, %mul3A_25 : i32
    %add3A_27 = arith.constant 16384 : i32
    %add3A_28 = arith.addi %add3A_27, %mul3A_26 : i32
    %mul3A_29 = arith.constant 512 : i32
    %mul3A_30 = arith.muli %arg1, %mul3A_29 : i32
    %add3A_31 = arith.constant 24576 : i32
    %add3A_32 = arith.addi %add3A_31, %mul3A_30 : i32
    %mul3A_33 = arith.constant 512 : i32
    %mul3A_34 = arith.muli %arg1, %mul3A_33 : i32
    %add3A_35 = arith.constant 32768 : i32
    %add3A_36 = arith.addi %add3A_35, %mul3A_34 : i32
    %mul3A_37 = arith.constant 512 : i32
    %mul3A_38 = arith.muli %arg1, %mul3A_37 : i32
    %add3A_39 = arith.constant 40960 : i32
    %add3A_40 = arith.addi %add3A_39, %mul3A_38 : i32
    %mul3A_41 = arith.constant 512 : i32
    %mul3A_42 = arith.muli %arg1, %mul3A_41 : i32
    %add3A_43 = arith.constant 49152 : i32
    %add3A_44 = arith.addi %add3A_43, %mul3A_42 : i32
    %mul3A_45 = arith.constant 512 : i32
    %mul3A_46 = arith.muli %arg1, %mul3A_45 : i32
    %add3A_47 = arith.constant 57344 : i32
    %add3A_48 = arith.addi %add3A_47, %mul3A_46 : i32
    %mul3A_49 = arith.constant 512 : i32
    %mul3A_50 = arith.muli %arg1, %mul3A_49 : i32
    %add3A_51 = arith.constant 65536 : i32
    %add3A_52 = arith.addi %add3A_51, %mul3A_50 : i32
    %mul3A_53 = arith.constant 512 : i32
    %mul3A_54 = arith.muli %arg1, %mul3A_53 : i32
    %add3A_55 = arith.constant 73728 : i32
    %add3A_56 = arith.addi %add3A_55, %mul3A_54 : i32
    %mul3A_57 = arith.constant 512 : i32
    %mul3A_58 = arith.muli %arg1, %mul3A_57 : i32
    %add3A_59 = arith.constant 81920 : i32
    %add3A_60 = arith.addi %add3A_59, %mul3A_58 : i32
    %mul3A_61 = arith.constant 512 : i32
    %mul3A_62 = arith.muli %arg1, %mul3A_61 : i32
    %add3A_63 = arith.constant 90112 : i32
    %add3A_64 = arith.addi %add3A_63, %mul3A_62 : i32
    %mul3A_65 = arith.constant 512 : i32
    %mul3A_66 = arith.muli %arg1, %mul3A_65 : i32
    %add3A_67 = arith.constant 98304 : i32
    %add3A_68 = arith.addi %add3A_67, %mul3A_66 : i32
    %mul3A_69 = arith.constant 512 : i32
    %mul3A_70 = arith.muli %arg1, %mul3A_69 : i32
    %add3A_71 = arith.constant 106496 : i32
    %add3A_72 = arith.addi %add3A_71, %mul3A_70 : i32
    %mul3A_73 = arith.constant 512 : i32
    %mul3A_74 = arith.muli %arg1, %mul3A_73 : i32
    %add3A_75 = arith.constant 114688 : i32
    %add3A_76 = arith.addi %add3A_75, %mul3A_74 : i32
    %mul3A_77 = arith.constant 512 : i32
    %mul3A_78 = arith.muli %arg1, %mul3A_77 : i32
    %add3A_79 = arith.constant 122880 : i32
    %add3A_80 = arith.addi %add3A_79, %mul3A_78 : i32
    %dma_start3A = arith.constant 0 : i32
    %dma_start3A_81 = tpu.memref_slice %arg13[%dma_start3A] : memref<8192xf32, #tpu.memory_space<vmem>> -> memref<512xf32, #tpu.memory_space<vmem>>
    %dma_start3A_82 = tpu.memref_slice %arg21[%add3A_20] : memref<131072xf32, #tpu.memory_space<vmem_shared>> -> memref<512xf32, #tpu.memory_space<vmem_shared>>
    %dma_start3A_83 = arith.constant 0 : i32
    %dma_start3A_84 = tpu.memref_slice %arg13[%dma_start3A_83] : memref<8192xf32, #tpu.memory_space<vmem>> -> memref<512xf32, #tpu.memory_space<vmem>>
    %dma_start3A_85 = tpu.memref_slice %arg21[%add3A_20] : memref<131072xf32, #tpu.memory_space<vmem_shared>> -> memref<512xf32, #tpu.memory_space<vmem_shared>>
    tpu.enqueue_dma source(%dma_start3A_85 : memref<512xf32, #tpu.memory_space<vmem_shared>>) target(%dma_start3A_84 : memref<512xf32, #tpu.memory_space<vmem>>) target_semaphore(%arg22 : memref<!tpu.dma_semaphore, #tpu.memory_space<semaphore_mem>>)
    %dma_start3A_86 = arith.constant 512 : i32
    %dma_start3A_87 = tpu.memref_slice %arg13[%dma_start3A_86] : memref<8192xf32, #tpu.memory_space<vmem>> -> memref<512xf32, #tpu.memory_space<vmem>>
    %dma_start3A_88 = tpu.memref_slice %arg21[%add3A_24] : memref<131072xf32, #tpu.memory_space<vmem_shared>> -> memref<512xf32, #tpu.memory_space<vmem_shared>>
    %dma_start3A_89 = arith.constant 512 : i32
    %dma_start3A_90 = tpu.memref_slice %arg13[%dma_start3A_89] : memref<8192xf32, #tpu.memory_space<vmem>> -> memref<512xf32, #tpu.memory_space<vmem>>
    %dma_start3A_91 = tpu.memref_slice %arg21[%add3A_24] : memref<131072xf32, #tpu.memory_space<vmem_shared>> -> memref<512xf32, #tpu.memory_space<vmem_shared>>
    tpu.enqueue_dma source(%dma_start3A_91 : memref<512xf32, #tpu.memory_space<vmem_shared>>) target(%dma_start3A_90 : memref<512xf32, #tpu.memory_space<vmem>>) target_semaphore(%arg22 : memref<!tpu.dma_semaphore, #tpu.memory_space<semaphore_mem>>)
    %dma_start3A_92 = arith.constant 1024 : i32
    %dma_start3A_93 = tpu.memref_slice %arg13[%dma_start3A_92] : memref<8192xf32, #tpu.memory_space<vmem>> -> memref<512xf32, #tpu.memory_space<vmem>>
    %dma_start3A_94 = tpu.memref_slice %arg21[%add3A_28] : memref<131072xf32, #tpu.memory_space<vmem_shared>> -> memref<512xf32, #tpu.memory_space<vmem_shared>>
    %dma_start3A_95 = arith.constant 1024 : i32
    %dma_start3A_96 = tpu.memref_slice %arg13[%dma_start3A_95] : memref<8192xf32, #tpu.memory_space<vmem>> -> memref<512xf32, #tpu.memory_space<vmem>>
    %dma_start3A_97 = tpu.memref_slice %arg21[%add3A_28] : memref<131072xf32, #tpu.memory_space<vmem_shared>> -> memref<512xf32, #tpu.memory_space<vmem_shared>>
    tpu.enqueue_dma source(%dma_start3A_97 : memref<512xf32, #tpu.memory_space<vmem_shared>>) target(%dma_start3A_96 : memref<512xf32, #tpu.memory_space<vmem>>) target_semaphore(%arg22 : memref<!tpu.dma_semaphore, #tpu.memory_space<semaphore_mem>>)
    %dma_start3A_98 = arith.constant 1536 : i32
    %dma_start3A_99 = tpu.memref_slice %arg13[%dma_start3A_98] : memref<8192xf32, #tpu.memory_space<vmem>> -> memref<512xf32, #tpu.memory_space<vmem>>
    %dma_start3A_100 = tpu.memref_slice %arg21[%add3A_32] : memref<131072xf32, #tpu.memory_space<vmem_shared>> -> memref<512xf32, #tpu.memory_space<vmem_shared>>
    %dma_start3A_101 = arith.constant 1536 : i32
    %dma_start3A_102 = tpu.memref_slice %arg13[%dma_start3A_101] : memref<8192xf32, #tpu.memory_space<vmem>> -> memref<512xf32, #tpu.memory_space<vmem>>
    %dma_start3A_103 = tpu.memref_slice %arg21[%add3A_32] : memref<131072xf32, #tpu.memory_space<vmem_shared>> -> memref<512xf32, #tpu.memory_space<vmem_shared>>
    tpu.enqueue_dma source(%dma_start3A_103 : memref<512xf32, #tpu.memory_space<vmem_shared>>) target(%dma_start3A_102 : memref<512xf32, #tpu.memory_space<vmem>>) target_semaphore(%arg22 : memref<!tpu.dma_semaphore, #tpu.memory_space<semaphore_mem>>)
    %dma_start3A_104 = arith.constant 2048 : i32
    %dma_start3A_105 = tpu.memref_slice %arg13[%dma_start3A_104] : memref<8192xf32, #tpu.memory_space<vmem>> -> memref<512xf32, #tpu.memory_space<vmem>>
    %dma_start3A_106 = tpu.memref_slice %arg21[%add3A_36] : memref<131072xf32, #tpu.memory_space<vmem_shared>> -> memref<512xf32, #tpu.memory_space<vmem_shared>>
    %dma_start3A_107 = arith.constant 2048 : i32
    %dma_start3A_108 = tpu.memref_slice %arg13[%dma_start3A_107] : memref<8192xf32, #tpu.memory_space<vmem>> -> memref<512xf32, #tpu.memory_space<vmem>>
    %dma_start3A_109 = tpu.memref_slice %arg21[%add3A_36] : memref<131072xf32, #tpu.memory_space<vmem_shared>> -> memref<512xf32, #tpu.memory_space<vmem_shared>>
    tpu.enqueue_dma source(%dma_start3A_109 : memref<512xf32, #tpu.memory_space<vmem_shared>>) target(%dma_start3A_108 : memref<512xf32, #tpu.memory_space<vmem>>) target_semaphore(%arg22 : memref<!tpu.dma_semaphore, #tpu.memory_space<semaphore_mem>>)
    %dma_start3A_110 = arith.constant 2560 : i32
    %dma_start3A_111 = tpu.memref_slice %arg13[%dma_start3A_110] : memref<8192xf32, #tpu.memory_space<vmem>> -> memref<512xf32, #tpu.memory_space<vmem>>
    %dma_start3A_112 = tpu.memref_slice %arg21[%add3A_40] : memref<131072xf32, #tpu.memory_space<vmem_shared>> -> memref<512xf32, #tpu.memory_space<vmem_shared>>
    %dma_start3A_113 = arith.constant 2560 : i32
    %dma_start3A_114 = tpu.memref_slice %arg13[%dma_start3A_113] : memref<8192xf32, #tpu.memory_space<vmem>> -> memref<512xf32, #tpu.memory_space<vmem>>
    %dma_start3A_115 = tpu.memref_slice %arg21[%add3A_40] : memref<131072xf32, #tpu.memory_space<vmem_shared>> -> memref<512xf32, #tpu.memory_space<vmem_shared>>
    tpu.enqueue_dma source(%dma_start3A_115 : memref<512xf32, #tpu.memory_space<vmem_shared>>) target(%dma_start3A_114 : memref<512xf32, #tpu.memory_space<vmem>>) target_semaphore(%arg22 : memref<!tpu.dma_semaphore, #tpu.memory_space<semaphore_mem>>)
    %dma_start3A_116 = arith.constant 3072 : i32
    %dma_start3A_117 = tpu.memref_slice %arg13[%dma_start3A_116] : memref<8192xf32, #tpu.memory_space<vmem>> -> memref<512xf32, #tpu.memory_space<vmem>>
    %dma_start3A_118 = tpu.memref_slice %arg21[%add3A_44] : memref<131072xf32, #tpu.memory_space<vmem_shared>> -> memref<512xf32, #tpu.memory_space<vmem_shared>>
    %dma_start3A_119 = arith.constant 3072 : i32
    %dma_start3A_120 = tpu.memref_slice %arg13[%dma_start3A_119] : memref<8192xf32, #tpu.memory_space<vmem>> -> memref<512xf32, #tpu.memory_space<vmem>>
    %dma_start3A_121 = tpu.memref_slice %arg21[%add3A_44] : memref<131072xf32, #tpu.memory_space<vmem_shared>> -> memref<512xf32, #tpu.memory_space<vmem_shared>>
    tpu.enqueue_dma source(%dma_start3A_121 : memref<512xf32, #tpu.memory_space<vmem_shared>>) target(%dma_start3A_120 : memref<512xf32, #tpu.memory_space<vmem>>) target_semaphore(%arg22 : memref<!tpu.dma_semaphore, #tpu.memory_space<semaphore_mem>>)
    %dma_start3A_122 = arith.constant 3584 : i32
    %dma_start3A_123 = tpu.memref_slice %arg13[%dma_start3A_122] : memref<8192xf32, #tpu.memory_space<vmem>> -> memref<512xf32, #tpu.memory_space<vmem>>
    %dma_start3A_124 = tpu.memref_slice %arg21[%add3A_48] : memref<131072xf32, #tpu.memory_space<vmem_shared>> -> memref<512xf32, #tpu.memory_space<vmem_shared>>
    %dma_start3A_125 = arith.constant 3584 : i32
    %dma_start3A_126 = tpu.memref_slice %arg13[%dma_start3A_125] : memref<8192xf32, #tpu.memory_space<vmem>> -> memref<512xf32, #tpu.memory_space<vmem>>
    %dma_start3A_127 = tpu.memref_slice %arg21[%add3A_48] : memref<131072xf32, #tpu.memory_space<vmem_shared>> -> memref<512xf32, #tpu.memory_space<vmem_shared>>
    tpu.enqueue_dma source(%dma_start3A_127 : memref<512xf32, #tpu.memory_space<vmem_shared>>) target(%dma_start3A_126 : memref<512xf32, #tpu.memory_space<vmem>>) target_semaphore(%arg22 : memref<!tpu.dma_semaphore, #tpu.memory_space<semaphore_mem>>)
    %dma_start3A_128 = arith.constant 4096 : i32
    %dma_start3A_129 = tpu.memref_slice %arg13[%dma_start3A_128] : memref<8192xf32, #tpu.memory_space<vmem>> -> memref<512xf32, #tpu.memory_space<vmem>>
    %dma_start3A_130 = tpu.memref_slice %arg21[%add3A_52] : memref<131072xf32, #tpu.memory_space<vmem_shared>> -> memref<512xf32, #tpu.memory_space<vmem_shared>>
    %dma_start3A_131 = arith.constant 4096 : i32
    %dma_start3A_132 = tpu.memref_slice %arg13[%dma_start3A_131] : memref<8192xf32, #tpu.memory_space<vmem>> -> memref<512xf32, #tpu.memory_space<vmem>>
    %dma_start3A_133 = tpu.memref_slice %arg21[%add3A_52] : memref<131072xf32, #tpu.memory_space<vmem_shared>> -> memref<512xf32, #tpu.memory_space<vmem_shared>>
    tpu.enqueue_dma source(%dma_start3A_133 : memref<512xf32, #tpu.memory_space<vmem_shared>>) target(%dma_start3A_132 : memref<512xf32, #tpu.memory_space<vmem>>) target_semaphore(%arg22 : memref<!tpu.dma_semaphore, #tpu.memory_space<semaphore_mem>>)
    %dma_start3A_134 = arith.constant 4608 : i32
    %dma_start3A_135 = tpu.memref_slice %arg13[%dma_start3A_134] : memref<8192xf32, #tpu.memory_space<vmem>> -> memref<512xf32, #tpu.memory_space<vmem>>
    %dma_start3A_136 = tpu.memref_slice %arg21[%add3A_56] : memref<131072xf32, #tpu.memory_space<vmem_shared>> -> memref<512xf32, #tpu.memory_space<vmem_shared>>
    %dma_start3A_137 = arith.constant 4608 : i32
    %dma_start3A_138 = tpu.memref_slice %arg13[%dma_start3A_137] : memref<8192xf32, #tpu.memory_space<vmem>> -> memref<512xf32, #tpu.memory_space<vmem>>
    %dma_start3A_139 = tpu.memref_slice %arg21[%add3A_56] : memref<131072xf32, #tpu.memory_space<vmem_shared>> -> memref<512xf32, #tpu.memory_space<vmem_shared>>
    tpu.enqueue_dma source(%dma_start3A_139 : memref<512xf32, #tpu.memory_space<vmem_shared>>) target(%dma_start3A_138 : memref<512xf32, #tpu.memory_space<vmem>>) target_semaphore(%arg22 : memref<!tpu.dma_semaphore, #tpu.memory_space<semaphore_mem>>)
    %dma_start3A_140 = arith.constant 5120 : i32
    %dma_start3A_141 = tpu.memref_slice %arg13[%dma_start3A_140] : memref<8192xf32, #tpu.memory_space<vmem>> -> memref<512xf32, #tpu.memory_space<vmem>>
    %dma_start3A_142 = tpu.memref_slice %arg21[%add3A_60] : memref<131072xf32, #tpu.memory_space<vmem_shared>> -> memref<512xf32, #tpu.memory_space<vmem_shared>>
    %dma_start3A_143 = arith.constant 5120 : i32
    %dma_start3A_144 = tpu.memref_slice %arg13[%dma_start3A_143] : memref<8192xf32, #tpu.memory_space<vmem>> -> memref<512xf32, #tpu.memory_space<vmem>>
    %dma_start3A_145 = tpu.memref_slice %arg21[%add3A_60] : memref<131072xf32, #tpu.memory_space<vmem_shared>> -> memref<512xf32, #tpu.memory_space<vmem_shared>>
    tpu.enqueue_dma source(%dma_start3A_145 : memref<512xf32, #tpu.memory_space<vmem_shared>>) target(%dma_start3A_144 : memref<512xf32, #tpu.memory_space<vmem>>) target_semaphore(%arg22 : memref<!tpu.dma_semaphore, #tpu.memory_space<semaphore_mem>>)
    %dma_start3A_146 = arith.constant 5632 : i32
    %dma_start3A_147 = tpu.memref_slice %arg13[%dma_start3A_146] : memref<8192xf32, #tpu.memory_space<vmem>> -> memref<512xf32, #tpu.memory_space<vmem>>
    %dma_start3A_148 = tpu.memref_slice %arg21[%add3A_64] : memref<131072xf32, #tpu.memory_space<vmem_shared>> -> memref<512xf32, #tpu.memory_space<vmem_shared>>
    %dma_start3A_149 = arith.constant 5632 : i32
    %dma_start3A_150 = tpu.memref_slice %arg13[%dma_start3A_149] : memref<8192xf32, #tpu.memory_space<vmem>> -> memref<512xf32, #tpu.memory_space<vmem>>
    %dma_start3A_151 = tpu.memref_slice %arg21[%add3A_64] : memref<131072xf32, #tpu.memory_space<vmem_shared>> -> memref<512xf32, #tpu.memory_space<vmem_shared>>
    tpu.enqueue_dma source(%dma_start3A_151 : memref<512xf32, #tpu.memory_space<vmem_shared>>) target(%dma_start3A_150 : memref<512xf32, #tpu.memory_space<vmem>>) target_semaphore(%arg22 : memref<!tpu.dma_semaphore, #tpu.memory_space<semaphore_mem>>)
    %dma_start3A_152 = arith.constant 6144 : i32
    %dma_start3A_153 = tpu.memref_slice %arg13[%dma_start3A_152] : memref<8192xf32, #tpu.memory_space<vmem>> -> memref<512xf32, #tpu.memory_space<vmem>>
    %dma_start3A_154 = tpu.memref_slice %arg21[%add3A_68] : memref<131072xf32, #tpu.memory_space<vmem_shared>> -> memref<512xf32, #tpu.memory_space<vmem_shared>>
    %dma_start3A_155 = arith.constant 6144 : i32
    %dma_start3A_156 = tpu.memref_slice %arg13[%dma_start3A_155] : memref<8192xf32, #tpu.memory_space<vmem>> -> memref<512xf32, #tpu.memory_space<vmem>>
    %dma_start3A_157 = tpu.memref_slice %arg21[%add3A_68] : memref<131072xf32, #tpu.memory_space<vmem_shared>> -> memref<512xf32, #tpu.memory_space<vmem_shared>>
    tpu.enqueue_dma source(%dma_start3A_157 : memref<512xf32, #tpu.memory_space<vmem_shared>>) target(%dma_start3A_156 : memref<512xf32, #tpu.memory_space<vmem>>) target_semaphore(%arg22 : memref<!tpu.dma_semaphore, #tpu.memory_space<semaphore_mem>>)
    %dma_start3A_158 = arith.constant 6656 : i32
    %dma_start3A_159 = tpu.memref_slice %arg13[%dma_start3A_158] : memref<8192xf32, #tpu.memory_space<vmem>> -> memref<512xf32, #tpu.memory_space<vmem>>
    %dma_start3A_160 = tpu.memref_slice %arg21[%add3A_72] : memref<131072xf32, #tpu.memory_space<vmem_shared>> -> memref<512xf32, #tpu.memory_space<vmem_shared>>
    %dma_start3A_161 = arith.constant 6656 : i32
    %dma_start3A_162 = tpu.memref_slice %arg13[%dma_start3A_161] : memref<8192xf32, #tpu.memory_space<vmem>> -> memref<512xf32, #tpu.memory_space<vmem>>
    %dma_start3A_163 = tpu.memref_slice %arg21[%add3A_72] : memref<131072xf32, #tpu.memory_space<vmem_shared>> -> memref<512xf32, #tpu.memory_space<vmem_shared>>
    tpu.enqueue_dma source(%dma_start3A_163 : memref<512xf32, #tpu.memory_space<vmem_shared>>) target(%dma_start3A_162 : memref<512xf32, #tpu.memory_space<vmem>>) target_semaphore(%arg22 : memref<!tpu.dma_semaphore, #tpu.memory_space<semaphore_mem>>)
    %dma_start3A_164 = arith.constant 7168 : i32
    %dma_start3A_165 = tpu.memref_slice %arg13[%dma_start3A_164] : memref<8192xf32, #tpu.memory_space<vmem>> -> memref<512xf32, #tpu.memory_space<vmem>>
    %dma_start3A_166 = tpu.memref_slice %arg21[%add3A_76] : memref<131072xf32, #tpu.memory_space<vmem_shared>> -> memref<512xf32, #tpu.memory_space<vmem_shared>>
    %dma_start3A_167 = arith.constant 7168 : i32
    %dma_start3A_168 = tpu.memref_slice %arg13[%dma_start3A_167] : memref<8192xf32, #tpu.memory_space<vmem>> -> memref<512xf32, #tpu.memory_space<vmem>>
    %dma_start3A_169 = tpu.memref_slice %arg21[%add3A_76] : memref<131072xf32, #tpu.memory_space<vmem_shared>> -> memref<512xf32, #tpu.memory_space<vmem_shared>>
    tpu.enqueue_dma source(%dma_start3A_169 : memref<512xf32, #tpu.memory_space<vmem_shared>>) target(%dma_start3A_168 : memref<512xf32, #tpu.memory_space<vmem>>) target_semaphore(%arg22 : memref<!tpu.dma_semaphore, #tpu.memory_space<semaphore_mem>>)
    %dma_start3A_170 = arith.constant 7680 : i32
    %dma_start3A_171 = tpu.memref_slice %arg13[%dma_start3A_170] : memref<8192xf32, #tpu.memory_space<vmem>> -> memref<512xf32, #tpu.memory_space<vmem>>
    %dma_start3A_172 = tpu.memref_slice %arg21[%add3A_80] : memref<131072xf32, #tpu.memory_space<vmem_shared>> -> memref<512xf32, #tpu.memory_space<vmem_shared>>
    %dma_start3A_173 = arith.constant 7680 : i32
    %dma_start3A_174 = tpu.memref_slice %arg13[%dma_start3A_173] : memref<8192xf32, #tpu.memory_space<vmem>> -> memref<512xf32, #tpu.memory_space<vmem>>
    %dma_start3A_175 = tpu.memref_slice %arg21[%add3A_80] : memref<131072xf32, #tpu.memory_space<vmem_shared>> -> memref<512xf32, #tpu.memory_space<vmem_shared>>
    tpu.enqueue_dma source(%dma_start3A_175 : memref<512xf32, #tpu.memory_space<vmem_shared>>) target(%dma_start3A_174 : memref<512xf32, #tpu.memory_space<vmem>>) target_semaphore(%arg22 : memref<!tpu.dma_semaphore, #tpu.memory_space<semaphore_mem>>)
    %dma_wait3A = arith.constant 0 : i32
    %dma_wait3A_176 = tpu.memref_slice %arg13[%dma_wait3A] : memref<8192xf32, #tpu.memory_space<vmem>> -> memref<512xf32, #tpu.memory_space<vmem>>
    %dma_wait3A_177 = tpu.memref_slice %arg21[%add3A_20] : memref<131072xf32, #tpu.memory_space<vmem_shared>> -> memref<512xf32, #tpu.memory_space<vmem_shared>>
    %dma_wait3A_178 = arith.constant 0 : i32
    %dma_wait3A_179 = tpu.memref_slice %arg13[%dma_wait3A_178] : memref<8192xf32, #tpu.memory_space<vmem>> -> memref<512xf32, #tpu.memory_space<vmem>>
    %dma_wait3A_180 = tpu.memref_slice %arg21[%add3A_20] : memref<131072xf32, #tpu.memory_space<vmem_shared>> -> memref<512xf32, #tpu.memory_space<vmem_shared>>
    tpu.wait_dma2 semaphore(%arg22 : memref<!tpu.dma_semaphore, #tpu.memory_space<semaphore_mem>>) src(%dma_wait3A_180 : memref<512xf32, #tpu.memory_space<vmem_shared>>) dst(%dma_wait3A_179 : memref<512xf32, #tpu.memory_space<vmem>>)
    %dma_wait3A_181 = arith.constant 512 : i32
    %dma_wait3A_182 = tpu.memref_slice %arg13[%dma_wait3A_181] : memref<8192xf32, #tpu.memory_space<vmem>> -> memref<512xf32, #tpu.memory_space<vmem>>
    %dma_wait3A_183 = tpu.memref_slice %arg21[%add3A_24] : memref<131072xf32, #tpu.memory_space<vmem_shared>> -> memref<512xf32, #tpu.memory_space<vmem_shared>>
    %dma_wait3A_184 = arith.constant 512 : i32
    %dma_wait3A_185 = tpu.memref_slice %arg13[%dma_wait3A_184] : memref<8192xf32, #tpu.memory_space<vmem>> -> memref<512xf32, #tpu.memory_space<vmem>>
    %dma_wait3A_186 = tpu.memref_slice %arg21[%add3A_24] : memref<131072xf32, #tpu.memory_space<vmem_shared>> -> memref<512xf32, #tpu.memory_space<vmem_shared>>
    tpu.wait_dma2 semaphore(%arg22 : memref<!tpu.dma_semaphore, #tpu.memory_space<semaphore_mem>>) src(%dma_wait3A_186 : memref<512xf32, #tpu.memory_space<vmem_shared>>) dst(%dma_wait3A_185 : memref<512xf32, #tpu.memory_space<vmem>>)
    %dma_wait3A_187 = arith.constant 1024 : i32
    %dma_wait3A_188 = tpu.memref_slice %arg13[%dma_wait3A_187] : memref<8192xf32, #tpu.memory_space<vmem>> -> memref<512xf32, #tpu.memory_space<vmem>>
    %dma_wait3A_189 = tpu.memref_slice %arg21[%add3A_28] : memref<131072xf32, #tpu.memory_space<vmem_shared>> -> memref<512xf32, #tpu.memory_space<vmem_shared>>
    %dma_wait3A_190 = arith.constant 1024 : i32
    %dma_wait3A_191 = tpu.memref_slice %arg13[%dma_wait3A_190] : memref<8192xf32, #tpu.memory_space<vmem>> -> memref<512xf32, #tpu.memory_space<vmem>>
    %dma_wait3A_192 = tpu.memref_slice %arg21[%add3A_28] : memref<131072xf32, #tpu.memory_space<vmem_shared>> -> memref<512xf32, #tpu.memory_space<vmem_shared>>
    tpu.wait_dma2 semaphore(%arg22 : memref<!tpu.dma_semaphore, #tpu.memory_space<semaphore_mem>>) src(%dma_wait3A_192 : memref<512xf32, #tpu.memory_space<vmem_shared>>) dst(%dma_wait3A_191 : memref<512xf32, #tpu.memory_space<vmem>>)
    %dma_wait3A_193 = arith.constant 1536 : i32
    %dma_wait3A_194 = tpu.memref_slice %arg13[%dma_wait3A_193] : memref<8192xf32, #tpu.memory_space<vmem>> -> memref<512xf32, #tpu.memory_space<vmem>>
    %dma_wait3A_195 = tpu.memref_slice %arg21[%add3A_32] : memref<131072xf32, #tpu.memory_space<vmem_shared>> -> memref<512xf32, #tpu.memory_space<vmem_shared>>
    %dma_wait3A_196 = arith.constant 1536 : i32
    %dma_wait3A_197 = tpu.memref_slice %arg13[%dma_wait3A_196] : memref<8192xf32, #tpu.memory_space<vmem>> -> memref<512xf32, #tpu.memory_space<vmem>>
    %dma_wait3A_198 = tpu.memref_slice %arg21[%add3A_32] : memref<131072xf32, #tpu.memory_space<vmem_shared>> -> memref<512xf32, #tpu.memory_space<vmem_shared>>
    tpu.wait_dma2 semaphore(%arg22 : memref<!tpu.dma_semaphore, #tpu.memory_space<semaphore_mem>>) src(%dma_wait3A_198 : memref<512xf32, #tpu.memory_space<vmem_shared>>) dst(%dma_wait3A_197 : memref<512xf32, #tpu.memory_space<vmem>>)
    %dma_wait3A_199 = arith.constant 2048 : i32
    %dma_wait3A_200 = tpu.memref_slice %arg13[%dma_wait3A_199] : memref<8192xf32, #tpu.memory_space<vmem>> -> memref<512xf32, #tpu.memory_space<vmem>>
    %dma_wait3A_201 = tpu.memref_slice %arg21[%add3A_36] : memref<131072xf32, #tpu.memory_space<vmem_shared>> -> memref<512xf32, #tpu.memory_space<vmem_shared>>
    %dma_wait3A_202 = arith.constant 2048 : i32
    %dma_wait3A_203 = tpu.memref_slice %arg13[%dma_wait3A_202] : memref<8192xf32, #tpu.memory_space<vmem>> -> memref<512xf32, #tpu.memory_space<vmem>>
    %dma_wait3A_204 = tpu.memref_slice %arg21[%add3A_36] : memref<131072xf32, #tpu.memory_space<vmem_shared>> -> memref<512xf32, #tpu.memory_space<vmem_shared>>
    tpu.wait_dma2 semaphore(%arg22 : memref<!tpu.dma_semaphore, #tpu.memory_space<semaphore_mem>>) src(%dma_wait3A_204 : memref<512xf32, #tpu.memory_space<vmem_shared>>) dst(%dma_wait3A_203 : memref<512xf32, #tpu.memory_space<vmem>>)
    %dma_wait3A_205 = arith.constant 2560 : i32
    %dma_wait3A_206 = tpu.memref_slice %arg13[%dma_wait3A_205] : memref<8192xf32, #tpu.memory_space<vmem>> -> memref<512xf32, #tpu.memory_space<vmem>>
    %dma_wait3A_207 = tpu.memref_slice %arg21[%add3A_40] : memref<131072xf32, #tpu.memory_space<vmem_shared>> -> memref<512xf32, #tpu.memory_space<vmem_shared>>
    %dma_wait3A_208 = arith.constant 2560 : i32
    %dma_wait3A_209 = tpu.memref_slice %arg13[%dma_wait3A_208] : memref<8192xf32, #tpu.memory_space<vmem>> -> memref<512xf32, #tpu.memory_space<vmem>>
    %dma_wait3A_210 = tpu.memref_slice %arg21[%add3A_40] : memref<131072xf32, #tpu.memory_space<vmem_shared>> -> memref<512xf32, #tpu.memory_space<vmem_shared>>
    tpu.wait_dma2 semaphore(%arg22 : memref<!tpu.dma_semaphore, #tpu.memory_space<semaphore_mem>>) src(%dma_wait3A_210 : memref<512xf32, #tpu.memory_space<vmem_shared>>) dst(%dma_wait3A_209 : memref<512xf32, #tpu.memory_space<vmem>>)
    %dma_wait3A_211 = arith.constant 3072 : i32
    %dma_wait3A_212 = tpu.memref_slice %arg13[%dma_wait3A_211] : memref<8192xf32, #tpu.memory_space<vmem>> -> memref<512xf32, #tpu.memory_space<vmem>>
    %dma_wait3A_213 = tpu.memref_slice %arg21[%add3A_44] : memref<131072xf32, #tpu.memory_space<vmem_shared>> -> memref<512xf32, #tpu.memory_space<vmem_shared>>
    %dma_wait3A_214 = arith.constant 3072 : i32
    %dma_wait3A_215 = tpu.memref_slice %arg13[%dma_wait3A_214] : memref<8192xf32, #tpu.memory_space<vmem>> -> memref<512xf32, #tpu.memory_space<vmem>>
    %dma_wait3A_216 = tpu.memref_slice %arg21[%add3A_44] : memref<131072xf32, #tpu.memory_space<vmem_shared>> -> memref<512xf32, #tpu.memory_space<vmem_shared>>
    tpu.wait_dma2 semaphore(%arg22 : memref<!tpu.dma_semaphore, #tpu.memory_space<semaphore_mem>>) src(%dma_wait3A_216 : memref<512xf32, #tpu.memory_space<vmem_shared>>) dst(%dma_wait3A_215 : memref<512xf32, #tpu.memory_space<vmem>>)
    %dma_wait3A_217 = arith.constant 3584 : i32
    %dma_wait3A_218 = tpu.memref_slice %arg13[%dma_wait3A_217] : memref<8192xf32, #tpu.memory_space<vmem>> -> memref<512xf32, #tpu.memory_space<vmem>>
    %dma_wait3A_219 = tpu.memref_slice %arg21[%add3A_48] : memref<131072xf32, #tpu.memory_space<vmem_shared>> -> memref<512xf32, #tpu.memory_space<vmem_shared>>
    %dma_wait3A_220 = arith.constant 3584 : i32
    %dma_wait3A_221 = tpu.memref_slice %arg13[%dma_wait3A_220] : memref<8192xf32, #tpu.memory_space<vmem>> -> memref<512xf32, #tpu.memory_space<vmem>>
    %dma_wait3A_222 = tpu.memref_slice %arg21[%add3A_48] : memref<131072xf32, #tpu.memory_space<vmem_shared>> -> memref<512xf32, #tpu.memory_space<vmem_shared>>
    tpu.wait_dma2 semaphore(%arg22 : memref<!tpu.dma_semaphore, #tpu.memory_space<semaphore_mem>>) src(%dma_wait3A_222 : memref<512xf32, #tpu.memory_space<vmem_shared>>) dst(%dma_wait3A_221 : memref<512xf32, #tpu.memory_space<vmem>>)
    %dma_wait3A_223 = arith.constant 4096 : i32
    %dma_wait3A_224 = tpu.memref_slice %arg13[%dma_wait3A_223] : memref<8192xf32, #tpu.memory_space<vmem>> -> memref<512xf32, #tpu.memory_space<vmem>>
    %dma_wait3A_225 = tpu.memref_slice %arg21[%add3A_52] : memref<131072xf32, #tpu.memory_space<vmem_shared>> -> memref<512xf32, #tpu.memory_space<vmem_shared>>
    %dma_wait3A_226 = arith.constant 4096 : i32
    %dma_wait3A_227 = tpu.memref_slice %arg13[%dma_wait3A_226] : memref<8192xf32, #tpu.memory_space<vmem>> -> memref<512xf32, #tpu.memory_space<vmem>>
    %dma_wait3A_228 = tpu.memref_slice %arg21[%add3A_52] : memref<131072xf32, #tpu.memory_space<vmem_shared>> -> memref<512xf32, #tpu.memory_space<vmem_shared>>
    tpu.wait_dma2 semaphore(%arg22 : memref<!tpu.dma_semaphore, #tpu.memory_space<semaphore_mem>>) src(%dma_wait3A_228 : memref<512xf32, #tpu.memory_space<vmem_shared>>) dst(%dma_wait3A_227 : memref<512xf32, #tpu.memory_space<vmem>>)
    %dma_wait3A_229 = arith.constant 4608 : i32
    %dma_wait3A_230 = tpu.memref_slice %arg13[%dma_wait3A_229] : memref<8192xf32, #tpu.memory_space<vmem>> -> memref<512xf32, #tpu.memory_space<vmem>>
    %dma_wait3A_231 = tpu.memref_slice %arg21[%add3A_56] : memref<131072xf32, #tpu.memory_space<vmem_shared>> -> memref<512xf32, #tpu.memory_space<vmem_shared>>
    %dma_wait3A_232 = arith.constant 4608 : i32
    %dma_wait3A_233 = tpu.memref_slice %arg13[%dma_wait3A_232] : memref<8192xf32, #tpu.memory_space<vmem>> -> memref<512xf32, #tpu.memory_space<vmem>>
    %dma_wait3A_234 = tpu.memref_slice %arg21[%add3A_56] : memref<131072xf32, #tpu.memory_space<vmem_shared>> -> memref<512xf32, #tpu.memory_space<vmem_shared>>
    tpu.wait_dma2 semaphore(%arg22 : memref<!tpu.dma_semaphore, #tpu.memory_space<semaphore_mem>>) src(%dma_wait3A_234 : memref<512xf32, #tpu.memory_space<vmem_shared>>) dst(%dma_wait3A_233 : memref<512xf32, #tpu.memory_space<vmem>>)
    %dma_wait3A_235 = arith.constant 5120 : i32
    %dma_wait3A_236 = tpu.memref_slice %arg13[%dma_wait3A_235] : memref<8192xf32, #tpu.memory_space<vmem>> -> memref<512xf32, #tpu.memory_space<vmem>>
    %dma_wait3A_237 = tpu.memref_slice %arg21[%add3A_60] : memref<131072xf32, #tpu.memory_space<vmem_shared>> -> memref<512xf32, #tpu.memory_space<vmem_shared>>
    %dma_wait3A_238 = arith.constant 5120 : i32
    %dma_wait3A_239 = tpu.memref_slice %arg13[%dma_wait3A_238] : memref<8192xf32, #tpu.memory_space<vmem>> -> memref<512xf32, #tpu.memory_space<vmem>>
    %dma_wait3A_240 = tpu.memref_slice %arg21[%add3A_60] : memref<131072xf32, #tpu.memory_space<vmem_shared>> -> memref<512xf32, #tpu.memory_space<vmem_shared>>
    tpu.wait_dma2 semaphore(%arg22 : memref<!tpu.dma_semaphore, #tpu.memory_space<semaphore_mem>>) src(%dma_wait3A_240 : memref<512xf32, #tpu.memory_space<vmem_shared>>) dst(%dma_wait3A_239 : memref<512xf32, #tpu.memory_space<vmem>>)
    %dma_wait3A_241 = arith.constant 5632 : i32
    %dma_wait3A_242 = tpu.memref_slice %arg13[%dma_wait3A_241] : memref<8192xf32, #tpu.memory_space<vmem>> -> memref<512xf32, #tpu.memory_space<vmem>>
    %dma_wait3A_243 = tpu.memref_slice %arg21[%add3A_64] : memref<131072xf32, #tpu.memory_space<vmem_shared>> -> memref<512xf32, #tpu.memory_space<vmem_shared>>
    %dma_wait3A_244 = arith.constant 5632 : i32
    %dma_wait3A_245 = tpu.memref_slice %arg13[%dma_wait3A_244] : memref<8192xf32, #tpu.memory_space<vmem>> -> memref<512xf32, #tpu.memory_space<vmem>>
    %dma_wait3A_246 = tpu.memref_slice %arg21[%add3A_64] : memref<131072xf32, #tpu.memory_space<vmem_shared>> -> memref<512xf32, #tpu.memory_space<vmem_shared>>
    tpu.wait_dma2 semaphore(%arg22 : memref<!tpu.dma_semaphore, #tpu.memory_space<semaphore_mem>>) src(%dma_wait3A_246 : memref<512xf32, #tpu.memory_space<vmem_shared>>) dst(%dma_wait3A_245 : memref<512xf32, #tpu.memory_space<vmem>>)
    %dma_wait3A_247 = arith.constant 6144 : i32
    %dma_wait3A_248 = tpu.memref_slice %arg13[%dma_wait3A_247] : memref<8192xf32, #tpu.memory_space<vmem>> -> memref<512xf32, #tpu.memory_space<vmem>>
    %dma_wait3A_249 = tpu.memref_slice %arg21[%add3A_68] : memref<131072xf32, #tpu.memory_space<vmem_shared>> -> memref<512xf32, #tpu.memory_space<vmem_shared>>
    %dma_wait3A_250 = arith.constant 6144 : i32
    %dma_wait3A_251 = tpu.memref_slice %arg13[%dma_wait3A_250] : memref<8192xf32, #tpu.memory_space<vmem>> -> memref<512xf32, #tpu.memory_space<vmem>>
    %dma_wait3A_252 = tpu.memref_slice %arg21[%add3A_68] : memref<131072xf32, #tpu.memory_space<vmem_shared>> -> memref<512xf32, #tpu.memory_space<vmem_shared>>
    tpu.wait_dma2 semaphore(%arg22 : memref<!tpu.dma_semaphore, #tpu.memory_space<semaphore_mem>>) src(%dma_wait3A_252 : memref<512xf32, #tpu.memory_space<vmem_shared>>) dst(%dma_wait3A_251 : memref<512xf32, #tpu.memory_space<vmem>>)
    %dma_wait3A_253 = arith.constant 6656 : i32
    %dma_wait3A_254 = tpu.memref_slice %arg13[%dma_wait3A_253] : memref<8192xf32, #tpu.memory_space<vmem>> -> memref<512xf32, #tpu.memory_space<vmem>>
    %dma_wait3A_255 = tpu.memref_slice %arg21[%add3A_72] : memref<131072xf32, #tpu.memory_space<vmem_shared>> -> memref<512xf32, #tpu.memory_space<vmem_shared>>
    %dma_wait3A_256 = arith.constant 6656 : i32
    %dma_wait3A_257 = tpu.memref_slice %arg13[%dma_wait3A_256] : memref<8192xf32, #tpu.memory_space<vmem>> -> memref<512xf32, #tpu.memory_space<vmem>>
    %dma_wait3A_258 = tpu.memref_slice %arg21[%add3A_72] : memref<131072xf32, #tpu.memory_space<vmem_shared>> -> memref<512xf32, #tpu.memory_space<vmem_shared>>
    tpu.wait_dma2 semaphore(%arg22 : memref<!tpu.dma_semaphore, #tpu.memory_space<semaphore_mem>>) src(%dma_wait3A_258 : memref<512xf32, #tpu.memory_space<vmem_shared>>) dst(%dma_wait3A_257 : memref<512xf32, #tpu.memory_space<vmem>>)
    %dma_wait3A_259 = arith.constant 7168 : i32
    %dma_wait3A_260 = tpu.memref_slice %arg13[%dma_wait3A_259] : memref<8192xf32, #tpu.memory_space<vmem>> -> memref<512xf32, #tpu.memory_space<vmem>>
    %dma_wait3A_261 = tpu.memref_slice %arg21[%add3A_76] : memref<131072xf32, #tpu.memory_space<vmem_shared>> -> memref<512xf32, #tpu.memory_space<vmem_shared>>
    %dma_wait3A_262 = arith.constant 7168 : i32
    %dma_wait3A_263 = tpu.memref_slice %arg13[%dma_wait3A_262] : memref<8192xf32, #tpu.memory_space<vmem>> -> memref<512xf32, #tpu.memory_space<vmem>>
    %dma_wait3A_264 = tpu.memref_slice %arg21[%add3A_76] : memref<131072xf32, #tpu.memory_space<vmem_shared>> -> memref<512xf32, #tpu.memory_space<vmem_shared>>
    tpu.wait_dma2 semaphore(%arg22 : memref<!tpu.dma_semaphore, #tpu.memory_space<semaphore_mem>>) src(%dma_wait3A_264 : memref<512xf32, #tpu.memory_space<vmem_shared>>) dst(%dma_wait3A_263 : memref<512xf32, #tpu.memory_space<vmem>>)
    %dma_wait3A_265 = arith.constant 7680 : i32
    %dma_wait3A_266 = tpu.memref_slice %arg13[%dma_wait3A_265] : memref<8192xf32, #tpu.memory_space<vmem>> -> memref<512xf32, #tpu.memory_space<vmem>>
    %dma_wait3A_267 = tpu.memref_slice %arg21[%add3A_80] : memref<131072xf32, #tpu.memory_space<vmem_shared>> -> memref<512xf32, #tpu.memory_space<vmem_shared>>
    %dma_wait3A_268 = arith.constant 7680 : i32
    %dma_wait3A_269 = tpu.memref_slice %arg13[%dma_wait3A_268] : memref<8192xf32, #tpu.memory_space<vmem>> -> memref<512xf32, #tpu.memory_space<vmem>>
    %dma_wait3A_270 = tpu.memref_slice %arg21[%add3A_80] : memref<131072xf32, #tpu.memory_space<vmem_shared>> -> memref<512xf32, #tpu.memory_space<vmem_shared>>
    tpu.wait_dma2 semaphore(%arg22 : memref<!tpu.dma_semaphore, #tpu.memory_space<semaphore_mem>>) src(%dma_wait3A_270 : memref<512xf32, #tpu.memory_space<vmem_shared>>) dst(%dma_wait3A_269 : memref<512xf32, #tpu.memory_space<vmem>>)
    %barrier3A_271 = arith.constant 0 : index
    tpu.barrier barrier_id(%barrier3A_271)
    %scan3A_272 = arith.constant 0 : i32
    %scan3A_273 = arith.constant 0 : i32
    %scan3A_274 = arith.constant 32 : i32
    %scan3A_275 = arith.addi %scan3A_273, %scan3A_274 : i32
    %scan3A_276 = arith.constant 1 : i32
    %scan3A_277 = scf.for %scan3A_1200 = %scan3A_273 to %scan3A_275 step %scan3A_276 iter_args(%scan3A_1201 = %scan3A_272) -> (i32)  : i32 {
      %mul3A_1202 = arith.constant 16 : i32
      %mul3A_1203 = arith.muli %scan3A_1200, %mul3A_1202 : i32
      %get3A = arith.index_cast %mul3A_1203 : i32 to index
      %get3A_1204 = tpu.vector_load %arg13[%get3A] {strides = array<i32>} : memref<8192xf32, #tpu.memory_space<vmem>>, vector<16xf32>,
      %get3A_1205 = vector.shape_cast %get3A_1204 : vector<16xf32> to vector<16xf32>
      %mul3A_1206 = arith.constant 16 : i32
      %mul3A_1207 = arith.muli %scan3A_1200, %mul3A_1206 : i32
      %add3A_1208 = arith.constant 512 : i32
      %add3A_1209 = arith.addi %add3A_1208, %mul3A_1207 : i32
      %get3A_1210 = arith.index_cast %add3A_1209 : i32 to index
      %get3A_1211 = tpu.vector_load %arg13[%get3A_1210] {strides = array<i32>} : memref<8192xf32, #tpu.memory_space<vmem>>, vector<16xf32>,
      %get3A_1212 = vector.shape_cast %get3A_1211 : vector<16xf32> to vector<16xf32>
      %add3A_1213 = arith.addf %get3A_1205, %get3A_1212 : vector<16xf32>
      %mul3A_1214 = arith.constant 16 : i32
      %mul3A_1215 = arith.muli %scan3A_1200, %mul3A_1214 : i32
      %add3A_1216 = arith.constant 1024 : i32
      %add3A_1217 = arith.addi %add3A_1216, %mul3A_1215 : i32
      %get3A_1218 = arith.index_cast %add3A_1217 : i32 to index
      %get3A_1219 = tpu.vector_load %arg13[%get3A_1218] {strides = array<i32>} : memref<8192xf32, #tpu.memory_space<vmem>>, vector<16xf32>,
      %get3A_1220 = vector.shape_cast %get3A_1219 : vector<16xf32> to vector<16xf32>
      %add3A_1221 = arith.addf %add3A_1213, %get3A_1220 : vector<16xf32>
      %mul3A_1222 = arith.constant 16 : i32
      %mul3A_1223 = arith.muli %scan3A_1200, %mul3A_1222 : i32
      %add3A_1224 = arith.constant 1536 : i32
      %add3A_1225 = arith.addi %add3A_1224, %mul3A_1223 : i32
      %get3A_1226 = arith.index_cast %add3A_1225 : i32 to index
      %get3A_1227 = tpu.vector_load %arg13[%get3A_1226] {strides = array<i32>} : memref<8192xf32, #tpu.memory_space<vmem>>, vector<16xf32>,
      %get3A_1228 = vector.shape_cast %get3A_1227 : vector<16xf32> to vector<16xf32>
      %add3A_1229 = arith.addf %add3A_1221, %get3A_1228 : vector<16xf32>
      %mul3A_1230 = arith.constant 16 : i32
      %mul3A_1231 = arith.muli %scan3A_1200, %mul3A_1230 : i32
      %add3A_1232 = arith.constant 2048 : i32
      %add3A_1233 = arith.addi %add3A_1232, %mul3A_1231 : i32
      %get3A_1234 = arith.index_cast %add3A_1233 : i32 to index
      %get3A_1235 = tpu.vector_load %arg13[%get3A_1234] {strides = array<i32>} : memref<8192xf32, #tpu.memory_space<vmem>>, vector<16xf32>,
      %get3A_1236 = vector.shape_cast %get3A_1235 : vector<16xf32> to vector<16xf32>
      %add3A_1237 = arith.addf %add3A_1229, %get3A_1236 : vector<16xf32>
      %mul3A_1238 = arith.constant 16 : i32
      %mul3A_1239 = arith.muli %scan3A_1200, %mul3A_1238 : i32
      %add3A_1240 = arith.constant 2560 : i32
      %add3A_1241 = arith.addi %add3A_1240, %mul3A_1239 : i32
      %get3A_1242 = arith.index_cast %add3A_1241 : i32 to index
      %get3A_1243 = tpu.vector_load %arg13[%get3A_1242] {strides = array<i32>} : memref<8192xf32, #tpu.memory_space<vmem>>, vector<16xf32>,
      %get3A_1244 = vector.shape_cast %get3A_1243 : vector<16xf32> to vector<16xf32>
      %add3A_1245 = arith.addf %add3A_1237, %get3A_1244 : vector<16xf32>
      %mul3A_1246 = arith.constant 16 : i32
      %mul3A_1247 = arith.muli %scan3A_1200, %mul3A_1246 : i32
      %add3A_1248 = arith.constant 3072 : i32
      %add3A_1249 = arith.addi %add3A_1248, %mul3A_1247 : i32
      %get3A_1250 = arith.index_cast %add3A_1249 : i32 to index
      %get3A_1251 = tpu.vector_load %arg13[%get3A_1250] {strides = array<i32>} : memref<8192xf32, #tpu.memory_space<vmem>>, vector<16xf32>,
      %get3A_1252 = vector.shape_cast %get3A_1251 : vector<16xf32> to vector<16xf32>
      %add3A_1253 = arith.addf %add3A_1245, %get3A_1252 : vector<16xf32>
      %mul3A_1254 = arith.constant 16 : i32
      %mul3A_1255 = arith.muli %scan3A_1200, %mul3A_1254 : i32
      %add3A_1256 = arith.constant 3584 : i32
      %add3A_1257 = arith.addi %add3A_1256, %mul3A_1255 : i32
      %get3A_1258 = arith.index_cast %add3A_1257 : i32 to index
      %get3A_1259 = tpu.vector_load %arg13[%get3A_1258] {strides = array<i32>} : memref<8192xf32, #tpu.memory_space<vmem>>, vector<16xf32>,
      %get3A_1260 = vector.shape_cast %get3A_1259 : vector<16xf32> to vector<16xf32>
      %add3A_1261 = arith.addf %add3A_1253, %get3A_1260 : vector<16xf32>
      %mul3A_1262 = arith.constant 16 : i32
      %mul3A_1263 = arith.muli %scan3A_1200, %mul3A_1262 : i32
      %add3A_1264 = arith.constant 4096 : i32
      %add3A_1265 = arith.addi %add3A_1264, %mul3A_1263 : i32
      %get3A_1266 = arith.index_cast %add3A_1265 : i32 to index
      %get3A_1267 = tpu.vector_load %arg13[%get3A_1266] {strides = array<i32>} : memref<8192xf32, #tpu.memory_space<vmem>>, vector<16xf32>,
      %get3A_1268 = vector.shape_cast %get3A_1267 : vector<16xf32> to vector<16xf32>
      %add3A_1269 = arith.addf %add3A_1261, %get3A_1268 : vector<16xf32>
      %mul3A_1270 = arith.constant 16 : i32
      %mul3A_1271 = arith.muli %scan3A_1200, %mul3A_1270 : i32
      %add3A_1272 = arith.constant 4608 : i32
      %add3A_1273 = arith.addi %add3A_1272, %mul3A_1271 : i32
      %get3A_1274 = arith.index_cast %add3A_1273 : i32 to index
      %get3A_1275 = tpu.vector_load %arg13[%get3A_1274] {strides = array<i32>} : memref<8192xf32, #tpu.memory_space<vmem>>, vector<16xf32>,
      %get3A_1276 = vector.shape_cast %get3A_1275 : vector<16xf32> to vector<16xf32>
      %add3A_1277 = arith.addf %add3A_1269, %get3A_1276 : vector<16xf32>
      %mul3A_1278 = arith.constant 16 : i32
      %mul3A_1279 = arith.muli %scan3A_1200, %mul3A_1278 : i32
      %add3A_1280 = arith.constant 5120 : i32
      %add3A_1281 = arith.addi %add3A_1280, %mul3A_1279 : i32
      %get3A_1282 = arith.index_cast %add3A_1281 : i32 to index
      %get3A_1283 = tpu.vector_load %arg13[%get3A_1282] {strides = array<i32>} : memref<8192xf32, #tpu.memory_space<vmem>>, vector<16xf32>,
      %get3A_1284 = vector.shape_cast %get3A_1283 : vector<16xf32> to vector<16xf32>
      %add3A_1285 = arith.addf %add3A_1277, %get3A_1284 : vector<16xf32>
      %mul3A_1286 = arith.constant 16 : i32
      %mul3A_1287 = arith.muli %scan3A_1200, %mul3A_1286 : i32
      %add3A_1288 = arith.constant 5632 : i32
      %add3A_1289 = arith.addi %add3A_1288, %mul3A_1287 : i32
      %get3A_1290 = arith.index_cast %add3A_1289 : i32 to index
      %get3A_1291 = tpu.vector_load %arg13[%get3A_1290] {strides = array<i32>} : memref<8192xf32, #tpu.memory_space<vmem>>, vector<16xf32>,
      %get3A_1292 = vector.shape_cast %get3A_1291 : vector<16xf32> to vector<16xf32>
      %add3A_1293 = arith.addf %add3A_1285, %get3A_1292 : vector<16xf32>
      %mul3A_1294 = arith.constant 16 : i32
      %mul3A_1295 = arith.muli %scan3A_1200, %mul3A_1294 : i32
      %add3A_1296 = arith.constant 6144 : i32
      %add3A_1297 = arith.addi %add3A_1296, %mul3A_1295 : i32
      %get3A_1298 = arith.index_cast %add3A_1297 : i32 to index
      %get3A_1299 = tpu.vector_load %arg13[%get3A_1298] {strides = array<i32>} : memref<8192xf32, #tpu.memory_space<vmem>>, vector<16xf32>,
      %get3A_1300 = vector.shape_cast %get3A_1299 : vector<16xf32> to vector<16xf32>
      %add3A_1301 = arith.addf %add3A_1293, %get3A_1300 : vector<16xf32>
      %mul3A_1302 = arith.constant 16 : i32
      %mul3A_1303 = arith.muli %scan3A_1200, %mul3A_1302 : i32
      %add3A_1304 = arith.constant 6656 : i32
      %add3A_1305 = arith.addi %add3A_1304, %mul3A_1303 : i32
      %get3A_1306 = arith.index_cast %add3A_1305 : i32 to index
      %get3A_1307 = tpu.vector_load %arg13[%get3A_1306] {strides = array<i32>} : memref<8192xf32, #tpu.memory_space<vmem>>, vector<16xf32>,
      %get3A_1308 = vector.shape_cast %get3A_1307 : vector<16xf32> to vector<16xf32>
      %add3A_1309 = arith.addf %add3A_1301, %get3A_1308 : vector<16xf32>
      %mul3A_1310 = arith.constant 16 : i32
      %mul3A_1311 = arith.muli %scan3A_1200, %mul3A_1310 : i32
      %add3A_1312 = arith.constant 7168 : i32
      %add3A_1313 = arith.addi %add3A_1312, %mul3A_1311 : i32
      %get3A_1314 = arith.index_cast %add3A_1313 : i32 to index
      %get3A_1315 = tpu.vector_load %arg13[%get3A_1314] {strides = array<i32>} : memref<8192xf32, #tpu.memory_space<vmem>>, vector<16xf32>,
      %get3A_1316 = vector.shape_cast %get3A_1315 : vector<16xf32> to vector<16xf32>
      %add3A_1317 = arith.addf %add3A_1309, %get3A_1316 : vector<16xf32>
      %mul3A_1318 = arith.constant 16 : i32
      %mul3A_1319 = arith.muli %scan3A_1200, %mul3A_1318 : i32
      %add3A_1320 = arith.constant 7680 : i32
      %add3A_1321 = arith.addi %add3A_1320, %mul3A_1319 : i32
      %get3A_1322 = arith.index_cast %add3A_1321 : i32 to index
      %get3A_1323 = tpu.vector_load %arg13[%get3A_1322] {strides = array<i32>} : memref<8192xf32, #tpu.memory_space<vmem>>, vector<16xf32>,
      %get3A_1324 = vector.shape_cast %get3A_1323 : vector<16xf32> to vector<16xf32>
      %add3A_1325 = arith.addf %add3A_1317, %get3A_1324 : vector<16xf32>
      %mul3A_1326 = arith.constant 16 : i32
      %mul3A_1327 = arith.muli %scan3A_1200, %mul3A_1326 : i32
      %swap3A = arith.index_cast %mul3A_1327 : i32 to index
      %swap3A_1328 = tpu.vector_load %arg14[%swap3A] {strides = array<i32>} : memref<512xf32, #tpu.memory_space<vmem>>, vector<16xf32>,
      %swap3A_1329 = vector.shape_cast %swap3A_1328 : vector<16xf32> to vector<16xf32>
      %swap3A_1330 = vector.shape_cast %add3A_1325 : vector<16xf32> to vector<16xf32>
      tpu.vector_store %arg14[%swap3A], %swap3A_1330 {strides = array<i32>} : memref<512xf32, #tpu.memory_space<vmem>>, vector<16xf32>,
      %scan3A_1331 = arith.constant 0 : i32
      scf.yield %scan3A_1331 : i32
    }
    %scan3A_278 = arith.constant 32 : i32
    %mul3A_279 = arith.constant 512 : i32
    %mul3A_280 = arith.muli %arg1, %mul3A_279 : i32
    %add3A_281 = arith.constant 1536 : i32
    %add3A_282 = arith.addi %add3A_281, %mul3A_280 : i32
    "tpu.region"() ({
      %run_scoped3A = tpu.sem_alloc : memref<!tpu.dma_semaphore, #tpu.memory_space<semaphore_mem>>
      %dma_start3A_1200 = arith.constant 0 : i32
      %dma_start3A_1201 = tpu.memref_slice %arg16[%dma_start3A_1200] : memref<512xf32, #tpu.memory_space<vmem>> -> memref<512xf32, #tpu.memory_space<vmem>>
      %dma_start3A_1202 = tpu.memref_slice %arg2[%add3A_282] : memref<50688xf32, #tpu.memory_space<hbm>> -> memref<512xf32, #tpu.memory_space<hbm>>
      %dma_start3A_1203 = arith.constant 0 : i32
      %dma_start3A_1204 = tpu.memref_slice %arg16[%dma_start3A_1203] : memref<512xf32, #tpu.memory_space<vmem>> -> memref<512xf32, #tpu.memory_space<vmem>>
      %dma_start3A_1205 = tpu.memref_slice %arg2[%add3A_282] : memref<50688xf32, #tpu.memory_space<hbm>> -> memref<512xf32, #tpu.memory_space<hbm>>
      tpu.enqueue_dma source(%dma_start3A_1205 : memref<512xf32, #tpu.memory_space<hbm>>) target(%dma_start3A_1204 : memref<512xf32, #tpu.memory_space<vmem>>) target_semaphore(%run_scoped3A : memref<!tpu.dma_semaphore, #tpu.memory_space<semaphore_mem>>)
      %dma_wait3A_1206 = arith.constant 0 : i32
      %dma_wait3A_1207 = tpu.memref_slice %arg16[%dma_wait3A_1206] : memref<512xf32, #tpu.memory_space<vmem>> -> memref<512xf32, #tpu.memory_space<vmem>>
      %dma_wait3A_1208 = tpu.memref_slice %arg2[%add3A_282] : memref<50688xf32, #tpu.memory_space<hbm>> -> memref<512xf32, #tpu.memory_space<hbm>>
      %dma_wait3A_1209 = arith.constant 0 : i32
      %dma_wait3A_1210 = tpu.memref_slice %arg16[%dma_wait3A_1209] : memref<512xf32, #tpu.memory_space<vmem>> -> memref<512xf32, #tpu.memory_space<vmem>>
      %dma_wait3A_1211 = tpu.memref_slice %arg2[%add3A_282] : memref<50688xf32, #tpu.memory_space<hbm>> -> memref<512xf32, #tpu.memory_space<hbm>>
      tpu.wait_dma2 semaphore(%run_scoped3A : memref<!tpu.dma_semaphore, #tpu.memory_space<semaphore_mem>>) src(%dma_wait3A_1211 : memref<512xf32, #tpu.memory_space<hbm>>) dst(%dma_wait3A_1210 : memref<512xf32, #tpu.memory_space<vmem>>)
      tpu.yield
    }) : () -> ()
    %mul3A_283 = arith.constant 512 : i32
    %mul3A_284 = arith.muli %arg1, %mul3A_283 : i32
    %add3A_285 = arith.constant 9728 : i32
    %add3A_286 = arith.addi %add3A_285, %mul3A_284 : i32
    "tpu.region"() ({
      %run_scoped3A = tpu.sem_alloc : memref<!tpu.dma_semaphore, #tpu.memory_space<semaphore_mem>>
      %dma_start3A_1200 = arith.constant 0 : i32
      %dma_start3A_1201 = tpu.memref_slice %arg17[%dma_start3A_1200] : memref<512xf32, #tpu.memory_space<vmem>> -> memref<512xf32, #tpu.memory_space<vmem>>
      %dma_start3A_1202 = tpu.memref_slice %arg2[%add3A_286] : memref<50688xf32, #tpu.memory_space<hbm>> -> memref<512xf32, #tpu.memory_space<hbm>>
      %dma_start3A_1203 = arith.constant 0 : i32
      %dma_start3A_1204 = tpu.memref_slice %arg17[%dma_start3A_1203] : memref<512xf32, #tpu.memory_space<vmem>> -> memref<512xf32, #tpu.memory_space<vmem>>
      %dma_start3A_1205 = tpu.memref_slice %arg2[%add3A_286] : memref<50688xf32, #tpu.memory_space<hbm>> -> memref<512xf32, #tpu.memory_space<hbm>>
      tpu.enqueue_dma source(%dma_start3A_1205 : memref<512xf32, #tpu.memory_space<hbm>>) target(%dma_start3A_1204 : memref<512xf32, #tpu.memory_space<vmem>>) target_semaphore(%run_scoped3A : memref<!tpu.dma_semaphore, #tpu.memory_space<semaphore_mem>>)
      %dma_wait3A_1206 = arith.constant 0 : i32
      %dma_wait3A_1207 = tpu.memref_slice %arg17[%dma_wait3A_1206] : memref<512xf32, #tpu.memory_space<vmem>> -> memref<512xf32, #tpu.memory_space<vmem>>
      %dma_wait3A_1208 = tpu.memref_slice %arg2[%add3A_286] : memref<50688xf32, #tpu.memory_space<hbm>> -> memref<512xf32, #tpu.memory_space<hbm>>
      %dma_wait3A_1209 = arith.constant 0 : i32
      %dma_wait3A_1210 = tpu.memref_slice %arg17[%dma_wait3A_1209] : memref<512xf32, #tpu.memory_space<vmem>> -> memref<512xf32, #tpu.memory_space<vmem>>
      %dma_wait3A_1211 = tpu.memref_slice %arg2[%add3A_286] : memref<50688xf32, #tpu.memory_space<hbm>> -> memref<512xf32, #tpu.memory_space<hbm>>
      tpu.wait_dma2 semaphore(%run_scoped3A : memref<!tpu.dma_semaphore, #tpu.memory_space<semaphore_mem>>) src(%dma_wait3A_1211 : memref<512xf32, #tpu.memory_space<hbm>>) dst(%dma_wait3A_1210 : memref<512xf32, #tpu.memory_space<vmem>>)
      tpu.yield
    }) : () -> ()
    %mul3A_287 = arith.constant 512 : i32
    %mul3A_288 = arith.muli %arg1, %mul3A_287 : i32
    %add3A_289 = arith.constant 17920 : i32
    %add3A_290 = arith.addi %add3A_289, %mul3A_288 : i32
    "tpu.region"() ({
      %run_scoped3A = tpu.sem_alloc : memref<!tpu.dma_semaphore, #tpu.memory_space<semaphore_mem>>
      %dma_start3A_1200 = arith.constant 0 : i32
      %dma_start3A_1201 = tpu.memref_slice %arg18[%dma_start3A_1200] : memref<512xf32, #tpu.memory_space<vmem>> -> memref<512xf32, #tpu.memory_space<vmem>>
      %dma_start3A_1202 = tpu.memref_slice %arg2[%add3A_290] : memref<50688xf32, #tpu.memory_space<hbm>> -> memref<512xf32, #tpu.memory_space<hbm>>
      %dma_start3A_1203 = arith.constant 0 : i32
      %dma_start3A_1204 = tpu.memref_slice %arg18[%dma_start3A_1203] : memref<512xf32, #tpu.memory_space<vmem>> -> memref<512xf32, #tpu.memory_space<vmem>>
      %dma_start3A_1205 = tpu.memref_slice %arg2[%add3A_290] : memref<50688xf32, #tpu.memory_space<hbm>> -> memref<512xf32, #tpu.memory_space<hbm>>
      tpu.enqueue_dma source(%dma_start3A_1205 : memref<512xf32, #tpu.memory_space<hbm>>) target(%dma_start3A_1204 : memref<512xf32, #tpu.memory_space<vmem>>) target_semaphore(%run_scoped3A : memref<!tpu.dma_semaphore, #tpu.memory_space<semaphore_mem>>)
      %dma_wait3A_1206 = arith.constant 0 : i32
      %dma_wait3A_1207 = tpu.memref_slice %arg18[%dma_wait3A_1206] : memref<512xf32, #tpu.memory_space<vmem>> -> memref<512xf32, #tpu.memory_space<vmem>>
      %dma_wait3A_1208 = tpu.memref_slice %arg2[%add3A_290] : memref<50688xf32, #tpu.memory_space<hbm>> -> memref<512xf32, #tpu.memory_space<hbm>>
      %dma_wait3A_1209 = arith.constant 0 : i32
      %dma_wait3A_1210 = tpu.memref_slice %arg18[%dma_wait3A_1209] : memref<512xf32, #tpu.memory_space<vmem>> -> memref<512xf32, #tpu.memory_space<vmem>>
      %dma_wait3A_1211 = tpu.memref_slice %arg2[%add3A_290] : memref<50688xf32, #tpu.memory_space<hbm>> -> memref<512xf32, #tpu.memory_space<hbm>>
      tpu.wait_dma2 semaphore(%run_scoped3A : memref<!tpu.dma_semaphore, #tpu.memory_space<semaphore_mem>>) src(%dma_wait3A_1211 : memref<512xf32, #tpu.memory_space<hbm>>) dst(%dma_wait3A_1210 : memref<512xf32, #tpu.memory_space<vmem>>)
      tpu.yield
    }) : () -> ()
    %mul3A_291 = arith.constant 512 : i32
    %mul3A_292 = arith.muli %arg1, %mul3A_291 : i32
    %add3A_293 = arith.constant 26112 : i32
    %add3A_294 = arith.addi %add3A_293, %mul3A_292 : i32
    "tpu.region"() ({
      %run_scoped3A = tpu.sem_alloc : memref<!tpu.dma_semaphore, #tpu.memory_space<semaphore_mem>>
      %dma_start3A_1200 = arith.constant 0 : i32
      %dma_start3A_1201 = tpu.memref_slice %arg19[%dma_start3A_1200] : memref<512xf32, #tpu.memory_space<vmem>> -> memref<512xf32, #tpu.memory_space<vmem>>
      %dma_start3A_1202 = tpu.memref_slice %arg2[%add3A_294] : memref<50688xf32, #tpu.memory_space<hbm>> -> memref<512xf32, #tpu.memory_space<hbm>>
      %dma_start3A_1203 = arith.constant 0 : i32
      %dma_start3A_1204 = tpu.memref_slice %arg19[%dma_start3A_1203] : memref<512xf32, #tpu.memory_space<vmem>> -> memref<512xf32, #tpu.memory_space<vmem>>
      %dma_start3A_1205 = tpu.memref_slice %arg2[%add3A_294] : memref<50688xf32, #tpu.memory_space<hbm>> -> memref<512xf32, #tpu.memory_space<hbm>>
      tpu.enqueue_dma source(%dma_start3A_1205 : memref<512xf32, #tpu.memory_space<hbm>>) target(%dma_start3A_1204 : memref<512xf32, #tpu.memory_space<vmem>>) target_semaphore(%run_scoped3A : memref<!tpu.dma_semaphore, #tpu.memory_space<semaphore_mem>>)
      %dma_wait3A_1206 = arith.constant 0 : i32
      %dma_wait3A_1207 = tpu.memref_slice %arg19[%dma_wait3A_1206] : memref<512xf32, #tpu.memory_space<vmem>> -> memref<512xf32, #tpu.memory_space<vmem>>
      %dma_wait3A_1208 = tpu.memref_slice %arg2[%add3A_294] : memref<50688xf32, #tpu.memory_space<hbm>> -> memref<512xf32, #tpu.memory_space<hbm>>
      %dma_wait3A_1209 = arith.constant 0 : i32
      %dma_wait3A_1210 = tpu.memref_slice %arg19[%dma_wait3A_1209] : memref<512xf32, #tpu.memory_space<vmem>> -> memref<512xf32, #tpu.memory_space<vmem>>
      %dma_wait3A_1211 = tpu.memref_slice %arg2[%add3A_294] : memref<50688xf32, #tpu.memory_space<hbm>> -> memref<512xf32, #tpu.memory_space<hbm>>
      tpu.wait_dma2 semaphore(%run_scoped3A : memref<!tpu.dma_semaphore, #tpu.memory_space<semaphore_mem>>) src(%dma_wait3A_1211 : memref<512xf32, #tpu.memory_space<hbm>>) dst(%dma_wait3A_1210 : memref<512xf32, #tpu.memory_space<vmem>>)
      tpu.yield
    }) : () -> ()
    %scan3A_295 = arith.constant 0 : i32
    %scan3A_296 = arith.constant 0 : i32
    %scan3A_297 = arith.constant 32 : i32
    %scan3A_298 = arith.addi %scan3A_296, %scan3A_297 : i32
    %scan3A_299 = arith.constant 1 : i32
    %scan3A_300 = scf.for %scan3A_1200 = %scan3A_296 to %scan3A_298 step %scan3A_299 iter_args(%scan3A_1201 = %scan3A_295) -> (i32)  : i32 {
      %mul3A_1202 = arith.constant 16 : i32
      %mul3A_1203 = arith.muli %scan3A_1200, %mul3A_1202 : i32
      %get3A = arith.index_cast %mul3A_1203 : i32 to index
      %get3A_1204 = tpu.vector_load %arg14[%get3A] {strides = array<i32>} : memref<512xf32, #tpu.memory_space<vmem>>, vector<16xf32>,
      %get3A_1205 = vector.shape_cast %get3A_1204 : vector<16xf32> to vector<16xf32>
      %get3A_1206 = arith.index_cast %mul3A_1203 : i32 to index
      %get3A_1207 = tpu.vector_load %arg16[%get3A_1206] {strides = array<i32>} : memref<512xf32, #tpu.memory_space<vmem>>, vector<16xf32>,
      %get3A_1208 = vector.shape_cast %get3A_1207 : vector<16xf32> to vector<16xf32>
      %get3A_1209 = arith.index_cast %mul3A_1203 : i32 to index
      %get3A_1210 = tpu.vector_load %arg17[%get3A_1209] {strides = array<i32>} : memref<512xf32, #tpu.memory_space<vmem>>, vector<16xf32>,
      %get3A_1211 = vector.shape_cast %get3A_1210 : vector<16xf32> to vector<16xf32>
      %mul3A_1212 = arith.constant 4.000000e-02 : f32
      %mul3A_1213 = vector.broadcast %mul3A_1212 : f32 to vector<16xf32>
      %mul3A_1214 = arith.mulf %mul3A_1213, %get3A_1208 : vector<16xf32>
      %mul3A_1215 = arith.mulf %mul3A_1214, %get3A_1208 : vector<16xf32>
      %mul3A_1216 = arith.constant 5.000000e+00 : f32
      %mul3A_1217 = vector.broadcast %mul3A_1216 : f32 to vector<16xf32>
      %mul3A_1218 = arith.mulf %mul3A_1217, %get3A_1208 : vector<16xf32>
      %add3A_1219 = arith.addf %mul3A_1215, %mul3A_1218 : vector<16xf32>
      %add3A_1220 = arith.constant 1.400000e+02 : f32
      %add3A_1221 = vector.broadcast %add3A_1220 : f32 to vector<16xf32>
      %add3A_1222 = arith.addf %add3A_1219, %add3A_1221 : vector<16xf32>
      %sub3A = arith.subf %add3A_1222, %get3A_1211 : vector<16xf32>
      %add3A_1223 = arith.addf %sub3A, %get3A_1205 : vector<16xf32>
      %mul3A_1224 = arith.constant 5.000000e-01 : f32
      %mul3A_1225 = vector.broadcast %mul3A_1224 : f32 to vector<16xf32>
      %mul3A_1226 = arith.mulf %add3A_1223, %mul3A_1225 : vector<16xf32>
      %add3A_1227 = arith.addf %get3A_1208, %mul3A_1226 : vector<16xf32>
      %jit3A = arith.constant -9.000000e+01 : f32
      %jit3A_1228 = arith.constant 4.000000e+01 : f32
      %max3A = vector.broadcast %jit3A : f32 to vector<16xf32>
      %max3A_1229 = arith.maximumf %max3A, %add3A_1227 : vector<16xf32>
      %min3A = vector.broadcast %jit3A_1228 : f32 to vector<16xf32>
      %min3A_1230 = arith.minimumf %min3A, %max3A_1229 : vector<16xf32>
      %mul3A_1231 = arith.constant 2.000000e-01 : f32
      %mul3A_1232 = vector.broadcast %mul3A_1231 : f32 to vector<16xf32>
      %mul3A_1233 = arith.mulf %mul3A_1232, %min3A_1230 : vector<16xf32>
      %sub3A_1234 = arith.subf %mul3A_1233, %get3A_1211 : vector<16xf32>
      %mul3A_1235 = arith.constant 2.000000e-02 : f32
      %mul3A_1236 = vector.broadcast %mul3A_1235 : f32 to vector<16xf32>
      %mul3A_1237 = arith.mulf %mul3A_1236, %sub3A_1234 : vector<16xf32>
      %mul3A_1238 = arith.constant 5.000000e-01 : f32
      %mul3A_1239 = vector.broadcast %mul3A_1238 : f32 to vector<16xf32>
      %mul3A_1240 = arith.mulf %mul3A_1237, %mul3A_1239 : vector<16xf32>
      %add3A_1241 = arith.addf %get3A_1211, %mul3A_1240 : vector<16xf32>
      %ge3A = arith.constant 3.000000e+01 : f32
      %ge3A_1242 = vector.broadcast %ge3A : f32 to vector<16xf32>
      %ge3A_1243 = arith.cmpf oge, %min3A_1230, %ge3A_1242 : vector<16xf32>
      %get3A_1244 = arith.index_cast %mul3A_1203 : i32 to index
      %get3A_1245 = tpu.vector_load %arg18[%get3A_1244] {strides = array<i32>} : memref<512xf32, #tpu.memory_space<vmem>>, vector<16xf32>,
      %get3A_1246 = vector.shape_cast %get3A_1245 : vector<16xf32> to vector<16xf32>
      %select_n3A = arith.select %ge3A_1243, %get3A_1246, %min3A_1230 : vector<16xi1>, vector<16xf32>
      %swap3A = arith.index_cast %mul3A_1203 : i32 to index
      %swap3A_1247 = tpu.vector_load %arg16[%swap3A] {strides = array<i32>} : memref<512xf32, #tpu.memory_space<vmem>>, vector<16xf32>,
      %swap3A_1248 = vector.shape_cast %swap3A_1247 : vector<16xf32> to vector<16xf32>
      %swap3A_1249 = vector.shape_cast %select_n3A : vector<16xf32> to vector<16xf32>
      tpu.vector_store %arg16[%swap3A], %swap3A_1249 {strides = array<i32>} : memref<512xf32, #tpu.memory_space<vmem>>, vector<16xf32>,
      %get3A_1250 = arith.index_cast %mul3A_1203 : i32 to index
      %get3A_1251 = tpu.vector_load %arg19[%get3A_1250] {strides = array<i32>} : memref<512xf32, #tpu.memory_space<vmem>>, vector<16xf32>,
      %get3A_1252 = vector.shape_cast %get3A_1251 : vector<16xf32> to vector<16xf32>
      %add3A_1253 = arith.addf %add3A_1241, %get3A_1252 : vector<16xf32>
      %select_n3A_1254 = arith.select %ge3A_1243, %add3A_1253, %add3A_1241 : vector<16xi1>, vector<16xf32>
      %swap3A_1255 = arith.index_cast %mul3A_1203 : i32 to index
      %swap3A_1256 = tpu.vector_load %arg17[%swap3A_1255] {strides = array<i32>} : memref<512xf32, #tpu.memory_space<vmem>>, vector<16xf32>,
      %swap3A_1257 = vector.shape_cast %swap3A_1256 : vector<16xf32> to vector<16xf32>
      %swap3A_1258 = vector.shape_cast %select_n3A_1254 : vector<16xf32> to vector<16xf32>
      tpu.vector_store %arg17[%swap3A_1255], %swap3A_1258 {strides = array<i32>} : memref<512xf32, #tpu.memory_space<vmem>>, vector<16xf32>,
      %jit3A_1259 = arith.constant 1.000000e+00 : f32
      %jit3A_1260 = arith.constant 0.000000e+00 : f32
      %broadcast_in_dim3A = vector.broadcast %jit3A_1259 : f32 to vector<16xf32>
      %broadcast_in_dim3A_1261 = vector.broadcast %jit3A_1260 : f32 to vector<16xf32>
      %select_n3A_1262 = arith.select %ge3A_1243, %broadcast_in_dim3A, %broadcast_in_dim3A_1261 : vector<16xi1>, vector<16xf32>
      %swap3A_1263 = arith.index_cast %mul3A_1203 : i32 to index
      %swap3A_1264 = tpu.vector_load %arg10[%swap3A_1263] {strides = array<i32>} : memref<528xf32, #tpu.memory_space<vmem>>, vector<16xf32>,
      %swap3A_1265 = vector.shape_cast %swap3A_1264 : vector<16xf32> to vector<16xf32>
      %swap3A_1266 = vector.shape_cast %select_n3A_1262 : vector<16xf32> to vector<16xf32>
      tpu.vector_store %arg10[%swap3A_1263], %swap3A_1266 {strides = array<i32>} : memref<528xf32, #tpu.memory_space<vmem>>, vector<16xf32>,
      %scan3A_1267 = arith.constant 0 : i32
      scf.yield %scan3A_1267 : i32
    }
    %scan3A_301 = arith.constant 32 : i32
    %scan3A_302 = arith.constant 0 : i32
    %scan3A_303 = arith.constant 0 : i32
    %scan3A_304 = arith.constant 160 : i32
    %scan3A_305 = arith.addi %scan3A_303, %scan3A_304 : i32
    %scan3A_306 = arith.constant 1 : i32
    %scan3A_307 = scf.for %scan3A_1200 = %scan3A_303 to %scan3A_305 step %scan3A_306 iter_args(%scan3A_1201 = %scan3A_302) -> (i32)  : i32 {
      %broadcast_in_dim3A = arith.constant 0.000000e+00 : f32
      %broadcast_in_dim3A_1202 = vector.broadcast %broadcast_in_dim3A : f32 to vector<16xf32>
      %mul3A_1203 = arith.constant 16 : i32
      %mul3A_1204 = arith.muli %scan3A_1200, %mul3A_1203 : i32
      %swap3A = arith.index_cast %mul3A_1204 : i32 to index
      %swap3A_1205 = tpu.vector_load %arg12[%swap3A] {strides = array<i32>} : memref<8192xf32, #tpu.memory_space<vmem>>, vector<16xf32>,
      %swap3A_1206 = vector.shape_cast %swap3A_1205 : vector<16xf32> to vector<16xf32>
      %swap3A_1207 = vector.shape_cast %broadcast_in_dim3A_1202 : vector<16xf32> to vector<16xf32>
      tpu.vector_store %arg12[%swap3A], %swap3A_1207 {strides = array<i32>} : memref<8192xf32, #tpu.memory_space<vmem>>, vector<16xf32>,
      %scan3A_1208 = arith.constant 0 : i32
      scf.yield %scan3A_1208 : i32
    }
    %scan3A_308 = arith.constant 160 : i32
    %scan3A_309 = arith.constant 0 : i32
    %scan3A_310 = arith.constant 0 : i32
    %scan3A_311 = arith.constant 512 : i32
    %scan3A_312 = arith.addi %scan3A_310, %scan3A_311 : i32
    %scan3A_313 = arith.constant 1 : i32
    %scan3A_314 = scf.for %scan3A_1200 = %scan3A_310 to %scan3A_312 step %scan3A_313 iter_args(%scan3A_1201 = %scan3A_309) -> (i32)  : i32 {
      %get3A = arith.index_cast %scan3A_1200 : i32 to index
      %get3A_1202 = tpu.vector_load %arg10[%get3A] {strides = array<i32>} : memref<528xf32, #tpu.memory_space<vmem>>, vector<16xf32>,
      %get3A_1203 = vector.shape_cast %get3A_1202 : vector<16xf32> to vector<16xf32>
      %slice3A = vector.extract_strided_slice %get3A_1203 {offsets = [0], sizes = [1], strides = [1]} : vector<16xf32> to vector<1xf32>
      %squeeze3A = vector.extract %slice3A[0] : f32 from vector<1xf32>
      %gt3A = arith.constant 0.000000e+00 : f32
      %gt3A_1204 = arith.cmpf ogt, %squeeze3A, %gt3A : f32
      %convert_element_type3A = arith.extui %gt3A_1204 : i1 to i32
      %cond3A = arith.constant 0 : i32
      %cond3A_1205 = arith.cmpi ne, %convert_element_type3A, %cond3A : i32
      scf.if %cond3A_1205 {
        %mul3A_1207 = arith.constant 512 : i32
        %mul3A_1208 = arith.muli %arg1, %mul3A_1207 : i32
        %add3A_1209 = arith.addi %mul3A_1208, %scan3A_1200 : i32
        %scan3A_1210 = arith.constant 0 : i32
        %scan3A_1211 = arith.constant 0 : i32
        %scan3A_1212 = arith.constant 19 : i32
        %scan3A_1213 = arith.addi %scan3A_1211, %scan3A_1212 : i32
        %scan3A_1214 = arith.constant 1 : i32
        %scan3A_1215 = scf.for %scan3A_1233 = %scan3A_1211 to %scan3A_1213 step %scan3A_1214 iter_args(%scan3A_1234 = %scan3A_1210) -> (i32)  : i32 {
          %mul3A_1235 = arith.constant 128 : i32
          %mul3A_1236 = arith.muli %scan3A_1233, %mul3A_1235 : i32
          %multiple_of3A = tpu.assume_multiple %mul3A_1236, 128 : i32
          "tpu.region"() ({
            %run_scoped3A = tpu.sem_alloc : memref<!tpu.dma_semaphore, #tpu.memory_space<semaphore_mem>>
            %dma_start3A_1238 = tpu.memref_slice %arg11[%multiple_of3A] : memref<8064xf32, #tpu.memory_space<vmem>> -> memref<128xf32, #tpu.memory_space<vmem>>
            %dma_start3A_1239 = tpu.memref_slice %arg5[%add3A_1209, %multiple_of3A] : memref<8000x2500xf32, #tpu.memory_space<hbm>> -> memref<1x128xf32, #tpu.memory_space<hbm>>
            %dma_start3A_1240 = tpu.memref_squeeze %dma_start3A_1239 : memref<1x128xf32, #tpu.memory_space<hbm>> -> memref<128xf32, #tpu.memory_space<hbm>>
            %dma_start3A_1241 = tpu.memref_slice %arg11[%multiple_of3A] : memref<8064xf32, #tpu.memory_space<vmem>> -> memref<128xf32, #tpu.memory_space<vmem>>
            %dma_start3A_1242 = tpu.memref_slice %arg5[%add3A_1209, %multiple_of3A] : memref<8000x2500xf32, #tpu.memory_space<hbm>> -> memref<1x128xf32, #tpu.memory_space<hbm>>
            %dma_start3A_1243 = tpu.memref_squeeze %dma_start3A_1242 : memref<1x128xf32, #tpu.memory_space<hbm>> -> memref<128xf32, #tpu.memory_space<hbm>>
            tpu.enqueue_dma source(%dma_start3A_1243 : memref<128xf32, #tpu.memory_space<hbm>>) target(%dma_start3A_1241 : memref<128xf32, #tpu.memory_space<vmem>>) target_semaphore(%run_scoped3A : memref<!tpu.dma_semaphore, #tpu.memory_space<semaphore_mem>>)
            %dma_wait3A_1244 = tpu.memref_slice %arg11[%multiple_of3A] : memref<8064xf32, #tpu.memory_space<vmem>> -> memref<128xf32, #tpu.memory_space<vmem>>
            %dma_wait3A_1245 = tpu.memref_slice %arg5[%add3A_1209, %multiple_of3A] : memref<8000x2500xf32, #tpu.memory_space<hbm>> -> memref<1x128xf32, #tpu.memory_space<hbm>>
            %dma_wait3A_1246 = tpu.memref_squeeze %dma_wait3A_1245 : memref<1x128xf32, #tpu.memory_space<hbm>> -> memref<128xf32, #tpu.memory_space<hbm>>
            %dma_wait3A_1247 = tpu.memref_slice %arg11[%multiple_of3A] : memref<8064xf32, #tpu.memory_space<vmem>> -> memref<128xf32, #tpu.memory_space<vmem>>
            %dma_wait3A_1248 = tpu.memref_slice %arg5[%add3A_1209, %multiple_of3A] : memref<8000x2500xf32, #tpu.memory_space<hbm>> -> memref<1x128xf32, #tpu.memory_space<hbm>>
            %dma_wait3A_1249 = tpu.memref_squeeze %dma_wait3A_1248 : memref<1x128xf32, #tpu.memory_space<hbm>> -> memref<128xf32, #tpu.memory_space<hbm>>
            tpu.wait_dma2 semaphore(%run_scoped3A : memref<!tpu.dma_semaphore, #tpu.memory_space<semaphore_mem>>) src(%dma_wait3A_1249 : memref<128xf32, #tpu.memory_space<hbm>>) dst(%dma_wait3A_1247 : memref<128xf32, #tpu.memory_space<vmem>>)
            tpu.yield
          }) : () -> ()
          %scan3A_1237 = arith.constant 0 : i32
          scf.yield %scan3A_1237 : i32
        }
        %scan3A_1216 = arith.constant 19 : i32
        %scan3A_1217 = arith.constant 0 : i32
        %scan3A_1218 = arith.constant 0 : i32
        %scan3A_1219 = arith.constant 152 : i32
        %scan3A_1220 = arith.addi %scan3A_1218, %scan3A_1219 : i32
        %scan3A_1221 = arith.constant 1 : i32
        %scan3A_1222 = scf.for %scan3A_1233 = %scan3A_1218 to %scan3A_1220 step %scan3A_1221 iter_args(%scan3A_1234 = %scan3A_1217) -> (i32)  : i32 {
          %mul3A_1235 = arith.constant 16 : i32
          %mul3A_1236 = arith.muli %scan3A_1233, %mul3A_1235 : i32
          %get3A_1237 = arith.index_cast %mul3A_1236 : i32 to index
          %get3A_1238 = tpu.vector_load %arg12[%get3A_1237] {strides = array<i32>} : memref<8192xf32, #tpu.memory_space<vmem>>, vector<16xf32>,
          %get3A_1239 = vector.shape_cast %get3A_1238 : vector<16xf32> to vector<16xf32>
          %mul3A_1240 = arith.constant 16 : i32
          %mul3A_1241 = arith.muli %scan3A_1233, %mul3A_1240 : i32
          %get3A_1242 = arith.index_cast %mul3A_1241 : i32 to index
          %get3A_1243 = tpu.vector_load %arg11[%get3A_1242] {strides = array<i32>} : memref<8064xf32, #tpu.memory_space<vmem>>, vector<16xf32>,
          %get3A_1244 = vector.shape_cast %get3A_1243 : vector<16xf32> to vector<16xf32>
          %add3A_1245 = arith.addf %get3A_1239, %get3A_1244 : vector<16xf32>
          %mul3A_1246 = arith.constant 16 : i32
          %mul3A_1247 = arith.muli %scan3A_1233, %mul3A_1246 : i32
          %swap3A = arith.index_cast %mul3A_1247 : i32 to index
          %swap3A_1248 = tpu.vector_load %arg12[%swap3A] {strides = array<i32>} : memref<8192xf32, #tpu.memory_space<vmem>>, vector<16xf32>,
          %swap3A_1249 = vector.shape_cast %swap3A_1248 : vector<16xf32> to vector<16xf32>
          %swap3A_1250 = vector.shape_cast %add3A_1245 : vector<16xf32> to vector<16xf32>
          tpu.vector_store %arg12[%swap3A], %swap3A_1250 {strides = array<i32>} : memref<8192xf32, #tpu.memory_space<vmem>>, vector<16xf32>,
          %scan3A_1251 = arith.constant 0 : i32
          scf.yield %scan3A_1251 : i32
        }
        %scan3A_1223 = arith.constant 152 : i32
        %add3A_1224 = arith.constant 1500 : i32
        %add3A_1225 = arith.addi %add3A_1224, %add3A_1209 : i32
        "tpu.region"() ({
          %run_scoped3A = tpu.sem_alloc : memref<!tpu.dma_semaphore, #tpu.memory_space<semaphore_mem>>
          %dma_start3A_1233 = arith.constant 0 : i32
          %dma_start3A_1234 = tpu.memref_slice %arg20[%dma_start3A_1233] : memref<128xf32, #tpu.memory_space<vmem>> -> memref<128xf32, #tpu.memory_space<vmem>>
          %dma_start3A_1235 = arith.constant 0 : i32
          %dma_start3A_1236 = tpu.memref_slice %arg3[%add3A_1225, %dma_start3A_1235] : memref<14500x128xf32, #tpu.memory_space<hbm>> -> memref<1x128xf32, #tpu.memory_space<hbm>>
          %dma_start3A_1237 = tpu.memref_squeeze %dma_start3A_1236 : memref<1x128xf32, #tpu.memory_space<hbm>> -> memref<128xf32, #tpu.memory_space<hbm>>
          %dma_start3A_1238 = arith.constant 0 : i32
          %dma_start3A_1239 = tpu.memref_slice %arg20[%dma_start3A_1238] : memref<128xf32, #tpu.memory_space<vmem>> -> memref<128xf32, #tpu.memory_space<vmem>>
          %dma_start3A_1240 = arith.constant 0 : i32
          %dma_start3A_1241 = tpu.memref_slice %arg3[%add3A_1225, %dma_start3A_1240] : memref<14500x128xf32, #tpu.memory_space<hbm>> -> memref<1x128xf32, #tpu.memory_space<hbm>>
          %dma_start3A_1242 = tpu.memref_squeeze %dma_start3A_1241 : memref<1x128xf32, #tpu.memory_space<hbm>> -> memref<128xf32, #tpu.memory_space<hbm>>
          tpu.enqueue_dma source(%dma_start3A_1242 : memref<128xf32, #tpu.memory_space<hbm>>) target(%dma_start3A_1239 : memref<128xf32, #tpu.memory_space<vmem>>) target_semaphore(%run_scoped3A : memref<!tpu.dma_semaphore, #tpu.memory_space<semaphore_mem>>)
          %dma_wait3A_1243 = arith.constant 0 : i32
          %dma_wait3A_1244 = tpu.memref_slice %arg20[%dma_wait3A_1243] : memref<128xf32, #tpu.memory_space<vmem>> -> memref<128xf32, #tpu.memory_space<vmem>>
          %dma_wait3A_1245 = arith.constant 0 : i32
          %dma_wait3A_1246 = tpu.memref_slice %arg3[%add3A_1225, %dma_wait3A_1245] : memref<14500x128xf32, #tpu.memory_space<hbm>> -> memref<1x128xf32, #tpu.memory_space<hbm>>
          %dma_wait3A_1247 = tpu.memref_squeeze %dma_wait3A_1246 : memref<1x128xf32, #tpu.memory_space<hbm>> -> memref<128xf32, #tpu.memory_space<hbm>>
          %dma_wait3A_1248 = arith.constant 0 : i32
          %dma_wait3A_1249 = tpu.memref_slice %arg20[%dma_wait3A_1248] : memref<128xf32, #tpu.memory_space<vmem>> -> memref<128xf32, #tpu.memory_space<vmem>>
          %dma_wait3A_1250 = arith.constant 0 : i32
          %dma_wait3A_1251 = tpu.memref_slice %arg3[%add3A_1225, %dma_wait3A_1250] : memref<14500x128xf32, #tpu.memory_space<hbm>> -> memref<1x128xf32, #tpu.memory_space<hbm>>
          %dma_wait3A_1252 = tpu.memref_squeeze %dma_wait3A_1251 : memref<1x128xf32, #tpu.memory_space<hbm>> -> memref<128xf32, #tpu.memory_space<hbm>>
          tpu.wait_dma2 semaphore(%run_scoped3A : memref<!tpu.dma_semaphore, #tpu.memory_space<semaphore_mem>>) src(%dma_wait3A_1252 : memref<128xf32, #tpu.memory_space<hbm>>) dst(%dma_wait3A_1249 : memref<128xf32, #tpu.memory_space<vmem>>)
          tpu.yield
        }) : () -> ()
        %scan3A_1226 = arith.constant 0 : i32
        %scan3A_1227 = arith.constant 0 : i32
        %scan3A_1228 = arith.constant 8 : i32
        %scan3A_1229 = arith.addi %scan3A_1227, %scan3A_1228 : i32
        %scan3A_1230 = arith.constant 1 : i32
        %scan3A_1231 = scf.for %scan3A_1233 = %scan3A_1227 to %scan3A_1229 step %scan3A_1230 iter_args(%scan3A_1234 = %scan3A_1226) -> (i32)  : i32 {
          %mul3A_1235 = arith.constant 16 : i32
          %mul3A_1236 = arith.muli %scan3A_1233, %mul3A_1235 : i32
          %add3A_1237 = arith.constant 2432 : i32
          %add3A_1238 = arith.addi %add3A_1237, %mul3A_1236 : i32
          %get3A_1239 = arith.index_cast %add3A_1238 : i32 to index
          %get3A_1240 = tpu.vector_load %arg12[%get3A_1239] {strides = array<i32>} : memref<8192xf32, #tpu.memory_space<vmem>>, vector<16xf32>,
          %get3A_1241 = vector.shape_cast %get3A_1240 : vector<16xf32> to vector<16xf32>
          %mul3A_1242 = arith.constant 16 : i32
          %mul3A_1243 = arith.muli %scan3A_1233, %mul3A_1242 : i32
          %get3A_1244 = arith.index_cast %mul3A_1243 : i32 to index
          %get3A_1245 = tpu.vector_load %arg20[%get3A_1244] {strides = array<i32>} : memref<128xf32, #tpu.memory_space<vmem>>, vector<16xf32>,
          %get3A_1246 = vector.shape_cast %get3A_1245 : vector<16xf32> to vector<16xf32>
          %add3A_1247 = arith.addf %get3A_1241, %get3A_1246 : vector<16xf32>
          %mul3A_1248 = arith.constant 16 : i32
          %mul3A_1249 = arith.muli %scan3A_1233, %mul3A_1248 : i32
          %add3A_1250 = arith.constant 2432 : i32
          %add3A_1251 = arith.addi %add3A_1250, %mul3A_1249 : i32
          %swap3A = arith.index_cast %add3A_1251 : i32 to index
          %swap3A_1252 = tpu.vector_load %arg12[%swap3A] {strides = array<i32>} : memref<8192xf32, #tpu.memory_space<vmem>>, vector<16xf32>,
          %swap3A_1253 = vector.shape_cast %swap3A_1252 : vector<16xf32> to vector<16xf32>
          %swap3A_1254 = vector.shape_cast %add3A_1247 : vector<16xf32> to vector<16xf32>
          tpu.vector_store %arg12[%swap3A], %swap3A_1254 {strides = array<i32>} : memref<8192xf32, #tpu.memory_space<vmem>>, vector<16xf32>,
          %scan3A_1255 = arith.constant 0 : i32
          scf.yield %scan3A_1255 : i32
        }
        %scan3A_1232 = arith.constant 8 : i32
      } else {
      }
      %scan3A_1206 = arith.constant 0 : i32
      scf.yield %scan3A_1206 : i32
    }
    %scan3A_315 = arith.constant 512 : i32
    %mul3A_316 = arith.constant 8192 : i32
    %mul3A_317 = arith.muli %arg1, %mul3A_316 : i32
    "tpu.region"() ({
      %run_scoped3A = tpu.sem_alloc : memref<!tpu.dma_semaphore, #tpu.memory_space<semaphore_mem>>
      %dma_start3A_1200 = arith.constant 0 : i32
      %dma_start3A_1201 = tpu.memref_slice %arg12[%dma_start3A_1200] : memref<8192xf32, #tpu.memory_space<vmem>> -> memref<2560xf32, #tpu.memory_space<vmem>>
      %dma_start3A_1202 = tpu.memref_slice %arg21[%mul3A_317] : memref<131072xf32, #tpu.memory_space<vmem_shared>> -> memref<2560xf32, #tpu.memory_space<vmem_shared>>
      %dma_start3A_1203 = tpu.memref_slice %arg21[%mul3A_317] : memref<131072xf32, #tpu.memory_space<vmem_shared>> -> memref<2560xf32, #tpu.memory_space<vmem_shared>>
      %dma_start3A_1204 = arith.constant 0 : i32
      %dma_start3A_1205 = tpu.memref_slice %arg12[%dma_start3A_1204] : memref<8192xf32, #tpu.memory_space<vmem>> -> memref<2560xf32, #tpu.memory_space<vmem>>
      tpu.enqueue_dma source(%dma_start3A_1205 : memref<2560xf32, #tpu.memory_space<vmem>>) target(%dma_start3A_1203 : memref<2560xf32, #tpu.memory_space<vmem_shared>>) target_semaphore(%run_scoped3A : memref<!tpu.dma_semaphore, #tpu.memory_space<semaphore_mem>>)
      %dma_wait3A_1206 = arith.constant 0 : i32
      %dma_wait3A_1207 = tpu.memref_slice %arg12[%dma_wait3A_1206] : memref<8192xf32, #tpu.memory_space<vmem>> -> memref<2560xf32, #tpu.memory_space<vmem>>
      %dma_wait3A_1208 = tpu.memref_slice %arg21[%mul3A_317] : memref<131072xf32, #tpu.memory_space<vmem_shared>> -> memref<2560xf32, #tpu.memory_space<vmem_shared>>
      %dma_wait3A_1209 = tpu.memref_slice %arg21[%mul3A_317] : memref<131072xf32, #tpu.memory_space<vmem_shared>> -> memref<2560xf32, #tpu.memory_space<vmem_shared>>
      %dma_wait3A_1210 = arith.constant 0 : i32
      %dma_wait3A_1211 = tpu.memref_slice %arg12[%dma_wait3A_1210] : memref<8192xf32, #tpu.memory_space<vmem>> -> memref<2560xf32, #tpu.memory_space<vmem>>
      tpu.wait_dma2 semaphore(%run_scoped3A : memref<!tpu.dma_semaphore, #tpu.memory_space<semaphore_mem>>) src(%dma_wait3A_1211 : memref<2560xf32, #tpu.memory_space<vmem>>) dst(%dma_wait3A_1209 : memref<2560xf32, #tpu.memory_space<vmem_shared>>)
      tpu.yield
    }) : () -> ()
    %barrier3A_318 = arith.constant 0 : index
    tpu.barrier barrier_id(%barrier3A_318)
    %mul3A_319 = arith.constant 160 : i32
    %mul3A_320 = arith.muli %arg1, %mul3A_319 : i32
    %add3A_321 = arith.constant 0 : i32
    %add3A_322 = arith.addi %add3A_321, %mul3A_320 : i32
    %mul3A_323 = arith.constant 160 : i32
    %mul3A_324 = arith.muli %arg1, %mul3A_323 : i32
    %add3A_325 = arith.constant 8192 : i32
    %add3A_326 = arith.addi %add3A_325, %mul3A_324 : i32
    %mul3A_327 = arith.constant 160 : i32
    %mul3A_328 = arith.muli %arg1, %mul3A_327 : i32
    %add3A_329 = arith.constant 16384 : i32
    %add3A_330 = arith.addi %add3A_329, %mul3A_328 : i32
    %mul3A_331 = arith.constant 160 : i32
    %mul3A_332 = arith.muli %arg1, %mul3A_331 : i32
    %add3A_333 = arith.constant 24576 : i32
    %add3A_334 = arith.addi %add3A_333, %mul3A_332 : i32
    %mul3A_335 = arith.constant 160 : i32
    %mul3A_336 = arith.muli %arg1, %mul3A_335 : i32
    %add3A_337 = arith.constant 32768 : i32
    %add3A_338 = arith.addi %add3A_337, %mul3A_336 : i32
    %mul3A_339 = arith.constant 160 : i32
    %mul3A_340 = arith.muli %arg1, %mul3A_339 : i32
    %add3A_341 = arith.constant 40960 : i32
    %add3A_342 = arith.addi %add3A_341, %mul3A_340 : i32
    %mul3A_343 = arith.constant 160 : i32
    %mul3A_344 = arith.muli %arg1, %mul3A_343 : i32
    %add3A_345 = arith.constant 49152 : i32
    %add3A_346 = arith.addi %add3A_345, %mul3A_344 : i32
    %mul3A_347 = arith.constant 160 : i32
    %mul3A_348 = arith.muli %arg1, %mul3A_347 : i32
    %add3A_349 = arith.constant 57344 : i32
    %add3A_350 = arith.addi %add3A_349, %mul3A_348 : i32
    %mul3A_351 = arith.constant 160 : i32
    %mul3A_352 = arith.muli %arg1, %mul3A_351 : i32
    %add3A_353 = arith.constant 65536 : i32
    %add3A_354 = arith.addi %add3A_353, %mul3A_352 : i32
    %mul3A_355 = arith.constant 160 : i32
    %mul3A_356 = arith.muli %arg1, %mul3A_355 : i32
    %add3A_357 = arith.constant 73728 : i32
    %add3A_358 = arith.addi %add3A_357, %mul3A_356 : i32
    %mul3A_359 = arith.constant 160 : i32
    %mul3A_360 = arith.muli %arg1, %mul3A_359 : i32
    %add3A_361 = arith.constant 81920 : i32
    %add3A_362 = arith.addi %add3A_361, %mul3A_360 : i32
    %mul3A_363 = arith.constant 160 : i32
    %mul3A_364 = arith.muli %arg1, %mul3A_363 : i32
    %add3A_365 = arith.constant 90112 : i32
    %add3A_366 = arith.addi %add3A_365, %mul3A_364 : i32
    %mul3A_367 = arith.constant 160 : i32
    %mul3A_368 = arith.muli %arg1, %mul3A_367 : i32
    %add3A_369 = arith.constant 98304 : i32
    %add3A_370 = arith.addi %add3A_369, %mul3A_368 : i32
    %mul3A_371 = arith.constant 160 : i32
    %mul3A_372 = arith.muli %arg1, %mul3A_371 : i32
    %add3A_373 = arith.constant 106496 : i32
    %add3A_374 = arith.addi %add3A_373, %mul3A_372 : i32
    %mul3A_375 = arith.constant 160 : i32
    %mul3A_376 = arith.muli %arg1, %mul3A_375 : i32
    %add3A_377 = arith.constant 114688 : i32
    %add3A_378 = arith.addi %add3A_377, %mul3A_376 : i32
    %mul3A_379 = arith.constant 160 : i32
    %mul3A_380 = arith.muli %arg1, %mul3A_379 : i32
    %add3A_381 = arith.constant 122880 : i32
    %add3A_382 = arith.addi %add3A_381, %mul3A_380 : i32
    %dma_start3A_383 = arith.constant 0 : i32
    %dma_start3A_384 = tpu.memref_slice %arg13[%dma_start3A_383] : memref<8192xf32, #tpu.memory_space<vmem>> -> memref<160xf32, #tpu.memory_space<vmem>>
    %dma_start3A_385 = tpu.memref_slice %arg21[%add3A_322] : memref<131072xf32, #tpu.memory_space<vmem_shared>> -> memref<160xf32, #tpu.memory_space<vmem_shared>>
    %dma_start3A_386 = arith.constant 0 : i32
    %dma_start3A_387 = tpu.memref_slice %arg13[%dma_start3A_386] : memref<8192xf32, #tpu.memory_space<vmem>> -> memref<160xf32, #tpu.memory_space<vmem>>
    %dma_start3A_388 = tpu.memref_slice %arg21[%add3A_322] : memref<131072xf32, #tpu.memory_space<vmem_shared>> -> memref<160xf32, #tpu.memory_space<vmem_shared>>
    tpu.enqueue_dma source(%dma_start3A_388 : memref<160xf32, #tpu.memory_space<vmem_shared>>) target(%dma_start3A_387 : memref<160xf32, #tpu.memory_space<vmem>>) target_semaphore(%arg22 : memref<!tpu.dma_semaphore, #tpu.memory_space<semaphore_mem>>)
    %dma_start3A_389 = arith.constant 512 : i32
    %dma_start3A_390 = tpu.memref_slice %arg13[%dma_start3A_389] : memref<8192xf32, #tpu.memory_space<vmem>> -> memref<160xf32, #tpu.memory_space<vmem>>
    %dma_start3A_391 = tpu.memref_slice %arg21[%add3A_326] : memref<131072xf32, #tpu.memory_space<vmem_shared>> -> memref<160xf32, #tpu.memory_space<vmem_shared>>
    %dma_start3A_392 = arith.constant 512 : i32
    %dma_start3A_393 = tpu.memref_slice %arg13[%dma_start3A_392] : memref<8192xf32, #tpu.memory_space<vmem>> -> memref<160xf32, #tpu.memory_space<vmem>>
    %dma_start3A_394 = tpu.memref_slice %arg21[%add3A_326] : memref<131072xf32, #tpu.memory_space<vmem_shared>> -> memref<160xf32, #tpu.memory_space<vmem_shared>>
    tpu.enqueue_dma source(%dma_start3A_394 : memref<160xf32, #tpu.memory_space<vmem_shared>>) target(%dma_start3A_393 : memref<160xf32, #tpu.memory_space<vmem>>) target_semaphore(%arg22 : memref<!tpu.dma_semaphore, #tpu.memory_space<semaphore_mem>>)
    %dma_start3A_395 = arith.constant 1024 : i32
    %dma_start3A_396 = tpu.memref_slice %arg13[%dma_start3A_395] : memref<8192xf32, #tpu.memory_space<vmem>> -> memref<160xf32, #tpu.memory_space<vmem>>
    %dma_start3A_397 = tpu.memref_slice %arg21[%add3A_330] : memref<131072xf32, #tpu.memory_space<vmem_shared>> -> memref<160xf32, #tpu.memory_space<vmem_shared>>
    %dma_start3A_398 = arith.constant 1024 : i32
    %dma_start3A_399 = tpu.memref_slice %arg13[%dma_start3A_398] : memref<8192xf32, #tpu.memory_space<vmem>> -> memref<160xf32, #tpu.memory_space<vmem>>
    %dma_start3A_400 = tpu.memref_slice %arg21[%add3A_330] : memref<131072xf32, #tpu.memory_space<vmem_shared>> -> memref<160xf32, #tpu.memory_space<vmem_shared>>
    tpu.enqueue_dma source(%dma_start3A_400 : memref<160xf32, #tpu.memory_space<vmem_shared>>) target(%dma_start3A_399 : memref<160xf32, #tpu.memory_space<vmem>>) target_semaphore(%arg22 : memref<!tpu.dma_semaphore, #tpu.memory_space<semaphore_mem>>)
    %dma_start3A_401 = arith.constant 1536 : i32
    %dma_start3A_402 = tpu.memref_slice %arg13[%dma_start3A_401] : memref<8192xf32, #tpu.memory_space<vmem>> -> memref<160xf32, #tpu.memory_space<vmem>>
    %dma_start3A_403 = tpu.memref_slice %arg21[%add3A_334] : memref<131072xf32, #tpu.memory_space<vmem_shared>> -> memref<160xf32, #tpu.memory_space<vmem_shared>>
    %dma_start3A_404 = arith.constant 1536 : i32
    %dma_start3A_405 = tpu.memref_slice %arg13[%dma_start3A_404] : memref<8192xf32, #tpu.memory_space<vmem>> -> memref<160xf32, #tpu.memory_space<vmem>>
    %dma_start3A_406 = tpu.memref_slice %arg21[%add3A_334] : memref<131072xf32, #tpu.memory_space<vmem_shared>> -> memref<160xf32, #tpu.memory_space<vmem_shared>>
    tpu.enqueue_dma source(%dma_start3A_406 : memref<160xf32, #tpu.memory_space<vmem_shared>>) target(%dma_start3A_405 : memref<160xf32, #tpu.memory_space<vmem>>) target_semaphore(%arg22 : memref<!tpu.dma_semaphore, #tpu.memory_space<semaphore_mem>>)
    %dma_start3A_407 = arith.constant 2048 : i32
    %dma_start3A_408 = tpu.memref_slice %arg13[%dma_start3A_407] : memref<8192xf32, #tpu.memory_space<vmem>> -> memref<160xf32, #tpu.memory_space<vmem>>
    %dma_start3A_409 = tpu.memref_slice %arg21[%add3A_338] : memref<131072xf32, #tpu.memory_space<vmem_shared>> -> memref<160xf32, #tpu.memory_space<vmem_shared>>
    %dma_start3A_410 = arith.constant 2048 : i32
    %dma_start3A_411 = tpu.memref_slice %arg13[%dma_start3A_410] : memref<8192xf32, #tpu.memory_space<vmem>> -> memref<160xf32, #tpu.memory_space<vmem>>
    %dma_start3A_412 = tpu.memref_slice %arg21[%add3A_338] : memref<131072xf32, #tpu.memory_space<vmem_shared>> -> memref<160xf32, #tpu.memory_space<vmem_shared>>
    tpu.enqueue_dma source(%dma_start3A_412 : memref<160xf32, #tpu.memory_space<vmem_shared>>) target(%dma_start3A_411 : memref<160xf32, #tpu.memory_space<vmem>>) target_semaphore(%arg22 : memref<!tpu.dma_semaphore, #tpu.memory_space<semaphore_mem>>)
    %dma_start3A_413 = arith.constant 2560 : i32
    %dma_start3A_414 = tpu.memref_slice %arg13[%dma_start3A_413] : memref<8192xf32, #tpu.memory_space<vmem>> -> memref<160xf32, #tpu.memory_space<vmem>>
    %dma_start3A_415 = tpu.memref_slice %arg21[%add3A_342] : memref<131072xf32, #tpu.memory_space<vmem_shared>> -> memref<160xf32, #tpu.memory_space<vmem_shared>>
    %dma_start3A_416 = arith.constant 2560 : i32
    %dma_start3A_417 = tpu.memref_slice %arg13[%dma_start3A_416] : memref<8192xf32, #tpu.memory_space<vmem>> -> memref<160xf32, #tpu.memory_space<vmem>>
    %dma_start3A_418 = tpu.memref_slice %arg21[%add3A_342] : memref<131072xf32, #tpu.memory_space<vmem_shared>> -> memref<160xf32, #tpu.memory_space<vmem_shared>>
    tpu.enqueue_dma source(%dma_start3A_418 : memref<160xf32, #tpu.memory_space<vmem_shared>>) target(%dma_start3A_417 : memref<160xf32, #tpu.memory_space<vmem>>) target_semaphore(%arg22 : memref<!tpu.dma_semaphore, #tpu.memory_space<semaphore_mem>>)
    %dma_start3A_419 = arith.constant 3072 : i32
    %dma_start3A_420 = tpu.memref_slice %arg13[%dma_start3A_419] : memref<8192xf32, #tpu.memory_space<vmem>> -> memref<160xf32, #tpu.memory_space<vmem>>
    %dma_start3A_421 = tpu.memref_slice %arg21[%add3A_346] : memref<131072xf32, #tpu.memory_space<vmem_shared>> -> memref<160xf32, #tpu.memory_space<vmem_shared>>
    %dma_start3A_422 = arith.constant 3072 : i32
    %dma_start3A_423 = tpu.memref_slice %arg13[%dma_start3A_422] : memref<8192xf32, #tpu.memory_space<vmem>> -> memref<160xf32, #tpu.memory_space<vmem>>
    %dma_start3A_424 = tpu.memref_slice %arg21[%add3A_346] : memref<131072xf32, #tpu.memory_space<vmem_shared>> -> memref<160xf32, #tpu.memory_space<vmem_shared>>
    tpu.enqueue_dma source(%dma_start3A_424 : memref<160xf32, #tpu.memory_space<vmem_shared>>) target(%dma_start3A_423 : memref<160xf32, #tpu.memory_space<vmem>>) target_semaphore(%arg22 : memref<!tpu.dma_semaphore, #tpu.memory_space<semaphore_mem>>)
    %dma_start3A_425 = arith.constant 3584 : i32
    %dma_start3A_426 = tpu.memref_slice %arg13[%dma_start3A_425] : memref<8192xf32, #tpu.memory_space<vmem>> -> memref<160xf32, #tpu.memory_space<vmem>>
    %dma_start3A_427 = tpu.memref_slice %arg21[%add3A_350] : memref<131072xf32, #tpu.memory_space<vmem_shared>> -> memref<160xf32, #tpu.memory_space<vmem_shared>>
    %dma_start3A_428 = arith.constant 3584 : i32
    %dma_start3A_429 = tpu.memref_slice %arg13[%dma_start3A_428] : memref<8192xf32, #tpu.memory_space<vmem>> -> memref<160xf32, #tpu.memory_space<vmem>>
    %dma_start3A_430 = tpu.memref_slice %arg21[%add3A_350] : memref<131072xf32, #tpu.memory_space<vmem_shared>> -> memref<160xf32, #tpu.memory_space<vmem_shared>>
    tpu.enqueue_dma source(%dma_start3A_430 : memref<160xf32, #tpu.memory_space<vmem_shared>>) target(%dma_start3A_429 : memref<160xf32, #tpu.memory_space<vmem>>) target_semaphore(%arg22 : memref<!tpu.dma_semaphore, #tpu.memory_space<semaphore_mem>>)
    %dma_start3A_431 = arith.constant 4096 : i32
    %dma_start3A_432 = tpu.memref_slice %arg13[%dma_start3A_431] : memref<8192xf32, #tpu.memory_space<vmem>> -> memref<160xf32, #tpu.memory_space<vmem>>
    %dma_start3A_433 = tpu.memref_slice %arg21[%add3A_354] : memref<131072xf32, #tpu.memory_space<vmem_shared>> -> memref<160xf32, #tpu.memory_space<vmem_shared>>
    %dma_start3A_434 = arith.constant 4096 : i32
    %dma_start3A_435 = tpu.memref_slice %arg13[%dma_start3A_434] : memref<8192xf32, #tpu.memory_space<vmem>> -> memref<160xf32, #tpu.memory_space<vmem>>
    %dma_start3A_436 = tpu.memref_slice %arg21[%add3A_354] : memref<131072xf32, #tpu.memory_space<vmem_shared>> -> memref<160xf32, #tpu.memory_space<vmem_shared>>
    tpu.enqueue_dma source(%dma_start3A_436 : memref<160xf32, #tpu.memory_space<vmem_shared>>) target(%dma_start3A_435 : memref<160xf32, #tpu.memory_space<vmem>>) target_semaphore(%arg22 : memref<!tpu.dma_semaphore, #tpu.memory_space<semaphore_mem>>)
    %dma_start3A_437 = arith.constant 4608 : i32
    %dma_start3A_438 = tpu.memref_slice %arg13[%dma_start3A_437] : memref<8192xf32, #tpu.memory_space<vmem>> -> memref<160xf32, #tpu.memory_space<vmem>>
    %dma_start3A_439 = tpu.memref_slice %arg21[%add3A_358] : memref<131072xf32, #tpu.memory_space<vmem_shared>> -> memref<160xf32, #tpu.memory_space<vmem_shared>>
    %dma_start3A_440 = arith.constant 4608 : i32
    %dma_start3A_441 = tpu.memref_slice %arg13[%dma_start3A_440] : memref<8192xf32, #tpu.memory_space<vmem>> -> memref<160xf32, #tpu.memory_space<vmem>>
    %dma_start3A_442 = tpu.memref_slice %arg21[%add3A_358] : memref<131072xf32, #tpu.memory_space<vmem_shared>> -> memref<160xf32, #tpu.memory_space<vmem_shared>>
    tpu.enqueue_dma source(%dma_start3A_442 : memref<160xf32, #tpu.memory_space<vmem_shared>>) target(%dma_start3A_441 : memref<160xf32, #tpu.memory_space<vmem>>) target_semaphore(%arg22 : memref<!tpu.dma_semaphore, #tpu.memory_space<semaphore_mem>>)
    %dma_start3A_443 = arith.constant 5120 : i32
    %dma_start3A_444 = tpu.memref_slice %arg13[%dma_start3A_443] : memref<8192xf32, #tpu.memory_space<vmem>> -> memref<160xf32, #tpu.memory_space<vmem>>
    %dma_start3A_445 = tpu.memref_slice %arg21[%add3A_362] : memref<131072xf32, #tpu.memory_space<vmem_shared>> -> memref<160xf32, #tpu.memory_space<vmem_shared>>
    %dma_start3A_446 = arith.constant 5120 : i32
    %dma_start3A_447 = tpu.memref_slice %arg13[%dma_start3A_446] : memref<8192xf32, #tpu.memory_space<vmem>> -> memref<160xf32, #tpu.memory_space<vmem>>
    %dma_start3A_448 = tpu.memref_slice %arg21[%add3A_362] : memref<131072xf32, #tpu.memory_space<vmem_shared>> -> memref<160xf32, #tpu.memory_space<vmem_shared>>
    tpu.enqueue_dma source(%dma_start3A_448 : memref<160xf32, #tpu.memory_space<vmem_shared>>) target(%dma_start3A_447 : memref<160xf32, #tpu.memory_space<vmem>>) target_semaphore(%arg22 : memref<!tpu.dma_semaphore, #tpu.memory_space<semaphore_mem>>)
    %dma_start3A_449 = arith.constant 5632 : i32
    %dma_start3A_450 = tpu.memref_slice %arg13[%dma_start3A_449] : memref<8192xf32, #tpu.memory_space<vmem>> -> memref<160xf32, #tpu.memory_space<vmem>>
    %dma_start3A_451 = tpu.memref_slice %arg21[%add3A_366] : memref<131072xf32, #tpu.memory_space<vmem_shared>> -> memref<160xf32, #tpu.memory_space<vmem_shared>>
    %dma_start3A_452 = arith.constant 5632 : i32
    %dma_start3A_453 = tpu.memref_slice %arg13[%dma_start3A_452] : memref<8192xf32, #tpu.memory_space<vmem>> -> memref<160xf32, #tpu.memory_space<vmem>>
    %dma_start3A_454 = tpu.memref_slice %arg21[%add3A_366] : memref<131072xf32, #tpu.memory_space<vmem_shared>> -> memref<160xf32, #tpu.memory_space<vmem_shared>>
    tpu.enqueue_dma source(%dma_start3A_454 : memref<160xf32, #tpu.memory_space<vmem_shared>>) target(%dma_start3A_453 : memref<160xf32, #tpu.memory_space<vmem>>) target_semaphore(%arg22 : memref<!tpu.dma_semaphore, #tpu.memory_space<semaphore_mem>>)
    %dma_start3A_455 = arith.constant 6144 : i32
    %dma_start3A_456 = tpu.memref_slice %arg13[%dma_start3A_455] : memref<8192xf32, #tpu.memory_space<vmem>> -> memref<160xf32, #tpu.memory_space<vmem>>
    %dma_start3A_457 = tpu.memref_slice %arg21[%add3A_370] : memref<131072xf32, #tpu.memory_space<vmem_shared>> -> memref<160xf32, #tpu.memory_space<vmem_shared>>
    %dma_start3A_458 = arith.constant 6144 : i32
    %dma_start3A_459 = tpu.memref_slice %arg13[%dma_start3A_458] : memref<8192xf32, #tpu.memory_space<vmem>> -> memref<160xf32, #tpu.memory_space<vmem>>
    %dma_start3A_460 = tpu.memref_slice %arg21[%add3A_370] : memref<131072xf32, #tpu.memory_space<vmem_shared>> -> memref<160xf32, #tpu.memory_space<vmem_shared>>
    tpu.enqueue_dma source(%dma_start3A_460 : memref<160xf32, #tpu.memory_space<vmem_shared>>) target(%dma_start3A_459 : memref<160xf32, #tpu.memory_space<vmem>>) target_semaphore(%arg22 : memref<!tpu.dma_semaphore, #tpu.memory_space<semaphore_mem>>)
    %dma_start3A_461 = arith.constant 6656 : i32
    %dma_start3A_462 = tpu.memref_slice %arg13[%dma_start3A_461] : memref<8192xf32, #tpu.memory_space<vmem>> -> memref<160xf32, #tpu.memory_space<vmem>>
    %dma_start3A_463 = tpu.memref_slice %arg21[%add3A_374] : memref<131072xf32, #tpu.memory_space<vmem_shared>> -> memref<160xf32, #tpu.memory_space<vmem_shared>>
    %dma_start3A_464 = arith.constant 6656 : i32
    %dma_start3A_465 = tpu.memref_slice %arg13[%dma_start3A_464] : memref<8192xf32, #tpu.memory_space<vmem>> -> memref<160xf32, #tpu.memory_space<vmem>>
    %dma_start3A_466 = tpu.memref_slice %arg21[%add3A_374] : memref<131072xf32, #tpu.memory_space<vmem_shared>> -> memref<160xf32, #tpu.memory_space<vmem_shared>>
    tpu.enqueue_dma source(%dma_start3A_466 : memref<160xf32, #tpu.memory_space<vmem_shared>>) target(%dma_start3A_465 : memref<160xf32, #tpu.memory_space<vmem>>) target_semaphore(%arg22 : memref<!tpu.dma_semaphore, #tpu.memory_space<semaphore_mem>>)
    %dma_start3A_467 = arith.constant 7168 : i32
    %dma_start3A_468 = tpu.memref_slice %arg13[%dma_start3A_467] : memref<8192xf32, #tpu.memory_space<vmem>> -> memref<160xf32, #tpu.memory_space<vmem>>
    %dma_start3A_469 = tpu.memref_slice %arg21[%add3A_378] : memref<131072xf32, #tpu.memory_space<vmem_shared>> -> memref<160xf32, #tpu.memory_space<vmem_shared>>
    %dma_start3A_470 = arith.constant 7168 : i32
    %dma_start3A_471 = tpu.memref_slice %arg13[%dma_start3A_470] : memref<8192xf32, #tpu.memory_space<vmem>> -> memref<160xf32, #tpu.memory_space<vmem>>
    %dma_start3A_472 = tpu.memref_slice %arg21[%add3A_378] : memref<131072xf32, #tpu.memory_space<vmem_shared>> -> memref<160xf32, #tpu.memory_space<vmem_shared>>
    tpu.enqueue_dma source(%dma_start3A_472 : memref<160xf32, #tpu.memory_space<vmem_shared>>) target(%dma_start3A_471 : memref<160xf32, #tpu.memory_space<vmem>>) target_semaphore(%arg22 : memref<!tpu.dma_semaphore, #tpu.memory_space<semaphore_mem>>)
    %dma_start3A_473 = arith.constant 7680 : i32
    %dma_start3A_474 = tpu.memref_slice %arg13[%dma_start3A_473] : memref<8192xf32, #tpu.memory_space<vmem>> -> memref<160xf32, #tpu.memory_space<vmem>>
    %dma_start3A_475 = tpu.memref_slice %arg21[%add3A_382] : memref<131072xf32, #tpu.memory_space<vmem_shared>> -> memref<160xf32, #tpu.memory_space<vmem_shared>>
    %dma_start3A_476 = arith.constant 7680 : i32
    %dma_start3A_477 = tpu.memref_slice %arg13[%dma_start3A_476] : memref<8192xf32, #tpu.memory_space<vmem>> -> memref<160xf32, #tpu.memory_space<vmem>>
    %dma_start3A_478 = tpu.memref_slice %arg21[%add3A_382] : memref<131072xf32, #tpu.memory_space<vmem_shared>> -> memref<160xf32, #tpu.memory_space<vmem_shared>>
    tpu.enqueue_dma source(%dma_start3A_478 : memref<160xf32, #tpu.memory_space<vmem_shared>>) target(%dma_start3A_477 : memref<160xf32, #tpu.memory_space<vmem>>) target_semaphore(%arg22 : memref<!tpu.dma_semaphore, #tpu.memory_space<semaphore_mem>>)
    %dma_wait3A_479 = arith.constant 0 : i32
    %dma_wait3A_480 = tpu.memref_slice %arg13[%dma_wait3A_479] : memref<8192xf32, #tpu.memory_space<vmem>> -> memref<160xf32, #tpu.memory_space<vmem>>
    %dma_wait3A_481 = tpu.memref_slice %arg21[%add3A_322] : memref<131072xf32, #tpu.memory_space<vmem_shared>> -> memref<160xf32, #tpu.memory_space<vmem_shared>>
    %dma_wait3A_482 = arith.constant 0 : i32
    %dma_wait3A_483 = tpu.memref_slice %arg13[%dma_wait3A_482] : memref<8192xf32, #tpu.memory_space<vmem>> -> memref<160xf32, #tpu.memory_space<vmem>>
    %dma_wait3A_484 = tpu.memref_slice %arg21[%add3A_322] : memref<131072xf32, #tpu.memory_space<vmem_shared>> -> memref<160xf32, #tpu.memory_space<vmem_shared>>
    tpu.wait_dma2 semaphore(%arg22 : memref<!tpu.dma_semaphore, #tpu.memory_space<semaphore_mem>>) src(%dma_wait3A_484 : memref<160xf32, #tpu.memory_space<vmem_shared>>) dst(%dma_wait3A_483 : memref<160xf32, #tpu.memory_space<vmem>>)
    %dma_wait3A_485 = arith.constant 512 : i32
    %dma_wait3A_486 = tpu.memref_slice %arg13[%dma_wait3A_485] : memref<8192xf32, #tpu.memory_space<vmem>> -> memref<160xf32, #tpu.memory_space<vmem>>
    %dma_wait3A_487 = tpu.memref_slice %arg21[%add3A_326] : memref<131072xf32, #tpu.memory_space<vmem_shared>> -> memref<160xf32, #tpu.memory_space<vmem_shared>>
    %dma_wait3A_488 = arith.constant 512 : i32
    %dma_wait3A_489 = tpu.memref_slice %arg13[%dma_wait3A_488] : memref<8192xf32, #tpu.memory_space<vmem>> -> memref<160xf32, #tpu.memory_space<vmem>>
    %dma_wait3A_490 = tpu.memref_slice %arg21[%add3A_326] : memref<131072xf32, #tpu.memory_space<vmem_shared>> -> memref<160xf32, #tpu.memory_space<vmem_shared>>
    tpu.wait_dma2 semaphore(%arg22 : memref<!tpu.dma_semaphore, #tpu.memory_space<semaphore_mem>>) src(%dma_wait3A_490 : memref<160xf32, #tpu.memory_space<vmem_shared>>) dst(%dma_wait3A_489 : memref<160xf32, #tpu.memory_space<vmem>>)
    %dma_wait3A_491 = arith.constant 1024 : i32
    %dma_wait3A_492 = tpu.memref_slice %arg13[%dma_wait3A_491] : memref<8192xf32, #tpu.memory_space<vmem>> -> memref<160xf32, #tpu.memory_space<vmem>>
    %dma_wait3A_493 = tpu.memref_slice %arg21[%add3A_330] : memref<131072xf32, #tpu.memory_space<vmem_shared>> -> memref<160xf32, #tpu.memory_space<vmem_shared>>
    %dma_wait3A_494 = arith.constant 1024 : i32
    %dma_wait3A_495 = tpu.memref_slice %arg13[%dma_wait3A_494] : memref<8192xf32, #tpu.memory_space<vmem>> -> memref<160xf32, #tpu.memory_space<vmem>>
    %dma_wait3A_496 = tpu.memref_slice %arg21[%add3A_330] : memref<131072xf32, #tpu.memory_space<vmem_shared>> -> memref<160xf32, #tpu.memory_space<vmem_shared>>
    tpu.wait_dma2 semaphore(%arg22 : memref<!tpu.dma_semaphore, #tpu.memory_space<semaphore_mem>>) src(%dma_wait3A_496 : memref<160xf32, #tpu.memory_space<vmem_shared>>) dst(%dma_wait3A_495 : memref<160xf32, #tpu.memory_space<vmem>>)
    %dma_wait3A_497 = arith.constant 1536 : i32
    %dma_wait3A_498 = tpu.memref_slice %arg13[%dma_wait3A_497] : memref<8192xf32, #tpu.memory_space<vmem>> -> memref<160xf32, #tpu.memory_space<vmem>>
    %dma_wait3A_499 = tpu.memref_slice %arg21[%add3A_334] : memref<131072xf32, #tpu.memory_space<vmem_shared>> -> memref<160xf32, #tpu.memory_space<vmem_shared>>
    %dma_wait3A_500 = arith.constant 1536 : i32
    %dma_wait3A_501 = tpu.memref_slice %arg13[%dma_wait3A_500] : memref<8192xf32, #tpu.memory_space<vmem>> -> memref<160xf32, #tpu.memory_space<vmem>>
    %dma_wait3A_502 = tpu.memref_slice %arg21[%add3A_334] : memref<131072xf32, #tpu.memory_space<vmem_shared>> -> memref<160xf32, #tpu.memory_space<vmem_shared>>
    tpu.wait_dma2 semaphore(%arg22 : memref<!tpu.dma_semaphore, #tpu.memory_space<semaphore_mem>>) src(%dma_wait3A_502 : memref<160xf32, #tpu.memory_space<vmem_shared>>) dst(%dma_wait3A_501 : memref<160xf32, #tpu.memory_space<vmem>>)
    %dma_wait3A_503 = arith.constant 2048 : i32
    %dma_wait3A_504 = tpu.memref_slice %arg13[%dma_wait3A_503] : memref<8192xf32, #tpu.memory_space<vmem>> -> memref<160xf32, #tpu.memory_space<vmem>>
    %dma_wait3A_505 = tpu.memref_slice %arg21[%add3A_338] : memref<131072xf32, #tpu.memory_space<vmem_shared>> -> memref<160xf32, #tpu.memory_space<vmem_shared>>
    %dma_wait3A_506 = arith.constant 2048 : i32
    %dma_wait3A_507 = tpu.memref_slice %arg13[%dma_wait3A_506] : memref<8192xf32, #tpu.memory_space<vmem>> -> memref<160xf32, #tpu.memory_space<vmem>>
    %dma_wait3A_508 = tpu.memref_slice %arg21[%add3A_338] : memref<131072xf32, #tpu.memory_space<vmem_shared>> -> memref<160xf32, #tpu.memory_space<vmem_shared>>
    tpu.wait_dma2 semaphore(%arg22 : memref<!tpu.dma_semaphore, #tpu.memory_space<semaphore_mem>>) src(%dma_wait3A_508 : memref<160xf32, #tpu.memory_space<vmem_shared>>) dst(%dma_wait3A_507 : memref<160xf32, #tpu.memory_space<vmem>>)
    %dma_wait3A_509 = arith.constant 2560 : i32
    %dma_wait3A_510 = tpu.memref_slice %arg13[%dma_wait3A_509] : memref<8192xf32, #tpu.memory_space<vmem>> -> memref<160xf32, #tpu.memory_space<vmem>>
    %dma_wait3A_511 = tpu.memref_slice %arg21[%add3A_342] : memref<131072xf32, #tpu.memory_space<vmem_shared>> -> memref<160xf32, #tpu.memory_space<vmem_shared>>
    %dma_wait3A_512 = arith.constant 2560 : i32
    %dma_wait3A_513 = tpu.memref_slice %arg13[%dma_wait3A_512] : memref<8192xf32, #tpu.memory_space<vmem>> -> memref<160xf32, #tpu.memory_space<vmem>>
    %dma_wait3A_514 = tpu.memref_slice %arg21[%add3A_342] : memref<131072xf32, #tpu.memory_space<vmem_shared>> -> memref<160xf32, #tpu.memory_space<vmem_shared>>
    tpu.wait_dma2 semaphore(%arg22 : memref<!tpu.dma_semaphore, #tpu.memory_space<semaphore_mem>>) src(%dma_wait3A_514 : memref<160xf32, #tpu.memory_space<vmem_shared>>) dst(%dma_wait3A_513 : memref<160xf32, #tpu.memory_space<vmem>>)
    %dma_wait3A_515 = arith.constant 3072 : i32
    %dma_wait3A_516 = tpu.memref_slice %arg13[%dma_wait3A_515] : memref<8192xf32, #tpu.memory_space<vmem>> -> memref<160xf32, #tpu.memory_space<vmem>>
    %dma_wait3A_517 = tpu.memref_slice %arg21[%add3A_346] : memref<131072xf32, #tpu.memory_space<vmem_shared>> -> memref<160xf32, #tpu.memory_space<vmem_shared>>
    %dma_wait3A_518 = arith.constant 3072 : i32
    %dma_wait3A_519 = tpu.memref_slice %arg13[%dma_wait3A_518] : memref<8192xf32, #tpu.memory_space<vmem>> -> memref<160xf32, #tpu.memory_space<vmem>>
    %dma_wait3A_520 = tpu.memref_slice %arg21[%add3A_346] : memref<131072xf32, #tpu.memory_space<vmem_shared>> -> memref<160xf32, #tpu.memory_space<vmem_shared>>
    tpu.wait_dma2 semaphore(%arg22 : memref<!tpu.dma_semaphore, #tpu.memory_space<semaphore_mem>>) src(%dma_wait3A_520 : memref<160xf32, #tpu.memory_space<vmem_shared>>) dst(%dma_wait3A_519 : memref<160xf32, #tpu.memory_space<vmem>>)
    %dma_wait3A_521 = arith.constant 3584 : i32
    %dma_wait3A_522 = tpu.memref_slice %arg13[%dma_wait3A_521] : memref<8192xf32, #tpu.memory_space<vmem>> -> memref<160xf32, #tpu.memory_space<vmem>>
    %dma_wait3A_523 = tpu.memref_slice %arg21[%add3A_350] : memref<131072xf32, #tpu.memory_space<vmem_shared>> -> memref<160xf32, #tpu.memory_space<vmem_shared>>
    %dma_wait3A_524 = arith.constant 3584 : i32
    %dma_wait3A_525 = tpu.memref_slice %arg13[%dma_wait3A_524] : memref<8192xf32, #tpu.memory_space<vmem>> -> memref<160xf32, #tpu.memory_space<vmem>>
    %dma_wait3A_526 = tpu.memref_slice %arg21[%add3A_350] : memref<131072xf32, #tpu.memory_space<vmem_shared>> -> memref<160xf32, #tpu.memory_space<vmem_shared>>
    tpu.wait_dma2 semaphore(%arg22 : memref<!tpu.dma_semaphore, #tpu.memory_space<semaphore_mem>>) src(%dma_wait3A_526 : memref<160xf32, #tpu.memory_space<vmem_shared>>) dst(%dma_wait3A_525 : memref<160xf32, #tpu.memory_space<vmem>>)
    %dma_wait3A_527 = arith.constant 4096 : i32
    %dma_wait3A_528 = tpu.memref_slice %arg13[%dma_wait3A_527] : memref<8192xf32, #tpu.memory_space<vmem>> -> memref<160xf32, #tpu.memory_space<vmem>>
    %dma_wait3A_529 = tpu.memref_slice %arg21[%add3A_354] : memref<131072xf32, #tpu.memory_space<vmem_shared>> -> memref<160xf32, #tpu.memory_space<vmem_shared>>
    %dma_wait3A_530 = arith.constant 4096 : i32
    %dma_wait3A_531 = tpu.memref_slice %arg13[%dma_wait3A_530] : memref<8192xf32, #tpu.memory_space<vmem>> -> memref<160xf32, #tpu.memory_space<vmem>>
    %dma_wait3A_532 = tpu.memref_slice %arg21[%add3A_354] : memref<131072xf32, #tpu.memory_space<vmem_shared>> -> memref<160xf32, #tpu.memory_space<vmem_shared>>
    tpu.wait_dma2 semaphore(%arg22 : memref<!tpu.dma_semaphore, #tpu.memory_space<semaphore_mem>>) src(%dma_wait3A_532 : memref<160xf32, #tpu.memory_space<vmem_shared>>) dst(%dma_wait3A_531 : memref<160xf32, #tpu.memory_space<vmem>>)
    %dma_wait3A_533 = arith.constant 4608 : i32
    %dma_wait3A_534 = tpu.memref_slice %arg13[%dma_wait3A_533] : memref<8192xf32, #tpu.memory_space<vmem>> -> memref<160xf32, #tpu.memory_space<vmem>>
    %dma_wait3A_535 = tpu.memref_slice %arg21[%add3A_358] : memref<131072xf32, #tpu.memory_space<vmem_shared>> -> memref<160xf32, #tpu.memory_space<vmem_shared>>
    %dma_wait3A_536 = arith.constant 4608 : i32
    %dma_wait3A_537 = tpu.memref_slice %arg13[%dma_wait3A_536] : memref<8192xf32, #tpu.memory_space<vmem>> -> memref<160xf32, #tpu.memory_space<vmem>>
    %dma_wait3A_538 = tpu.memref_slice %arg21[%add3A_358] : memref<131072xf32, #tpu.memory_space<vmem_shared>> -> memref<160xf32, #tpu.memory_space<vmem_shared>>
    tpu.wait_dma2 semaphore(%arg22 : memref<!tpu.dma_semaphore, #tpu.memory_space<semaphore_mem>>) src(%dma_wait3A_538 : memref<160xf32, #tpu.memory_space<vmem_shared>>) dst(%dma_wait3A_537 : memref<160xf32, #tpu.memory_space<vmem>>)
    %dma_wait3A_539 = arith.constant 5120 : i32
    %dma_wait3A_540 = tpu.memref_slice %arg13[%dma_wait3A_539] : memref<8192xf32, #tpu.memory_space<vmem>> -> memref<160xf32, #tpu.memory_space<vmem>>
    %dma_wait3A_541 = tpu.memref_slice %arg21[%add3A_362] : memref<131072xf32, #tpu.memory_space<vmem_shared>> -> memref<160xf32, #tpu.memory_space<vmem_shared>>
    %dma_wait3A_542 = arith.constant 5120 : i32
    %dma_wait3A_543 = tpu.memref_slice %arg13[%dma_wait3A_542] : memref<8192xf32, #tpu.memory_space<vmem>> -> memref<160xf32, #tpu.memory_space<vmem>>
    %dma_wait3A_544 = tpu.memref_slice %arg21[%add3A_362] : memref<131072xf32, #tpu.memory_space<vmem_shared>> -> memref<160xf32, #tpu.memory_space<vmem_shared>>
    tpu.wait_dma2 semaphore(%arg22 : memref<!tpu.dma_semaphore, #tpu.memory_space<semaphore_mem>>) src(%dma_wait3A_544 : memref<160xf32, #tpu.memory_space<vmem_shared>>) dst(%dma_wait3A_543 : memref<160xf32, #tpu.memory_space<vmem>>)
    %dma_wait3A_545 = arith.constant 5632 : i32
    %dma_wait3A_546 = tpu.memref_slice %arg13[%dma_wait3A_545] : memref<8192xf32, #tpu.memory_space<vmem>> -> memref<160xf32, #tpu.memory_space<vmem>>
    %dma_wait3A_547 = tpu.memref_slice %arg21[%add3A_366] : memref<131072xf32, #tpu.memory_space<vmem_shared>> -> memref<160xf32, #tpu.memory_space<vmem_shared>>
    %dma_wait3A_548 = arith.constant 5632 : i32
    %dma_wait3A_549 = tpu.memref_slice %arg13[%dma_wait3A_548] : memref<8192xf32, #tpu.memory_space<vmem>> -> memref<160xf32, #tpu.memory_space<vmem>>
    %dma_wait3A_550 = tpu.memref_slice %arg21[%add3A_366] : memref<131072xf32, #tpu.memory_space<vmem_shared>> -> memref<160xf32, #tpu.memory_space<vmem_shared>>
    tpu.wait_dma2 semaphore(%arg22 : memref<!tpu.dma_semaphore, #tpu.memory_space<semaphore_mem>>) src(%dma_wait3A_550 : memref<160xf32, #tpu.memory_space<vmem_shared>>) dst(%dma_wait3A_549 : memref<160xf32, #tpu.memory_space<vmem>>)
    %dma_wait3A_551 = arith.constant 6144 : i32
    %dma_wait3A_552 = tpu.memref_slice %arg13[%dma_wait3A_551] : memref<8192xf32, #tpu.memory_space<vmem>> -> memref<160xf32, #tpu.memory_space<vmem>>
    %dma_wait3A_553 = tpu.memref_slice %arg21[%add3A_370] : memref<131072xf32, #tpu.memory_space<vmem_shared>> -> memref<160xf32, #tpu.memory_space<vmem_shared>>
    %dma_wait3A_554 = arith.constant 6144 : i32
    %dma_wait3A_555 = tpu.memref_slice %arg13[%dma_wait3A_554] : memref<8192xf32, #tpu.memory_space<vmem>> -> memref<160xf32, #tpu.memory_space<vmem>>
    %dma_wait3A_556 = tpu.memref_slice %arg21[%add3A_370] : memref<131072xf32, #tpu.memory_space<vmem_shared>> -> memref<160xf32, #tpu.memory_space<vmem_shared>>
    tpu.wait_dma2 semaphore(%arg22 : memref<!tpu.dma_semaphore, #tpu.memory_space<semaphore_mem>>) src(%dma_wait3A_556 : memref<160xf32, #tpu.memory_space<vmem_shared>>) dst(%dma_wait3A_555 : memref<160xf32, #tpu.memory_space<vmem>>)
    %dma_wait3A_557 = arith.constant 6656 : i32
    %dma_wait3A_558 = tpu.memref_slice %arg13[%dma_wait3A_557] : memref<8192xf32, #tpu.memory_space<vmem>> -> memref<160xf32, #tpu.memory_space<vmem>>
    %dma_wait3A_559 = tpu.memref_slice %arg21[%add3A_374] : memref<131072xf32, #tpu.memory_space<vmem_shared>> -> memref<160xf32, #tpu.memory_space<vmem_shared>>
    %dma_wait3A_560 = arith.constant 6656 : i32
    %dma_wait3A_561 = tpu.memref_slice %arg13[%dma_wait3A_560] : memref<8192xf32, #tpu.memory_space<vmem>> -> memref<160xf32, #tpu.memory_space<vmem>>
    %dma_wait3A_562 = tpu.memref_slice %arg21[%add3A_374] : memref<131072xf32, #tpu.memory_space<vmem_shared>> -> memref<160xf32, #tpu.memory_space<vmem_shared>>
    tpu.wait_dma2 semaphore(%arg22 : memref<!tpu.dma_semaphore, #tpu.memory_space<semaphore_mem>>) src(%dma_wait3A_562 : memref<160xf32, #tpu.memory_space<vmem_shared>>) dst(%dma_wait3A_561 : memref<160xf32, #tpu.memory_space<vmem>>)
    %dma_wait3A_563 = arith.constant 7168 : i32
    %dma_wait3A_564 = tpu.memref_slice %arg13[%dma_wait3A_563] : memref<8192xf32, #tpu.memory_space<vmem>> -> memref<160xf32, #tpu.memory_space<vmem>>
    %dma_wait3A_565 = tpu.memref_slice %arg21[%add3A_378] : memref<131072xf32, #tpu.memory_space<vmem_shared>> -> memref<160xf32, #tpu.memory_space<vmem_shared>>
    %dma_wait3A_566 = arith.constant 7168 : i32
    %dma_wait3A_567 = tpu.memref_slice %arg13[%dma_wait3A_566] : memref<8192xf32, #tpu.memory_space<vmem>> -> memref<160xf32, #tpu.memory_space<vmem>>
    %dma_wait3A_568 = tpu.memref_slice %arg21[%add3A_378] : memref<131072xf32, #tpu.memory_space<vmem_shared>> -> memref<160xf32, #tpu.memory_space<vmem_shared>>
    tpu.wait_dma2 semaphore(%arg22 : memref<!tpu.dma_semaphore, #tpu.memory_space<semaphore_mem>>) src(%dma_wait3A_568 : memref<160xf32, #tpu.memory_space<vmem_shared>>) dst(%dma_wait3A_567 : memref<160xf32, #tpu.memory_space<vmem>>)
    %dma_wait3A_569 = arith.constant 7680 : i32
    %dma_wait3A_570 = tpu.memref_slice %arg13[%dma_wait3A_569] : memref<8192xf32, #tpu.memory_space<vmem>> -> memref<160xf32, #tpu.memory_space<vmem>>
    %dma_wait3A_571 = tpu.memref_slice %arg21[%add3A_382] : memref<131072xf32, #tpu.memory_space<vmem_shared>> -> memref<160xf32, #tpu.memory_space<vmem_shared>>
    %dma_wait3A_572 = arith.constant 7680 : i32
    %dma_wait3A_573 = tpu.memref_slice %arg13[%dma_wait3A_572] : memref<8192xf32, #tpu.memory_space<vmem>> -> memref<160xf32, #tpu.memory_space<vmem>>
    %dma_wait3A_574 = tpu.memref_slice %arg21[%add3A_382] : memref<131072xf32, #tpu.memory_space<vmem_shared>> -> memref<160xf32, #tpu.memory_space<vmem_shared>>
    tpu.wait_dma2 semaphore(%arg22 : memref<!tpu.dma_semaphore, #tpu.memory_space<semaphore_mem>>) src(%dma_wait3A_574 : memref<160xf32, #tpu.memory_space<vmem_shared>>) dst(%dma_wait3A_573 : memref<160xf32, #tpu.memory_space<vmem>>)
    %barrier3A_575 = arith.constant 0 : index
    tpu.barrier barrier_id(%barrier3A_575)
    %scan3A_576 = arith.constant 0 : i32
    %scan3A_577 = arith.constant 0 : i32
    %scan3A_578 = arith.constant 10 : i32
    %scan3A_579 = arith.addi %scan3A_577, %scan3A_578 : i32
    %scan3A_580 = arith.constant 1 : i32
    %scan3A_581 = scf.for %scan3A_1200 = %scan3A_577 to %scan3A_579 step %scan3A_580 iter_args(%scan3A_1201 = %scan3A_576) -> (i32)  : i32 {
      %mul3A_1202 = arith.constant 16 : i32
      %mul3A_1203 = arith.muli %scan3A_1200, %mul3A_1202 : i32
      %get3A = arith.index_cast %mul3A_1203 : i32 to index
      %get3A_1204 = tpu.vector_load %arg13[%get3A] {strides = array<i32>} : memref<8192xf32, #tpu.memory_space<vmem>>, vector<16xf32>,
      %get3A_1205 = vector.shape_cast %get3A_1204 : vector<16xf32> to vector<16xf32>
      %mul3A_1206 = arith.constant 16 : i32
      %mul3A_1207 = arith.muli %scan3A_1200, %mul3A_1206 : i32
      %add3A_1208 = arith.constant 512 : i32
      %add3A_1209 = arith.addi %add3A_1208, %mul3A_1207 : i32
      %get3A_1210 = arith.index_cast %add3A_1209 : i32 to index
      %get3A_1211 = tpu.vector_load %arg13[%get3A_1210] {strides = array<i32>} : memref<8192xf32, #tpu.memory_space<vmem>>, vector<16xf32>,
      %get3A_1212 = vector.shape_cast %get3A_1211 : vector<16xf32> to vector<16xf32>
      %add3A_1213 = arith.addf %get3A_1205, %get3A_1212 : vector<16xf32>
      %mul3A_1214 = arith.constant 16 : i32
      %mul3A_1215 = arith.muli %scan3A_1200, %mul3A_1214 : i32
      %add3A_1216 = arith.constant 1024 : i32
      %add3A_1217 = arith.addi %add3A_1216, %mul3A_1215 : i32
      %get3A_1218 = arith.index_cast %add3A_1217 : i32 to index
      %get3A_1219 = tpu.vector_load %arg13[%get3A_1218] {strides = array<i32>} : memref<8192xf32, #tpu.memory_space<vmem>>, vector<16xf32>,
      %get3A_1220 = vector.shape_cast %get3A_1219 : vector<16xf32> to vector<16xf32>
      %add3A_1221 = arith.addf %add3A_1213, %get3A_1220 : vector<16xf32>
      %mul3A_1222 = arith.constant 16 : i32
      %mul3A_1223 = arith.muli %scan3A_1200, %mul3A_1222 : i32
      %add3A_1224 = arith.constant 1536 : i32
      %add3A_1225 = arith.addi %add3A_1224, %mul3A_1223 : i32
      %get3A_1226 = arith.index_cast %add3A_1225 : i32 to index
      %get3A_1227 = tpu.vector_load %arg13[%get3A_1226] {strides = array<i32>} : memref<8192xf32, #tpu.memory_space<vmem>>, vector<16xf32>,
      %get3A_1228 = vector.shape_cast %get3A_1227 : vector<16xf32> to vector<16xf32>
      %add3A_1229 = arith.addf %add3A_1221, %get3A_1228 : vector<16xf32>
      %mul3A_1230 = arith.constant 16 : i32
      %mul3A_1231 = arith.muli %scan3A_1200, %mul3A_1230 : i32
      %add3A_1232 = arith.constant 2048 : i32
      %add3A_1233 = arith.addi %add3A_1232, %mul3A_1231 : i32
      %get3A_1234 = arith.index_cast %add3A_1233 : i32 to index
      %get3A_1235 = tpu.vector_load %arg13[%get3A_1234] {strides = array<i32>} : memref<8192xf32, #tpu.memory_space<vmem>>, vector<16xf32>,
      %get3A_1236 = vector.shape_cast %get3A_1235 : vector<16xf32> to vector<16xf32>
      %add3A_1237 = arith.addf %add3A_1229, %get3A_1236 : vector<16xf32>
      %mul3A_1238 = arith.constant 16 : i32
      %mul3A_1239 = arith.muli %scan3A_1200, %mul3A_1238 : i32
      %add3A_1240 = arith.constant 2560 : i32
      %add3A_1241 = arith.addi %add3A_1240, %mul3A_1239 : i32
      %get3A_1242 = arith.index_cast %add3A_1241 : i32 to index
      %get3A_1243 = tpu.vector_load %arg13[%get3A_1242] {strides = array<i32>} : memref<8192xf32, #tpu.memory_space<vmem>>, vector<16xf32>,
      %get3A_1244 = vector.shape_cast %get3A_1243 : vector<16xf32> to vector<16xf32>
      %add3A_1245 = arith.addf %add3A_1237, %get3A_1244 : vector<16xf32>
      %mul3A_1246 = arith.constant 16 : i32
      %mul3A_1247 = arith.muli %scan3A_1200, %mul3A_1246 : i32
      %add3A_1248 = arith.constant 3072 : i32
      %add3A_1249 = arith.addi %add3A_1248, %mul3A_1247 : i32
      %get3A_1250 = arith.index_cast %add3A_1249 : i32 to index
      %get3A_1251 = tpu.vector_load %arg13[%get3A_1250] {strides = array<i32>} : memref<8192xf32, #tpu.memory_space<vmem>>, vector<16xf32>,
      %get3A_1252 = vector.shape_cast %get3A_1251 : vector<16xf32> to vector<16xf32>
      %add3A_1253 = arith.addf %add3A_1245, %get3A_1252 : vector<16xf32>
      %mul3A_1254 = arith.constant 16 : i32
      %mul3A_1255 = arith.muli %scan3A_1200, %mul3A_1254 : i32
      %add3A_1256 = arith.constant 3584 : i32
      %add3A_1257 = arith.addi %add3A_1256, %mul3A_1255 : i32
      %get3A_1258 = arith.index_cast %add3A_1257 : i32 to index
      %get3A_1259 = tpu.vector_load %arg13[%get3A_1258] {strides = array<i32>} : memref<8192xf32, #tpu.memory_space<vmem>>, vector<16xf32>,
      %get3A_1260 = vector.shape_cast %get3A_1259 : vector<16xf32> to vector<16xf32>
      %add3A_1261 = arith.addf %add3A_1253, %get3A_1260 : vector<16xf32>
      %mul3A_1262 = arith.constant 16 : i32
      %mul3A_1263 = arith.muli %scan3A_1200, %mul3A_1262 : i32
      %add3A_1264 = arith.constant 4096 : i32
      %add3A_1265 = arith.addi %add3A_1264, %mul3A_1263 : i32
      %get3A_1266 = arith.index_cast %add3A_1265 : i32 to index
      %get3A_1267 = tpu.vector_load %arg13[%get3A_1266] {strides = array<i32>} : memref<8192xf32, #tpu.memory_space<vmem>>, vector<16xf32>,
      %get3A_1268 = vector.shape_cast %get3A_1267 : vector<16xf32> to vector<16xf32>
      %add3A_1269 = arith.addf %add3A_1261, %get3A_1268 : vector<16xf32>
      %mul3A_1270 = arith.constant 16 : i32
      %mul3A_1271 = arith.muli %scan3A_1200, %mul3A_1270 : i32
      %add3A_1272 = arith.constant 4608 : i32
      %add3A_1273 = arith.addi %add3A_1272, %mul3A_1271 : i32
      %get3A_1274 = arith.index_cast %add3A_1273 : i32 to index
      %get3A_1275 = tpu.vector_load %arg13[%get3A_1274] {strides = array<i32>} : memref<8192xf32, #tpu.memory_space<vmem>>, vector<16xf32>,
      %get3A_1276 = vector.shape_cast %get3A_1275 : vector<16xf32> to vector<16xf32>
      %add3A_1277 = arith.addf %add3A_1269, %get3A_1276 : vector<16xf32>
      %mul3A_1278 = arith.constant 16 : i32
      %mul3A_1279 = arith.muli %scan3A_1200, %mul3A_1278 : i32
      %add3A_1280 = arith.constant 5120 : i32
      %add3A_1281 = arith.addi %add3A_1280, %mul3A_1279 : i32
      %get3A_1282 = arith.index_cast %add3A_1281 : i32 to index
      %get3A_1283 = tpu.vector_load %arg13[%get3A_1282] {strides = array<i32>} : memref<8192xf32, #tpu.memory_space<vmem>>, vector<16xf32>,
      %get3A_1284 = vector.shape_cast %get3A_1283 : vector<16xf32> to vector<16xf32>
      %add3A_1285 = arith.addf %add3A_1277, %get3A_1284 : vector<16xf32>
      %mul3A_1286 = arith.constant 16 : i32
      %mul3A_1287 = arith.muli %scan3A_1200, %mul3A_1286 : i32
      %add3A_1288 = arith.constant 5632 : i32
      %add3A_1289 = arith.addi %add3A_1288, %mul3A_1287 : i32
      %get3A_1290 = arith.index_cast %add3A_1289 : i32 to index
      %get3A_1291 = tpu.vector_load %arg13[%get3A_1290] {strides = array<i32>} : memref<8192xf32, #tpu.memory_space<vmem>>, vector<16xf32>,
      %get3A_1292 = vector.shape_cast %get3A_1291 : vector<16xf32> to vector<16xf32>
      %add3A_1293 = arith.addf %add3A_1285, %get3A_1292 : vector<16xf32>
      %mul3A_1294 = arith.constant 16 : i32
      %mul3A_1295 = arith.muli %scan3A_1200, %mul3A_1294 : i32
      %add3A_1296 = arith.constant 6144 : i32
      %add3A_1297 = arith.addi %add3A_1296, %mul3A_1295 : i32
      %get3A_1298 = arith.index_cast %add3A_1297 : i32 to index
      %get3A_1299 = tpu.vector_load %arg13[%get3A_1298] {strides = array<i32>} : memref<8192xf32, #tpu.memory_space<vmem>>, vector<16xf32>,
      %get3A_1300 = vector.shape_cast %get3A_1299 : vector<16xf32> to vector<16xf32>
      %add3A_1301 = arith.addf %add3A_1293, %get3A_1300 : vector<16xf32>
      %mul3A_1302 = arith.constant 16 : i32
      %mul3A_1303 = arith.muli %scan3A_1200, %mul3A_1302 : i32
      %add3A_1304 = arith.constant 6656 : i32
      %add3A_1305 = arith.addi %add3A_1304, %mul3A_1303 : i32
      %get3A_1306 = arith.index_cast %add3A_1305 : i32 to index
      %get3A_1307 = tpu.vector_load %arg13[%get3A_1306] {strides = array<i32>} : memref<8192xf32, #tpu.memory_space<vmem>>, vector<16xf32>,
      %get3A_1308 = vector.shape_cast %get3A_1307 : vector<16xf32> to vector<16xf32>
      %add3A_1309 = arith.addf %add3A_1301, %get3A_1308 : vector<16xf32>
      %mul3A_1310 = arith.constant 16 : i32
      %mul3A_1311 = arith.muli %scan3A_1200, %mul3A_1310 : i32
      %add3A_1312 = arith.constant 7168 : i32
      %add3A_1313 = arith.addi %add3A_1312, %mul3A_1311 : i32
      %get3A_1314 = arith.index_cast %add3A_1313 : i32 to index
      %get3A_1315 = tpu.vector_load %arg13[%get3A_1314] {strides = array<i32>} : memref<8192xf32, #tpu.memory_space<vmem>>, vector<16xf32>,
      %get3A_1316 = vector.shape_cast %get3A_1315 : vector<16xf32> to vector<16xf32>
      %add3A_1317 = arith.addf %add3A_1309, %get3A_1316 : vector<16xf32>
      %mul3A_1318 = arith.constant 16 : i32
      %mul3A_1319 = arith.muli %scan3A_1200, %mul3A_1318 : i32
      %add3A_1320 = arith.constant 7680 : i32
      %add3A_1321 = arith.addi %add3A_1320, %mul3A_1319 : i32
      %get3A_1322 = arith.index_cast %add3A_1321 : i32 to index
      %get3A_1323 = tpu.vector_load %arg13[%get3A_1322] {strides = array<i32>} : memref<8192xf32, #tpu.memory_space<vmem>>, vector<16xf32>,
      %get3A_1324 = vector.shape_cast %get3A_1323 : vector<16xf32> to vector<16xf32>
      %add3A_1325 = arith.addf %add3A_1317, %get3A_1324 : vector<16xf32>
      %mul3A_1326 = arith.constant 16 : i32
      %mul3A_1327 = arith.muli %scan3A_1200, %mul3A_1326 : i32
      %swap3A = arith.index_cast %mul3A_1327 : i32 to index
      %swap3A_1328 = tpu.vector_load %arg14[%swap3A] {strides = array<i32>} : memref<512xf32, #tpu.memory_space<vmem>>, vector<16xf32>,
      %swap3A_1329 = vector.shape_cast %swap3A_1328 : vector<16xf32> to vector<16xf32>
      %swap3A_1330 = vector.shape_cast %add3A_1325 : vector<16xf32> to vector<16xf32>
      tpu.vector_store %arg14[%swap3A], %swap3A_1330 {strides = array<i32>} : memref<512xf32, #tpu.memory_space<vmem>>, vector<16xf32>,
      %scan3A_1331 = arith.constant 0 : i32
      scf.yield %scan3A_1331 : i32
    }
    %scan3A_582 = arith.constant 10 : i32
    %mul3A_583 = arith.constant 160 : i32
    %mul3A_584 = arith.muli %arg1, %mul3A_583 : i32
    %add3A_585 = arith.constant 34304 : i32
    %add3A_586 = arith.addi %add3A_585, %mul3A_584 : i32
    "tpu.region"() ({
      %run_scoped3A = tpu.sem_alloc : memref<!tpu.dma_semaphore, #tpu.memory_space<semaphore_mem>>
      %dma_start3A_1200 = arith.constant 0 : i32
      %dma_start3A_1201 = tpu.memref_slice %arg16[%dma_start3A_1200] : memref<512xf32, #tpu.memory_space<vmem>> -> memref<160xf32, #tpu.memory_space<vmem>>
      %dma_start3A_1202 = tpu.memref_slice %arg2[%add3A_586] : memref<50688xf32, #tpu.memory_space<hbm>> -> memref<160xf32, #tpu.memory_space<hbm>>
      %dma_start3A_1203 = arith.constant 0 : i32
      %dma_start3A_1204 = tpu.memref_slice %arg16[%dma_start3A_1203] : memref<512xf32, #tpu.memory_space<vmem>> -> memref<160xf32, #tpu.memory_space<vmem>>
      %dma_start3A_1205 = tpu.memref_slice %arg2[%add3A_586] : memref<50688xf32, #tpu.memory_space<hbm>> -> memref<160xf32, #tpu.memory_space<hbm>>
      tpu.enqueue_dma source(%dma_start3A_1205 : memref<160xf32, #tpu.memory_space<hbm>>) target(%dma_start3A_1204 : memref<160xf32, #tpu.memory_space<vmem>>) target_semaphore(%run_scoped3A : memref<!tpu.dma_semaphore, #tpu.memory_space<semaphore_mem>>)
      %dma_wait3A_1206 = arith.constant 0 : i32
      %dma_wait3A_1207 = tpu.memref_slice %arg16[%dma_wait3A_1206] : memref<512xf32, #tpu.memory_space<vmem>> -> memref<160xf32, #tpu.memory_space<vmem>>
      %dma_wait3A_1208 = tpu.memref_slice %arg2[%add3A_586] : memref<50688xf32, #tpu.memory_space<hbm>> -> memref<160xf32, #tpu.memory_space<hbm>>
      %dma_wait3A_1209 = arith.constant 0 : i32
      %dma_wait3A_1210 = tpu.memref_slice %arg16[%dma_wait3A_1209] : memref<512xf32, #tpu.memory_space<vmem>> -> memref<160xf32, #tpu.memory_space<vmem>>
      %dma_wait3A_1211 = tpu.memref_slice %arg2[%add3A_586] : memref<50688xf32, #tpu.memory_space<hbm>> -> memref<160xf32, #tpu.memory_space<hbm>>
      tpu.wait_dma2 semaphore(%run_scoped3A : memref<!tpu.dma_semaphore, #tpu.memory_space<semaphore_mem>>) src(%dma_wait3A_1211 : memref<160xf32, #tpu.memory_space<hbm>>) dst(%dma_wait3A_1210 : memref<160xf32, #tpu.memory_space<vmem>>)
      tpu.yield
    }) : () -> ()
    %mul3A_587 = arith.constant 160 : i32
    %mul3A_588 = arith.muli %arg1, %mul3A_587 : i32
    %add3A_589 = arith.constant 36864 : i32
    %add3A_590 = arith.addi %add3A_589, %mul3A_588 : i32
    "tpu.region"() ({
      %run_scoped3A = tpu.sem_alloc : memref<!tpu.dma_semaphore, #tpu.memory_space<semaphore_mem>>
      %dma_start3A_1200 = arith.constant 0 : i32
      %dma_start3A_1201 = tpu.memref_slice %arg17[%dma_start3A_1200] : memref<512xf32, #tpu.memory_space<vmem>> -> memref<160xf32, #tpu.memory_space<vmem>>
      %dma_start3A_1202 = tpu.memref_slice %arg2[%add3A_590] : memref<50688xf32, #tpu.memory_space<hbm>> -> memref<160xf32, #tpu.memory_space<hbm>>
      %dma_start3A_1203 = arith.constant 0 : i32
      %dma_start3A_1204 = tpu.memref_slice %arg17[%dma_start3A_1203] : memref<512xf32, #tpu.memory_space<vmem>> -> memref<160xf32, #tpu.memory_space<vmem>>
      %dma_start3A_1205 = tpu.memref_slice %arg2[%add3A_590] : memref<50688xf32, #tpu.memory_space<hbm>> -> memref<160xf32, #tpu.memory_space<hbm>>
      tpu.enqueue_dma source(%dma_start3A_1205 : memref<160xf32, #tpu.memory_space<hbm>>) target(%dma_start3A_1204 : memref<160xf32, #tpu.memory_space<vmem>>) target_semaphore(%run_scoped3A : memref<!tpu.dma_semaphore, #tpu.memory_space<semaphore_mem>>)
      %dma_wait3A_1206 = arith.constant 0 : i32
      %dma_wait3A_1207 = tpu.memref_slice %arg17[%dma_wait3A_1206] : memref<512xf32, #tpu.memory_space<vmem>> -> memref<160xf32, #tpu.memory_space<vmem>>
      %dma_wait3A_1208 = tpu.memref_slice %arg2[%add3A_590] : memref<50688xf32, #tpu.memory_space<hbm>> -> memref<160xf32, #tpu.memory_space<hbm>>
      %dma_wait3A_1209 = arith.constant 0 : i32
      %dma_wait3A_1210 = tpu.memref_slice %arg17[%dma_wait3A_1209] : memref<512xf32, #tpu.memory_space<vmem>> -> memref<160xf32, #tpu.memory_space<vmem>>
      %dma_wait3A_1211 = tpu.memref_slice %arg2[%add3A_590] : memref<50688xf32, #tpu.memory_space<hbm>> -> memref<160xf32, #tpu.memory_space<hbm>>
      tpu.wait_dma2 semaphore(%run_scoped3A : memref<!tpu.dma_semaphore, #tpu.memory_space<semaphore_mem>>) src(%dma_wait3A_1211 : memref<160xf32, #tpu.memory_space<hbm>>) dst(%dma_wait3A_1210 : memref<160xf32, #tpu.memory_space<vmem>>)
      tpu.yield
    }) : () -> ()
    %mul3A_591 = arith.constant 160 : i32
    %mul3A_592 = arith.muli %arg1, %mul3A_591 : i32
    %add3A_593 = arith.constant 39424 : i32
    %add3A_594 = arith.addi %add3A_593, %mul3A_592 : i32
    "tpu.region"() ({
      %run_scoped3A = tpu.sem_alloc : memref<!tpu.dma_semaphore, #tpu.memory_space<semaphore_mem>>
      %dma_start3A_1200 = arith.constant 0 : i32
      %dma_start3A_1201 = tpu.memref_slice %arg18[%dma_start3A_1200] : memref<512xf32, #tpu.memory_space<vmem>> -> memref<160xf32, #tpu.memory_space<vmem>>
      %dma_start3A_1202 = tpu.memref_slice %arg2[%add3A_594] : memref<50688xf32, #tpu.memory_space<hbm>> -> memref<160xf32, #tpu.memory_space<hbm>>
      %dma_start3A_1203 = arith.constant 0 : i32
      %dma_start3A_1204 = tpu.memref_slice %arg18[%dma_start3A_1203] : memref<512xf32, #tpu.memory_space<vmem>> -> memref<160xf32, #tpu.memory_space<vmem>>
      %dma_start3A_1205 = tpu.memref_slice %arg2[%add3A_594] : memref<50688xf32, #tpu.memory_space<hbm>> -> memref<160xf32, #tpu.memory_space<hbm>>
      tpu.enqueue_dma source(%dma_start3A_1205 : memref<160xf32, #tpu.memory_space<hbm>>) target(%dma_start3A_1204 : memref<160xf32, #tpu.memory_space<vmem>>) target_semaphore(%run_scoped3A : memref<!tpu.dma_semaphore, #tpu.memory_space<semaphore_mem>>)
      %dma_wait3A_1206 = arith.constant 0 : i32
      %dma_wait3A_1207 = tpu.memref_slice %arg18[%dma_wait3A_1206] : memref<512xf32, #tpu.memory_space<vmem>> -> memref<160xf32, #tpu.memory_space<vmem>>
      %dma_wait3A_1208 = tpu.memref_slice %arg2[%add3A_594] : memref<50688xf32, #tpu.memory_space<hbm>> -> memref<160xf32, #tpu.memory_space<hbm>>
      %dma_wait3A_1209 = arith.constant 0 : i32
      %dma_wait3A_1210 = tpu.memref_slice %arg18[%dma_wait3A_1209] : memref<512xf32, #tpu.memory_space<vmem>> -> memref<160xf32, #tpu.memory_space<vmem>>
      %dma_wait3A_1211 = tpu.memref_slice %arg2[%add3A_594] : memref<50688xf32, #tpu.memory_space<hbm>> -> memref<160xf32, #tpu.memory_space<hbm>>
      tpu.wait_dma2 semaphore(%run_scoped3A : memref<!tpu.dma_semaphore, #tpu.memory_space<semaphore_mem>>) src(%dma_wait3A_1211 : memref<160xf32, #tpu.memory_space<hbm>>) dst(%dma_wait3A_1210 : memref<160xf32, #tpu.memory_space<vmem>>)
      tpu.yield
    }) : () -> ()
    %mul3A_595 = arith.constant 160 : i32
    %mul3A_596 = arith.muli %arg1, %mul3A_595 : i32
    %add3A_597 = arith.constant 41984 : i32
    %add3A_598 = arith.addi %add3A_597, %mul3A_596 : i32
    "tpu.region"() ({
      %run_scoped3A = tpu.sem_alloc : memref<!tpu.dma_semaphore, #tpu.memory_space<semaphore_mem>>
      %dma_start3A_1200 = arith.constant 0 : i32
      %dma_start3A_1201 = tpu.memref_slice %arg19[%dma_start3A_1200] : memref<512xf32, #tpu.memory_space<vmem>> -> memref<160xf32, #tpu.memory_space<vmem>>
      %dma_start3A_1202 = tpu.memref_slice %arg2[%add3A_598] : memref<50688xf32, #tpu.memory_space<hbm>> -> memref<160xf32, #tpu.memory_space<hbm>>
      %dma_start3A_1203 = arith.constant 0 : i32
      %dma_start3A_1204 = tpu.memref_slice %arg19[%dma_start3A_1203] : memref<512xf32, #tpu.memory_space<vmem>> -> memref<160xf32, #tpu.memory_space<vmem>>
      %dma_start3A_1205 = tpu.memref_slice %arg2[%add3A_598] : memref<50688xf32, #tpu.memory_space<hbm>> -> memref<160xf32, #tpu.memory_space<hbm>>
      tpu.enqueue_dma source(%dma_start3A_1205 : memref<160xf32, #tpu.memory_space<hbm>>) target(%dma_start3A_1204 : memref<160xf32, #tpu.memory_space<vmem>>) target_semaphore(%run_scoped3A : memref<!tpu.dma_semaphore, #tpu.memory_space<semaphore_mem>>)
      %dma_wait3A_1206 = arith.constant 0 : i32
      %dma_wait3A_1207 = tpu.memref_slice %arg19[%dma_wait3A_1206] : memref<512xf32, #tpu.memory_space<vmem>> -> memref<160xf32, #tpu.memory_space<vmem>>
      %dma_wait3A_1208 = tpu.memref_slice %arg2[%add3A_598] : memref<50688xf32, #tpu.memory_space<hbm>> -> memref<160xf32, #tpu.memory_space<hbm>>
      %dma_wait3A_1209 = arith.constant 0 : i32
      %dma_wait3A_1210 = tpu.memref_slice %arg19[%dma_wait3A_1209] : memref<512xf32, #tpu.memory_space<vmem>> -> memref<160xf32, #tpu.memory_space<vmem>>
      %dma_wait3A_1211 = tpu.memref_slice %arg2[%add3A_598] : memref<50688xf32, #tpu.memory_space<hbm>> -> memref<160xf32, #tpu.memory_space<hbm>>
      tpu.wait_dma2 semaphore(%run_scoped3A : memref<!tpu.dma_semaphore, #tpu.memory_space<semaphore_mem>>) src(%dma_wait3A_1211 : memref<160xf32, #tpu.memory_space<hbm>>) dst(%dma_wait3A_1210 : memref<160xf32, #tpu.memory_space<vmem>>)
      tpu.yield
    }) : () -> ()
    %scan3A_599 = arith.constant 0 : i32
    %scan3A_600 = arith.constant 0 : i32
    %scan3A_601 = arith.constant 10 : i32
    %scan3A_602 = arith.addi %scan3A_600, %scan3A_601 : i32
    %scan3A_603 = arith.constant 1 : i32
    %scan3A_604 = scf.for %scan3A_1200 = %scan3A_600 to %scan3A_602 step %scan3A_603 iter_args(%scan3A_1201 = %scan3A_599) -> (i32)  : i32 {
      %mul3A_1202 = arith.constant 16 : i32
      %mul3A_1203 = arith.muli %scan3A_1200, %mul3A_1202 : i32
      %get3A = arith.index_cast %mul3A_1203 : i32 to index
      %get3A_1204 = tpu.vector_load %arg14[%get3A] {strides = array<i32>} : memref<512xf32, #tpu.memory_space<vmem>>, vector<16xf32>,
      %get3A_1205 = vector.shape_cast %get3A_1204 : vector<16xf32> to vector<16xf32>
      %swap3A = arith.index_cast %mul3A_1203 : i32 to index
      %swap3A_1206 = tpu.vector_load %arg15[%swap3A] {strides = array<i32>} : memref<512xf32, #tpu.memory_space<vmem>>, vector<16xf32>,
      %swap3A_1207 = vector.shape_cast %swap3A_1206 : vector<16xf32> to vector<16xf32>
      %swap3A_1208 = vector.shape_cast %get3A_1205 : vector<16xf32> to vector<16xf32>
      tpu.vector_store %arg15[%swap3A], %swap3A_1208 {strides = array<i32>} : memref<512xf32, #tpu.memory_space<vmem>>, vector<16xf32>,
      %get3A_1209 = arith.index_cast %mul3A_1203 : i32 to index
      %get3A_1210 = tpu.vector_load %arg16[%get3A_1209] {strides = array<i32>} : memref<512xf32, #tpu.memory_space<vmem>>, vector<16xf32>,
      %get3A_1211 = vector.shape_cast %get3A_1210 : vector<16xf32> to vector<16xf32>
      %get3A_1212 = arith.index_cast %mul3A_1203 : i32 to index
      %get3A_1213 = tpu.vector_load %arg17[%get3A_1212] {strides = array<i32>} : memref<512xf32, #tpu.memory_space<vmem>>, vector<16xf32>,
      %get3A_1214 = vector.shape_cast %get3A_1213 : vector<16xf32> to vector<16xf32>
      %mul3A_1215 = arith.constant 4.000000e-02 : f32
      %mul3A_1216 = vector.broadcast %mul3A_1215 : f32 to vector<16xf32>
      %mul3A_1217 = arith.mulf %mul3A_1216, %get3A_1211 : vector<16xf32>
      %mul3A_1218 = arith.mulf %mul3A_1217, %get3A_1211 : vector<16xf32>
      %mul3A_1219 = arith.constant 5.000000e+00 : f32
      %mul3A_1220 = vector.broadcast %mul3A_1219 : f32 to vector<16xf32>
      %mul3A_1221 = arith.mulf %mul3A_1220, %get3A_1211 : vector<16xf32>
      %add3A_1222 = arith.addf %mul3A_1218, %mul3A_1221 : vector<16xf32>
      %add3A_1223 = arith.constant 1.400000e+02 : f32
      %add3A_1224 = vector.broadcast %add3A_1223 : f32 to vector<16xf32>
      %add3A_1225 = arith.addf %add3A_1222, %add3A_1224 : vector<16xf32>
      %sub3A = arith.subf %add3A_1225, %get3A_1214 : vector<16xf32>
      %add3A_1226 = arith.addf %sub3A, %get3A_1205 : vector<16xf32>
      %mul3A_1227 = arith.constant 5.000000e-01 : f32
      %mul3A_1228 = vector.broadcast %mul3A_1227 : f32 to vector<16xf32>
      %mul3A_1229 = arith.mulf %add3A_1226, %mul3A_1228 : vector<16xf32>
      %add3A_1230 = arith.addf %get3A_1211, %mul3A_1229 : vector<16xf32>
      %jit3A = arith.constant -9.000000e+01 : f32
      %jit3A_1231 = arith.constant 4.000000e+01 : f32
      %max3A = vector.broadcast %jit3A : f32 to vector<16xf32>
      %max3A_1232 = arith.maximumf %max3A, %add3A_1230 : vector<16xf32>
      %min3A = vector.broadcast %jit3A_1231 : f32 to vector<16xf32>
      %min3A_1233 = arith.minimumf %min3A, %max3A_1232 : vector<16xf32>
      %mul3A_1234 = arith.constant 2.000000e-01 : f32
      %mul3A_1235 = vector.broadcast %mul3A_1234 : f32 to vector<16xf32>
      %mul3A_1236 = arith.mulf %mul3A_1235, %min3A_1233 : vector<16xf32>
      %sub3A_1237 = arith.subf %mul3A_1236, %get3A_1214 : vector<16xf32>
      %mul3A_1238 = arith.constant 2.000000e-02 : f32
      %mul3A_1239 = vector.broadcast %mul3A_1238 : f32 to vector<16xf32>
      %mul3A_1240 = arith.mulf %mul3A_1239, %sub3A_1237 : vector<16xf32>
      %mul3A_1241 = arith.constant 5.000000e-01 : f32
      %mul3A_1242 = vector.broadcast %mul3A_1241 : f32 to vector<16xf32>
      %mul3A_1243 = arith.mulf %mul3A_1240, %mul3A_1242 : vector<16xf32>
      %add3A_1244 = arith.addf %get3A_1214, %mul3A_1243 : vector<16xf32>
      %ge3A = arith.constant 3.000000e+01 : f32
      %ge3A_1245 = vector.broadcast %ge3A : f32 to vector<16xf32>
      %ge3A_1246 = arith.cmpf oge, %min3A_1233, %ge3A_1245 : vector<16xf32>
      %get3A_1247 = arith.index_cast %mul3A_1203 : i32 to index
      %get3A_1248 = tpu.vector_load %arg18[%get3A_1247] {strides = array<i32>} : memref<512xf32, #tpu.memory_space<vmem>>, vector<16xf32>,
      %get3A_1249 = vector.shape_cast %get3A_1248 : vector<16xf32> to vector<16xf32>
      %select_n3A = arith.select %ge3A_1246, %get3A_1249, %min3A_1233 : vector<16xi1>, vector<16xf32>
      %swap3A_1250 = arith.index_cast %mul3A_1203 : i32 to index
      %swap3A_1251 = tpu.vector_load %arg16[%swap3A_1250] {strides = array<i32>} : memref<512xf32, #tpu.memory_space<vmem>>, vector<16xf32>,
      %swap3A_1252 = vector.shape_cast %swap3A_1251 : vector<16xf32> to vector<16xf32>
      %swap3A_1253 = vector.shape_cast %select_n3A : vector<16xf32> to vector<16xf32>
      tpu.vector_store %arg16[%swap3A_1250], %swap3A_1253 {strides = array<i32>} : memref<512xf32, #tpu.memory_space<vmem>>, vector<16xf32>,
      %get3A_1254 = arith.index_cast %mul3A_1203 : i32 to index
      %get3A_1255 = tpu.vector_load %arg19[%get3A_1254] {strides = array<i32>} : memref<512xf32, #tpu.memory_space<vmem>>, vector<16xf32>,
      %get3A_1256 = vector.shape_cast %get3A_1255 : vector<16xf32> to vector<16xf32>
      %add3A_1257 = arith.addf %add3A_1244, %get3A_1256 : vector<16xf32>
      %select_n3A_1258 = arith.select %ge3A_1246, %add3A_1257, %add3A_1244 : vector<16xi1>, vector<16xf32>
      %swap3A_1259 = arith.index_cast %mul3A_1203 : i32 to index
      %swap3A_1260 = tpu.vector_load %arg17[%swap3A_1259] {strides = array<i32>} : memref<512xf32, #tpu.memory_space<vmem>>, vector<16xf32>,
      %swap3A_1261 = vector.shape_cast %swap3A_1260 : vector<16xf32> to vector<16xf32>
      %swap3A_1262 = vector.shape_cast %select_n3A_1258 : vector<16xf32> to vector<16xf32>
      tpu.vector_store %arg17[%swap3A_1259], %swap3A_1262 {strides = array<i32>} : memref<512xf32, #tpu.memory_space<vmem>>, vector<16xf32>,
      %jit3A_1263 = arith.constant 1.000000e+00 : f32
      %jit3A_1264 = arith.constant 0.000000e+00 : f32
      %broadcast_in_dim3A = vector.broadcast %jit3A_1263 : f32 to vector<16xf32>
      %broadcast_in_dim3A_1265 = vector.broadcast %jit3A_1264 : f32 to vector<16xf32>
      %select_n3A_1266 = arith.select %ge3A_1246, %broadcast_in_dim3A, %broadcast_in_dim3A_1265 : vector<16xi1>, vector<16xf32>
      %swap3A_1267 = arith.index_cast %mul3A_1203 : i32 to index
      %swap3A_1268 = tpu.vector_load %arg9[%swap3A_1267] {strides = array<i32>} : memref<528xf32, #tpu.memory_space<vmem>>, vector<16xf32>,
      %swap3A_1269 = vector.shape_cast %swap3A_1268 : vector<16xf32> to vector<16xf32>
      %swap3A_1270 = vector.shape_cast %select_n3A_1266 : vector<16xf32> to vector<16xf32>
      tpu.vector_store %arg9[%swap3A_1267], %swap3A_1270 {strides = array<i32>} : memref<528xf32, #tpu.memory_space<vmem>>, vector<16xf32>,
      %scan3A_1271 = arith.constant 0 : i32
      scf.yield %scan3A_1271 : i32
    }
    %scan3A_605 = arith.constant 10 : i32
    %scan3A_606 = arith.constant 0 : i32
    %scan3A_607 = arith.constant 0 : i32
    %scan3A_608 = arith.constant 160 : i32
    %scan3A_609 = arith.addi %scan3A_607, %scan3A_608 : i32
    %scan3A_610 = arith.constant 1 : i32
    %scan3A_611 = scf.for %scan3A_1200 = %scan3A_607 to %scan3A_609 step %scan3A_610 iter_args(%scan3A_1201 = %scan3A_606) -> (i32)  : i32 {
      %broadcast_in_dim3A = arith.constant 0.000000e+00 : f32
      %broadcast_in_dim3A_1202 = vector.broadcast %broadcast_in_dim3A : f32 to vector<16xf32>
      %mul3A_1203 = arith.constant 16 : i32
      %mul3A_1204 = arith.muli %scan3A_1200, %mul3A_1203 : i32
      %swap3A = arith.index_cast %mul3A_1204 : i32 to index
      %swap3A_1205 = tpu.vector_load %arg12[%swap3A] {strides = array<i32>} : memref<8192xf32, #tpu.memory_space<vmem>>, vector<16xf32>,
      %swap3A_1206 = vector.shape_cast %swap3A_1205 : vector<16xf32> to vector<16xf32>
      %swap3A_1207 = vector.shape_cast %broadcast_in_dim3A_1202 : vector<16xf32> to vector<16xf32>
      tpu.vector_store %arg12[%swap3A], %swap3A_1207 {strides = array<i32>} : memref<8192xf32, #tpu.memory_space<vmem>>, vector<16xf32>,
      %scan3A_1208 = arith.constant 0 : i32
      scf.yield %scan3A_1208 : i32
    }
    %scan3A_612 = arith.constant 160 : i32
    %scan3A_613 = arith.constant 0 : i32
    %scan3A_614 = arith.constant 0 : i32
    %scan3A_615 = arith.constant 160 : i32
    %scan3A_616 = arith.addi %scan3A_614, %scan3A_615 : i32
    %scan3A_617 = arith.constant 1 : i32
    %scan3A_618 = scf.for %scan3A_1200 = %scan3A_614 to %scan3A_616 step %scan3A_617 iter_args(%scan3A_1201 = %scan3A_613) -> (i32)  : i32 {
      %get3A = arith.index_cast %scan3A_1200 : i32 to index
      %get3A_1202 = tpu.vector_load %arg9[%get3A] {strides = array<i32>} : memref<528xf32, #tpu.memory_space<vmem>>, vector<16xf32>,
      %get3A_1203 = vector.shape_cast %get3A_1202 : vector<16xf32> to vector<16xf32>
      %slice3A = vector.extract_strided_slice %get3A_1203 {offsets = [0], sizes = [1], strides = [1]} : vector<16xf32> to vector<1xf32>
      %squeeze3A = vector.extract %slice3A[0] : f32 from vector<1xf32>
      %gt3A = arith.constant 0.000000e+00 : f32
      %gt3A_1204 = arith.cmpf ogt, %squeeze3A, %gt3A : f32
      %convert_element_type3A = arith.extui %gt3A_1204 : i1 to i32
      %cond3A = arith.constant 0 : i32
      %cond3A_1205 = arith.cmpi ne, %convert_element_type3A, %cond3A : i32
      scf.if %cond3A_1205 {
        %mul3A_1207 = arith.constant 160 : i32
        %mul3A_1208 = arith.muli %arg1, %mul3A_1207 : i32
        %add3A_1209 = arith.addi %mul3A_1208, %scan3A_1200 : i32
        %scan3A_1210 = arith.constant 0 : i32
        %scan3A_1211 = arith.constant 0 : i32
        %scan3A_1212 = arith.constant 19 : i32
        %scan3A_1213 = arith.addi %scan3A_1211, %scan3A_1212 : i32
        %scan3A_1214 = arith.constant 1 : i32
        %scan3A_1215 = scf.for %scan3A_1233 = %scan3A_1211 to %scan3A_1213 step %scan3A_1214 iter_args(%scan3A_1234 = %scan3A_1210) -> (i32)  : i32 {
          %mul3A_1235 = arith.constant 128 : i32
          %mul3A_1236 = arith.muli %scan3A_1233, %mul3A_1235 : i32
          %multiple_of3A = tpu.assume_multiple %mul3A_1236, 128 : i32
          "tpu.region"() ({
            %run_scoped3A = tpu.sem_alloc : memref<!tpu.dma_semaphore, #tpu.memory_space<semaphore_mem>>
            %dma_start3A_1238 = tpu.memref_slice %arg11[%multiple_of3A] : memref<8064xf32, #tpu.memory_space<vmem>> -> memref<128xf32, #tpu.memory_space<vmem>>
            %dma_start3A_1239 = tpu.memref_slice %arg6[%add3A_1209, %multiple_of3A] : memref<2500x2500xf32, #tpu.memory_space<hbm>> -> memref<1x128xf32, #tpu.memory_space<hbm>>
            %dma_start3A_1240 = tpu.memref_squeeze %dma_start3A_1239 : memref<1x128xf32, #tpu.memory_space<hbm>> -> memref<128xf32, #tpu.memory_space<hbm>>
            %dma_start3A_1241 = tpu.memref_slice %arg11[%multiple_of3A] : memref<8064xf32, #tpu.memory_space<vmem>> -> memref<128xf32, #tpu.memory_space<vmem>>
            %dma_start3A_1242 = tpu.memref_slice %arg6[%add3A_1209, %multiple_of3A] : memref<2500x2500xf32, #tpu.memory_space<hbm>> -> memref<1x128xf32, #tpu.memory_space<hbm>>
            %dma_start3A_1243 = tpu.memref_squeeze %dma_start3A_1242 : memref<1x128xf32, #tpu.memory_space<hbm>> -> memref<128xf32, #tpu.memory_space<hbm>>
            tpu.enqueue_dma source(%dma_start3A_1243 : memref<128xf32, #tpu.memory_space<hbm>>) target(%dma_start3A_1241 : memref<128xf32, #tpu.memory_space<vmem>>) target_semaphore(%run_scoped3A : memref<!tpu.dma_semaphore, #tpu.memory_space<semaphore_mem>>)
            %dma_wait3A_1244 = tpu.memref_slice %arg11[%multiple_of3A] : memref<8064xf32, #tpu.memory_space<vmem>> -> memref<128xf32, #tpu.memory_space<vmem>>
            %dma_wait3A_1245 = tpu.memref_slice %arg6[%add3A_1209, %multiple_of3A] : memref<2500x2500xf32, #tpu.memory_space<hbm>> -> memref<1x128xf32, #tpu.memory_space<hbm>>
            %dma_wait3A_1246 = tpu.memref_squeeze %dma_wait3A_1245 : memref<1x128xf32, #tpu.memory_space<hbm>> -> memref<128xf32, #tpu.memory_space<hbm>>
            %dma_wait3A_1247 = tpu.memref_slice %arg11[%multiple_of3A] : memref<8064xf32, #tpu.memory_space<vmem>> -> memref<128xf32, #tpu.memory_space<vmem>>
            %dma_wait3A_1248 = tpu.memref_slice %arg6[%add3A_1209, %multiple_of3A] : memref<2500x2500xf32, #tpu.memory_space<hbm>> -> memref<1x128xf32, #tpu.memory_space<hbm>>
            %dma_wait3A_1249 = tpu.memref_squeeze %dma_wait3A_1248 : memref<1x128xf32, #tpu.memory_space<hbm>> -> memref<128xf32, #tpu.memory_space<hbm>>
            tpu.wait_dma2 semaphore(%run_scoped3A : memref<!tpu.dma_semaphore, #tpu.memory_space<semaphore_mem>>) src(%dma_wait3A_1249 : memref<128xf32, #tpu.memory_space<hbm>>) dst(%dma_wait3A_1247 : memref<128xf32, #tpu.memory_space<vmem>>)
            tpu.yield
          }) : () -> ()
          %scan3A_1237 = arith.constant 0 : i32
          scf.yield %scan3A_1237 : i32
        }
        %scan3A_1216 = arith.constant 19 : i32
        %scan3A_1217 = arith.constant 0 : i32
        %scan3A_1218 = arith.constant 0 : i32
        %scan3A_1219 = arith.constant 152 : i32
        %scan3A_1220 = arith.addi %scan3A_1218, %scan3A_1219 : i32
        %scan3A_1221 = arith.constant 1 : i32
        %scan3A_1222 = scf.for %scan3A_1233 = %scan3A_1218 to %scan3A_1220 step %scan3A_1221 iter_args(%scan3A_1234 = %scan3A_1217) -> (i32)  : i32 {
          %mul3A_1235 = arith.constant 16 : i32
          %mul3A_1236 = arith.muli %scan3A_1233, %mul3A_1235 : i32
          %get3A_1237 = arith.index_cast %mul3A_1236 : i32 to index
          %get3A_1238 = tpu.vector_load %arg12[%get3A_1237] {strides = array<i32>} : memref<8192xf32, #tpu.memory_space<vmem>>, vector<16xf32>,
          %get3A_1239 = vector.shape_cast %get3A_1238 : vector<16xf32> to vector<16xf32>
          %mul3A_1240 = arith.constant 16 : i32
          %mul3A_1241 = arith.muli %scan3A_1233, %mul3A_1240 : i32
          %get3A_1242 = arith.index_cast %mul3A_1241 : i32 to index
          %get3A_1243 = tpu.vector_load %arg11[%get3A_1242] {strides = array<i32>} : memref<8064xf32, #tpu.memory_space<vmem>>, vector<16xf32>,
          %get3A_1244 = vector.shape_cast %get3A_1243 : vector<16xf32> to vector<16xf32>
          %add3A_1245 = arith.addf %get3A_1239, %get3A_1244 : vector<16xf32>
          %mul3A_1246 = arith.constant 16 : i32
          %mul3A_1247 = arith.muli %scan3A_1233, %mul3A_1246 : i32
          %swap3A = arith.index_cast %mul3A_1247 : i32 to index
          %swap3A_1248 = tpu.vector_load %arg12[%swap3A] {strides = array<i32>} : memref<8192xf32, #tpu.memory_space<vmem>>, vector<16xf32>,
          %swap3A_1249 = vector.shape_cast %swap3A_1248 : vector<16xf32> to vector<16xf32>
          %swap3A_1250 = vector.shape_cast %add3A_1245 : vector<16xf32> to vector<16xf32>
          tpu.vector_store %arg12[%swap3A], %swap3A_1250 {strides = array<i32>} : memref<8192xf32, #tpu.memory_space<vmem>>, vector<16xf32>,
          %scan3A_1251 = arith.constant 0 : i32
          scf.yield %scan3A_1251 : i32
        }
        %scan3A_1223 = arith.constant 152 : i32
        %add3A_1224 = arith.constant 9500 : i32
        %add3A_1225 = arith.addi %add3A_1224, %add3A_1209 : i32
        "tpu.region"() ({
          %run_scoped3A = tpu.sem_alloc : memref<!tpu.dma_semaphore, #tpu.memory_space<semaphore_mem>>
          %dma_start3A_1233 = arith.constant 0 : i32
          %dma_start3A_1234 = tpu.memref_slice %arg20[%dma_start3A_1233] : memref<128xf32, #tpu.memory_space<vmem>> -> memref<128xf32, #tpu.memory_space<vmem>>
          %dma_start3A_1235 = arith.constant 0 : i32
          %dma_start3A_1236 = tpu.memref_slice %arg3[%add3A_1225, %dma_start3A_1235] : memref<14500x128xf32, #tpu.memory_space<hbm>> -> memref<1x128xf32, #tpu.memory_space<hbm>>
          %dma_start3A_1237 = tpu.memref_squeeze %dma_start3A_1236 : memref<1x128xf32, #tpu.memory_space<hbm>> -> memref<128xf32, #tpu.memory_space<hbm>>
          %dma_start3A_1238 = arith.constant 0 : i32
          %dma_start3A_1239 = tpu.memref_slice %arg20[%dma_start3A_1238] : memref<128xf32, #tpu.memory_space<vmem>> -> memref<128xf32, #tpu.memory_space<vmem>>
          %dma_start3A_1240 = arith.constant 0 : i32
          %dma_start3A_1241 = tpu.memref_slice %arg3[%add3A_1225, %dma_start3A_1240] : memref<14500x128xf32, #tpu.memory_space<hbm>> -> memref<1x128xf32, #tpu.memory_space<hbm>>
          %dma_start3A_1242 = tpu.memref_squeeze %dma_start3A_1241 : memref<1x128xf32, #tpu.memory_space<hbm>> -> memref<128xf32, #tpu.memory_space<hbm>>
          tpu.enqueue_dma source(%dma_start3A_1242 : memref<128xf32, #tpu.memory_space<hbm>>) target(%dma_start3A_1239 : memref<128xf32, #tpu.memory_space<vmem>>) target_semaphore(%run_scoped3A : memref<!tpu.dma_semaphore, #tpu.memory_space<semaphore_mem>>)
          %dma_wait3A_1243 = arith.constant 0 : i32
          %dma_wait3A_1244 = tpu.memref_slice %arg20[%dma_wait3A_1243] : memref<128xf32, #tpu.memory_space<vmem>> -> memref<128xf32, #tpu.memory_space<vmem>>
          %dma_wait3A_1245 = arith.constant 0 : i32
          %dma_wait3A_1246 = tpu.memref_slice %arg3[%add3A_1225, %dma_wait3A_1245] : memref<14500x128xf32, #tpu.memory_space<hbm>> -> memref<1x128xf32, #tpu.memory_space<hbm>>
          %dma_wait3A_1247 = tpu.memref_squeeze %dma_wait3A_1246 : memref<1x128xf32, #tpu.memory_space<hbm>> -> memref<128xf32, #tpu.memory_space<hbm>>
          %dma_wait3A_1248 = arith.constant 0 : i32
          %dma_wait3A_1249 = tpu.memref_slice %arg20[%dma_wait3A_1248] : memref<128xf32, #tpu.memory_space<vmem>> -> memref<128xf32, #tpu.memory_space<vmem>>
          %dma_wait3A_1250 = arith.constant 0 : i32
          %dma_wait3A_1251 = tpu.memref_slice %arg3[%add3A_1225, %dma_wait3A_1250] : memref<14500x128xf32, #tpu.memory_space<hbm>> -> memref<1x128xf32, #tpu.memory_space<hbm>>
          %dma_wait3A_1252 = tpu.memref_squeeze %dma_wait3A_1251 : memref<1x128xf32, #tpu.memory_space<hbm>> -> memref<128xf32, #tpu.memory_space<hbm>>
          tpu.wait_dma2 semaphore(%run_scoped3A : memref<!tpu.dma_semaphore, #tpu.memory_space<semaphore_mem>>) src(%dma_wait3A_1252 : memref<128xf32, #tpu.memory_space<hbm>>) dst(%dma_wait3A_1249 : memref<128xf32, #tpu.memory_space<vmem>>)
          tpu.yield
        }) : () -> ()
        %scan3A_1226 = arith.constant 0 : i32
        %scan3A_1227 = arith.constant 0 : i32
        %scan3A_1228 = arith.constant 8 : i32
        %scan3A_1229 = arith.addi %scan3A_1227, %scan3A_1228 : i32
        %scan3A_1230 = arith.constant 1 : i32
        %scan3A_1231 = scf.for %scan3A_1233 = %scan3A_1227 to %scan3A_1229 step %scan3A_1230 iter_args(%scan3A_1234 = %scan3A_1226) -> (i32)  : i32 {
          %mul3A_1235 = arith.constant 16 : i32
          %mul3A_1236 = arith.muli %scan3A_1233, %mul3A_1235 : i32
          %add3A_1237 = arith.constant 2432 : i32
          %add3A_1238 = arith.addi %add3A_1237, %mul3A_1236 : i32
          %get3A_1239 = arith.index_cast %add3A_1238 : i32 to index
          %get3A_1240 = tpu.vector_load %arg12[%get3A_1239] {strides = array<i32>} : memref<8192xf32, #tpu.memory_space<vmem>>, vector<16xf32>,
          %get3A_1241 = vector.shape_cast %get3A_1240 : vector<16xf32> to vector<16xf32>
          %mul3A_1242 = arith.constant 16 : i32
          %mul3A_1243 = arith.muli %scan3A_1233, %mul3A_1242 : i32
          %get3A_1244 = arith.index_cast %mul3A_1243 : i32 to index
          %get3A_1245 = tpu.vector_load %arg20[%get3A_1244] {strides = array<i32>} : memref<128xf32, #tpu.memory_space<vmem>>, vector<16xf32>,
          %get3A_1246 = vector.shape_cast %get3A_1245 : vector<16xf32> to vector<16xf32>
          %add3A_1247 = arith.addf %get3A_1241, %get3A_1246 : vector<16xf32>
          %mul3A_1248 = arith.constant 16 : i32
          %mul3A_1249 = arith.muli %scan3A_1233, %mul3A_1248 : i32
          %add3A_1250 = arith.constant 2432 : i32
          %add3A_1251 = arith.addi %add3A_1250, %mul3A_1249 : i32
          %swap3A = arith.index_cast %add3A_1251 : i32 to index
          %swap3A_1252 = tpu.vector_load %arg12[%swap3A] {strides = array<i32>} : memref<8192xf32, #tpu.memory_space<vmem>>, vector<16xf32>,
          %swap3A_1253 = vector.shape_cast %swap3A_1252 : vector<16xf32> to vector<16xf32>
          %swap3A_1254 = vector.shape_cast %add3A_1247 : vector<16xf32> to vector<16xf32>
          tpu.vector_store %arg12[%swap3A], %swap3A_1254 {strides = array<i32>} : memref<8192xf32, #tpu.memory_space<vmem>>, vector<16xf32>,
          %scan3A_1255 = arith.constant 0 : i32
          scf.yield %scan3A_1255 : i32
        }
        %scan3A_1232 = arith.constant 8 : i32
      } else {
      }
      %scan3A_1206 = arith.constant 0 : i32
      scf.yield %scan3A_1206 : i32
    }
    %scan3A_619 = arith.constant 160 : i32
    %mul3A_620 = arith.constant 8192 : i32
    %mul3A_621 = arith.muli %arg1, %mul3A_620 : i32
    "tpu.region"() ({
      %run_scoped3A = tpu.sem_alloc : memref<!tpu.dma_semaphore, #tpu.memory_space<semaphore_mem>>
      %dma_start3A_1200 = arith.constant 0 : i32
      %dma_start3A_1201 = tpu.memref_slice %arg12[%dma_start3A_1200] : memref<8192xf32, #tpu.memory_space<vmem>> -> memref<2560xf32, #tpu.memory_space<vmem>>
      %dma_start3A_1202 = tpu.memref_slice %arg21[%mul3A_621] : memref<131072xf32, #tpu.memory_space<vmem_shared>> -> memref<2560xf32, #tpu.memory_space<vmem_shared>>
      %dma_start3A_1203 = tpu.memref_slice %arg21[%mul3A_621] : memref<131072xf32, #tpu.memory_space<vmem_shared>> -> memref<2560xf32, #tpu.memory_space<vmem_shared>>
      %dma_start3A_1204 = arith.constant 0 : i32
      %dma_start3A_1205 = tpu.memref_slice %arg12[%dma_start3A_1204] : memref<8192xf32, #tpu.memory_space<vmem>> -> memref<2560xf32, #tpu.memory_space<vmem>>
      tpu.enqueue_dma source(%dma_start3A_1205 : memref<2560xf32, #tpu.memory_space<vmem>>) target(%dma_start3A_1203 : memref<2560xf32, #tpu.memory_space<vmem_shared>>) target_semaphore(%run_scoped3A : memref<!tpu.dma_semaphore, #tpu.memory_space<semaphore_mem>>)
      %dma_wait3A_1206 = arith.constant 0 : i32
      %dma_wait3A_1207 = tpu.memref_slice %arg12[%dma_wait3A_1206] : memref<8192xf32, #tpu.memory_space<vmem>> -> memref<2560xf32, #tpu.memory_space<vmem>>
      %dma_wait3A_1208 = tpu.memref_slice %arg21[%mul3A_621] : memref<131072xf32, #tpu.memory_space<vmem_shared>> -> memref<2560xf32, #tpu.memory_space<vmem_shared>>
      %dma_wait3A_1209 = tpu.memref_slice %arg21[%mul3A_621] : memref<131072xf32, #tpu.memory_space<vmem_shared>> -> memref<2560xf32, #tpu.memory_space<vmem_shared>>
      %dma_wait3A_1210 = arith.constant 0 : i32
      %dma_wait3A_1211 = tpu.memref_slice %arg12[%dma_wait3A_1210] : memref<8192xf32, #tpu.memory_space<vmem>> -> memref<2560xf32, #tpu.memory_space<vmem>>
      tpu.wait_dma2 semaphore(%run_scoped3A : memref<!tpu.dma_semaphore, #tpu.memory_space<semaphore_mem>>) src(%dma_wait3A_1211 : memref<2560xf32, #tpu.memory_space<vmem>>) dst(%dma_wait3A_1209 : memref<2560xf32, #tpu.memory_space<vmem_shared>>)
      tpu.yield
    }) : () -> ()
    %barrier3A_622 = arith.constant 0 : index
    tpu.barrier barrier_id(%barrier3A_622)
    %mul3A_623 = arith.constant 160 : i32
    %mul3A_624 = arith.muli %arg1, %mul3A_623 : i32
    %add3A_625 = arith.constant 0 : i32
    %add3A_626 = arith.addi %add3A_625, %mul3A_624 : i32
    %mul3A_627 = arith.constant 160 : i32
    %mul3A_628 = arith.muli %arg1, %mul3A_627 : i32
    %add3A_629 = arith.constant 8192 : i32
    %add3A_630 = arith.addi %add3A_629, %mul3A_628 : i32
    %mul3A_631 = arith.constant 160 : i32
    %mul3A_632 = arith.muli %arg1, %mul3A_631 : i32
    %add3A_633 = arith.constant 16384 : i32
    %add3A_634 = arith.addi %add3A_633, %mul3A_632 : i32
    %mul3A_635 = arith.constant 160 : i32
    %mul3A_636 = arith.muli %arg1, %mul3A_635 : i32
    %add3A_637 = arith.constant 24576 : i32
    %add3A_638 = arith.addi %add3A_637, %mul3A_636 : i32
    %mul3A_639 = arith.constant 160 : i32
    %mul3A_640 = arith.muli %arg1, %mul3A_639 : i32
    %add3A_641 = arith.constant 32768 : i32
    %add3A_642 = arith.addi %add3A_641, %mul3A_640 : i32
    %mul3A_643 = arith.constant 160 : i32
    %mul3A_644 = arith.muli %arg1, %mul3A_643 : i32
    %add3A_645 = arith.constant 40960 : i32
    %add3A_646 = arith.addi %add3A_645, %mul3A_644 : i32
    %mul3A_647 = arith.constant 160 : i32
    %mul3A_648 = arith.muli %arg1, %mul3A_647 : i32
    %add3A_649 = arith.constant 49152 : i32
    %add3A_650 = arith.addi %add3A_649, %mul3A_648 : i32
    %mul3A_651 = arith.constant 160 : i32
    %mul3A_652 = arith.muli %arg1, %mul3A_651 : i32
    %add3A_653 = arith.constant 57344 : i32
    %add3A_654 = arith.addi %add3A_653, %mul3A_652 : i32
    %mul3A_655 = arith.constant 160 : i32
    %mul3A_656 = arith.muli %arg1, %mul3A_655 : i32
    %add3A_657 = arith.constant 65536 : i32
    %add3A_658 = arith.addi %add3A_657, %mul3A_656 : i32
    %mul3A_659 = arith.constant 160 : i32
    %mul3A_660 = arith.muli %arg1, %mul3A_659 : i32
    %add3A_661 = arith.constant 73728 : i32
    %add3A_662 = arith.addi %add3A_661, %mul3A_660 : i32
    %mul3A_663 = arith.constant 160 : i32
    %mul3A_664 = arith.muli %arg1, %mul3A_663 : i32
    %add3A_665 = arith.constant 81920 : i32
    %add3A_666 = arith.addi %add3A_665, %mul3A_664 : i32
    %mul3A_667 = arith.constant 160 : i32
    %mul3A_668 = arith.muli %arg1, %mul3A_667 : i32
    %add3A_669 = arith.constant 90112 : i32
    %add3A_670 = arith.addi %add3A_669, %mul3A_668 : i32
    %mul3A_671 = arith.constant 160 : i32
    %mul3A_672 = arith.muli %arg1, %mul3A_671 : i32
    %add3A_673 = arith.constant 98304 : i32
    %add3A_674 = arith.addi %add3A_673, %mul3A_672 : i32
    %mul3A_675 = arith.constant 160 : i32
    %mul3A_676 = arith.muli %arg1, %mul3A_675 : i32
    %add3A_677 = arith.constant 106496 : i32
    %add3A_678 = arith.addi %add3A_677, %mul3A_676 : i32
    %mul3A_679 = arith.constant 160 : i32
    %mul3A_680 = arith.muli %arg1, %mul3A_679 : i32
    %add3A_681 = arith.constant 114688 : i32
    %add3A_682 = arith.addi %add3A_681, %mul3A_680 : i32
    %mul3A_683 = arith.constant 160 : i32
    %mul3A_684 = arith.muli %arg1, %mul3A_683 : i32
    %add3A_685 = arith.constant 122880 : i32
    %add3A_686 = arith.addi %add3A_685, %mul3A_684 : i32
    %dma_start3A_687 = arith.constant 0 : i32
    %dma_start3A_688 = tpu.memref_slice %arg13[%dma_start3A_687] : memref<8192xf32, #tpu.memory_space<vmem>> -> memref<160xf32, #tpu.memory_space<vmem>>
    %dma_start3A_689 = tpu.memref_slice %arg21[%add3A_626] : memref<131072xf32, #tpu.memory_space<vmem_shared>> -> memref<160xf32, #tpu.memory_space<vmem_shared>>
    %dma_start3A_690 = arith.constant 0 : i32
    %dma_start3A_691 = tpu.memref_slice %arg13[%dma_start3A_690] : memref<8192xf32, #tpu.memory_space<vmem>> -> memref<160xf32, #tpu.memory_space<vmem>>
    %dma_start3A_692 = tpu.memref_slice %arg21[%add3A_626] : memref<131072xf32, #tpu.memory_space<vmem_shared>> -> memref<160xf32, #tpu.memory_space<vmem_shared>>
    tpu.enqueue_dma source(%dma_start3A_692 : memref<160xf32, #tpu.memory_space<vmem_shared>>) target(%dma_start3A_691 : memref<160xf32, #tpu.memory_space<vmem>>) target_semaphore(%arg22 : memref<!tpu.dma_semaphore, #tpu.memory_space<semaphore_mem>>)
    %dma_start3A_693 = arith.constant 512 : i32
    %dma_start3A_694 = tpu.memref_slice %arg13[%dma_start3A_693] : memref<8192xf32, #tpu.memory_space<vmem>> -> memref<160xf32, #tpu.memory_space<vmem>>
    %dma_start3A_695 = tpu.memref_slice %arg21[%add3A_630] : memref<131072xf32, #tpu.memory_space<vmem_shared>> -> memref<160xf32, #tpu.memory_space<vmem_shared>>
    %dma_start3A_696 = arith.constant 512 : i32
    %dma_start3A_697 = tpu.memref_slice %arg13[%dma_start3A_696] : memref<8192xf32, #tpu.memory_space<vmem>> -> memref<160xf32, #tpu.memory_space<vmem>>
    %dma_start3A_698 = tpu.memref_slice %arg21[%add3A_630] : memref<131072xf32, #tpu.memory_space<vmem_shared>> -> memref<160xf32, #tpu.memory_space<vmem_shared>>
    tpu.enqueue_dma source(%dma_start3A_698 : memref<160xf32, #tpu.memory_space<vmem_shared>>) target(%dma_start3A_697 : memref<160xf32, #tpu.memory_space<vmem>>) target_semaphore(%arg22 : memref<!tpu.dma_semaphore, #tpu.memory_space<semaphore_mem>>)
    %dma_start3A_699 = arith.constant 1024 : i32
    %dma_start3A_700 = tpu.memref_slice %arg13[%dma_start3A_699] : memref<8192xf32, #tpu.memory_space<vmem>> -> memref<160xf32, #tpu.memory_space<vmem>>
    %dma_start3A_701 = tpu.memref_slice %arg21[%add3A_634] : memref<131072xf32, #tpu.memory_space<vmem_shared>> -> memref<160xf32, #tpu.memory_space<vmem_shared>>
    %dma_start3A_702 = arith.constant 1024 : i32
    %dma_start3A_703 = tpu.memref_slice %arg13[%dma_start3A_702] : memref<8192xf32, #tpu.memory_space<vmem>> -> memref<160xf32, #tpu.memory_space<vmem>>
    %dma_start3A_704 = tpu.memref_slice %arg21[%add3A_634] : memref<131072xf32, #tpu.memory_space<vmem_shared>> -> memref<160xf32, #tpu.memory_space<vmem_shared>>
    tpu.enqueue_dma source(%dma_start3A_704 : memref<160xf32, #tpu.memory_space<vmem_shared>>) target(%dma_start3A_703 : memref<160xf32, #tpu.memory_space<vmem>>) target_semaphore(%arg22 : memref<!tpu.dma_semaphore, #tpu.memory_space<semaphore_mem>>)
    %dma_start3A_705 = arith.constant 1536 : i32
    %dma_start3A_706 = tpu.memref_slice %arg13[%dma_start3A_705] : memref<8192xf32, #tpu.memory_space<vmem>> -> memref<160xf32, #tpu.memory_space<vmem>>
    %dma_start3A_707 = tpu.memref_slice %arg21[%add3A_638] : memref<131072xf32, #tpu.memory_space<vmem_shared>> -> memref<160xf32, #tpu.memory_space<vmem_shared>>
    %dma_start3A_708 = arith.constant 1536 : i32
    %dma_start3A_709 = tpu.memref_slice %arg13[%dma_start3A_708] : memref<8192xf32, #tpu.memory_space<vmem>> -> memref<160xf32, #tpu.memory_space<vmem>>
    %dma_start3A_710 = tpu.memref_slice %arg21[%add3A_638] : memref<131072xf32, #tpu.memory_space<vmem_shared>> -> memref<160xf32, #tpu.memory_space<vmem_shared>>
    tpu.enqueue_dma source(%dma_start3A_710 : memref<160xf32, #tpu.memory_space<vmem_shared>>) target(%dma_start3A_709 : memref<160xf32, #tpu.memory_space<vmem>>) target_semaphore(%arg22 : memref<!tpu.dma_semaphore, #tpu.memory_space<semaphore_mem>>)
    %dma_start3A_711 = arith.constant 2048 : i32
    %dma_start3A_712 = tpu.memref_slice %arg13[%dma_start3A_711] : memref<8192xf32, #tpu.memory_space<vmem>> -> memref<160xf32, #tpu.memory_space<vmem>>
    %dma_start3A_713 = tpu.memref_slice %arg21[%add3A_642] : memref<131072xf32, #tpu.memory_space<vmem_shared>> -> memref<160xf32, #tpu.memory_space<vmem_shared>>
    %dma_start3A_714 = arith.constant 2048 : i32
    %dma_start3A_715 = tpu.memref_slice %arg13[%dma_start3A_714] : memref<8192xf32, #tpu.memory_space<vmem>> -> memref<160xf32, #tpu.memory_space<vmem>>
    %dma_start3A_716 = tpu.memref_slice %arg21[%add3A_642] : memref<131072xf32, #tpu.memory_space<vmem_shared>> -> memref<160xf32, #tpu.memory_space<vmem_shared>>
    tpu.enqueue_dma source(%dma_start3A_716 : memref<160xf32, #tpu.memory_space<vmem_shared>>) target(%dma_start3A_715 : memref<160xf32, #tpu.memory_space<vmem>>) target_semaphore(%arg22 : memref<!tpu.dma_semaphore, #tpu.memory_space<semaphore_mem>>)
    %dma_start3A_717 = arith.constant 2560 : i32
    %dma_start3A_718 = tpu.memref_slice %arg13[%dma_start3A_717] : memref<8192xf32, #tpu.memory_space<vmem>> -> memref<160xf32, #tpu.memory_space<vmem>>
    %dma_start3A_719 = tpu.memref_slice %arg21[%add3A_646] : memref<131072xf32, #tpu.memory_space<vmem_shared>> -> memref<160xf32, #tpu.memory_space<vmem_shared>>
    %dma_start3A_720 = arith.constant 2560 : i32
    %dma_start3A_721 = tpu.memref_slice %arg13[%dma_start3A_720] : memref<8192xf32, #tpu.memory_space<vmem>> -> memref<160xf32, #tpu.memory_space<vmem>>
    %dma_start3A_722 = tpu.memref_slice %arg21[%add3A_646] : memref<131072xf32, #tpu.memory_space<vmem_shared>> -> memref<160xf32, #tpu.memory_space<vmem_shared>>
    tpu.enqueue_dma source(%dma_start3A_722 : memref<160xf32, #tpu.memory_space<vmem_shared>>) target(%dma_start3A_721 : memref<160xf32, #tpu.memory_space<vmem>>) target_semaphore(%arg22 : memref<!tpu.dma_semaphore, #tpu.memory_space<semaphore_mem>>)
    %dma_start3A_723 = arith.constant 3072 : i32
    %dma_start3A_724 = tpu.memref_slice %arg13[%dma_start3A_723] : memref<8192xf32, #tpu.memory_space<vmem>> -> memref<160xf32, #tpu.memory_space<vmem>>
    %dma_start3A_725 = tpu.memref_slice %arg21[%add3A_650] : memref<131072xf32, #tpu.memory_space<vmem_shared>> -> memref<160xf32, #tpu.memory_space<vmem_shared>>
    %dma_start3A_726 = arith.constant 3072 : i32
    %dma_start3A_727 = tpu.memref_slice %arg13[%dma_start3A_726] : memref<8192xf32, #tpu.memory_space<vmem>> -> memref<160xf32, #tpu.memory_space<vmem>>
    %dma_start3A_728 = tpu.memref_slice %arg21[%add3A_650] : memref<131072xf32, #tpu.memory_space<vmem_shared>> -> memref<160xf32, #tpu.memory_space<vmem_shared>>
    tpu.enqueue_dma source(%dma_start3A_728 : memref<160xf32, #tpu.memory_space<vmem_shared>>) target(%dma_start3A_727 : memref<160xf32, #tpu.memory_space<vmem>>) target_semaphore(%arg22 : memref<!tpu.dma_semaphore, #tpu.memory_space<semaphore_mem>>)
    %dma_start3A_729 = arith.constant 3584 : i32
    %dma_start3A_730 = tpu.memref_slice %arg13[%dma_start3A_729] : memref<8192xf32, #tpu.memory_space<vmem>> -> memref<160xf32, #tpu.memory_space<vmem>>
    %dma_start3A_731 = tpu.memref_slice %arg21[%add3A_654] : memref<131072xf32, #tpu.memory_space<vmem_shared>> -> memref<160xf32, #tpu.memory_space<vmem_shared>>
    %dma_start3A_732 = arith.constant 3584 : i32
    %dma_start3A_733 = tpu.memref_slice %arg13[%dma_start3A_732] : memref<8192xf32, #tpu.memory_space<vmem>> -> memref<160xf32, #tpu.memory_space<vmem>>
    %dma_start3A_734 = tpu.memref_slice %arg21[%add3A_654] : memref<131072xf32, #tpu.memory_space<vmem_shared>> -> memref<160xf32, #tpu.memory_space<vmem_shared>>
    tpu.enqueue_dma source(%dma_start3A_734 : memref<160xf32, #tpu.memory_space<vmem_shared>>) target(%dma_start3A_733 : memref<160xf32, #tpu.memory_space<vmem>>) target_semaphore(%arg22 : memref<!tpu.dma_semaphore, #tpu.memory_space<semaphore_mem>>)
    %dma_start3A_735 = arith.constant 4096 : i32
    %dma_start3A_736 = tpu.memref_slice %arg13[%dma_start3A_735] : memref<8192xf32, #tpu.memory_space<vmem>> -> memref<160xf32, #tpu.memory_space<vmem>>
    %dma_start3A_737 = tpu.memref_slice %arg21[%add3A_658] : memref<131072xf32, #tpu.memory_space<vmem_shared>> -> memref<160xf32, #tpu.memory_space<vmem_shared>>
    %dma_start3A_738 = arith.constant 4096 : i32
    %dma_start3A_739 = tpu.memref_slice %arg13[%dma_start3A_738] : memref<8192xf32, #tpu.memory_space<vmem>> -> memref<160xf32, #tpu.memory_space<vmem>>
    %dma_start3A_740 = tpu.memref_slice %arg21[%add3A_658] : memref<131072xf32, #tpu.memory_space<vmem_shared>> -> memref<160xf32, #tpu.memory_space<vmem_shared>>
    tpu.enqueue_dma source(%dma_start3A_740 : memref<160xf32, #tpu.memory_space<vmem_shared>>) target(%dma_start3A_739 : memref<160xf32, #tpu.memory_space<vmem>>) target_semaphore(%arg22 : memref<!tpu.dma_semaphore, #tpu.memory_space<semaphore_mem>>)
    %dma_start3A_741 = arith.constant 4608 : i32
    %dma_start3A_742 = tpu.memref_slice %arg13[%dma_start3A_741] : memref<8192xf32, #tpu.memory_space<vmem>> -> memref<160xf32, #tpu.memory_space<vmem>>
    %dma_start3A_743 = tpu.memref_slice %arg21[%add3A_662] : memref<131072xf32, #tpu.memory_space<vmem_shared>> -> memref<160xf32, #tpu.memory_space<vmem_shared>>
    %dma_start3A_744 = arith.constant 4608 : i32
    %dma_start3A_745 = tpu.memref_slice %arg13[%dma_start3A_744] : memref<8192xf32, #tpu.memory_space<vmem>> -> memref<160xf32, #tpu.memory_space<vmem>>
    %dma_start3A_746 = tpu.memref_slice %arg21[%add3A_662] : memref<131072xf32, #tpu.memory_space<vmem_shared>> -> memref<160xf32, #tpu.memory_space<vmem_shared>>
    tpu.enqueue_dma source(%dma_start3A_746 : memref<160xf32, #tpu.memory_space<vmem_shared>>) target(%dma_start3A_745 : memref<160xf32, #tpu.memory_space<vmem>>) target_semaphore(%arg22 : memref<!tpu.dma_semaphore, #tpu.memory_space<semaphore_mem>>)
    %dma_start3A_747 = arith.constant 5120 : i32
    %dma_start3A_748 = tpu.memref_slice %arg13[%dma_start3A_747] : memref<8192xf32, #tpu.memory_space<vmem>> -> memref<160xf32, #tpu.memory_space<vmem>>
    %dma_start3A_749 = tpu.memref_slice %arg21[%add3A_666] : memref<131072xf32, #tpu.memory_space<vmem_shared>> -> memref<160xf32, #tpu.memory_space<vmem_shared>>
    %dma_start3A_750 = arith.constant 5120 : i32
    %dma_start3A_751 = tpu.memref_slice %arg13[%dma_start3A_750] : memref<8192xf32, #tpu.memory_space<vmem>> -> memref<160xf32, #tpu.memory_space<vmem>>
    %dma_start3A_752 = tpu.memref_slice %arg21[%add3A_666] : memref<131072xf32, #tpu.memory_space<vmem_shared>> -> memref<160xf32, #tpu.memory_space<vmem_shared>>
    tpu.enqueue_dma source(%dma_start3A_752 : memref<160xf32, #tpu.memory_space<vmem_shared>>) target(%dma_start3A_751 : memref<160xf32, #tpu.memory_space<vmem>>) target_semaphore(%arg22 : memref<!tpu.dma_semaphore, #tpu.memory_space<semaphore_mem>>)
    %dma_start3A_753 = arith.constant 5632 : i32
    %dma_start3A_754 = tpu.memref_slice %arg13[%dma_start3A_753] : memref<8192xf32, #tpu.memory_space<vmem>> -> memref<160xf32, #tpu.memory_space<vmem>>
    %dma_start3A_755 = tpu.memref_slice %arg21[%add3A_670] : memref<131072xf32, #tpu.memory_space<vmem_shared>> -> memref<160xf32, #tpu.memory_space<vmem_shared>>
    %dma_start3A_756 = arith.constant 5632 : i32
    %dma_start3A_757 = tpu.memref_slice %arg13[%dma_start3A_756] : memref<8192xf32, #tpu.memory_space<vmem>> -> memref<160xf32, #tpu.memory_space<vmem>>
    %dma_start3A_758 = tpu.memref_slice %arg21[%add3A_670] : memref<131072xf32, #tpu.memory_space<vmem_shared>> -> memref<160xf32, #tpu.memory_space<vmem_shared>>
    tpu.enqueue_dma source(%dma_start3A_758 : memref<160xf32, #tpu.memory_space<vmem_shared>>) target(%dma_start3A_757 : memref<160xf32, #tpu.memory_space<vmem>>) target_semaphore(%arg22 : memref<!tpu.dma_semaphore, #tpu.memory_space<semaphore_mem>>)
    %dma_start3A_759 = arith.constant 6144 : i32
    %dma_start3A_760 = tpu.memref_slice %arg13[%dma_start3A_759] : memref<8192xf32, #tpu.memory_space<vmem>> -> memref<160xf32, #tpu.memory_space<vmem>>
    %dma_start3A_761 = tpu.memref_slice %arg21[%add3A_674] : memref<131072xf32, #tpu.memory_space<vmem_shared>> -> memref<160xf32, #tpu.memory_space<vmem_shared>>
    %dma_start3A_762 = arith.constant 6144 : i32
    %dma_start3A_763 = tpu.memref_slice %arg13[%dma_start3A_762] : memref<8192xf32, #tpu.memory_space<vmem>> -> memref<160xf32, #tpu.memory_space<vmem>>
    %dma_start3A_764 = tpu.memref_slice %arg21[%add3A_674] : memref<131072xf32, #tpu.memory_space<vmem_shared>> -> memref<160xf32, #tpu.memory_space<vmem_shared>>
    tpu.enqueue_dma source(%dma_start3A_764 : memref<160xf32, #tpu.memory_space<vmem_shared>>) target(%dma_start3A_763 : memref<160xf32, #tpu.memory_space<vmem>>) target_semaphore(%arg22 : memref<!tpu.dma_semaphore, #tpu.memory_space<semaphore_mem>>)
    %dma_start3A_765 = arith.constant 6656 : i32
    %dma_start3A_766 = tpu.memref_slice %arg13[%dma_start3A_765] : memref<8192xf32, #tpu.memory_space<vmem>> -> memref<160xf32, #tpu.memory_space<vmem>>
    %dma_start3A_767 = tpu.memref_slice %arg21[%add3A_678] : memref<131072xf32, #tpu.memory_space<vmem_shared>> -> memref<160xf32, #tpu.memory_space<vmem_shared>>
    %dma_start3A_768 = arith.constant 6656 : i32
    %dma_start3A_769 = tpu.memref_slice %arg13[%dma_start3A_768] : memref<8192xf32, #tpu.memory_space<vmem>> -> memref<160xf32, #tpu.memory_space<vmem>>
    %dma_start3A_770 = tpu.memref_slice %arg21[%add3A_678] : memref<131072xf32, #tpu.memory_space<vmem_shared>> -> memref<160xf32, #tpu.memory_space<vmem_shared>>
    tpu.enqueue_dma source(%dma_start3A_770 : memref<160xf32, #tpu.memory_space<vmem_shared>>) target(%dma_start3A_769 : memref<160xf32, #tpu.memory_space<vmem>>) target_semaphore(%arg22 : memref<!tpu.dma_semaphore, #tpu.memory_space<semaphore_mem>>)
    %dma_start3A_771 = arith.constant 7168 : i32
    %dma_start3A_772 = tpu.memref_slice %arg13[%dma_start3A_771] : memref<8192xf32, #tpu.memory_space<vmem>> -> memref<160xf32, #tpu.memory_space<vmem>>
    %dma_start3A_773 = tpu.memref_slice %arg21[%add3A_682] : memref<131072xf32, #tpu.memory_space<vmem_shared>> -> memref<160xf32, #tpu.memory_space<vmem_shared>>
    %dma_start3A_774 = arith.constant 7168 : i32
    %dma_start3A_775 = tpu.memref_slice %arg13[%dma_start3A_774] : memref<8192xf32, #tpu.memory_space<vmem>> -> memref<160xf32, #tpu.memory_space<vmem>>
    %dma_start3A_776 = tpu.memref_slice %arg21[%add3A_682] : memref<131072xf32, #tpu.memory_space<vmem_shared>> -> memref<160xf32, #tpu.memory_space<vmem_shared>>
    tpu.enqueue_dma source(%dma_start3A_776 : memref<160xf32, #tpu.memory_space<vmem_shared>>) target(%dma_start3A_775 : memref<160xf32, #tpu.memory_space<vmem>>) target_semaphore(%arg22 : memref<!tpu.dma_semaphore, #tpu.memory_space<semaphore_mem>>)
    %dma_start3A_777 = arith.constant 7680 : i32
    %dma_start3A_778 = tpu.memref_slice %arg13[%dma_start3A_777] : memref<8192xf32, #tpu.memory_space<vmem>> -> memref<160xf32, #tpu.memory_space<vmem>>
    %dma_start3A_779 = tpu.memref_slice %arg21[%add3A_686] : memref<131072xf32, #tpu.memory_space<vmem_shared>> -> memref<160xf32, #tpu.memory_space<vmem_shared>>
    %dma_start3A_780 = arith.constant 7680 : i32
    %dma_start3A_781 = tpu.memref_slice %arg13[%dma_start3A_780] : memref<8192xf32, #tpu.memory_space<vmem>> -> memref<160xf32, #tpu.memory_space<vmem>>
    %dma_start3A_782 = tpu.memref_slice %arg21[%add3A_686] : memref<131072xf32, #tpu.memory_space<vmem_shared>> -> memref<160xf32, #tpu.memory_space<vmem_shared>>
    tpu.enqueue_dma source(%dma_start3A_782 : memref<160xf32, #tpu.memory_space<vmem_shared>>) target(%dma_start3A_781 : memref<160xf32, #tpu.memory_space<vmem>>) target_semaphore(%arg22 : memref<!tpu.dma_semaphore, #tpu.memory_space<semaphore_mem>>)
    %dma_wait3A_783 = arith.constant 0 : i32
    %dma_wait3A_784 = tpu.memref_slice %arg13[%dma_wait3A_783] : memref<8192xf32, #tpu.memory_space<vmem>> -> memref<160xf32, #tpu.memory_space<vmem>>
    %dma_wait3A_785 = tpu.memref_slice %arg21[%add3A_626] : memref<131072xf32, #tpu.memory_space<vmem_shared>> -> memref<160xf32, #tpu.memory_space<vmem_shared>>
    %dma_wait3A_786 = arith.constant 0 : i32
    %dma_wait3A_787 = tpu.memref_slice %arg13[%dma_wait3A_786] : memref<8192xf32, #tpu.memory_space<vmem>> -> memref<160xf32, #tpu.memory_space<vmem>>
    %dma_wait3A_788 = tpu.memref_slice %arg21[%add3A_626] : memref<131072xf32, #tpu.memory_space<vmem_shared>> -> memref<160xf32, #tpu.memory_space<vmem_shared>>
    tpu.wait_dma2 semaphore(%arg22 : memref<!tpu.dma_semaphore, #tpu.memory_space<semaphore_mem>>) src(%dma_wait3A_788 : memref<160xf32, #tpu.memory_space<vmem_shared>>) dst(%dma_wait3A_787 : memref<160xf32, #tpu.memory_space<vmem>>)
    %dma_wait3A_789 = arith.constant 512 : i32
    %dma_wait3A_790 = tpu.memref_slice %arg13[%dma_wait3A_789] : memref<8192xf32, #tpu.memory_space<vmem>> -> memref<160xf32, #tpu.memory_space<vmem>>
    %dma_wait3A_791 = tpu.memref_slice %arg21[%add3A_630] : memref<131072xf32, #tpu.memory_space<vmem_shared>> -> memref<160xf32, #tpu.memory_space<vmem_shared>>
    %dma_wait3A_792 = arith.constant 512 : i32
    %dma_wait3A_793 = tpu.memref_slice %arg13[%dma_wait3A_792] : memref<8192xf32, #tpu.memory_space<vmem>> -> memref<160xf32, #tpu.memory_space<vmem>>
    %dma_wait3A_794 = tpu.memref_slice %arg21[%add3A_630] : memref<131072xf32, #tpu.memory_space<vmem_shared>> -> memref<160xf32, #tpu.memory_space<vmem_shared>>
    tpu.wait_dma2 semaphore(%arg22 : memref<!tpu.dma_semaphore, #tpu.memory_space<semaphore_mem>>) src(%dma_wait3A_794 : memref<160xf32, #tpu.memory_space<vmem_shared>>) dst(%dma_wait3A_793 : memref<160xf32, #tpu.memory_space<vmem>>)
    %dma_wait3A_795 = arith.constant 1024 : i32
    %dma_wait3A_796 = tpu.memref_slice %arg13[%dma_wait3A_795] : memref<8192xf32, #tpu.memory_space<vmem>> -> memref<160xf32, #tpu.memory_space<vmem>>
    %dma_wait3A_797 = tpu.memref_slice %arg21[%add3A_634] : memref<131072xf32, #tpu.memory_space<vmem_shared>> -> memref<160xf32, #tpu.memory_space<vmem_shared>>
    %dma_wait3A_798 = arith.constant 1024 : i32
    %dma_wait3A_799 = tpu.memref_slice %arg13[%dma_wait3A_798] : memref<8192xf32, #tpu.memory_space<vmem>> -> memref<160xf32, #tpu.memory_space<vmem>>
    %dma_wait3A_800 = tpu.memref_slice %arg21[%add3A_634] : memref<131072xf32, #tpu.memory_space<vmem_shared>> -> memref<160xf32, #tpu.memory_space<vmem_shared>>
    tpu.wait_dma2 semaphore(%arg22 : memref<!tpu.dma_semaphore, #tpu.memory_space<semaphore_mem>>) src(%dma_wait3A_800 : memref<160xf32, #tpu.memory_space<vmem_shared>>) dst(%dma_wait3A_799 : memref<160xf32, #tpu.memory_space<vmem>>)
    %dma_wait3A_801 = arith.constant 1536 : i32
    %dma_wait3A_802 = tpu.memref_slice %arg13[%dma_wait3A_801] : memref<8192xf32, #tpu.memory_space<vmem>> -> memref<160xf32, #tpu.memory_space<vmem>>
    %dma_wait3A_803 = tpu.memref_slice %arg21[%add3A_638] : memref<131072xf32, #tpu.memory_space<vmem_shared>> -> memref<160xf32, #tpu.memory_space<vmem_shared>>
    %dma_wait3A_804 = arith.constant 1536 : i32
    %dma_wait3A_805 = tpu.memref_slice %arg13[%dma_wait3A_804] : memref<8192xf32, #tpu.memory_space<vmem>> -> memref<160xf32, #tpu.memory_space<vmem>>
    %dma_wait3A_806 = tpu.memref_slice %arg21[%add3A_638] : memref<131072xf32, #tpu.memory_space<vmem_shared>> -> memref<160xf32, #tpu.memory_space<vmem_shared>>
    tpu.wait_dma2 semaphore(%arg22 : memref<!tpu.dma_semaphore, #tpu.memory_space<semaphore_mem>>) src(%dma_wait3A_806 : memref<160xf32, #tpu.memory_space<vmem_shared>>) dst(%dma_wait3A_805 : memref<160xf32, #tpu.memory_space<vmem>>)
    %dma_wait3A_807 = arith.constant 2048 : i32
    %dma_wait3A_808 = tpu.memref_slice %arg13[%dma_wait3A_807] : memref<8192xf32, #tpu.memory_space<vmem>> -> memref<160xf32, #tpu.memory_space<vmem>>
    %dma_wait3A_809 = tpu.memref_slice %arg21[%add3A_642] : memref<131072xf32, #tpu.memory_space<vmem_shared>> -> memref<160xf32, #tpu.memory_space<vmem_shared>>
    %dma_wait3A_810 = arith.constant 2048 : i32
    %dma_wait3A_811 = tpu.memref_slice %arg13[%dma_wait3A_810] : memref<8192xf32, #tpu.memory_space<vmem>> -> memref<160xf32, #tpu.memory_space<vmem>>
    %dma_wait3A_812 = tpu.memref_slice %arg21[%add3A_642] : memref<131072xf32, #tpu.memory_space<vmem_shared>> -> memref<160xf32, #tpu.memory_space<vmem_shared>>
    tpu.wait_dma2 semaphore(%arg22 : memref<!tpu.dma_semaphore, #tpu.memory_space<semaphore_mem>>) src(%dma_wait3A_812 : memref<160xf32, #tpu.memory_space<vmem_shared>>) dst(%dma_wait3A_811 : memref<160xf32, #tpu.memory_space<vmem>>)
    %dma_wait3A_813 = arith.constant 2560 : i32
    %dma_wait3A_814 = tpu.memref_slice %arg13[%dma_wait3A_813] : memref<8192xf32, #tpu.memory_space<vmem>> -> memref<160xf32, #tpu.memory_space<vmem>>
    %dma_wait3A_815 = tpu.memref_slice %arg21[%add3A_646] : memref<131072xf32, #tpu.memory_space<vmem_shared>> -> memref<160xf32, #tpu.memory_space<vmem_shared>>
    %dma_wait3A_816 = arith.constant 2560 : i32
    %dma_wait3A_817 = tpu.memref_slice %arg13[%dma_wait3A_816] : memref<8192xf32, #tpu.memory_space<vmem>> -> memref<160xf32, #tpu.memory_space<vmem>>
    %dma_wait3A_818 = tpu.memref_slice %arg21[%add3A_646] : memref<131072xf32, #tpu.memory_space<vmem_shared>> -> memref<160xf32, #tpu.memory_space<vmem_shared>>
    tpu.wait_dma2 semaphore(%arg22 : memref<!tpu.dma_semaphore, #tpu.memory_space<semaphore_mem>>) src(%dma_wait3A_818 : memref<160xf32, #tpu.memory_space<vmem_shared>>) dst(%dma_wait3A_817 : memref<160xf32, #tpu.memory_space<vmem>>)
    %dma_wait3A_819 = arith.constant 3072 : i32
    %dma_wait3A_820 = tpu.memref_slice %arg13[%dma_wait3A_819] : memref<8192xf32, #tpu.memory_space<vmem>> -> memref<160xf32, #tpu.memory_space<vmem>>
    %dma_wait3A_821 = tpu.memref_slice %arg21[%add3A_650] : memref<131072xf32, #tpu.memory_space<vmem_shared>> -> memref<160xf32, #tpu.memory_space<vmem_shared>>
    %dma_wait3A_822 = arith.constant 3072 : i32
    %dma_wait3A_823 = tpu.memref_slice %arg13[%dma_wait3A_822] : memref<8192xf32, #tpu.memory_space<vmem>> -> memref<160xf32, #tpu.memory_space<vmem>>
    %dma_wait3A_824 = tpu.memref_slice %arg21[%add3A_650] : memref<131072xf32, #tpu.memory_space<vmem_shared>> -> memref<160xf32, #tpu.memory_space<vmem_shared>>
    tpu.wait_dma2 semaphore(%arg22 : memref<!tpu.dma_semaphore, #tpu.memory_space<semaphore_mem>>) src(%dma_wait3A_824 : memref<160xf32, #tpu.memory_space<vmem_shared>>) dst(%dma_wait3A_823 : memref<160xf32, #tpu.memory_space<vmem>>)
    %dma_wait3A_825 = arith.constant 3584 : i32
    %dma_wait3A_826 = tpu.memref_slice %arg13[%dma_wait3A_825] : memref<8192xf32, #tpu.memory_space<vmem>> -> memref<160xf32, #tpu.memory_space<vmem>>
    %dma_wait3A_827 = tpu.memref_slice %arg21[%add3A_654] : memref<131072xf32, #tpu.memory_space<vmem_shared>> -> memref<160xf32, #tpu.memory_space<vmem_shared>>
    %dma_wait3A_828 = arith.constant 3584 : i32
    %dma_wait3A_829 = tpu.memref_slice %arg13[%dma_wait3A_828] : memref<8192xf32, #tpu.memory_space<vmem>> -> memref<160xf32, #tpu.memory_space<vmem>>
    %dma_wait3A_830 = tpu.memref_slice %arg21[%add3A_654] : memref<131072xf32, #tpu.memory_space<vmem_shared>> -> memref<160xf32, #tpu.memory_space<vmem_shared>>
    tpu.wait_dma2 semaphore(%arg22 : memref<!tpu.dma_semaphore, #tpu.memory_space<semaphore_mem>>) src(%dma_wait3A_830 : memref<160xf32, #tpu.memory_space<vmem_shared>>) dst(%dma_wait3A_829 : memref<160xf32, #tpu.memory_space<vmem>>)
    %dma_wait3A_831 = arith.constant 4096 : i32
    %dma_wait3A_832 = tpu.memref_slice %arg13[%dma_wait3A_831] : memref<8192xf32, #tpu.memory_space<vmem>> -> memref<160xf32, #tpu.memory_space<vmem>>
    %dma_wait3A_833 = tpu.memref_slice %arg21[%add3A_658] : memref<131072xf32, #tpu.memory_space<vmem_shared>> -> memref<160xf32, #tpu.memory_space<vmem_shared>>
    %dma_wait3A_834 = arith.constant 4096 : i32
    %dma_wait3A_835 = tpu.memref_slice %arg13[%dma_wait3A_834] : memref<8192xf32, #tpu.memory_space<vmem>> -> memref<160xf32, #tpu.memory_space<vmem>>
    %dma_wait3A_836 = tpu.memref_slice %arg21[%add3A_658] : memref<131072xf32, #tpu.memory_space<vmem_shared>> -> memref<160xf32, #tpu.memory_space<vmem_shared>>
    tpu.wait_dma2 semaphore(%arg22 : memref<!tpu.dma_semaphore, #tpu.memory_space<semaphore_mem>>) src(%dma_wait3A_836 : memref<160xf32, #tpu.memory_space<vmem_shared>>) dst(%dma_wait3A_835 : memref<160xf32, #tpu.memory_space<vmem>>)
    %dma_wait3A_837 = arith.constant 4608 : i32
    %dma_wait3A_838 = tpu.memref_slice %arg13[%dma_wait3A_837] : memref<8192xf32, #tpu.memory_space<vmem>> -> memref<160xf32, #tpu.memory_space<vmem>>
    %dma_wait3A_839 = tpu.memref_slice %arg21[%add3A_662] : memref<131072xf32, #tpu.memory_space<vmem_shared>> -> memref<160xf32, #tpu.memory_space<vmem_shared>>
    %dma_wait3A_840 = arith.constant 4608 : i32
    %dma_wait3A_841 = tpu.memref_slice %arg13[%dma_wait3A_840] : memref<8192xf32, #tpu.memory_space<vmem>> -> memref<160xf32, #tpu.memory_space<vmem>>
    %dma_wait3A_842 = tpu.memref_slice %arg21[%add3A_662] : memref<131072xf32, #tpu.memory_space<vmem_shared>> -> memref<160xf32, #tpu.memory_space<vmem_shared>>
    tpu.wait_dma2 semaphore(%arg22 : memref<!tpu.dma_semaphore, #tpu.memory_space<semaphore_mem>>) src(%dma_wait3A_842 : memref<160xf32, #tpu.memory_space<vmem_shared>>) dst(%dma_wait3A_841 : memref<160xf32, #tpu.memory_space<vmem>>)
    %dma_wait3A_843 = arith.constant 5120 : i32
    %dma_wait3A_844 = tpu.memref_slice %arg13[%dma_wait3A_843] : memref<8192xf32, #tpu.memory_space<vmem>> -> memref<160xf32, #tpu.memory_space<vmem>>
    %dma_wait3A_845 = tpu.memref_slice %arg21[%add3A_666] : memref<131072xf32, #tpu.memory_space<vmem_shared>> -> memref<160xf32, #tpu.memory_space<vmem_shared>>
    %dma_wait3A_846 = arith.constant 5120 : i32
    %dma_wait3A_847 = tpu.memref_slice %arg13[%dma_wait3A_846] : memref<8192xf32, #tpu.memory_space<vmem>> -> memref<160xf32, #tpu.memory_space<vmem>>
    %dma_wait3A_848 = tpu.memref_slice %arg21[%add3A_666] : memref<131072xf32, #tpu.memory_space<vmem_shared>> -> memref<160xf32, #tpu.memory_space<vmem_shared>>
    tpu.wait_dma2 semaphore(%arg22 : memref<!tpu.dma_semaphore, #tpu.memory_space<semaphore_mem>>) src(%dma_wait3A_848 : memref<160xf32, #tpu.memory_space<vmem_shared>>) dst(%dma_wait3A_847 : memref<160xf32, #tpu.memory_space<vmem>>)
    %dma_wait3A_849 = arith.constant 5632 : i32
    %dma_wait3A_850 = tpu.memref_slice %arg13[%dma_wait3A_849] : memref<8192xf32, #tpu.memory_space<vmem>> -> memref<160xf32, #tpu.memory_space<vmem>>
    %dma_wait3A_851 = tpu.memref_slice %arg21[%add3A_670] : memref<131072xf32, #tpu.memory_space<vmem_shared>> -> memref<160xf32, #tpu.memory_space<vmem_shared>>
    %dma_wait3A_852 = arith.constant 5632 : i32
    %dma_wait3A_853 = tpu.memref_slice %arg13[%dma_wait3A_852] : memref<8192xf32, #tpu.memory_space<vmem>> -> memref<160xf32, #tpu.memory_space<vmem>>
    %dma_wait3A_854 = tpu.memref_slice %arg21[%add3A_670] : memref<131072xf32, #tpu.memory_space<vmem_shared>> -> memref<160xf32, #tpu.memory_space<vmem_shared>>
    tpu.wait_dma2 semaphore(%arg22 : memref<!tpu.dma_semaphore, #tpu.memory_space<semaphore_mem>>) src(%dma_wait3A_854 : memref<160xf32, #tpu.memory_space<vmem_shared>>) dst(%dma_wait3A_853 : memref<160xf32, #tpu.memory_space<vmem>>)
    %dma_wait3A_855 = arith.constant 6144 : i32
    %dma_wait3A_856 = tpu.memref_slice %arg13[%dma_wait3A_855] : memref<8192xf32, #tpu.memory_space<vmem>> -> memref<160xf32, #tpu.memory_space<vmem>>
    %dma_wait3A_857 = tpu.memref_slice %arg21[%add3A_674] : memref<131072xf32, #tpu.memory_space<vmem_shared>> -> memref<160xf32, #tpu.memory_space<vmem_shared>>
    %dma_wait3A_858 = arith.constant 6144 : i32
    %dma_wait3A_859 = tpu.memref_slice %arg13[%dma_wait3A_858] : memref<8192xf32, #tpu.memory_space<vmem>> -> memref<160xf32, #tpu.memory_space<vmem>>
    %dma_wait3A_860 = tpu.memref_slice %arg21[%add3A_674] : memref<131072xf32, #tpu.memory_space<vmem_shared>> -> memref<160xf32, #tpu.memory_space<vmem_shared>>
    tpu.wait_dma2 semaphore(%arg22 : memref<!tpu.dma_semaphore, #tpu.memory_space<semaphore_mem>>) src(%dma_wait3A_860 : memref<160xf32, #tpu.memory_space<vmem_shared>>) dst(%dma_wait3A_859 : memref<160xf32, #tpu.memory_space<vmem>>)
    %dma_wait3A_861 = arith.constant 6656 : i32
    %dma_wait3A_862 = tpu.memref_slice %arg13[%dma_wait3A_861] : memref<8192xf32, #tpu.memory_space<vmem>> -> memref<160xf32, #tpu.memory_space<vmem>>
    %dma_wait3A_863 = tpu.memref_slice %arg21[%add3A_678] : memref<131072xf32, #tpu.memory_space<vmem_shared>> -> memref<160xf32, #tpu.memory_space<vmem_shared>>
    %dma_wait3A_864 = arith.constant 6656 : i32
    %dma_wait3A_865 = tpu.memref_slice %arg13[%dma_wait3A_864] : memref<8192xf32, #tpu.memory_space<vmem>> -> memref<160xf32, #tpu.memory_space<vmem>>
    %dma_wait3A_866 = tpu.memref_slice %arg21[%add3A_678] : memref<131072xf32, #tpu.memory_space<vmem_shared>> -> memref<160xf32, #tpu.memory_space<vmem_shared>>
    tpu.wait_dma2 semaphore(%arg22 : memref<!tpu.dma_semaphore, #tpu.memory_space<semaphore_mem>>) src(%dma_wait3A_866 : memref<160xf32, #tpu.memory_space<vmem_shared>>) dst(%dma_wait3A_865 : memref<160xf32, #tpu.memory_space<vmem>>)
    %dma_wait3A_867 = arith.constant 7168 : i32
    %dma_wait3A_868 = tpu.memref_slice %arg13[%dma_wait3A_867] : memref<8192xf32, #tpu.memory_space<vmem>> -> memref<160xf32, #tpu.memory_space<vmem>>
    %dma_wait3A_869 = tpu.memref_slice %arg21[%add3A_682] : memref<131072xf32, #tpu.memory_space<vmem_shared>> -> memref<160xf32, #tpu.memory_space<vmem_shared>>
    %dma_wait3A_870 = arith.constant 7168 : i32
    %dma_wait3A_871 = tpu.memref_slice %arg13[%dma_wait3A_870] : memref<8192xf32, #tpu.memory_space<vmem>> -> memref<160xf32, #tpu.memory_space<vmem>>
    %dma_wait3A_872 = tpu.memref_slice %arg21[%add3A_682] : memref<131072xf32, #tpu.memory_space<vmem_shared>> -> memref<160xf32, #tpu.memory_space<vmem_shared>>
    tpu.wait_dma2 semaphore(%arg22 : memref<!tpu.dma_semaphore, #tpu.memory_space<semaphore_mem>>) src(%dma_wait3A_872 : memref<160xf32, #tpu.memory_space<vmem_shared>>) dst(%dma_wait3A_871 : memref<160xf32, #tpu.memory_space<vmem>>)
    %dma_wait3A_873 = arith.constant 7680 : i32
    %dma_wait3A_874 = tpu.memref_slice %arg13[%dma_wait3A_873] : memref<8192xf32, #tpu.memory_space<vmem>> -> memref<160xf32, #tpu.memory_space<vmem>>
    %dma_wait3A_875 = tpu.memref_slice %arg21[%add3A_686] : memref<131072xf32, #tpu.memory_space<vmem_shared>> -> memref<160xf32, #tpu.memory_space<vmem_shared>>
    %dma_wait3A_876 = arith.constant 7680 : i32
    %dma_wait3A_877 = tpu.memref_slice %arg13[%dma_wait3A_876] : memref<8192xf32, #tpu.memory_space<vmem>> -> memref<160xf32, #tpu.memory_space<vmem>>
    %dma_wait3A_878 = tpu.memref_slice %arg21[%add3A_686] : memref<131072xf32, #tpu.memory_space<vmem_shared>> -> memref<160xf32, #tpu.memory_space<vmem_shared>>
    tpu.wait_dma2 semaphore(%arg22 : memref<!tpu.dma_semaphore, #tpu.memory_space<semaphore_mem>>) src(%dma_wait3A_878 : memref<160xf32, #tpu.memory_space<vmem_shared>>) dst(%dma_wait3A_877 : memref<160xf32, #tpu.memory_space<vmem>>)
    %barrier3A_879 = arith.constant 0 : index
    tpu.barrier barrier_id(%barrier3A_879)
    %scan3A_880 = arith.constant 0 : i32
    %scan3A_881 = arith.constant 0 : i32
    %scan3A_882 = arith.constant 10 : i32
    %scan3A_883 = arith.addi %scan3A_881, %scan3A_882 : i32
    %scan3A_884 = arith.constant 1 : i32
    %scan3A_885 = scf.for %scan3A_1200 = %scan3A_881 to %scan3A_883 step %scan3A_884 iter_args(%scan3A_1201 = %scan3A_880) -> (i32)  : i32 {
      %mul3A_1202 = arith.constant 16 : i32
      %mul3A_1203 = arith.muli %scan3A_1200, %mul3A_1202 : i32
      %get3A = arith.index_cast %mul3A_1203 : i32 to index
      %get3A_1204 = tpu.vector_load %arg13[%get3A] {strides = array<i32>} : memref<8192xf32, #tpu.memory_space<vmem>>, vector<16xf32>,
      %get3A_1205 = vector.shape_cast %get3A_1204 : vector<16xf32> to vector<16xf32>
      %mul3A_1206 = arith.constant 16 : i32
      %mul3A_1207 = arith.muli %scan3A_1200, %mul3A_1206 : i32
      %add3A_1208 = arith.constant 512 : i32
      %add3A_1209 = arith.addi %add3A_1208, %mul3A_1207 : i32
      %get3A_1210 = arith.index_cast %add3A_1209 : i32 to index
      %get3A_1211 = tpu.vector_load %arg13[%get3A_1210] {strides = array<i32>} : memref<8192xf32, #tpu.memory_space<vmem>>, vector<16xf32>,
      %get3A_1212 = vector.shape_cast %get3A_1211 : vector<16xf32> to vector<16xf32>
      %add3A_1213 = arith.addf %get3A_1205, %get3A_1212 : vector<16xf32>
      %mul3A_1214 = arith.constant 16 : i32
      %mul3A_1215 = arith.muli %scan3A_1200, %mul3A_1214 : i32
      %add3A_1216 = arith.constant 1024 : i32
      %add3A_1217 = arith.addi %add3A_1216, %mul3A_1215 : i32
      %get3A_1218 = arith.index_cast %add3A_1217 : i32 to index
      %get3A_1219 = tpu.vector_load %arg13[%get3A_1218] {strides = array<i32>} : memref<8192xf32, #tpu.memory_space<vmem>>, vector<16xf32>,
      %get3A_1220 = vector.shape_cast %get3A_1219 : vector<16xf32> to vector<16xf32>
      %add3A_1221 = arith.addf %add3A_1213, %get3A_1220 : vector<16xf32>
      %mul3A_1222 = arith.constant 16 : i32
      %mul3A_1223 = arith.muli %scan3A_1200, %mul3A_1222 : i32
      %add3A_1224 = arith.constant 1536 : i32
      %add3A_1225 = arith.addi %add3A_1224, %mul3A_1223 : i32
      %get3A_1226 = arith.index_cast %add3A_1225 : i32 to index
      %get3A_1227 = tpu.vector_load %arg13[%get3A_1226] {strides = array<i32>} : memref<8192xf32, #tpu.memory_space<vmem>>, vector<16xf32>,
      %get3A_1228 = vector.shape_cast %get3A_1227 : vector<16xf32> to vector<16xf32>
      %add3A_1229 = arith.addf %add3A_1221, %get3A_1228 : vector<16xf32>
      %mul3A_1230 = arith.constant 16 : i32
      %mul3A_1231 = arith.muli %scan3A_1200, %mul3A_1230 : i32
      %add3A_1232 = arith.constant 2048 : i32
      %add3A_1233 = arith.addi %add3A_1232, %mul3A_1231 : i32
      %get3A_1234 = arith.index_cast %add3A_1233 : i32 to index
      %get3A_1235 = tpu.vector_load %arg13[%get3A_1234] {strides = array<i32>} : memref<8192xf32, #tpu.memory_space<vmem>>, vector<16xf32>,
      %get3A_1236 = vector.shape_cast %get3A_1235 : vector<16xf32> to vector<16xf32>
      %add3A_1237 = arith.addf %add3A_1229, %get3A_1236 : vector<16xf32>
      %mul3A_1238 = arith.constant 16 : i32
      %mul3A_1239 = arith.muli %scan3A_1200, %mul3A_1238 : i32
      %add3A_1240 = arith.constant 2560 : i32
      %add3A_1241 = arith.addi %add3A_1240, %mul3A_1239 : i32
      %get3A_1242 = arith.index_cast %add3A_1241 : i32 to index
      %get3A_1243 = tpu.vector_load %arg13[%get3A_1242] {strides = array<i32>} : memref<8192xf32, #tpu.memory_space<vmem>>, vector<16xf32>,
      %get3A_1244 = vector.shape_cast %get3A_1243 : vector<16xf32> to vector<16xf32>
      %add3A_1245 = arith.addf %add3A_1237, %get3A_1244 : vector<16xf32>
      %mul3A_1246 = arith.constant 16 : i32
      %mul3A_1247 = arith.muli %scan3A_1200, %mul3A_1246 : i32
      %add3A_1248 = arith.constant 3072 : i32
      %add3A_1249 = arith.addi %add3A_1248, %mul3A_1247 : i32
      %get3A_1250 = arith.index_cast %add3A_1249 : i32 to index
      %get3A_1251 = tpu.vector_load %arg13[%get3A_1250] {strides = array<i32>} : memref<8192xf32, #tpu.memory_space<vmem>>, vector<16xf32>,
      %get3A_1252 = vector.shape_cast %get3A_1251 : vector<16xf32> to vector<16xf32>
      %add3A_1253 = arith.addf %add3A_1245, %get3A_1252 : vector<16xf32>
      %mul3A_1254 = arith.constant 16 : i32
      %mul3A_1255 = arith.muli %scan3A_1200, %mul3A_1254 : i32
      %add3A_1256 = arith.constant 3584 : i32
      %add3A_1257 = arith.addi %add3A_1256, %mul3A_1255 : i32
      %get3A_1258 = arith.index_cast %add3A_1257 : i32 to index
      %get3A_1259 = tpu.vector_load %arg13[%get3A_1258] {strides = array<i32>} : memref<8192xf32, #tpu.memory_space<vmem>>, vector<16xf32>,
      %get3A_1260 = vector.shape_cast %get3A_1259 : vector<16xf32> to vector<16xf32>
      %add3A_1261 = arith.addf %add3A_1253, %get3A_1260 : vector<16xf32>
      %mul3A_1262 = arith.constant 16 : i32
      %mul3A_1263 = arith.muli %scan3A_1200, %mul3A_1262 : i32
      %add3A_1264 = arith.constant 4096 : i32
      %add3A_1265 = arith.addi %add3A_1264, %mul3A_1263 : i32
      %get3A_1266 = arith.index_cast %add3A_1265 : i32 to index
      %get3A_1267 = tpu.vector_load %arg13[%get3A_1266] {strides = array<i32>} : memref<8192xf32, #tpu.memory_space<vmem>>, vector<16xf32>,
      %get3A_1268 = vector.shape_cast %get3A_1267 : vector<16xf32> to vector<16xf32>
      %add3A_1269 = arith.addf %add3A_1261, %get3A_1268 : vector<16xf32>
      %mul3A_1270 = arith.constant 16 : i32
      %mul3A_1271 = arith.muli %scan3A_1200, %mul3A_1270 : i32
      %add3A_1272 = arith.constant 4608 : i32
      %add3A_1273 = arith.addi %add3A_1272, %mul3A_1271 : i32
      %get3A_1274 = arith.index_cast %add3A_1273 : i32 to index
      %get3A_1275 = tpu.vector_load %arg13[%get3A_1274] {strides = array<i32>} : memref<8192xf32, #tpu.memory_space<vmem>>, vector<16xf32>,
      %get3A_1276 = vector.shape_cast %get3A_1275 : vector<16xf32> to vector<16xf32>
      %add3A_1277 = arith.addf %add3A_1269, %get3A_1276 : vector<16xf32>
      %mul3A_1278 = arith.constant 16 : i32
      %mul3A_1279 = arith.muli %scan3A_1200, %mul3A_1278 : i32
      %add3A_1280 = arith.constant 5120 : i32
      %add3A_1281 = arith.addi %add3A_1280, %mul3A_1279 : i32
      %get3A_1282 = arith.index_cast %add3A_1281 : i32 to index
      %get3A_1283 = tpu.vector_load %arg13[%get3A_1282] {strides = array<i32>} : memref<8192xf32, #tpu.memory_space<vmem>>, vector<16xf32>,
      %get3A_1284 = vector.shape_cast %get3A_1283 : vector<16xf32> to vector<16xf32>
      %add3A_1285 = arith.addf %add3A_1277, %get3A_1284 : vector<16xf32>
      %mul3A_1286 = arith.constant 16 : i32
      %mul3A_1287 = arith.muli %scan3A_1200, %mul3A_1286 : i32
      %add3A_1288 = arith.constant 5632 : i32
      %add3A_1289 = arith.addi %add3A_1288, %mul3A_1287 : i32
      %get3A_1290 = arith.index_cast %add3A_1289 : i32 to index
      %get3A_1291 = tpu.vector_load %arg13[%get3A_1290] {strides = array<i32>} : memref<8192xf32, #tpu.memory_space<vmem>>, vector<16xf32>,
      %get3A_1292 = vector.shape_cast %get3A_1291 : vector<16xf32> to vector<16xf32>
      %add3A_1293 = arith.addf %add3A_1285, %get3A_1292 : vector<16xf32>
      %mul3A_1294 = arith.constant 16 : i32
      %mul3A_1295 = arith.muli %scan3A_1200, %mul3A_1294 : i32
      %add3A_1296 = arith.constant 6144 : i32
      %add3A_1297 = arith.addi %add3A_1296, %mul3A_1295 : i32
      %get3A_1298 = arith.index_cast %add3A_1297 : i32 to index
      %get3A_1299 = tpu.vector_load %arg13[%get3A_1298] {strides = array<i32>} : memref<8192xf32, #tpu.memory_space<vmem>>, vector<16xf32>,
      %get3A_1300 = vector.shape_cast %get3A_1299 : vector<16xf32> to vector<16xf32>
      %add3A_1301 = arith.addf %add3A_1293, %get3A_1300 : vector<16xf32>
      %mul3A_1302 = arith.constant 16 : i32
      %mul3A_1303 = arith.muli %scan3A_1200, %mul3A_1302 : i32
      %add3A_1304 = arith.constant 6656 : i32
      %add3A_1305 = arith.addi %add3A_1304, %mul3A_1303 : i32
      %get3A_1306 = arith.index_cast %add3A_1305 : i32 to index
      %get3A_1307 = tpu.vector_load %arg13[%get3A_1306] {strides = array<i32>} : memref<8192xf32, #tpu.memory_space<vmem>>, vector<16xf32>,
      %get3A_1308 = vector.shape_cast %get3A_1307 : vector<16xf32> to vector<16xf32>
      %add3A_1309 = arith.addf %add3A_1301, %get3A_1308 : vector<16xf32>
      %mul3A_1310 = arith.constant 16 : i32
      %mul3A_1311 = arith.muli %scan3A_1200, %mul3A_1310 : i32
      %add3A_1312 = arith.constant 7168 : i32
      %add3A_1313 = arith.addi %add3A_1312, %mul3A_1311 : i32
      %get3A_1314 = arith.index_cast %add3A_1313 : i32 to index
      %get3A_1315 = tpu.vector_load %arg13[%get3A_1314] {strides = array<i32>} : memref<8192xf32, #tpu.memory_space<vmem>>, vector<16xf32>,
      %get3A_1316 = vector.shape_cast %get3A_1315 : vector<16xf32> to vector<16xf32>
      %add3A_1317 = arith.addf %add3A_1309, %get3A_1316 : vector<16xf32>
      %mul3A_1318 = arith.constant 16 : i32
      %mul3A_1319 = arith.muli %scan3A_1200, %mul3A_1318 : i32
      %add3A_1320 = arith.constant 7680 : i32
      %add3A_1321 = arith.addi %add3A_1320, %mul3A_1319 : i32
      %get3A_1322 = arith.index_cast %add3A_1321 : i32 to index
      %get3A_1323 = tpu.vector_load %arg13[%get3A_1322] {strides = array<i32>} : memref<8192xf32, #tpu.memory_space<vmem>>, vector<16xf32>,
      %get3A_1324 = vector.shape_cast %get3A_1323 : vector<16xf32> to vector<16xf32>
      %add3A_1325 = arith.addf %add3A_1317, %get3A_1324 : vector<16xf32>
      %mul3A_1326 = arith.constant 16 : i32
      %mul3A_1327 = arith.muli %scan3A_1200, %mul3A_1326 : i32
      %swap3A = arith.index_cast %mul3A_1327 : i32 to index
      %swap3A_1328 = tpu.vector_load %arg14[%swap3A] {strides = array<i32>} : memref<512xf32, #tpu.memory_space<vmem>>, vector<16xf32>,
      %swap3A_1329 = vector.shape_cast %swap3A_1328 : vector<16xf32> to vector<16xf32>
      %swap3A_1330 = vector.shape_cast %add3A_1325 : vector<16xf32> to vector<16xf32>
      tpu.vector_store %arg14[%swap3A], %swap3A_1330 {strides = array<i32>} : memref<512xf32, #tpu.memory_space<vmem>>, vector<16xf32>,
      %scan3A_1331 = arith.constant 0 : i32
      scf.yield %scan3A_1331 : i32
    }
    %scan3A_886 = arith.constant 10 : i32
    %scan3A_887 = arith.constant 0 : i32
    %scan3A_888 = arith.constant 0 : i32
    %scan3A_889 = arith.constant 10 : i32
    %scan3A_890 = arith.addi %scan3A_888, %scan3A_889 : i32
    %scan3A_891 = arith.constant 1 : i32
    %scan3A_892 = scf.for %scan3A_1200 = %scan3A_888 to %scan3A_890 step %scan3A_891 iter_args(%scan3A_1201 = %scan3A_887) -> (i32)  : i32 {
      %mul3A_1202 = arith.constant 16 : i32
      %mul3A_1203 = arith.muli %scan3A_1200, %mul3A_1202 : i32
      %get3A = arith.index_cast %mul3A_1203 : i32 to index
      %get3A_1204 = tpu.vector_load %arg14[%get3A] {strides = array<i32>} : memref<512xf32, #tpu.memory_space<vmem>>, vector<16xf32>,
      %get3A_1205 = vector.shape_cast %get3A_1204 : vector<16xf32> to vector<16xf32>
      %get3A_1206 = arith.index_cast %mul3A_1203 : i32 to index
      %get3A_1207 = tpu.vector_load %arg15[%get3A_1206] {strides = array<i32>} : memref<512xf32, #tpu.memory_space<vmem>>, vector<16xf32>,
      %get3A_1208 = vector.shape_cast %get3A_1207 : vector<16xf32> to vector<16xf32>
      %add3A_1209 = arith.addf %get3A_1205, %get3A_1208 : vector<16xf32>
      %get3A_1210 = arith.index_cast %mul3A_1203 : i32 to index
      %get3A_1211 = tpu.vector_load %arg16[%get3A_1210] {strides = array<i32>} : memref<512xf32, #tpu.memory_space<vmem>>, vector<16xf32>,
      %get3A_1212 = vector.shape_cast %get3A_1211 : vector<16xf32> to vector<16xf32>
      %get3A_1213 = arith.index_cast %mul3A_1203 : i32 to index
      %get3A_1214 = tpu.vector_load %arg17[%get3A_1213] {strides = array<i32>} : memref<512xf32, #tpu.memory_space<vmem>>, vector<16xf32>,
      %get3A_1215 = vector.shape_cast %get3A_1214 : vector<16xf32> to vector<16xf32>
      %mul3A_1216 = arith.constant 4.000000e-02 : f32
      %mul3A_1217 = vector.broadcast %mul3A_1216 : f32 to vector<16xf32>
      %mul3A_1218 = arith.mulf %mul3A_1217, %get3A_1212 : vector<16xf32>
      %mul3A_1219 = arith.mulf %mul3A_1218, %get3A_1212 : vector<16xf32>
      %mul3A_1220 = arith.constant 5.000000e+00 : f32
      %mul3A_1221 = vector.broadcast %mul3A_1220 : f32 to vector<16xf32>
      %mul3A_1222 = arith.mulf %mul3A_1221, %get3A_1212 : vector<16xf32>
      %add3A_1223 = arith.addf %mul3A_1219, %mul3A_1222 : vector<16xf32>
      %add3A_1224 = arith.constant 1.400000e+02 : f32
      %add3A_1225 = vector.broadcast %add3A_1224 : f32 to vector<16xf32>
      %add3A_1226 = arith.addf %add3A_1223, %add3A_1225 : vector<16xf32>
      %sub3A = arith.subf %add3A_1226, %get3A_1215 : vector<16xf32>
      %add3A_1227 = arith.addf %sub3A, %add3A_1209 : vector<16xf32>
      %mul3A_1228 = arith.constant 5.000000e-01 : f32
      %mul3A_1229 = vector.broadcast %mul3A_1228 : f32 to vector<16xf32>
      %mul3A_1230 = arith.mulf %add3A_1227, %mul3A_1229 : vector<16xf32>
      %add3A_1231 = arith.addf %get3A_1212, %mul3A_1230 : vector<16xf32>
      %jit3A = arith.constant -9.000000e+01 : f32
      %jit3A_1232 = arith.constant 4.000000e+01 : f32
      %max3A = vector.broadcast %jit3A : f32 to vector<16xf32>
      %max3A_1233 = arith.maximumf %max3A, %add3A_1231 : vector<16xf32>
      %min3A = vector.broadcast %jit3A_1232 : f32 to vector<16xf32>
      %min3A_1234 = arith.minimumf %min3A, %max3A_1233 : vector<16xf32>
      %mul3A_1235 = arith.constant 2.000000e-01 : f32
      %mul3A_1236 = vector.broadcast %mul3A_1235 : f32 to vector<16xf32>
      %mul3A_1237 = arith.mulf %mul3A_1236, %min3A_1234 : vector<16xf32>
      %sub3A_1238 = arith.subf %mul3A_1237, %get3A_1215 : vector<16xf32>
      %mul3A_1239 = arith.constant 2.000000e-02 : f32
      %mul3A_1240 = vector.broadcast %mul3A_1239 : f32 to vector<16xf32>
      %mul3A_1241 = arith.mulf %mul3A_1240, %sub3A_1238 : vector<16xf32>
      %mul3A_1242 = arith.constant 5.000000e-01 : f32
      %mul3A_1243 = vector.broadcast %mul3A_1242 : f32 to vector<16xf32>
      %mul3A_1244 = arith.mulf %mul3A_1241, %mul3A_1243 : vector<16xf32>
      %add3A_1245 = arith.addf %get3A_1215, %mul3A_1244 : vector<16xf32>
      %ge3A = arith.constant 3.000000e+01 : f32
      %ge3A_1246 = vector.broadcast %ge3A : f32 to vector<16xf32>
      %ge3A_1247 = arith.cmpf oge, %min3A_1234, %ge3A_1246 : vector<16xf32>
      %get3A_1248 = arith.index_cast %mul3A_1203 : i32 to index
      %get3A_1249 = tpu.vector_load %arg18[%get3A_1248] {strides = array<i32>} : memref<512xf32, #tpu.memory_space<vmem>>, vector<16xf32>,
      %get3A_1250 = vector.shape_cast %get3A_1249 : vector<16xf32> to vector<16xf32>
      %select_n3A = arith.select %ge3A_1247, %get3A_1250, %min3A_1234 : vector<16xi1>, vector<16xf32>
      %swap3A = arith.index_cast %mul3A_1203 : i32 to index
      %swap3A_1251 = tpu.vector_load %arg16[%swap3A] {strides = array<i32>} : memref<512xf32, #tpu.memory_space<vmem>>, vector<16xf32>,
      %swap3A_1252 = vector.shape_cast %swap3A_1251 : vector<16xf32> to vector<16xf32>
      %swap3A_1253 = vector.shape_cast %select_n3A : vector<16xf32> to vector<16xf32>
      tpu.vector_store %arg16[%swap3A], %swap3A_1253 {strides = array<i32>} : memref<512xf32, #tpu.memory_space<vmem>>, vector<16xf32>,
      %get3A_1254 = arith.index_cast %mul3A_1203 : i32 to index
      %get3A_1255 = tpu.vector_load %arg19[%get3A_1254] {strides = array<i32>} : memref<512xf32, #tpu.memory_space<vmem>>, vector<16xf32>,
      %get3A_1256 = vector.shape_cast %get3A_1255 : vector<16xf32> to vector<16xf32>
      %add3A_1257 = arith.addf %add3A_1245, %get3A_1256 : vector<16xf32>
      %select_n3A_1258 = arith.select %ge3A_1247, %add3A_1257, %add3A_1245 : vector<16xi1>, vector<16xf32>
      %swap3A_1259 = arith.index_cast %mul3A_1203 : i32 to index
      %swap3A_1260 = tpu.vector_load %arg17[%swap3A_1259] {strides = array<i32>} : memref<512xf32, #tpu.memory_space<vmem>>, vector<16xf32>,
      %swap3A_1261 = vector.shape_cast %swap3A_1260 : vector<16xf32> to vector<16xf32>
      %swap3A_1262 = vector.shape_cast %select_n3A_1258 : vector<16xf32> to vector<16xf32>
      tpu.vector_store %arg17[%swap3A_1259], %swap3A_1262 {strides = array<i32>} : memref<512xf32, #tpu.memory_space<vmem>>, vector<16xf32>,
      %jit3A_1263 = arith.constant 1.000000e+00 : f32
      %jit3A_1264 = arith.constant 0.000000e+00 : f32
      %broadcast_in_dim3A = vector.broadcast %jit3A_1263 : f32 to vector<16xf32>
      %broadcast_in_dim3A_1265 = vector.broadcast %jit3A_1264 : f32 to vector<16xf32>
      %select_n3A_1266 = arith.select %ge3A_1247, %broadcast_in_dim3A, %broadcast_in_dim3A_1265 : vector<16xi1>, vector<16xf32>
      %swap3A_1267 = arith.index_cast %mul3A_1203 : i32 to index
      %swap3A_1268 = tpu.vector_load %arg10[%swap3A_1267] {strides = array<i32>} : memref<528xf32, #tpu.memory_space<vmem>>, vector<16xf32>,
      %swap3A_1269 = vector.shape_cast %swap3A_1268 : vector<16xf32> to vector<16xf32>
      %swap3A_1270 = vector.shape_cast %select_n3A_1266 : vector<16xf32> to vector<16xf32>
      tpu.vector_store %arg10[%swap3A_1267], %swap3A_1270 {strides = array<i32>} : memref<528xf32, #tpu.memory_space<vmem>>, vector<16xf32>,
      %scan3A_1271 = arith.constant 0 : i32
      scf.yield %scan3A_1271 : i32
    }
    %scan3A_893 = arith.constant 10 : i32
    %scan3A_894 = arith.constant 0 : i32
    %scan3A_895 = arith.constant 0 : i32
    %scan3A_896 = arith.constant 96 : i32
    %scan3A_897 = arith.addi %scan3A_895, %scan3A_896 : i32
    %scan3A_898 = arith.constant 1 : i32
    %scan3A_899 = scf.for %scan3A_1200 = %scan3A_895 to %scan3A_897 step %scan3A_898 iter_args(%scan3A_1201 = %scan3A_894) -> (i32)  : i32 {
      %broadcast_in_dim3A = arith.constant 0.000000e+00 : f32
      %broadcast_in_dim3A_1202 = vector.broadcast %broadcast_in_dim3A : f32 to vector<16xf32>
      %mul3A_1203 = arith.constant 16 : i32
      %mul3A_1204 = arith.muli %scan3A_1200, %mul3A_1203 : i32
      %swap3A = arith.index_cast %mul3A_1204 : i32 to index
      %swap3A_1205 = tpu.vector_load %arg12[%swap3A] {strides = array<i32>} : memref<8192xf32, #tpu.memory_space<vmem>>, vector<16xf32>,
      %swap3A_1206 = vector.shape_cast %swap3A_1205 : vector<16xf32> to vector<16xf32>
      %swap3A_1207 = vector.shape_cast %broadcast_in_dim3A_1202 : vector<16xf32> to vector<16xf32>
      tpu.vector_store %arg12[%swap3A], %swap3A_1207 {strides = array<i32>} : memref<8192xf32, #tpu.memory_space<vmem>>, vector<16xf32>,
      %scan3A_1208 = arith.constant 0 : i32
      scf.yield %scan3A_1208 : i32
    }
    %scan3A_900 = arith.constant 96 : i32
    %scan3A_901 = arith.constant 0 : i32
    %scan3A_902 = arith.constant 0 : i32
    %scan3A_903 = arith.constant 160 : i32
    %scan3A_904 = arith.addi %scan3A_902, %scan3A_903 : i32
    %scan3A_905 = arith.constant 1 : i32
    %scan3A_906 = scf.for %scan3A_1200 = %scan3A_902 to %scan3A_904 step %scan3A_905 iter_args(%scan3A_1201 = %scan3A_901) -> (i32)  : i32 {
      %get3A = arith.index_cast %scan3A_1200 : i32 to index
      %get3A_1202 = tpu.vector_load %arg10[%get3A] {strides = array<i32>} : memref<528xf32, #tpu.memory_space<vmem>>, vector<16xf32>,
      %get3A_1203 = vector.shape_cast %get3A_1202 : vector<16xf32> to vector<16xf32>
      %slice3A = vector.extract_strided_slice %get3A_1203 {offsets = [0], sizes = [1], strides = [1]} : vector<16xf32> to vector<1xf32>
      %squeeze3A = vector.extract %slice3A[0] : f32 from vector<1xf32>
      %gt3A = arith.constant 0.000000e+00 : f32
      %gt3A_1204 = arith.cmpf ogt, %squeeze3A, %gt3A : f32
      %convert_element_type3A = arith.extui %gt3A_1204 : i1 to i32
      %cond3A = arith.constant 0 : i32
      %cond3A_1205 = arith.cmpi ne, %convert_element_type3A, %cond3A : i32
      scf.if %cond3A_1205 {
        %mul3A_1207 = arith.constant 160 : i32
        %mul3A_1208 = arith.muli %arg1, %mul3A_1207 : i32
        %add3A_1209 = arith.addi %mul3A_1208, %scan3A_1200 : i32
        %scan3A_1210 = arith.constant 0 : i32
        %scan3A_1211 = arith.constant 0 : i32
        %scan3A_1212 = arith.constant 11 : i32
        %scan3A_1213 = arith.addi %scan3A_1211, %scan3A_1212 : i32
        %scan3A_1214 = arith.constant 1 : i32
        %scan3A_1215 = scf.for %scan3A_1233 = %scan3A_1211 to %scan3A_1213 step %scan3A_1214 iter_args(%scan3A_1234 = %scan3A_1210) -> (i32)  : i32 {
          %mul3A_1235 = arith.constant 128 : i32
          %mul3A_1236 = arith.muli %scan3A_1233, %mul3A_1235 : i32
          %multiple_of3A = tpu.assume_multiple %mul3A_1236, 128 : i32
          "tpu.region"() ({
            %run_scoped3A = tpu.sem_alloc : memref<!tpu.dma_semaphore, #tpu.memory_space<semaphore_mem>>
            %dma_start3A_1238 = tpu.memref_slice %arg11[%multiple_of3A] : memref<8064xf32, #tpu.memory_space<vmem>> -> memref<128xf32, #tpu.memory_space<vmem>>
            %dma_start3A_1239 = tpu.memref_slice %arg7[%add3A_1209, %multiple_of3A] : memref<2500x1500xf32, #tpu.memory_space<hbm>> -> memref<1x128xf32, #tpu.memory_space<hbm>>
            %dma_start3A_1240 = tpu.memref_squeeze %dma_start3A_1239 : memref<1x128xf32, #tpu.memory_space<hbm>> -> memref<128xf32, #tpu.memory_space<hbm>>
            %dma_start3A_1241 = tpu.memref_slice %arg11[%multiple_of3A] : memref<8064xf32, #tpu.memory_space<vmem>> -> memref<128xf32, #tpu.memory_space<vmem>>
            %dma_start3A_1242 = tpu.memref_slice %arg7[%add3A_1209, %multiple_of3A] : memref<2500x1500xf32, #tpu.memory_space<hbm>> -> memref<1x128xf32, #tpu.memory_space<hbm>>
            %dma_start3A_1243 = tpu.memref_squeeze %dma_start3A_1242 : memref<1x128xf32, #tpu.memory_space<hbm>> -> memref<128xf32, #tpu.memory_space<hbm>>
            tpu.enqueue_dma source(%dma_start3A_1243 : memref<128xf32, #tpu.memory_space<hbm>>) target(%dma_start3A_1241 : memref<128xf32, #tpu.memory_space<vmem>>) target_semaphore(%run_scoped3A : memref<!tpu.dma_semaphore, #tpu.memory_space<semaphore_mem>>)
            %dma_wait3A_1244 = tpu.memref_slice %arg11[%multiple_of3A] : memref<8064xf32, #tpu.memory_space<vmem>> -> memref<128xf32, #tpu.memory_space<vmem>>
            %dma_wait3A_1245 = tpu.memref_slice %arg7[%add3A_1209, %multiple_of3A] : memref<2500x1500xf32, #tpu.memory_space<hbm>> -> memref<1x128xf32, #tpu.memory_space<hbm>>
            %dma_wait3A_1246 = tpu.memref_squeeze %dma_wait3A_1245 : memref<1x128xf32, #tpu.memory_space<hbm>> -> memref<128xf32, #tpu.memory_space<hbm>>
            %dma_wait3A_1247 = tpu.memref_slice %arg11[%multiple_of3A] : memref<8064xf32, #tpu.memory_space<vmem>> -> memref<128xf32, #tpu.memory_space<vmem>>
            %dma_wait3A_1248 = tpu.memref_slice %arg7[%add3A_1209, %multiple_of3A] : memref<2500x1500xf32, #tpu.memory_space<hbm>> -> memref<1x128xf32, #tpu.memory_space<hbm>>
            %dma_wait3A_1249 = tpu.memref_squeeze %dma_wait3A_1248 : memref<1x128xf32, #tpu.memory_space<hbm>> -> memref<128xf32, #tpu.memory_space<hbm>>
            tpu.wait_dma2 semaphore(%run_scoped3A : memref<!tpu.dma_semaphore, #tpu.memory_space<semaphore_mem>>) src(%dma_wait3A_1249 : memref<128xf32, #tpu.memory_space<hbm>>) dst(%dma_wait3A_1247 : memref<128xf32, #tpu.memory_space<vmem>>)
            tpu.yield
          }) : () -> ()
          %scan3A_1237 = arith.constant 0 : i32
          scf.yield %scan3A_1237 : i32
        }
        %scan3A_1216 = arith.constant 11 : i32
        %scan3A_1217 = arith.constant 0 : i32
        %scan3A_1218 = arith.constant 0 : i32
        %scan3A_1219 = arith.constant 88 : i32
        %scan3A_1220 = arith.addi %scan3A_1218, %scan3A_1219 : i32
        %scan3A_1221 = arith.constant 1 : i32
        %scan3A_1222 = scf.for %scan3A_1233 = %scan3A_1218 to %scan3A_1220 step %scan3A_1221 iter_args(%scan3A_1234 = %scan3A_1217) -> (i32)  : i32 {
          %mul3A_1235 = arith.constant 16 : i32
          %mul3A_1236 = arith.muli %scan3A_1233, %mul3A_1235 : i32
          %get3A_1237 = arith.index_cast %mul3A_1236 : i32 to index
          %get3A_1238 = tpu.vector_load %arg12[%get3A_1237] {strides = array<i32>} : memref<8192xf32, #tpu.memory_space<vmem>>, vector<16xf32>,
          %get3A_1239 = vector.shape_cast %get3A_1238 : vector<16xf32> to vector<16xf32>
          %mul3A_1240 = arith.constant 16 : i32
          %mul3A_1241 = arith.muli %scan3A_1233, %mul3A_1240 : i32
          %get3A_1242 = arith.index_cast %mul3A_1241 : i32 to index
          %get3A_1243 = tpu.vector_load %arg11[%get3A_1242] {strides = array<i32>} : memref<8064xf32, #tpu.memory_space<vmem>>, vector<16xf32>,
          %get3A_1244 = vector.shape_cast %get3A_1243 : vector<16xf32> to vector<16xf32>
          %add3A_1245 = arith.addf %get3A_1239, %get3A_1244 : vector<16xf32>
          %mul3A_1246 = arith.constant 16 : i32
          %mul3A_1247 = arith.muli %scan3A_1233, %mul3A_1246 : i32
          %swap3A = arith.index_cast %mul3A_1247 : i32 to index
          %swap3A_1248 = tpu.vector_load %arg12[%swap3A] {strides = array<i32>} : memref<8192xf32, #tpu.memory_space<vmem>>, vector<16xf32>,
          %swap3A_1249 = vector.shape_cast %swap3A_1248 : vector<16xf32> to vector<16xf32>
          %swap3A_1250 = vector.shape_cast %add3A_1245 : vector<16xf32> to vector<16xf32>
          tpu.vector_store %arg12[%swap3A], %swap3A_1250 {strides = array<i32>} : memref<8192xf32, #tpu.memory_space<vmem>>, vector<16xf32>,
          %scan3A_1251 = arith.constant 0 : i32
          scf.yield %scan3A_1251 : i32
        }
        %scan3A_1223 = arith.constant 88 : i32
        %add3A_1224 = arith.constant 12000 : i32
        %add3A_1225 = arith.addi %add3A_1224, %add3A_1209 : i32
        "tpu.region"() ({
          %run_scoped3A = tpu.sem_alloc : memref<!tpu.dma_semaphore, #tpu.memory_space<semaphore_mem>>
          %dma_start3A_1233 = arith.constant 0 : i32
          %dma_start3A_1234 = tpu.memref_slice %arg20[%dma_start3A_1233] : memref<128xf32, #tpu.memory_space<vmem>> -> memref<128xf32, #tpu.memory_space<vmem>>
          %dma_start3A_1235 = arith.constant 0 : i32
          %dma_start3A_1236 = tpu.memref_slice %arg3[%add3A_1225, %dma_start3A_1235] : memref<14500x128xf32, #tpu.memory_space<hbm>> -> memref<1x128xf32, #tpu.memory_space<hbm>>
          %dma_start3A_1237 = tpu.memref_squeeze %dma_start3A_1236 : memref<1x128xf32, #tpu.memory_space<hbm>> -> memref<128xf32, #tpu.memory_space<hbm>>
          %dma_start3A_1238 = arith.constant 0 : i32
          %dma_start3A_1239 = tpu.memref_slice %arg20[%dma_start3A_1238] : memref<128xf32, #tpu.memory_space<vmem>> -> memref<128xf32, #tpu.memory_space<vmem>>
          %dma_start3A_1240 = arith.constant 0 : i32
          %dma_start3A_1241 = tpu.memref_slice %arg3[%add3A_1225, %dma_start3A_1240] : memref<14500x128xf32, #tpu.memory_space<hbm>> -> memref<1x128xf32, #tpu.memory_space<hbm>>
          %dma_start3A_1242 = tpu.memref_squeeze %dma_start3A_1241 : memref<1x128xf32, #tpu.memory_space<hbm>> -> memref<128xf32, #tpu.memory_space<hbm>>
          tpu.enqueue_dma source(%dma_start3A_1242 : memref<128xf32, #tpu.memory_space<hbm>>) target(%dma_start3A_1239 : memref<128xf32, #tpu.memory_space<vmem>>) target_semaphore(%run_scoped3A : memref<!tpu.dma_semaphore, #tpu.memory_space<semaphore_mem>>)
          %dma_wait3A_1243 = arith.constant 0 : i32
          %dma_wait3A_1244 = tpu.memref_slice %arg20[%dma_wait3A_1243] : memref<128xf32, #tpu.memory_space<vmem>> -> memref<128xf32, #tpu.memory_space<vmem>>
          %dma_wait3A_1245 = arith.constant 0 : i32
          %dma_wait3A_1246 = tpu.memref_slice %arg3[%add3A_1225, %dma_wait3A_1245] : memref<14500x128xf32, #tpu.memory_space<hbm>> -> memref<1x128xf32, #tpu.memory_space<hbm>>
          %dma_wait3A_1247 = tpu.memref_squeeze %dma_wait3A_1246 : memref<1x128xf32, #tpu.memory_space<hbm>> -> memref<128xf32, #tpu.memory_space<hbm>>
          %dma_wait3A_1248 = arith.constant 0 : i32
          %dma_wait3A_1249 = tpu.memref_slice %arg20[%dma_wait3A_1248] : memref<128xf32, #tpu.memory_space<vmem>> -> memref<128xf32, #tpu.memory_space<vmem>>
          %dma_wait3A_1250 = arith.constant 0 : i32
          %dma_wait3A_1251 = tpu.memref_slice %arg3[%add3A_1225, %dma_wait3A_1250] : memref<14500x128xf32, #tpu.memory_space<hbm>> -> memref<1x128xf32, #tpu.memory_space<hbm>>
          %dma_wait3A_1252 = tpu.memref_squeeze %dma_wait3A_1251 : memref<1x128xf32, #tpu.memory_space<hbm>> -> memref<128xf32, #tpu.memory_space<hbm>>
          tpu.wait_dma2 semaphore(%run_scoped3A : memref<!tpu.dma_semaphore, #tpu.memory_space<semaphore_mem>>) src(%dma_wait3A_1252 : memref<128xf32, #tpu.memory_space<hbm>>) dst(%dma_wait3A_1249 : memref<128xf32, #tpu.memory_space<vmem>>)
          tpu.yield
        }) : () -> ()
        %scan3A_1226 = arith.constant 0 : i32
        %scan3A_1227 = arith.constant 0 : i32
        %scan3A_1228 = arith.constant 8 : i32
        %scan3A_1229 = arith.addi %scan3A_1227, %scan3A_1228 : i32
        %scan3A_1230 = arith.constant 1 : i32
        %scan3A_1231 = scf.for %scan3A_1233 = %scan3A_1227 to %scan3A_1229 step %scan3A_1230 iter_args(%scan3A_1234 = %scan3A_1226) -> (i32)  : i32 {
          %mul3A_1235 = arith.constant 16 : i32
          %mul3A_1236 = arith.muli %scan3A_1233, %mul3A_1235 : i32
          %add3A_1237 = arith.constant 1408 : i32
          %add3A_1238 = arith.addi %add3A_1237, %mul3A_1236 : i32
          %get3A_1239 = arith.index_cast %add3A_1238 : i32 to index
          %get3A_1240 = tpu.vector_load %arg12[%get3A_1239] {strides = array<i32>} : memref<8192xf32, #tpu.memory_space<vmem>>, vector<16xf32>,
          %get3A_1241 = vector.shape_cast %get3A_1240 : vector<16xf32> to vector<16xf32>
          %mul3A_1242 = arith.constant 16 : i32
          %mul3A_1243 = arith.muli %scan3A_1233, %mul3A_1242 : i32
          %get3A_1244 = arith.index_cast %mul3A_1243 : i32 to index
          %get3A_1245 = tpu.vector_load %arg20[%get3A_1244] {strides = array<i32>} : memref<128xf32, #tpu.memory_space<vmem>>, vector<16xf32>,
          %get3A_1246 = vector.shape_cast %get3A_1245 : vector<16xf32> to vector<16xf32>
          %add3A_1247 = arith.addf %get3A_1241, %get3A_1246 : vector<16xf32>
          %mul3A_1248 = arith.constant 16 : i32
          %mul3A_1249 = arith.muli %scan3A_1233, %mul3A_1248 : i32
          %add3A_1250 = arith.constant 1408 : i32
          %add3A_1251 = arith.addi %add3A_1250, %mul3A_1249 : i32
          %swap3A = arith.index_cast %add3A_1251 : i32 to index
          %swap3A_1252 = tpu.vector_load %arg12[%swap3A] {strides = array<i32>} : memref<8192xf32, #tpu.memory_space<vmem>>, vector<16xf32>,
          %swap3A_1253 = vector.shape_cast %swap3A_1252 : vector<16xf32> to vector<16xf32>
          %swap3A_1254 = vector.shape_cast %add3A_1247 : vector<16xf32> to vector<16xf32>
          tpu.vector_store %arg12[%swap3A], %swap3A_1254 {strides = array<i32>} : memref<8192xf32, #tpu.memory_space<vmem>>, vector<16xf32>,
          %scan3A_1255 = arith.constant 0 : i32
          scf.yield %scan3A_1255 : i32
        }
        %scan3A_1232 = arith.constant 8 : i32
      } else {
      }
      %scan3A_1206 = arith.constant 0 : i32
      scf.yield %scan3A_1206 : i32
    }
    %scan3A_907 = arith.constant 160 : i32
    %mul3A_908 = arith.constant 8192 : i32
    %mul3A_909 = arith.muli %arg1, %mul3A_908 : i32
    "tpu.region"() ({
      %run_scoped3A = tpu.sem_alloc : memref<!tpu.dma_semaphore, #tpu.memory_space<semaphore_mem>>
      %dma_start3A_1200 = arith.constant 0 : i32
      %dma_start3A_1201 = tpu.memref_slice %arg12[%dma_start3A_1200] : memref<8192xf32, #tpu.memory_space<vmem>> -> memref<1536xf32, #tpu.memory_space<vmem>>
      %dma_start3A_1202 = tpu.memref_slice %arg21[%mul3A_909] : memref<131072xf32, #tpu.memory_space<vmem_shared>> -> memref<1536xf32, #tpu.memory_space<vmem_shared>>
      %dma_start3A_1203 = tpu.memref_slice %arg21[%mul3A_909] : memref<131072xf32, #tpu.memory_space<vmem_shared>> -> memref<1536xf32, #tpu.memory_space<vmem_shared>>
      %dma_start3A_1204 = arith.constant 0 : i32
      %dma_start3A_1205 = tpu.memref_slice %arg12[%dma_start3A_1204] : memref<8192xf32, #tpu.memory_space<vmem>> -> memref<1536xf32, #tpu.memory_space<vmem>>
      tpu.enqueue_dma source(%dma_start3A_1205 : memref<1536xf32, #tpu.memory_space<vmem>>) target(%dma_start3A_1203 : memref<1536xf32, #tpu.memory_space<vmem_shared>>) target_semaphore(%run_scoped3A : memref<!tpu.dma_semaphore, #tpu.memory_space<semaphore_mem>>)
      %dma_wait3A_1206 = arith.constant 0 : i32
      %dma_wait3A_1207 = tpu.memref_slice %arg12[%dma_wait3A_1206] : memref<8192xf32, #tpu.memory_space<vmem>> -> memref<1536xf32, #tpu.memory_space<vmem>>
      %dma_wait3A_1208 = tpu.memref_slice %arg21[%mul3A_909] : memref<131072xf32, #tpu.memory_space<vmem_shared>> -> memref<1536xf32, #tpu.memory_space<vmem_shared>>
      %dma_wait3A_1209 = tpu.memref_slice %arg21[%mul3A_909] : memref<131072xf32, #tpu.memory_space<vmem_shared>> -> memref<1536xf32, #tpu.memory_space<vmem_shared>>
      %dma_wait3A_1210 = arith.constant 0 : i32
      %dma_wait3A_1211 = tpu.memref_slice %arg12[%dma_wait3A_1210] : memref<8192xf32, #tpu.memory_space<vmem>> -> memref<1536xf32, #tpu.memory_space<vmem>>
      tpu.wait_dma2 semaphore(%run_scoped3A : memref<!tpu.dma_semaphore, #tpu.memory_space<semaphore_mem>>) src(%dma_wait3A_1211 : memref<1536xf32, #tpu.memory_space<vmem>>) dst(%dma_wait3A_1209 : memref<1536xf32, #tpu.memory_space<vmem_shared>>)
      tpu.yield
    }) : () -> ()
    %barrier3A_910 = arith.constant 0 : index
    tpu.barrier barrier_id(%barrier3A_910)
    %mul3A_911 = arith.constant 96 : i32
    %mul3A_912 = arith.muli %arg1, %mul3A_911 : i32
    %add3A_913 = arith.constant 0 : i32
    %add3A_914 = arith.addi %add3A_913, %mul3A_912 : i32
    %mul3A_915 = arith.constant 96 : i32
    %mul3A_916 = arith.muli %arg1, %mul3A_915 : i32
    %add3A_917 = arith.constant 8192 : i32
    %add3A_918 = arith.addi %add3A_917, %mul3A_916 : i32
    %mul3A_919 = arith.constant 96 : i32
    %mul3A_920 = arith.muli %arg1, %mul3A_919 : i32
    %add3A_921 = arith.constant 16384 : i32
    %add3A_922 = arith.addi %add3A_921, %mul3A_920 : i32
    %mul3A_923 = arith.constant 96 : i32
    %mul3A_924 = arith.muli %arg1, %mul3A_923 : i32
    %add3A_925 = arith.constant 24576 : i32
    %add3A_926 = arith.addi %add3A_925, %mul3A_924 : i32
    %mul3A_927 = arith.constant 96 : i32
    %mul3A_928 = arith.muli %arg1, %mul3A_927 : i32
    %add3A_929 = arith.constant 32768 : i32
    %add3A_930 = arith.addi %add3A_929, %mul3A_928 : i32
    %mul3A_931 = arith.constant 96 : i32
    %mul3A_932 = arith.muli %arg1, %mul3A_931 : i32
    %add3A_933 = arith.constant 40960 : i32
    %add3A_934 = arith.addi %add3A_933, %mul3A_932 : i32
    %mul3A_935 = arith.constant 96 : i32
    %mul3A_936 = arith.muli %arg1, %mul3A_935 : i32
    %add3A_937 = arith.constant 49152 : i32
    %add3A_938 = arith.addi %add3A_937, %mul3A_936 : i32
    %mul3A_939 = arith.constant 96 : i32
    %mul3A_940 = arith.muli %arg1, %mul3A_939 : i32
    %add3A_941 = arith.constant 57344 : i32
    %add3A_942 = arith.addi %add3A_941, %mul3A_940 : i32
    %mul3A_943 = arith.constant 96 : i32
    %mul3A_944 = arith.muli %arg1, %mul3A_943 : i32
    %add3A_945 = arith.constant 65536 : i32
    %add3A_946 = arith.addi %add3A_945, %mul3A_944 : i32
    %mul3A_947 = arith.constant 96 : i32
    %mul3A_948 = arith.muli %arg1, %mul3A_947 : i32
    %add3A_949 = arith.constant 73728 : i32
    %add3A_950 = arith.addi %add3A_949, %mul3A_948 : i32
    %mul3A_951 = arith.constant 96 : i32
    %mul3A_952 = arith.muli %arg1, %mul3A_951 : i32
    %add3A_953 = arith.constant 81920 : i32
    %add3A_954 = arith.addi %add3A_953, %mul3A_952 : i32
    %mul3A_955 = arith.constant 96 : i32
    %mul3A_956 = arith.muli %arg1, %mul3A_955 : i32
    %add3A_957 = arith.constant 90112 : i32
    %add3A_958 = arith.addi %add3A_957, %mul3A_956 : i32
    %mul3A_959 = arith.constant 96 : i32
    %mul3A_960 = arith.muli %arg1, %mul3A_959 : i32
    %add3A_961 = arith.constant 98304 : i32
    %add3A_962 = arith.addi %add3A_961, %mul3A_960 : i32
    %mul3A_963 = arith.constant 96 : i32
    %mul3A_964 = arith.muli %arg1, %mul3A_963 : i32
    %add3A_965 = arith.constant 106496 : i32
    %add3A_966 = arith.addi %add3A_965, %mul3A_964 : i32
    %mul3A_967 = arith.constant 96 : i32
    %mul3A_968 = arith.muli %arg1, %mul3A_967 : i32
    %add3A_969 = arith.constant 114688 : i32
    %add3A_970 = arith.addi %add3A_969, %mul3A_968 : i32
    %mul3A_971 = arith.constant 96 : i32
    %mul3A_972 = arith.muli %arg1, %mul3A_971 : i32
    %add3A_973 = arith.constant 122880 : i32
    %add3A_974 = arith.addi %add3A_973, %mul3A_972 : i32
    %dma_start3A_975 = arith.constant 0 : i32
    %dma_start3A_976 = tpu.memref_slice %arg13[%dma_start3A_975] : memref<8192xf32, #tpu.memory_space<vmem>> -> memref<96xf32, #tpu.memory_space<vmem>>
    %dma_start3A_977 = tpu.memref_slice %arg21[%add3A_914] : memref<131072xf32, #tpu.memory_space<vmem_shared>> -> memref<96xf32, #tpu.memory_space<vmem_shared>>
    %dma_start3A_978 = arith.constant 0 : i32
    %dma_start3A_979 = tpu.memref_slice %arg13[%dma_start3A_978] : memref<8192xf32, #tpu.memory_space<vmem>> -> memref<96xf32, #tpu.memory_space<vmem>>
    %dma_start3A_980 = tpu.memref_slice %arg21[%add3A_914] : memref<131072xf32, #tpu.memory_space<vmem_shared>> -> memref<96xf32, #tpu.memory_space<vmem_shared>>
    tpu.enqueue_dma source(%dma_start3A_980 : memref<96xf32, #tpu.memory_space<vmem_shared>>) target(%dma_start3A_979 : memref<96xf32, #tpu.memory_space<vmem>>) target_semaphore(%arg22 : memref<!tpu.dma_semaphore, #tpu.memory_space<semaphore_mem>>)
    %dma_start3A_981 = arith.constant 512 : i32
    %dma_start3A_982 = tpu.memref_slice %arg13[%dma_start3A_981] : memref<8192xf32, #tpu.memory_space<vmem>> -> memref<96xf32, #tpu.memory_space<vmem>>
    %dma_start3A_983 = tpu.memref_slice %arg21[%add3A_918] : memref<131072xf32, #tpu.memory_space<vmem_shared>> -> memref<96xf32, #tpu.memory_space<vmem_shared>>
    %dma_start3A_984 = arith.constant 512 : i32
    %dma_start3A_985 = tpu.memref_slice %arg13[%dma_start3A_984] : memref<8192xf32, #tpu.memory_space<vmem>> -> memref<96xf32, #tpu.memory_space<vmem>>
    %dma_start3A_986 = tpu.memref_slice %arg21[%add3A_918] : memref<131072xf32, #tpu.memory_space<vmem_shared>> -> memref<96xf32, #tpu.memory_space<vmem_shared>>
    tpu.enqueue_dma source(%dma_start3A_986 : memref<96xf32, #tpu.memory_space<vmem_shared>>) target(%dma_start3A_985 : memref<96xf32, #tpu.memory_space<vmem>>) target_semaphore(%arg22 : memref<!tpu.dma_semaphore, #tpu.memory_space<semaphore_mem>>)
    %dma_start3A_987 = arith.constant 1024 : i32
    %dma_start3A_988 = tpu.memref_slice %arg13[%dma_start3A_987] : memref<8192xf32, #tpu.memory_space<vmem>> -> memref<96xf32, #tpu.memory_space<vmem>>
    %dma_start3A_989 = tpu.memref_slice %arg21[%add3A_922] : memref<131072xf32, #tpu.memory_space<vmem_shared>> -> memref<96xf32, #tpu.memory_space<vmem_shared>>
    %dma_start3A_990 = arith.constant 1024 : i32
    %dma_start3A_991 = tpu.memref_slice %arg13[%dma_start3A_990] : memref<8192xf32, #tpu.memory_space<vmem>> -> memref<96xf32, #tpu.memory_space<vmem>>
    %dma_start3A_992 = tpu.memref_slice %arg21[%add3A_922] : memref<131072xf32, #tpu.memory_space<vmem_shared>> -> memref<96xf32, #tpu.memory_space<vmem_shared>>
    tpu.enqueue_dma source(%dma_start3A_992 : memref<96xf32, #tpu.memory_space<vmem_shared>>) target(%dma_start3A_991 : memref<96xf32, #tpu.memory_space<vmem>>) target_semaphore(%arg22 : memref<!tpu.dma_semaphore, #tpu.memory_space<semaphore_mem>>)
    %dma_start3A_993 = arith.constant 1536 : i32
    %dma_start3A_994 = tpu.memref_slice %arg13[%dma_start3A_993] : memref<8192xf32, #tpu.memory_space<vmem>> -> memref<96xf32, #tpu.memory_space<vmem>>
    %dma_start3A_995 = tpu.memref_slice %arg21[%add3A_926] : memref<131072xf32, #tpu.memory_space<vmem_shared>> -> memref<96xf32, #tpu.memory_space<vmem_shared>>
    %dma_start3A_996 = arith.constant 1536 : i32
    %dma_start3A_997 = tpu.memref_slice %arg13[%dma_start3A_996] : memref<8192xf32, #tpu.memory_space<vmem>> -> memref<96xf32, #tpu.memory_space<vmem>>
    %dma_start3A_998 = tpu.memref_slice %arg21[%add3A_926] : memref<131072xf32, #tpu.memory_space<vmem_shared>> -> memref<96xf32, #tpu.memory_space<vmem_shared>>
    tpu.enqueue_dma source(%dma_start3A_998 : memref<96xf32, #tpu.memory_space<vmem_shared>>) target(%dma_start3A_997 : memref<96xf32, #tpu.memory_space<vmem>>) target_semaphore(%arg22 : memref<!tpu.dma_semaphore, #tpu.memory_space<semaphore_mem>>)
    %dma_start3A_999 = arith.constant 2048 : i32
    %dma_start3A_1000 = tpu.memref_slice %arg13[%dma_start3A_999] : memref<8192xf32, #tpu.memory_space<vmem>> -> memref<96xf32, #tpu.memory_space<vmem>>
    %dma_start3A_1001 = tpu.memref_slice %arg21[%add3A_930] : memref<131072xf32, #tpu.memory_space<vmem_shared>> -> memref<96xf32, #tpu.memory_space<vmem_shared>>
    %dma_start3A_1002 = arith.constant 2048 : i32
    %dma_start3A_1003 = tpu.memref_slice %arg13[%dma_start3A_1002] : memref<8192xf32, #tpu.memory_space<vmem>> -> memref<96xf32, #tpu.memory_space<vmem>>
    %dma_start3A_1004 = tpu.memref_slice %arg21[%add3A_930] : memref<131072xf32, #tpu.memory_space<vmem_shared>> -> memref<96xf32, #tpu.memory_space<vmem_shared>>
    tpu.enqueue_dma source(%dma_start3A_1004 : memref<96xf32, #tpu.memory_space<vmem_shared>>) target(%dma_start3A_1003 : memref<96xf32, #tpu.memory_space<vmem>>) target_semaphore(%arg22 : memref<!tpu.dma_semaphore, #tpu.memory_space<semaphore_mem>>)
    %dma_start3A_1005 = arith.constant 2560 : i32
    %dma_start3A_1006 = tpu.memref_slice %arg13[%dma_start3A_1005] : memref<8192xf32, #tpu.memory_space<vmem>> -> memref<96xf32, #tpu.memory_space<vmem>>
    %dma_start3A_1007 = tpu.memref_slice %arg21[%add3A_934] : memref<131072xf32, #tpu.memory_space<vmem_shared>> -> memref<96xf32, #tpu.memory_space<vmem_shared>>
    %dma_start3A_1008 = arith.constant 2560 : i32
    %dma_start3A_1009 = tpu.memref_slice %arg13[%dma_start3A_1008] : memref<8192xf32, #tpu.memory_space<vmem>> -> memref<96xf32, #tpu.memory_space<vmem>>
    %dma_start3A_1010 = tpu.memref_slice %arg21[%add3A_934] : memref<131072xf32, #tpu.memory_space<vmem_shared>> -> memref<96xf32, #tpu.memory_space<vmem_shared>>
    tpu.enqueue_dma source(%dma_start3A_1010 : memref<96xf32, #tpu.memory_space<vmem_shared>>) target(%dma_start3A_1009 : memref<96xf32, #tpu.memory_space<vmem>>) target_semaphore(%arg22 : memref<!tpu.dma_semaphore, #tpu.memory_space<semaphore_mem>>)
    %dma_start3A_1011 = arith.constant 3072 : i32
    %dma_start3A_1012 = tpu.memref_slice %arg13[%dma_start3A_1011] : memref<8192xf32, #tpu.memory_space<vmem>> -> memref<96xf32, #tpu.memory_space<vmem>>
    %dma_start3A_1013 = tpu.memref_slice %arg21[%add3A_938] : memref<131072xf32, #tpu.memory_space<vmem_shared>> -> memref<96xf32, #tpu.memory_space<vmem_shared>>
    %dma_start3A_1014 = arith.constant 3072 : i32
    %dma_start3A_1015 = tpu.memref_slice %arg13[%dma_start3A_1014] : memref<8192xf32, #tpu.memory_space<vmem>> -> memref<96xf32, #tpu.memory_space<vmem>>
    %dma_start3A_1016 = tpu.memref_slice %arg21[%add3A_938] : memref<131072xf32, #tpu.memory_space<vmem_shared>> -> memref<96xf32, #tpu.memory_space<vmem_shared>>
    tpu.enqueue_dma source(%dma_start3A_1016 : memref<96xf32, #tpu.memory_space<vmem_shared>>) target(%dma_start3A_1015 : memref<96xf32, #tpu.memory_space<vmem>>) target_semaphore(%arg22 : memref<!tpu.dma_semaphore, #tpu.memory_space<semaphore_mem>>)
    %dma_start3A_1017 = arith.constant 3584 : i32
    %dma_start3A_1018 = tpu.memref_slice %arg13[%dma_start3A_1017] : memref<8192xf32, #tpu.memory_space<vmem>> -> memref<96xf32, #tpu.memory_space<vmem>>
    %dma_start3A_1019 = tpu.memref_slice %arg21[%add3A_942] : memref<131072xf32, #tpu.memory_space<vmem_shared>> -> memref<96xf32, #tpu.memory_space<vmem_shared>>
    %dma_start3A_1020 = arith.constant 3584 : i32
    %dma_start3A_1021 = tpu.memref_slice %arg13[%dma_start3A_1020] : memref<8192xf32, #tpu.memory_space<vmem>> -> memref<96xf32, #tpu.memory_space<vmem>>
    %dma_start3A_1022 = tpu.memref_slice %arg21[%add3A_942] : memref<131072xf32, #tpu.memory_space<vmem_shared>> -> memref<96xf32, #tpu.memory_space<vmem_shared>>
    tpu.enqueue_dma source(%dma_start3A_1022 : memref<96xf32, #tpu.memory_space<vmem_shared>>) target(%dma_start3A_1021 : memref<96xf32, #tpu.memory_space<vmem>>) target_semaphore(%arg22 : memref<!tpu.dma_semaphore, #tpu.memory_space<semaphore_mem>>)
    %dma_start3A_1023 = arith.constant 4096 : i32
    %dma_start3A_1024 = tpu.memref_slice %arg13[%dma_start3A_1023] : memref<8192xf32, #tpu.memory_space<vmem>> -> memref<96xf32, #tpu.memory_space<vmem>>
    %dma_start3A_1025 = tpu.memref_slice %arg21[%add3A_946] : memref<131072xf32, #tpu.memory_space<vmem_shared>> -> memref<96xf32, #tpu.memory_space<vmem_shared>>
    %dma_start3A_1026 = arith.constant 4096 : i32
    %dma_start3A_1027 = tpu.memref_slice %arg13[%dma_start3A_1026] : memref<8192xf32, #tpu.memory_space<vmem>> -> memref<96xf32, #tpu.memory_space<vmem>>
    %dma_start3A_1028 = tpu.memref_slice %arg21[%add3A_946] : memref<131072xf32, #tpu.memory_space<vmem_shared>> -> memref<96xf32, #tpu.memory_space<vmem_shared>>
    tpu.enqueue_dma source(%dma_start3A_1028 : memref<96xf32, #tpu.memory_space<vmem_shared>>) target(%dma_start3A_1027 : memref<96xf32, #tpu.memory_space<vmem>>) target_semaphore(%arg22 : memref<!tpu.dma_semaphore, #tpu.memory_space<semaphore_mem>>)
    %dma_start3A_1029 = arith.constant 4608 : i32
    %dma_start3A_1030 = tpu.memref_slice %arg13[%dma_start3A_1029] : memref<8192xf32, #tpu.memory_space<vmem>> -> memref<96xf32, #tpu.memory_space<vmem>>
    %dma_start3A_1031 = tpu.memref_slice %arg21[%add3A_950] : memref<131072xf32, #tpu.memory_space<vmem_shared>> -> memref<96xf32, #tpu.memory_space<vmem_shared>>
    %dma_start3A_1032 = arith.constant 4608 : i32
    %dma_start3A_1033 = tpu.memref_slice %arg13[%dma_start3A_1032] : memref<8192xf32, #tpu.memory_space<vmem>> -> memref<96xf32, #tpu.memory_space<vmem>>
    %dma_start3A_1034 = tpu.memref_slice %arg21[%add3A_950] : memref<131072xf32, #tpu.memory_space<vmem_shared>> -> memref<96xf32, #tpu.memory_space<vmem_shared>>
    tpu.enqueue_dma source(%dma_start3A_1034 : memref<96xf32, #tpu.memory_space<vmem_shared>>) target(%dma_start3A_1033 : memref<96xf32, #tpu.memory_space<vmem>>) target_semaphore(%arg22 : memref<!tpu.dma_semaphore, #tpu.memory_space<semaphore_mem>>)
    %dma_start3A_1035 = arith.constant 5120 : i32
    %dma_start3A_1036 = tpu.memref_slice %arg13[%dma_start3A_1035] : memref<8192xf32, #tpu.memory_space<vmem>> -> memref<96xf32, #tpu.memory_space<vmem>>
    %dma_start3A_1037 = tpu.memref_slice %arg21[%add3A_954] : memref<131072xf32, #tpu.memory_space<vmem_shared>> -> memref<96xf32, #tpu.memory_space<vmem_shared>>
    %dma_start3A_1038 = arith.constant 5120 : i32
    %dma_start3A_1039 = tpu.memref_slice %arg13[%dma_start3A_1038] : memref<8192xf32, #tpu.memory_space<vmem>> -> memref<96xf32, #tpu.memory_space<vmem>>
    %dma_start3A_1040 = tpu.memref_slice %arg21[%add3A_954] : memref<131072xf32, #tpu.memory_space<vmem_shared>> -> memref<96xf32, #tpu.memory_space<vmem_shared>>
    tpu.enqueue_dma source(%dma_start3A_1040 : memref<96xf32, #tpu.memory_space<vmem_shared>>) target(%dma_start3A_1039 : memref<96xf32, #tpu.memory_space<vmem>>) target_semaphore(%arg22 : memref<!tpu.dma_semaphore, #tpu.memory_space<semaphore_mem>>)
    %dma_start3A_1041 = arith.constant 5632 : i32
    %dma_start3A_1042 = tpu.memref_slice %arg13[%dma_start3A_1041] : memref<8192xf32, #tpu.memory_space<vmem>> -> memref<96xf32, #tpu.memory_space<vmem>>
    %dma_start3A_1043 = tpu.memref_slice %arg21[%add3A_958] : memref<131072xf32, #tpu.memory_space<vmem_shared>> -> memref<96xf32, #tpu.memory_space<vmem_shared>>
    %dma_start3A_1044 = arith.constant 5632 : i32
    %dma_start3A_1045 = tpu.memref_slice %arg13[%dma_start3A_1044] : memref<8192xf32, #tpu.memory_space<vmem>> -> memref<96xf32, #tpu.memory_space<vmem>>
    %dma_start3A_1046 = tpu.memref_slice %arg21[%add3A_958] : memref<131072xf32, #tpu.memory_space<vmem_shared>> -> memref<96xf32, #tpu.memory_space<vmem_shared>>
    tpu.enqueue_dma source(%dma_start3A_1046 : memref<96xf32, #tpu.memory_space<vmem_shared>>) target(%dma_start3A_1045 : memref<96xf32, #tpu.memory_space<vmem>>) target_semaphore(%arg22 : memref<!tpu.dma_semaphore, #tpu.memory_space<semaphore_mem>>)
    %dma_start3A_1047 = arith.constant 6144 : i32
    %dma_start3A_1048 = tpu.memref_slice %arg13[%dma_start3A_1047] : memref<8192xf32, #tpu.memory_space<vmem>> -> memref<96xf32, #tpu.memory_space<vmem>>
    %dma_start3A_1049 = tpu.memref_slice %arg21[%add3A_962] : memref<131072xf32, #tpu.memory_space<vmem_shared>> -> memref<96xf32, #tpu.memory_space<vmem_shared>>
    %dma_start3A_1050 = arith.constant 6144 : i32
    %dma_start3A_1051 = tpu.memref_slice %arg13[%dma_start3A_1050] : memref<8192xf32, #tpu.memory_space<vmem>> -> memref<96xf32, #tpu.memory_space<vmem>>
    %dma_start3A_1052 = tpu.memref_slice %arg21[%add3A_962] : memref<131072xf32, #tpu.memory_space<vmem_shared>> -> memref<96xf32, #tpu.memory_space<vmem_shared>>
    tpu.enqueue_dma source(%dma_start3A_1052 : memref<96xf32, #tpu.memory_space<vmem_shared>>) target(%dma_start3A_1051 : memref<96xf32, #tpu.memory_space<vmem>>) target_semaphore(%arg22 : memref<!tpu.dma_semaphore, #tpu.memory_space<semaphore_mem>>)
    %dma_start3A_1053 = arith.constant 6656 : i32
    %dma_start3A_1054 = tpu.memref_slice %arg13[%dma_start3A_1053] : memref<8192xf32, #tpu.memory_space<vmem>> -> memref<96xf32, #tpu.memory_space<vmem>>
    %dma_start3A_1055 = tpu.memref_slice %arg21[%add3A_966] : memref<131072xf32, #tpu.memory_space<vmem_shared>> -> memref<96xf32, #tpu.memory_space<vmem_shared>>
    %dma_start3A_1056 = arith.constant 6656 : i32
    %dma_start3A_1057 = tpu.memref_slice %arg13[%dma_start3A_1056] : memref<8192xf32, #tpu.memory_space<vmem>> -> memref<96xf32, #tpu.memory_space<vmem>>
    %dma_start3A_1058 = tpu.memref_slice %arg21[%add3A_966] : memref<131072xf32, #tpu.memory_space<vmem_shared>> -> memref<96xf32, #tpu.memory_space<vmem_shared>>
    tpu.enqueue_dma source(%dma_start3A_1058 : memref<96xf32, #tpu.memory_space<vmem_shared>>) target(%dma_start3A_1057 : memref<96xf32, #tpu.memory_space<vmem>>) target_semaphore(%arg22 : memref<!tpu.dma_semaphore, #tpu.memory_space<semaphore_mem>>)
    %dma_start3A_1059 = arith.constant 7168 : i32
    %dma_start3A_1060 = tpu.memref_slice %arg13[%dma_start3A_1059] : memref<8192xf32, #tpu.memory_space<vmem>> -> memref<96xf32, #tpu.memory_space<vmem>>
    %dma_start3A_1061 = tpu.memref_slice %arg21[%add3A_970] : memref<131072xf32, #tpu.memory_space<vmem_shared>> -> memref<96xf32, #tpu.memory_space<vmem_shared>>
    %dma_start3A_1062 = arith.constant 7168 : i32
    %dma_start3A_1063 = tpu.memref_slice %arg13[%dma_start3A_1062] : memref<8192xf32, #tpu.memory_space<vmem>> -> memref<96xf32, #tpu.memory_space<vmem>>
    %dma_start3A_1064 = tpu.memref_slice %arg21[%add3A_970] : memref<131072xf32, #tpu.memory_space<vmem_shared>> -> memref<96xf32, #tpu.memory_space<vmem_shared>>
    tpu.enqueue_dma source(%dma_start3A_1064 : memref<96xf32, #tpu.memory_space<vmem_shared>>) target(%dma_start3A_1063 : memref<96xf32, #tpu.memory_space<vmem>>) target_semaphore(%arg22 : memref<!tpu.dma_semaphore, #tpu.memory_space<semaphore_mem>>)
    %dma_start3A_1065 = arith.constant 7680 : i32
    %dma_start3A_1066 = tpu.memref_slice %arg13[%dma_start3A_1065] : memref<8192xf32, #tpu.memory_space<vmem>> -> memref<96xf32, #tpu.memory_space<vmem>>
    %dma_start3A_1067 = tpu.memref_slice %arg21[%add3A_974] : memref<131072xf32, #tpu.memory_space<vmem_shared>> -> memref<96xf32, #tpu.memory_space<vmem_shared>>
    %dma_start3A_1068 = arith.constant 7680 : i32
    %dma_start3A_1069 = tpu.memref_slice %arg13[%dma_start3A_1068] : memref<8192xf32, #tpu.memory_space<vmem>> -> memref<96xf32, #tpu.memory_space<vmem>>
    %dma_start3A_1070 = tpu.memref_slice %arg21[%add3A_974] : memref<131072xf32, #tpu.memory_space<vmem_shared>> -> memref<96xf32, #tpu.memory_space<vmem_shared>>
    tpu.enqueue_dma source(%dma_start3A_1070 : memref<96xf32, #tpu.memory_space<vmem_shared>>) target(%dma_start3A_1069 : memref<96xf32, #tpu.memory_space<vmem>>) target_semaphore(%arg22 : memref<!tpu.dma_semaphore, #tpu.memory_space<semaphore_mem>>)
    %dma_wait3A_1071 = arith.constant 0 : i32
    %dma_wait3A_1072 = tpu.memref_slice %arg13[%dma_wait3A_1071] : memref<8192xf32, #tpu.memory_space<vmem>> -> memref<96xf32, #tpu.memory_space<vmem>>
    %dma_wait3A_1073 = tpu.memref_slice %arg21[%add3A_914] : memref<131072xf32, #tpu.memory_space<vmem_shared>> -> memref<96xf32, #tpu.memory_space<vmem_shared>>
    %dma_wait3A_1074 = arith.constant 0 : i32
    %dma_wait3A_1075 = tpu.memref_slice %arg13[%dma_wait3A_1074] : memref<8192xf32, #tpu.memory_space<vmem>> -> memref<96xf32, #tpu.memory_space<vmem>>
    %dma_wait3A_1076 = tpu.memref_slice %arg21[%add3A_914] : memref<131072xf32, #tpu.memory_space<vmem_shared>> -> memref<96xf32, #tpu.memory_space<vmem_shared>>
    tpu.wait_dma2 semaphore(%arg22 : memref<!tpu.dma_semaphore, #tpu.memory_space<semaphore_mem>>) src(%dma_wait3A_1076 : memref<96xf32, #tpu.memory_space<vmem_shared>>) dst(%dma_wait3A_1075 : memref<96xf32, #tpu.memory_space<vmem>>)
    %dma_wait3A_1077 = arith.constant 512 : i32
    %dma_wait3A_1078 = tpu.memref_slice %arg13[%dma_wait3A_1077] : memref<8192xf32, #tpu.memory_space<vmem>> -> memref<96xf32, #tpu.memory_space<vmem>>
    %dma_wait3A_1079 = tpu.memref_slice %arg21[%add3A_918] : memref<131072xf32, #tpu.memory_space<vmem_shared>> -> memref<96xf32, #tpu.memory_space<vmem_shared>>
    %dma_wait3A_1080 = arith.constant 512 : i32
    %dma_wait3A_1081 = tpu.memref_slice %arg13[%dma_wait3A_1080] : memref<8192xf32, #tpu.memory_space<vmem>> -> memref<96xf32, #tpu.memory_space<vmem>>
    %dma_wait3A_1082 = tpu.memref_slice %arg21[%add3A_918] : memref<131072xf32, #tpu.memory_space<vmem_shared>> -> memref<96xf32, #tpu.memory_space<vmem_shared>>
    tpu.wait_dma2 semaphore(%arg22 : memref<!tpu.dma_semaphore, #tpu.memory_space<semaphore_mem>>) src(%dma_wait3A_1082 : memref<96xf32, #tpu.memory_space<vmem_shared>>) dst(%dma_wait3A_1081 : memref<96xf32, #tpu.memory_space<vmem>>)
    %dma_wait3A_1083 = arith.constant 1024 : i32
    %dma_wait3A_1084 = tpu.memref_slice %arg13[%dma_wait3A_1083] : memref<8192xf32, #tpu.memory_space<vmem>> -> memref<96xf32, #tpu.memory_space<vmem>>
    %dma_wait3A_1085 = tpu.memref_slice %arg21[%add3A_922] : memref<131072xf32, #tpu.memory_space<vmem_shared>> -> memref<96xf32, #tpu.memory_space<vmem_shared>>
    %dma_wait3A_1086 = arith.constant 1024 : i32
    %dma_wait3A_1087 = tpu.memref_slice %arg13[%dma_wait3A_1086] : memref<8192xf32, #tpu.memory_space<vmem>> -> memref<96xf32, #tpu.memory_space<vmem>>
    %dma_wait3A_1088 = tpu.memref_slice %arg21[%add3A_922] : memref<131072xf32, #tpu.memory_space<vmem_shared>> -> memref<96xf32, #tpu.memory_space<vmem_shared>>
    tpu.wait_dma2 semaphore(%arg22 : memref<!tpu.dma_semaphore, #tpu.memory_space<semaphore_mem>>) src(%dma_wait3A_1088 : memref<96xf32, #tpu.memory_space<vmem_shared>>) dst(%dma_wait3A_1087 : memref<96xf32, #tpu.memory_space<vmem>>)
    %dma_wait3A_1089 = arith.constant 1536 : i32
    %dma_wait3A_1090 = tpu.memref_slice %arg13[%dma_wait3A_1089] : memref<8192xf32, #tpu.memory_space<vmem>> -> memref<96xf32, #tpu.memory_space<vmem>>
    %dma_wait3A_1091 = tpu.memref_slice %arg21[%add3A_926] : memref<131072xf32, #tpu.memory_space<vmem_shared>> -> memref<96xf32, #tpu.memory_space<vmem_shared>>
    %dma_wait3A_1092 = arith.constant 1536 : i32
    %dma_wait3A_1093 = tpu.memref_slice %arg13[%dma_wait3A_1092] : memref<8192xf32, #tpu.memory_space<vmem>> -> memref<96xf32, #tpu.memory_space<vmem>>
    %dma_wait3A_1094 = tpu.memref_slice %arg21[%add3A_926] : memref<131072xf32, #tpu.memory_space<vmem_shared>> -> memref<96xf32, #tpu.memory_space<vmem_shared>>
    tpu.wait_dma2 semaphore(%arg22 : memref<!tpu.dma_semaphore, #tpu.memory_space<semaphore_mem>>) src(%dma_wait3A_1094 : memref<96xf32, #tpu.memory_space<vmem_shared>>) dst(%dma_wait3A_1093 : memref<96xf32, #tpu.memory_space<vmem>>)
    %dma_wait3A_1095 = arith.constant 2048 : i32
    %dma_wait3A_1096 = tpu.memref_slice %arg13[%dma_wait3A_1095] : memref<8192xf32, #tpu.memory_space<vmem>> -> memref<96xf32, #tpu.memory_space<vmem>>
    %dma_wait3A_1097 = tpu.memref_slice %arg21[%add3A_930] : memref<131072xf32, #tpu.memory_space<vmem_shared>> -> memref<96xf32, #tpu.memory_space<vmem_shared>>
    %dma_wait3A_1098 = arith.constant 2048 : i32
    %dma_wait3A_1099 = tpu.memref_slice %arg13[%dma_wait3A_1098] : memref<8192xf32, #tpu.memory_space<vmem>> -> memref<96xf32, #tpu.memory_space<vmem>>
    %dma_wait3A_1100 = tpu.memref_slice %arg21[%add3A_930] : memref<131072xf32, #tpu.memory_space<vmem_shared>> -> memref<96xf32, #tpu.memory_space<vmem_shared>>
    tpu.wait_dma2 semaphore(%arg22 : memref<!tpu.dma_semaphore, #tpu.memory_space<semaphore_mem>>) src(%dma_wait3A_1100 : memref<96xf32, #tpu.memory_space<vmem_shared>>) dst(%dma_wait3A_1099 : memref<96xf32, #tpu.memory_space<vmem>>)
    %dma_wait3A_1101 = arith.constant 2560 : i32
    %dma_wait3A_1102 = tpu.memref_slice %arg13[%dma_wait3A_1101] : memref<8192xf32, #tpu.memory_space<vmem>> -> memref<96xf32, #tpu.memory_space<vmem>>
    %dma_wait3A_1103 = tpu.memref_slice %arg21[%add3A_934] : memref<131072xf32, #tpu.memory_space<vmem_shared>> -> memref<96xf32, #tpu.memory_space<vmem_shared>>
    %dma_wait3A_1104 = arith.constant 2560 : i32
    %dma_wait3A_1105 = tpu.memref_slice %arg13[%dma_wait3A_1104] : memref<8192xf32, #tpu.memory_space<vmem>> -> memref<96xf32, #tpu.memory_space<vmem>>
    %dma_wait3A_1106 = tpu.memref_slice %arg21[%add3A_934] : memref<131072xf32, #tpu.memory_space<vmem_shared>> -> memref<96xf32, #tpu.memory_space<vmem_shared>>
    tpu.wait_dma2 semaphore(%arg22 : memref<!tpu.dma_semaphore, #tpu.memory_space<semaphore_mem>>) src(%dma_wait3A_1106 : memref<96xf32, #tpu.memory_space<vmem_shared>>) dst(%dma_wait3A_1105 : memref<96xf32, #tpu.memory_space<vmem>>)
    %dma_wait3A_1107 = arith.constant 3072 : i32
    %dma_wait3A_1108 = tpu.memref_slice %arg13[%dma_wait3A_1107] : memref<8192xf32, #tpu.memory_space<vmem>> -> memref<96xf32, #tpu.memory_space<vmem>>
    %dma_wait3A_1109 = tpu.memref_slice %arg21[%add3A_938] : memref<131072xf32, #tpu.memory_space<vmem_shared>> -> memref<96xf32, #tpu.memory_space<vmem_shared>>
    %dma_wait3A_1110 = arith.constant 3072 : i32
    %dma_wait3A_1111 = tpu.memref_slice %arg13[%dma_wait3A_1110] : memref<8192xf32, #tpu.memory_space<vmem>> -> memref<96xf32, #tpu.memory_space<vmem>>
    %dma_wait3A_1112 = tpu.memref_slice %arg21[%add3A_938] : memref<131072xf32, #tpu.memory_space<vmem_shared>> -> memref<96xf32, #tpu.memory_space<vmem_shared>>
    tpu.wait_dma2 semaphore(%arg22 : memref<!tpu.dma_semaphore, #tpu.memory_space<semaphore_mem>>) src(%dma_wait3A_1112 : memref<96xf32, #tpu.memory_space<vmem_shared>>) dst(%dma_wait3A_1111 : memref<96xf32, #tpu.memory_space<vmem>>)
    %dma_wait3A_1113 = arith.constant 3584 : i32
    %dma_wait3A_1114 = tpu.memref_slice %arg13[%dma_wait3A_1113] : memref<8192xf32, #tpu.memory_space<vmem>> -> memref<96xf32, #tpu.memory_space<vmem>>
    %dma_wait3A_1115 = tpu.memref_slice %arg21[%add3A_942] : memref<131072xf32, #tpu.memory_space<vmem_shared>> -> memref<96xf32, #tpu.memory_space<vmem_shared>>
    %dma_wait3A_1116 = arith.constant 3584 : i32
    %dma_wait3A_1117 = tpu.memref_slice %arg13[%dma_wait3A_1116] : memref<8192xf32, #tpu.memory_space<vmem>> -> memref<96xf32, #tpu.memory_space<vmem>>
    %dma_wait3A_1118 = tpu.memref_slice %arg21[%add3A_942] : memref<131072xf32, #tpu.memory_space<vmem_shared>> -> memref<96xf32, #tpu.memory_space<vmem_shared>>
    tpu.wait_dma2 semaphore(%arg22 : memref<!tpu.dma_semaphore, #tpu.memory_space<semaphore_mem>>) src(%dma_wait3A_1118 : memref<96xf32, #tpu.memory_space<vmem_shared>>) dst(%dma_wait3A_1117 : memref<96xf32, #tpu.memory_space<vmem>>)
    %dma_wait3A_1119 = arith.constant 4096 : i32
    %dma_wait3A_1120 = tpu.memref_slice %arg13[%dma_wait3A_1119] : memref<8192xf32, #tpu.memory_space<vmem>> -> memref<96xf32, #tpu.memory_space<vmem>>
    %dma_wait3A_1121 = tpu.memref_slice %arg21[%add3A_946] : memref<131072xf32, #tpu.memory_space<vmem_shared>> -> memref<96xf32, #tpu.memory_space<vmem_shared>>
    %dma_wait3A_1122 = arith.constant 4096 : i32
    %dma_wait3A_1123 = tpu.memref_slice %arg13[%dma_wait3A_1122] : memref<8192xf32, #tpu.memory_space<vmem>> -> memref<96xf32, #tpu.memory_space<vmem>>
    %dma_wait3A_1124 = tpu.memref_slice %arg21[%add3A_946] : memref<131072xf32, #tpu.memory_space<vmem_shared>> -> memref<96xf32, #tpu.memory_space<vmem_shared>>
    tpu.wait_dma2 semaphore(%arg22 : memref<!tpu.dma_semaphore, #tpu.memory_space<semaphore_mem>>) src(%dma_wait3A_1124 : memref<96xf32, #tpu.memory_space<vmem_shared>>) dst(%dma_wait3A_1123 : memref<96xf32, #tpu.memory_space<vmem>>)
    %dma_wait3A_1125 = arith.constant 4608 : i32
    %dma_wait3A_1126 = tpu.memref_slice %arg13[%dma_wait3A_1125] : memref<8192xf32, #tpu.memory_space<vmem>> -> memref<96xf32, #tpu.memory_space<vmem>>
    %dma_wait3A_1127 = tpu.memref_slice %arg21[%add3A_950] : memref<131072xf32, #tpu.memory_space<vmem_shared>> -> memref<96xf32, #tpu.memory_space<vmem_shared>>
    %dma_wait3A_1128 = arith.constant 4608 : i32
    %dma_wait3A_1129 = tpu.memref_slice %arg13[%dma_wait3A_1128] : memref<8192xf32, #tpu.memory_space<vmem>> -> memref<96xf32, #tpu.memory_space<vmem>>
    %dma_wait3A_1130 = tpu.memref_slice %arg21[%add3A_950] : memref<131072xf32, #tpu.memory_space<vmem_shared>> -> memref<96xf32, #tpu.memory_space<vmem_shared>>
    tpu.wait_dma2 semaphore(%arg22 : memref<!tpu.dma_semaphore, #tpu.memory_space<semaphore_mem>>) src(%dma_wait3A_1130 : memref<96xf32, #tpu.memory_space<vmem_shared>>) dst(%dma_wait3A_1129 : memref<96xf32, #tpu.memory_space<vmem>>)
    %dma_wait3A_1131 = arith.constant 5120 : i32
    %dma_wait3A_1132 = tpu.memref_slice %arg13[%dma_wait3A_1131] : memref<8192xf32, #tpu.memory_space<vmem>> -> memref<96xf32, #tpu.memory_space<vmem>>
    %dma_wait3A_1133 = tpu.memref_slice %arg21[%add3A_954] : memref<131072xf32, #tpu.memory_space<vmem_shared>> -> memref<96xf32, #tpu.memory_space<vmem_shared>>
    %dma_wait3A_1134 = arith.constant 5120 : i32
    %dma_wait3A_1135 = tpu.memref_slice %arg13[%dma_wait3A_1134] : memref<8192xf32, #tpu.memory_space<vmem>> -> memref<96xf32, #tpu.memory_space<vmem>>
    %dma_wait3A_1136 = tpu.memref_slice %arg21[%add3A_954] : memref<131072xf32, #tpu.memory_space<vmem_shared>> -> memref<96xf32, #tpu.memory_space<vmem_shared>>
    tpu.wait_dma2 semaphore(%arg22 : memref<!tpu.dma_semaphore, #tpu.memory_space<semaphore_mem>>) src(%dma_wait3A_1136 : memref<96xf32, #tpu.memory_space<vmem_shared>>) dst(%dma_wait3A_1135 : memref<96xf32, #tpu.memory_space<vmem>>)
    %dma_wait3A_1137 = arith.constant 5632 : i32
    %dma_wait3A_1138 = tpu.memref_slice %arg13[%dma_wait3A_1137] : memref<8192xf32, #tpu.memory_space<vmem>> -> memref<96xf32, #tpu.memory_space<vmem>>
    %dma_wait3A_1139 = tpu.memref_slice %arg21[%add3A_958] : memref<131072xf32, #tpu.memory_space<vmem_shared>> -> memref<96xf32, #tpu.memory_space<vmem_shared>>
    %dma_wait3A_1140 = arith.constant 5632 : i32
    %dma_wait3A_1141 = tpu.memref_slice %arg13[%dma_wait3A_1140] : memref<8192xf32, #tpu.memory_space<vmem>> -> memref<96xf32, #tpu.memory_space<vmem>>
    %dma_wait3A_1142 = tpu.memref_slice %arg21[%add3A_958] : memref<131072xf32, #tpu.memory_space<vmem_shared>> -> memref<96xf32, #tpu.memory_space<vmem_shared>>
    tpu.wait_dma2 semaphore(%arg22 : memref<!tpu.dma_semaphore, #tpu.memory_space<semaphore_mem>>) src(%dma_wait3A_1142 : memref<96xf32, #tpu.memory_space<vmem_shared>>) dst(%dma_wait3A_1141 : memref<96xf32, #tpu.memory_space<vmem>>)
    %dma_wait3A_1143 = arith.constant 6144 : i32
    %dma_wait3A_1144 = tpu.memref_slice %arg13[%dma_wait3A_1143] : memref<8192xf32, #tpu.memory_space<vmem>> -> memref<96xf32, #tpu.memory_space<vmem>>
    %dma_wait3A_1145 = tpu.memref_slice %arg21[%add3A_962] : memref<131072xf32, #tpu.memory_space<vmem_shared>> -> memref<96xf32, #tpu.memory_space<vmem_shared>>
    %dma_wait3A_1146 = arith.constant 6144 : i32
    %dma_wait3A_1147 = tpu.memref_slice %arg13[%dma_wait3A_1146] : memref<8192xf32, #tpu.memory_space<vmem>> -> memref<96xf32, #tpu.memory_space<vmem>>
    %dma_wait3A_1148 = tpu.memref_slice %arg21[%add3A_962] : memref<131072xf32, #tpu.memory_space<vmem_shared>> -> memref<96xf32, #tpu.memory_space<vmem_shared>>
    tpu.wait_dma2 semaphore(%arg22 : memref<!tpu.dma_semaphore, #tpu.memory_space<semaphore_mem>>) src(%dma_wait3A_1148 : memref<96xf32, #tpu.memory_space<vmem_shared>>) dst(%dma_wait3A_1147 : memref<96xf32, #tpu.memory_space<vmem>>)
    %dma_wait3A_1149 = arith.constant 6656 : i32
    %dma_wait3A_1150 = tpu.memref_slice %arg13[%dma_wait3A_1149] : memref<8192xf32, #tpu.memory_space<vmem>> -> memref<96xf32, #tpu.memory_space<vmem>>
    %dma_wait3A_1151 = tpu.memref_slice %arg21[%add3A_966] : memref<131072xf32, #tpu.memory_space<vmem_shared>> -> memref<96xf32, #tpu.memory_space<vmem_shared>>
    %dma_wait3A_1152 = arith.constant 6656 : i32
    %dma_wait3A_1153 = tpu.memref_slice %arg13[%dma_wait3A_1152] : memref<8192xf32, #tpu.memory_space<vmem>> -> memref<96xf32, #tpu.memory_space<vmem>>
    %dma_wait3A_1154 = tpu.memref_slice %arg21[%add3A_966] : memref<131072xf32, #tpu.memory_space<vmem_shared>> -> memref<96xf32, #tpu.memory_space<vmem_shared>>
    tpu.wait_dma2 semaphore(%arg22 : memref<!tpu.dma_semaphore, #tpu.memory_space<semaphore_mem>>) src(%dma_wait3A_1154 : memref<96xf32, #tpu.memory_space<vmem_shared>>) dst(%dma_wait3A_1153 : memref<96xf32, #tpu.memory_space<vmem>>)
    %dma_wait3A_1155 = arith.constant 7168 : i32
    %dma_wait3A_1156 = tpu.memref_slice %arg13[%dma_wait3A_1155] : memref<8192xf32, #tpu.memory_space<vmem>> -> memref<96xf32, #tpu.memory_space<vmem>>
    %dma_wait3A_1157 = tpu.memref_slice %arg21[%add3A_970] : memref<131072xf32, #tpu.memory_space<vmem_shared>> -> memref<96xf32, #tpu.memory_space<vmem_shared>>
    %dma_wait3A_1158 = arith.constant 7168 : i32
    %dma_wait3A_1159 = tpu.memref_slice %arg13[%dma_wait3A_1158] : memref<8192xf32, #tpu.memory_space<vmem>> -> memref<96xf32, #tpu.memory_space<vmem>>
    %dma_wait3A_1160 = tpu.memref_slice %arg21[%add3A_970] : memref<131072xf32, #tpu.memory_space<vmem_shared>> -> memref<96xf32, #tpu.memory_space<vmem_shared>>
    tpu.wait_dma2 semaphore(%arg22 : memref<!tpu.dma_semaphore, #tpu.memory_space<semaphore_mem>>) src(%dma_wait3A_1160 : memref<96xf32, #tpu.memory_space<vmem_shared>>) dst(%dma_wait3A_1159 : memref<96xf32, #tpu.memory_space<vmem>>)
    %dma_wait3A_1161 = arith.constant 7680 : i32
    %dma_wait3A_1162 = tpu.memref_slice %arg13[%dma_wait3A_1161] : memref<8192xf32, #tpu.memory_space<vmem>> -> memref<96xf32, #tpu.memory_space<vmem>>
    %dma_wait3A_1163 = tpu.memref_slice %arg21[%add3A_974] : memref<131072xf32, #tpu.memory_space<vmem_shared>> -> memref<96xf32, #tpu.memory_space<vmem_shared>>
    %dma_wait3A_1164 = arith.constant 7680 : i32
    %dma_wait3A_1165 = tpu.memref_slice %arg13[%dma_wait3A_1164] : memref<8192xf32, #tpu.memory_space<vmem>> -> memref<96xf32, #tpu.memory_space<vmem>>
    %dma_wait3A_1166 = tpu.memref_slice %arg21[%add3A_974] : memref<131072xf32, #tpu.memory_space<vmem_shared>> -> memref<96xf32, #tpu.memory_space<vmem_shared>>
    tpu.wait_dma2 semaphore(%arg22 : memref<!tpu.dma_semaphore, #tpu.memory_space<semaphore_mem>>) src(%dma_wait3A_1166 : memref<96xf32, #tpu.memory_space<vmem_shared>>) dst(%dma_wait3A_1165 : memref<96xf32, #tpu.memory_space<vmem>>)
    %barrier3A_1167 = arith.constant 0 : index
    tpu.barrier barrier_id(%barrier3A_1167)
    %scan3A_1168 = arith.constant 0 : i32
    %scan3A_1169 = arith.constant 0 : i32
    %scan3A_1170 = arith.constant 6 : i32
    %scan3A_1171 = arith.addi %scan3A_1169, %scan3A_1170 : i32
    %scan3A_1172 = arith.constant 1 : i32
    %scan3A_1173 = scf.for %scan3A_1200 = %scan3A_1169 to %scan3A_1171 step %scan3A_1172 iter_args(%scan3A_1201 = %scan3A_1168) -> (i32)  : i32 {
      %mul3A_1202 = arith.constant 16 : i32
      %mul3A_1203 = arith.muli %scan3A_1200, %mul3A_1202 : i32
      %get3A = arith.index_cast %mul3A_1203 : i32 to index
      %get3A_1204 = tpu.vector_load %arg13[%get3A] {strides = array<i32>} : memref<8192xf32, #tpu.memory_space<vmem>>, vector<16xf32>,
      %get3A_1205 = vector.shape_cast %get3A_1204 : vector<16xf32> to vector<16xf32>
      %mul3A_1206 = arith.constant 16 : i32
      %mul3A_1207 = arith.muli %scan3A_1200, %mul3A_1206 : i32
      %add3A_1208 = arith.constant 512 : i32
      %add3A_1209 = arith.addi %add3A_1208, %mul3A_1207 : i32
      %get3A_1210 = arith.index_cast %add3A_1209 : i32 to index
      %get3A_1211 = tpu.vector_load %arg13[%get3A_1210] {strides = array<i32>} : memref<8192xf32, #tpu.memory_space<vmem>>, vector<16xf32>,
      %get3A_1212 = vector.shape_cast %get3A_1211 : vector<16xf32> to vector<16xf32>
      %add3A_1213 = arith.addf %get3A_1205, %get3A_1212 : vector<16xf32>
      %mul3A_1214 = arith.constant 16 : i32
      %mul3A_1215 = arith.muli %scan3A_1200, %mul3A_1214 : i32
      %add3A_1216 = arith.constant 1024 : i32
      %add3A_1217 = arith.addi %add3A_1216, %mul3A_1215 : i32
      %get3A_1218 = arith.index_cast %add3A_1217 : i32 to index
      %get3A_1219 = tpu.vector_load %arg13[%get3A_1218] {strides = array<i32>} : memref<8192xf32, #tpu.memory_space<vmem>>, vector<16xf32>,
      %get3A_1220 = vector.shape_cast %get3A_1219 : vector<16xf32> to vector<16xf32>
      %add3A_1221 = arith.addf %add3A_1213, %get3A_1220 : vector<16xf32>
      %mul3A_1222 = arith.constant 16 : i32
      %mul3A_1223 = arith.muli %scan3A_1200, %mul3A_1222 : i32
      %add3A_1224 = arith.constant 1536 : i32
      %add3A_1225 = arith.addi %add3A_1224, %mul3A_1223 : i32
      %get3A_1226 = arith.index_cast %add3A_1225 : i32 to index
      %get3A_1227 = tpu.vector_load %arg13[%get3A_1226] {strides = array<i32>} : memref<8192xf32, #tpu.memory_space<vmem>>, vector<16xf32>,
      %get3A_1228 = vector.shape_cast %get3A_1227 : vector<16xf32> to vector<16xf32>
      %add3A_1229 = arith.addf %add3A_1221, %get3A_1228 : vector<16xf32>
      %mul3A_1230 = arith.constant 16 : i32
      %mul3A_1231 = arith.muli %scan3A_1200, %mul3A_1230 : i32
      %add3A_1232 = arith.constant 2048 : i32
      %add3A_1233 = arith.addi %add3A_1232, %mul3A_1231 : i32
      %get3A_1234 = arith.index_cast %add3A_1233 : i32 to index
      %get3A_1235 = tpu.vector_load %arg13[%get3A_1234] {strides = array<i32>} : memref<8192xf32, #tpu.memory_space<vmem>>, vector<16xf32>,
      %get3A_1236 = vector.shape_cast %get3A_1235 : vector<16xf32> to vector<16xf32>
      %add3A_1237 = arith.addf %add3A_1229, %get3A_1236 : vector<16xf32>
      %mul3A_1238 = arith.constant 16 : i32
      %mul3A_1239 = arith.muli %scan3A_1200, %mul3A_1238 : i32
      %add3A_1240 = arith.constant 2560 : i32
      %add3A_1241 = arith.addi %add3A_1240, %mul3A_1239 : i32
      %get3A_1242 = arith.index_cast %add3A_1241 : i32 to index
      %get3A_1243 = tpu.vector_load %arg13[%get3A_1242] {strides = array<i32>} : memref<8192xf32, #tpu.memory_space<vmem>>, vector<16xf32>,
      %get3A_1244 = vector.shape_cast %get3A_1243 : vector<16xf32> to vector<16xf32>
      %add3A_1245 = arith.addf %add3A_1237, %get3A_1244 : vector<16xf32>
      %mul3A_1246 = arith.constant 16 : i32
      %mul3A_1247 = arith.muli %scan3A_1200, %mul3A_1246 : i32
      %add3A_1248 = arith.constant 3072 : i32
      %add3A_1249 = arith.addi %add3A_1248, %mul3A_1247 : i32
      %get3A_1250 = arith.index_cast %add3A_1249 : i32 to index
      %get3A_1251 = tpu.vector_load %arg13[%get3A_1250] {strides = array<i32>} : memref<8192xf32, #tpu.memory_space<vmem>>, vector<16xf32>,
      %get3A_1252 = vector.shape_cast %get3A_1251 : vector<16xf32> to vector<16xf32>
      %add3A_1253 = arith.addf %add3A_1245, %get3A_1252 : vector<16xf32>
      %mul3A_1254 = arith.constant 16 : i32
      %mul3A_1255 = arith.muli %scan3A_1200, %mul3A_1254 : i32
      %add3A_1256 = arith.constant 3584 : i32
      %add3A_1257 = arith.addi %add3A_1256, %mul3A_1255 : i32
      %get3A_1258 = arith.index_cast %add3A_1257 : i32 to index
      %get3A_1259 = tpu.vector_load %arg13[%get3A_1258] {strides = array<i32>} : memref<8192xf32, #tpu.memory_space<vmem>>, vector<16xf32>,
      %get3A_1260 = vector.shape_cast %get3A_1259 : vector<16xf32> to vector<16xf32>
      %add3A_1261 = arith.addf %add3A_1253, %get3A_1260 : vector<16xf32>
      %mul3A_1262 = arith.constant 16 : i32
      %mul3A_1263 = arith.muli %scan3A_1200, %mul3A_1262 : i32
      %add3A_1264 = arith.constant 4096 : i32
      %add3A_1265 = arith.addi %add3A_1264, %mul3A_1263 : i32
      %get3A_1266 = arith.index_cast %add3A_1265 : i32 to index
      %get3A_1267 = tpu.vector_load %arg13[%get3A_1266] {strides = array<i32>} : memref<8192xf32, #tpu.memory_space<vmem>>, vector<16xf32>,
      %get3A_1268 = vector.shape_cast %get3A_1267 : vector<16xf32> to vector<16xf32>
      %add3A_1269 = arith.addf %add3A_1261, %get3A_1268 : vector<16xf32>
      %mul3A_1270 = arith.constant 16 : i32
      %mul3A_1271 = arith.muli %scan3A_1200, %mul3A_1270 : i32
      %add3A_1272 = arith.constant 4608 : i32
      %add3A_1273 = arith.addi %add3A_1272, %mul3A_1271 : i32
      %get3A_1274 = arith.index_cast %add3A_1273 : i32 to index
      %get3A_1275 = tpu.vector_load %arg13[%get3A_1274] {strides = array<i32>} : memref<8192xf32, #tpu.memory_space<vmem>>, vector<16xf32>,
      %get3A_1276 = vector.shape_cast %get3A_1275 : vector<16xf32> to vector<16xf32>
      %add3A_1277 = arith.addf %add3A_1269, %get3A_1276 : vector<16xf32>
      %mul3A_1278 = arith.constant 16 : i32
      %mul3A_1279 = arith.muli %scan3A_1200, %mul3A_1278 : i32
      %add3A_1280 = arith.constant 5120 : i32
      %add3A_1281 = arith.addi %add3A_1280, %mul3A_1279 : i32
      %get3A_1282 = arith.index_cast %add3A_1281 : i32 to index
      %get3A_1283 = tpu.vector_load %arg13[%get3A_1282] {strides = array<i32>} : memref<8192xf32, #tpu.memory_space<vmem>>, vector<16xf32>,
      %get3A_1284 = vector.shape_cast %get3A_1283 : vector<16xf32> to vector<16xf32>
      %add3A_1285 = arith.addf %add3A_1277, %get3A_1284 : vector<16xf32>
      %mul3A_1286 = arith.constant 16 : i32
      %mul3A_1287 = arith.muli %scan3A_1200, %mul3A_1286 : i32
      %add3A_1288 = arith.constant 5632 : i32
      %add3A_1289 = arith.addi %add3A_1288, %mul3A_1287 : i32
      %get3A_1290 = arith.index_cast %add3A_1289 : i32 to index
      %get3A_1291 = tpu.vector_load %arg13[%get3A_1290] {strides = array<i32>} : memref<8192xf32, #tpu.memory_space<vmem>>, vector<16xf32>,
      %get3A_1292 = vector.shape_cast %get3A_1291 : vector<16xf32> to vector<16xf32>
      %add3A_1293 = arith.addf %add3A_1285, %get3A_1292 : vector<16xf32>
      %mul3A_1294 = arith.constant 16 : i32
      %mul3A_1295 = arith.muli %scan3A_1200, %mul3A_1294 : i32
      %add3A_1296 = arith.constant 6144 : i32
      %add3A_1297 = arith.addi %add3A_1296, %mul3A_1295 : i32
      %get3A_1298 = arith.index_cast %add3A_1297 : i32 to index
      %get3A_1299 = tpu.vector_load %arg13[%get3A_1298] {strides = array<i32>} : memref<8192xf32, #tpu.memory_space<vmem>>, vector<16xf32>,
      %get3A_1300 = vector.shape_cast %get3A_1299 : vector<16xf32> to vector<16xf32>
      %add3A_1301 = arith.addf %add3A_1293, %get3A_1300 : vector<16xf32>
      %mul3A_1302 = arith.constant 16 : i32
      %mul3A_1303 = arith.muli %scan3A_1200, %mul3A_1302 : i32
      %add3A_1304 = arith.constant 6656 : i32
      %add3A_1305 = arith.addi %add3A_1304, %mul3A_1303 : i32
      %get3A_1306 = arith.index_cast %add3A_1305 : i32 to index
      %get3A_1307 = tpu.vector_load %arg13[%get3A_1306] {strides = array<i32>} : memref<8192xf32, #tpu.memory_space<vmem>>, vector<16xf32>,
      %get3A_1308 = vector.shape_cast %get3A_1307 : vector<16xf32> to vector<16xf32>
      %add3A_1309 = arith.addf %add3A_1301, %get3A_1308 : vector<16xf32>
      %mul3A_1310 = arith.constant 16 : i32
      %mul3A_1311 = arith.muli %scan3A_1200, %mul3A_1310 : i32
      %add3A_1312 = arith.constant 7168 : i32
      %add3A_1313 = arith.addi %add3A_1312, %mul3A_1311 : i32
      %get3A_1314 = arith.index_cast %add3A_1313 : i32 to index
      %get3A_1315 = tpu.vector_load %arg13[%get3A_1314] {strides = array<i32>} : memref<8192xf32, #tpu.memory_space<vmem>>, vector<16xf32>,
      %get3A_1316 = vector.shape_cast %get3A_1315 : vector<16xf32> to vector<16xf32>
      %add3A_1317 = arith.addf %add3A_1309, %get3A_1316 : vector<16xf32>
      %mul3A_1318 = arith.constant 16 : i32
      %mul3A_1319 = arith.muli %scan3A_1200, %mul3A_1318 : i32
      %add3A_1320 = arith.constant 7680 : i32
      %add3A_1321 = arith.addi %add3A_1320, %mul3A_1319 : i32
      %get3A_1322 = arith.index_cast %add3A_1321 : i32 to index
      %get3A_1323 = tpu.vector_load %arg13[%get3A_1322] {strides = array<i32>} : memref<8192xf32, #tpu.memory_space<vmem>>, vector<16xf32>,
      %get3A_1324 = vector.shape_cast %get3A_1323 : vector<16xf32> to vector<16xf32>
      %add3A_1325 = arith.addf %add3A_1317, %get3A_1324 : vector<16xf32>
      %mul3A_1326 = arith.constant 16 : i32
      %mul3A_1327 = arith.muli %scan3A_1200, %mul3A_1326 : i32
      %swap3A = arith.index_cast %mul3A_1327 : i32 to index
      %swap3A_1328 = tpu.vector_load %arg14[%swap3A] {strides = array<i32>} : memref<512xf32, #tpu.memory_space<vmem>>, vector<16xf32>,
      %swap3A_1329 = vector.shape_cast %swap3A_1328 : vector<16xf32> to vector<16xf32>
      %swap3A_1330 = vector.shape_cast %add3A_1325 : vector<16xf32> to vector<16xf32>
      tpu.vector_store %arg14[%swap3A], %swap3A_1330 {strides = array<i32>} : memref<512xf32, #tpu.memory_space<vmem>>, vector<16xf32>,
      %scan3A_1331 = arith.constant 0 : i32
      scf.yield %scan3A_1331 : i32
    }
    %scan3A_1174 = arith.constant 6 : i32
    %mul3A_1175 = arith.constant 96 : i32
    %mul3A_1176 = arith.muli %arg1, %mul3A_1175 : i32
    %add3A_1177 = arith.constant 44544 : i32
    %add3A_1178 = arith.addi %add3A_1177, %mul3A_1176 : i32
    "tpu.region"() ({
      %run_scoped3A = tpu.sem_alloc : memref<!tpu.dma_semaphore, #tpu.memory_space<semaphore_mem>>
      %dma_start3A_1200 = arith.constant 0 : i32
      %dma_start3A_1201 = tpu.memref_slice %arg16[%dma_start3A_1200] : memref<512xf32, #tpu.memory_space<vmem>> -> memref<96xf32, #tpu.memory_space<vmem>>
      %dma_start3A_1202 = tpu.memref_slice %arg2[%add3A_1178] : memref<50688xf32, #tpu.memory_space<hbm>> -> memref<96xf32, #tpu.memory_space<hbm>>
      %dma_start3A_1203 = arith.constant 0 : i32
      %dma_start3A_1204 = tpu.memref_slice %arg16[%dma_start3A_1203] : memref<512xf32, #tpu.memory_space<vmem>> -> memref<96xf32, #tpu.memory_space<vmem>>
      %dma_start3A_1205 = tpu.memref_slice %arg2[%add3A_1178] : memref<50688xf32, #tpu.memory_space<hbm>> -> memref<96xf32, #tpu.memory_space<hbm>>
      tpu.enqueue_dma source(%dma_start3A_1205 : memref<96xf32, #tpu.memory_space<hbm>>) target(%dma_start3A_1204 : memref<96xf32, #tpu.memory_space<vmem>>) target_semaphore(%run_scoped3A : memref<!tpu.dma_semaphore, #tpu.memory_space<semaphore_mem>>)
      %dma_wait3A_1206 = arith.constant 0 : i32
      %dma_wait3A_1207 = tpu.memref_slice %arg16[%dma_wait3A_1206] : memref<512xf32, #tpu.memory_space<vmem>> -> memref<96xf32, #tpu.memory_space<vmem>>
      %dma_wait3A_1208 = tpu.memref_slice %arg2[%add3A_1178] : memref<50688xf32, #tpu.memory_space<hbm>> -> memref<96xf32, #tpu.memory_space<hbm>>
      %dma_wait3A_1209 = arith.constant 0 : i32
      %dma_wait3A_1210 = tpu.memref_slice %arg16[%dma_wait3A_1209] : memref<512xf32, #tpu.memory_space<vmem>> -> memref<96xf32, #tpu.memory_space<vmem>>
      %dma_wait3A_1211 = tpu.memref_slice %arg2[%add3A_1178] : memref<50688xf32, #tpu.memory_space<hbm>> -> memref<96xf32, #tpu.memory_space<hbm>>
      tpu.wait_dma2 semaphore(%run_scoped3A : memref<!tpu.dma_semaphore, #tpu.memory_space<semaphore_mem>>) src(%dma_wait3A_1211 : memref<96xf32, #tpu.memory_space<hbm>>) dst(%dma_wait3A_1210 : memref<96xf32, #tpu.memory_space<vmem>>)
      tpu.yield
    }) : () -> ()
    %mul3A_1179 = arith.constant 96 : i32
    %mul3A_1180 = arith.muli %arg1, %mul3A_1179 : i32
    %add3A_1181 = arith.constant 46080 : i32
    %add3A_1182 = arith.addi %add3A_1181, %mul3A_1180 : i32
    "tpu.region"() ({
      %run_scoped3A = tpu.sem_alloc : memref<!tpu.dma_semaphore, #tpu.memory_space<semaphore_mem>>
      %dma_start3A_1200 = arith.constant 0 : i32
      %dma_start3A_1201 = tpu.memref_slice %arg17[%dma_start3A_1200] : memref<512xf32, #tpu.memory_space<vmem>> -> memref<96xf32, #tpu.memory_space<vmem>>
      %dma_start3A_1202 = tpu.memref_slice %arg2[%add3A_1182] : memref<50688xf32, #tpu.memory_space<hbm>> -> memref<96xf32, #tpu.memory_space<hbm>>
      %dma_start3A_1203 = arith.constant 0 : i32
      %dma_start3A_1204 = tpu.memref_slice %arg17[%dma_start3A_1203] : memref<512xf32, #tpu.memory_space<vmem>> -> memref<96xf32, #tpu.memory_space<vmem>>
      %dma_start3A_1205 = tpu.memref_slice %arg2[%add3A_1182] : memref<50688xf32, #tpu.memory_space<hbm>> -> memref<96xf32, #tpu.memory_space<hbm>>
      tpu.enqueue_dma source(%dma_start3A_1205 : memref<96xf32, #tpu.memory_space<hbm>>) target(%dma_start3A_1204 : memref<96xf32, #tpu.memory_space<vmem>>) target_semaphore(%run_scoped3A : memref<!tpu.dma_semaphore, #tpu.memory_space<semaphore_mem>>)
      %dma_wait3A_1206 = arith.constant 0 : i32
      %dma_wait3A_1207 = tpu.memref_slice %arg17[%dma_wait3A_1206] : memref<512xf32, #tpu.memory_space<vmem>> -> memref<96xf32, #tpu.memory_space<vmem>>
      %dma_wait3A_1208 = tpu.memref_slice %arg2[%add3A_1182] : memref<50688xf32, #tpu.memory_space<hbm>> -> memref<96xf32, #tpu.memory_space<hbm>>
      %dma_wait3A_1209 = arith.constant 0 : i32
      %dma_wait3A_1210 = tpu.memref_slice %arg17[%dma_wait3A_1209] : memref<512xf32, #tpu.memory_space<vmem>> -> memref<96xf32, #tpu.memory_space<vmem>>
      %dma_wait3A_1211 = tpu.memref_slice %arg2[%add3A_1182] : memref<50688xf32, #tpu.memory_space<hbm>> -> memref<96xf32, #tpu.memory_space<hbm>>
      tpu.wait_dma2 semaphore(%run_scoped3A : memref<!tpu.dma_semaphore, #tpu.memory_space<semaphore_mem>>) src(%dma_wait3A_1211 : memref<96xf32, #tpu.memory_space<hbm>>) dst(%dma_wait3A_1210 : memref<96xf32, #tpu.memory_space<vmem>>)
      tpu.yield
    }) : () -> ()
    %mul3A_1183 = arith.constant 96 : i32
    %mul3A_1184 = arith.muli %arg1, %mul3A_1183 : i32
    %add3A_1185 = arith.constant 47616 : i32
    %add3A_1186 = arith.addi %add3A_1185, %mul3A_1184 : i32
    "tpu.region"() ({
      %run_scoped3A = tpu.sem_alloc : memref<!tpu.dma_semaphore, #tpu.memory_space<semaphore_mem>>
      %dma_start3A_1200 = arith.constant 0 : i32
      %dma_start3A_1201 = tpu.memref_slice %arg18[%dma_start3A_1200] : memref<512xf32, #tpu.memory_space<vmem>> -> memref<96xf32, #tpu.memory_space<vmem>>
      %dma_start3A_1202 = tpu.memref_slice %arg2[%add3A_1186] : memref<50688xf32, #tpu.memory_space<hbm>> -> memref<96xf32, #tpu.memory_space<hbm>>
      %dma_start3A_1203 = arith.constant 0 : i32
      %dma_start3A_1204 = tpu.memref_slice %arg18[%dma_start3A_1203] : memref<512xf32, #tpu.memory_space<vmem>> -> memref<96xf32, #tpu.memory_space<vmem>>
      %dma_start3A_1205 = tpu.memref_slice %arg2[%add3A_1186] : memref<50688xf32, #tpu.memory_space<hbm>> -> memref<96xf32, #tpu.memory_space<hbm>>
      tpu.enqueue_dma source(%dma_start3A_1205 : memref<96xf32, #tpu.memory_space<hbm>>) target(%dma_start3A_1204 : memref<96xf32, #tpu.memory_space<vmem>>) target_semaphore(%run_scoped3A : memref<!tpu.dma_semaphore, #tpu.memory_space<semaphore_mem>>)
      %dma_wait3A_1206 = arith.constant 0 : i32
      %dma_wait3A_1207 = tpu.memref_slice %arg18[%dma_wait3A_1206] : memref<512xf32, #tpu.memory_space<vmem>> -> memref<96xf32, #tpu.memory_space<vmem>>
      %dma_wait3A_1208 = tpu.memref_slice %arg2[%add3A_1186] : memref<50688xf32, #tpu.memory_space<hbm>> -> memref<96xf32, #tpu.memory_space<hbm>>
      %dma_wait3A_1209 = arith.constant 0 : i32
      %dma_wait3A_1210 = tpu.memref_slice %arg18[%dma_wait3A_1209] : memref<512xf32, #tpu.memory_space<vmem>> -> memref<96xf32, #tpu.memory_space<vmem>>
      %dma_wait3A_1211 = tpu.memref_slice %arg2[%add3A_1186] : memref<50688xf32, #tpu.memory_space<hbm>> -> memref<96xf32, #tpu.memory_space<hbm>>
      tpu.wait_dma2 semaphore(%run_scoped3A : memref<!tpu.dma_semaphore, #tpu.memory_space<semaphore_mem>>) src(%dma_wait3A_1211 : memref<96xf32, #tpu.memory_space<hbm>>) dst(%dma_wait3A_1210 : memref<96xf32, #tpu.memory_space<vmem>>)
      tpu.yield
    }) : () -> ()
    %mul3A_1187 = arith.constant 96 : i32
    %mul3A_1188 = arith.muli %arg1, %mul3A_1187 : i32
    %add3A_1189 = arith.constant 49152 : i32
    %add3A_1190 = arith.addi %add3A_1189, %mul3A_1188 : i32
    "tpu.region"() ({
      %run_scoped3A = tpu.sem_alloc : memref<!tpu.dma_semaphore, #tpu.memory_space<semaphore_mem>>
      %dma_start3A_1200 = arith.constant 0 : i32
      %dma_start3A_1201 = tpu.memref_slice %arg19[%dma_start3A_1200] : memref<512xf32, #tpu.memory_space<vmem>> -> memref<96xf32, #tpu.memory_space<vmem>>
      %dma_start3A_1202 = tpu.memref_slice %arg2[%add3A_1190] : memref<50688xf32, #tpu.memory_space<hbm>> -> memref<96xf32, #tpu.memory_space<hbm>>
      %dma_start3A_1203 = arith.constant 0 : i32
      %dma_start3A_1204 = tpu.memref_slice %arg19[%dma_start3A_1203] : memref<512xf32, #tpu.memory_space<vmem>> -> memref<96xf32, #tpu.memory_space<vmem>>
      %dma_start3A_1205 = tpu.memref_slice %arg2[%add3A_1190] : memref<50688xf32, #tpu.memory_space<hbm>> -> memref<96xf32, #tpu.memory_space<hbm>>
      tpu.enqueue_dma source(%dma_start3A_1205 : memref<96xf32, #tpu.memory_space<hbm>>) target(%dma_start3A_1204 : memref<96xf32, #tpu.memory_space<vmem>>) target_semaphore(%run_scoped3A : memref<!tpu.dma_semaphore, #tpu.memory_space<semaphore_mem>>)
      %dma_wait3A_1206 = arith.constant 0 : i32
      %dma_wait3A_1207 = tpu.memref_slice %arg19[%dma_wait3A_1206] : memref<512xf32, #tpu.memory_space<vmem>> -> memref<96xf32, #tpu.memory_space<vmem>>
      %dma_wait3A_1208 = tpu.memref_slice %arg2[%add3A_1190] : memref<50688xf32, #tpu.memory_space<hbm>> -> memref<96xf32, #tpu.memory_space<hbm>>
      %dma_wait3A_1209 = arith.constant 0 : i32
      %dma_wait3A_1210 = tpu.memref_slice %arg19[%dma_wait3A_1209] : memref<512xf32, #tpu.memory_space<vmem>> -> memref<96xf32, #tpu.memory_space<vmem>>
      %dma_wait3A_1211 = tpu.memref_slice %arg2[%add3A_1190] : memref<50688xf32, #tpu.memory_space<hbm>> -> memref<96xf32, #tpu.memory_space<hbm>>
      tpu.wait_dma2 semaphore(%run_scoped3A : memref<!tpu.dma_semaphore, #tpu.memory_space<semaphore_mem>>) src(%dma_wait3A_1211 : memref<96xf32, #tpu.memory_space<hbm>>) dst(%dma_wait3A_1210 : memref<96xf32, #tpu.memory_space<vmem>>)
      tpu.yield
    }) : () -> ()
    %scan3A_1191 = arith.constant 0 : i32
    %scan3A_1192 = arith.constant 0 : i32
    %scan3A_1193 = arith.constant 6 : i32
    %scan3A_1194 = arith.addi %scan3A_1192, %scan3A_1193 : i32
    %scan3A_1195 = arith.constant 1 : i32
    %scan3A_1196 = scf.for %scan3A_1200 = %scan3A_1192 to %scan3A_1194 step %scan3A_1195 iter_args(%scan3A_1201 = %scan3A_1191) -> (i32)  : i32 {
      %mul3A_1202 = arith.constant 16 : i32
      %mul3A_1203 = arith.muli %scan3A_1200, %mul3A_1202 : i32
      %get3A = arith.index_cast %mul3A_1203 : i32 to index
      %get3A_1204 = tpu.vector_load %arg14[%get3A] {strides = array<i32>} : memref<512xf32, #tpu.memory_space<vmem>>, vector<16xf32>,
      %get3A_1205 = vector.shape_cast %get3A_1204 : vector<16xf32> to vector<16xf32>
      %get3A_1206 = arith.index_cast %mul3A_1203 : i32 to index
      %get3A_1207 = tpu.vector_load %arg16[%get3A_1206] {strides = array<i32>} : memref<512xf32, #tpu.memory_space<vmem>>, vector<16xf32>,
      %get3A_1208 = vector.shape_cast %get3A_1207 : vector<16xf32> to vector<16xf32>
      %get3A_1209 = arith.index_cast %mul3A_1203 : i32 to index
      %get3A_1210 = tpu.vector_load %arg17[%get3A_1209] {strides = array<i32>} : memref<512xf32, #tpu.memory_space<vmem>>, vector<16xf32>,
      %get3A_1211 = vector.shape_cast %get3A_1210 : vector<16xf32> to vector<16xf32>
      %mul3A_1212 = arith.constant 4.000000e-02 : f32
      %mul3A_1213 = vector.broadcast %mul3A_1212 : f32 to vector<16xf32>
      %mul3A_1214 = arith.mulf %mul3A_1213, %get3A_1208 : vector<16xf32>
      %mul3A_1215 = arith.mulf %mul3A_1214, %get3A_1208 : vector<16xf32>
      %mul3A_1216 = arith.constant 5.000000e+00 : f32
      %mul3A_1217 = vector.broadcast %mul3A_1216 : f32 to vector<16xf32>
      %mul3A_1218 = arith.mulf %mul3A_1217, %get3A_1208 : vector<16xf32>
      %add3A_1219 = arith.addf %mul3A_1215, %mul3A_1218 : vector<16xf32>
      %add3A_1220 = arith.constant 1.400000e+02 : f32
      %add3A_1221 = vector.broadcast %add3A_1220 : f32 to vector<16xf32>
      %add3A_1222 = arith.addf %add3A_1219, %add3A_1221 : vector<16xf32>
      %sub3A = arith.subf %add3A_1222, %get3A_1211 : vector<16xf32>
      %add3A_1223 = arith.addf %sub3A, %get3A_1205 : vector<16xf32>
      %mul3A_1224 = arith.constant 5.000000e-01 : f32
      %mul3A_1225 = vector.broadcast %mul3A_1224 : f32 to vector<16xf32>
      %mul3A_1226 = arith.mulf %add3A_1223, %mul3A_1225 : vector<16xf32>
      %add3A_1227 = arith.addf %get3A_1208, %mul3A_1226 : vector<16xf32>
      %jit3A = arith.constant -9.000000e+01 : f32
      %jit3A_1228 = arith.constant 4.000000e+01 : f32
      %max3A = vector.broadcast %jit3A : f32 to vector<16xf32>
      %max3A_1229 = arith.maximumf %max3A, %add3A_1227 : vector<16xf32>
      %min3A = vector.broadcast %jit3A_1228 : f32 to vector<16xf32>
      %min3A_1230 = arith.minimumf %min3A, %max3A_1229 : vector<16xf32>
      %mul3A_1231 = arith.constant 2.000000e-01 : f32
      %mul3A_1232 = vector.broadcast %mul3A_1231 : f32 to vector<16xf32>
      %mul3A_1233 = arith.mulf %mul3A_1232, %min3A_1230 : vector<16xf32>
      %sub3A_1234 = arith.subf %mul3A_1233, %get3A_1211 : vector<16xf32>
      %mul3A_1235 = arith.constant 2.000000e-02 : f32
      %mul3A_1236 = vector.broadcast %mul3A_1235 : f32 to vector<16xf32>
      %mul3A_1237 = arith.mulf %mul3A_1236, %sub3A_1234 : vector<16xf32>
      %mul3A_1238 = arith.constant 5.000000e-01 : f32
      %mul3A_1239 = vector.broadcast %mul3A_1238 : f32 to vector<16xf32>
      %mul3A_1240 = arith.mulf %mul3A_1237, %mul3A_1239 : vector<16xf32>
      %add3A_1241 = arith.addf %get3A_1211, %mul3A_1240 : vector<16xf32>
      %ge3A = arith.constant 3.000000e+01 : f32
      %ge3A_1242 = vector.broadcast %ge3A : f32 to vector<16xf32>
      %ge3A_1243 = arith.cmpf oge, %min3A_1230, %ge3A_1242 : vector<16xf32>
      %get3A_1244 = arith.index_cast %mul3A_1203 : i32 to index
      %get3A_1245 = tpu.vector_load %arg18[%get3A_1244] {strides = array<i32>} : memref<512xf32, #tpu.memory_space<vmem>>, vector<16xf32>,
      %get3A_1246 = vector.shape_cast %get3A_1245 : vector<16xf32> to vector<16xf32>
      %select_n3A = arith.select %ge3A_1243, %get3A_1246, %min3A_1230 : vector<16xi1>, vector<16xf32>
      %swap3A = arith.index_cast %mul3A_1203 : i32 to index
      %swap3A_1247 = tpu.vector_load %arg16[%swap3A] {strides = array<i32>} : memref<512xf32, #tpu.memory_space<vmem>>, vector<16xf32>,
      %swap3A_1248 = vector.shape_cast %swap3A_1247 : vector<16xf32> to vector<16xf32>
      %swap3A_1249 = vector.shape_cast %select_n3A : vector<16xf32> to vector<16xf32>
      tpu.vector_store %arg16[%swap3A], %swap3A_1249 {strides = array<i32>} : memref<512xf32, #tpu.memory_space<vmem>>, vector<16xf32>,
      %get3A_1250 = arith.index_cast %mul3A_1203 : i32 to index
      %get3A_1251 = tpu.vector_load %arg19[%get3A_1250] {strides = array<i32>} : memref<512xf32, #tpu.memory_space<vmem>>, vector<16xf32>,
      %get3A_1252 = vector.shape_cast %get3A_1251 : vector<16xf32> to vector<16xf32>
      %add3A_1253 = arith.addf %add3A_1241, %get3A_1252 : vector<16xf32>
      %select_n3A_1254 = arith.select %ge3A_1243, %add3A_1253, %add3A_1241 : vector<16xi1>, vector<16xf32>
      %swap3A_1255 = arith.index_cast %mul3A_1203 : i32 to index
      %swap3A_1256 = tpu.vector_load %arg17[%swap3A_1255] {strides = array<i32>} : memref<512xf32, #tpu.memory_space<vmem>>, vector<16xf32>,
      %swap3A_1257 = vector.shape_cast %swap3A_1256 : vector<16xf32> to vector<16xf32>
      %swap3A_1258 = vector.shape_cast %select_n3A_1254 : vector<16xf32> to vector<16xf32>
      tpu.vector_store %arg17[%swap3A_1255], %swap3A_1258 {strides = array<i32>} : memref<512xf32, #tpu.memory_space<vmem>>, vector<16xf32>,
      %jit3A_1259 = arith.constant 1.000000e+00 : f32
      %jit3A_1260 = arith.constant 0.000000e+00 : f32
      %broadcast_in_dim3A = vector.broadcast %jit3A_1259 : f32 to vector<16xf32>
      %broadcast_in_dim3A_1261 = vector.broadcast %jit3A_1260 : f32 to vector<16xf32>
      %select_n3A_1262 = arith.select %ge3A_1243, %broadcast_in_dim3A, %broadcast_in_dim3A_1261 : vector<16xi1>, vector<16xf32>
      %swap3A_1263 = arith.index_cast %mul3A_1203 : i32 to index
      %swap3A_1264 = tpu.vector_load %arg9[%swap3A_1263] {strides = array<i32>} : memref<528xf32, #tpu.memory_space<vmem>>, vector<16xf32>,
      %swap3A_1265 = vector.shape_cast %swap3A_1264 : vector<16xf32> to vector<16xf32>
      %swap3A_1266 = vector.shape_cast %select_n3A_1262 : vector<16xf32> to vector<16xf32>
      tpu.vector_store %arg9[%swap3A_1263], %swap3A_1266 {strides = array<i32>} : memref<528xf32, #tpu.memory_space<vmem>>, vector<16xf32>,
      %scan3A_1267 = arith.constant 0 : i32
      scf.yield %scan3A_1267 : i32
    }
    %scan3A_1197 = arith.constant 6 : i32
    %mul3A_1198 = arith.constant 96 : i32
    %mul3A_1199 = arith.muli %arg1, %mul3A_1198 : i32
    "tpu.region"() ({
      %run_scoped3A = tpu.sem_alloc : memref<!tpu.dma_semaphore, #tpu.memory_space<semaphore_mem>>
      %dma_start3A_1200 = arith.constant 0 : i32
      %dma_start3A_1201 = tpu.memref_slice %arg16[%dma_start3A_1200] : memref<512xf32, #tpu.memory_space<vmem>> -> memref<96xf32, #tpu.memory_space<vmem>>
      %dma_start3A_1202 = tpu.memref_slice %arg8[%mul3A_1199] : memref<1536xf32, #tpu.memory_space<hbm>> -> memref<96xf32, #tpu.memory_space<hbm>>
      %dma_start3A_1203 = tpu.memref_slice %arg8[%mul3A_1199] : memref<1536xf32, #tpu.memory_space<hbm>> -> memref<96xf32, #tpu.memory_space<hbm>>
      %dma_start3A_1204 = arith.constant 0 : i32
      %dma_start3A_1205 = tpu.memref_slice %arg16[%dma_start3A_1204] : memref<512xf32, #tpu.memory_space<vmem>> -> memref<96xf32, #tpu.memory_space<vmem>>
      tpu.enqueue_dma source(%dma_start3A_1205 : memref<96xf32, #tpu.memory_space<vmem>>) target(%dma_start3A_1203 : memref<96xf32, #tpu.memory_space<hbm>>) target_semaphore(%run_scoped3A : memref<!tpu.dma_semaphore, #tpu.memory_space<semaphore_mem>>)
      %dma_wait3A_1206 = arith.constant 0 : i32
      %dma_wait3A_1207 = tpu.memref_slice %arg16[%dma_wait3A_1206] : memref<512xf32, #tpu.memory_space<vmem>> -> memref<96xf32, #tpu.memory_space<vmem>>
      %dma_wait3A_1208 = tpu.memref_slice %arg8[%mul3A_1199] : memref<1536xf32, #tpu.memory_space<hbm>> -> memref<96xf32, #tpu.memory_space<hbm>>
      %dma_wait3A_1209 = tpu.memref_slice %arg8[%mul3A_1199] : memref<1536xf32, #tpu.memory_space<hbm>> -> memref<96xf32, #tpu.memory_space<hbm>>
      %dma_wait3A_1210 = arith.constant 0 : i32
      %dma_wait3A_1211 = tpu.memref_slice %arg16[%dma_wait3A_1210] : memref<512xf32, #tpu.memory_space<vmem>> -> memref<96xf32, #tpu.memory_space<vmem>>
      tpu.wait_dma2 semaphore(%run_scoped3A : memref<!tpu.dma_semaphore, #tpu.memory_space<semaphore_mem>>) src(%dma_wait3A_1211 : memref<96xf32, #tpu.memory_space<vmem>>) dst(%dma_wait3A_1209 : memref<96xf32, #tpu.memory_space<hbm>>)
      tpu.yield
    }) : () -> ()
    return
  }
}

module attributes {stable_mosaic.version = 14 : i64} {
  func.func @_front_body(%arg0: i32, %arg1: memref<1x1984xf32, #tpu.memory_space<vmem>>, %arg2: memref<1984x1500xf32, #tpu.memory_space<vmem>>, %arg3: memref<1x54000xf32, #tpu.memory_space<vmem>>, %arg4: memref<1500x128xf32, #tpu.memory_space<vmem>>, %arg5: memref<8000x128xf32, #tpu.memory_space<vmem>>, %arg6: memref<2500x128xf32, #tpu.memory_space<vmem>>, %arg7: memref<2500x128xf32, #tpu.memory_space<vmem>>, %arg8: memref<1x50688xf32, #tpu.memory_space<vmem>>, %arg9: memref<14500x128xf32, #tpu.memory_space<vmem>>) attributes {dimension_semantics = [#tpu.dimension_semantics<arbitrary>], iteration_bounds = array<i64: 1>, scalar_prefetch = 0 : i64, scratch_operands = 0 : i64, tpu.core_type = #tpu.core_type<tc>, window_params = [{pipeline_mode = #tpu.pipeline_mode<synchronous>, transform_indices = @transform_0, window_bounds = array<i64: 1, 1984>}, {pipeline_mode = #tpu.pipeline_mode<synchronous>, transform_indices = @transform_1, window_bounds = array<i64: 1984, 1500>}, {pipeline_mode = #tpu.pipeline_mode<synchronous>, transform_indices = @transform_2, window_bounds = array<i64: 1, 54000>}, {transform_indices = @transform_3, window_bounds = array<i64: 1500, 128>}, {transform_indices = @transform_4, window_bounds = array<i64: 8000, 128>}, {transform_indices = @transform_5, window_bounds = array<i64: 2500, 128>}, {transform_indices = @transform_6, window_bounds = array<i64: 2500, 128>}, {pipeline_mode = #tpu.pipeline_mode<synchronous>, transform_indices = @transform_7, window_bounds = array<i64: 1, 50688>}, {pipeline_mode = #tpu.pipeline_mode<synchronous>, transform_indices = @transform_8, window_bounds = array<i64: 14500, 128>}]} {
    %get3A = arith.constant 0 : index
    %get3A_0 = arith.constant 0 : index
    %get3A_1 = vector.load %arg3[%get3A, %get3A_0] : memref<1x54000xf32, #tpu.memory_space<vmem>>, vector<1x54000xf32>
    %slice3A = vector.extract_strided_slice %get3A_1 {offsets = [0, 0], sizes = [1, 1500], strides = [1, 1]} : vector<1x54000xf32> to vector<1x1500xf32>
    %slice3A_2 = vector.extract_strided_slice %get3A_1 {offsets = [0, 1500], sizes = [1, 1500], strides = [1, 1]} : vector<1x54000xf32> to vector<1x1500xf32>
    %get3A_3 = arith.constant 0 : index
    %get3A_4 = arith.constant 0 : index
    %get3A_5 = vector.load %arg1[%get3A_3, %get3A_4] : memref<1x1984xf32, #tpu.memory_space<vmem>>, vector<1x1984xf32>
    %get3A_6 = arith.constant 0 : index
    %get3A_7 = arith.constant 0 : index
    %get3A_8 = vector.load %arg2[%get3A_6, %get3A_7] : memref<1984x1500xf32, #tpu.memory_space<vmem>>, vector<1984x1500xf32>
    %dot_general3A = arith.constant dense<0.000000e+00> : vector<1x1500xf32>
    %dot_general3A_9 = tpu.matmul %get3A_5, %get3A_8, %dot_general3A {dimension_numbers = #tpu.dot_dimension_numbers<[1], [0], [0], [1], [0, 0, 1, 1], [], []>, transpose_lhs_hint = false} : vector<1x1984xf32>, vector<1984x1500xf32>, vector<1x1500xf32> -> vector<1x1500xf32>
    %mul3A = arith.constant 4.000000e-02 : f32
    %mul3A_10 = vector.broadcast %mul3A : f32 to vector<1x1500xf32>
    %mul3A_11 = arith.mulf %mul3A_10, %slice3A : vector<1x1500xf32>
    %mul3A_12 = arith.mulf %mul3A_11, %slice3A : vector<1x1500xf32>
    %mul3A_13 = arith.constant 5.000000e+00 : f32
    %mul3A_14 = vector.broadcast %mul3A_13 : f32 to vector<1x1500xf32>
    %mul3A_15 = arith.mulf %mul3A_14, %slice3A : vector<1x1500xf32>
    %add3A = arith.addf %mul3A_12, %mul3A_15 : vector<1x1500xf32>
    %add3A_16 = arith.constant 1.400000e+02 : f32
    %add3A_17 = vector.broadcast %add3A_16 : f32 to vector<1x1500xf32>
    %add3A_18 = arith.addf %add3A, %add3A_17 : vector<1x1500xf32>
    %sub3A = arith.subf %add3A_18, %slice3A_2 : vector<1x1500xf32>
    %add3A_19 = arith.addf %sub3A, %dot_general3A_9 : vector<1x1500xf32>
    %mul3A_20 = arith.constant 5.000000e-01 : f32
    %mul3A_21 = vector.broadcast %mul3A_20 : f32 to vector<1x1500xf32>
    %mul3A_22 = arith.mulf %add3A_19, %mul3A_21 : vector<1x1500xf32>
    %add3A_23 = arith.addf %slice3A, %mul3A_22 : vector<1x1500xf32>
    %jit3A = arith.constant -9.000000e+01 : f32
    %jit3A_24 = arith.constant 4.000000e+01 : f32
    %max3A = vector.broadcast %jit3A : f32 to vector<1x1500xf32>
    %max3A_25 = arith.maximumf %max3A, %add3A_23 : vector<1x1500xf32>
    %min3A = vector.broadcast %jit3A_24 : f32 to vector<1x1500xf32>
    %min3A_26 = arith.minimumf %min3A, %max3A_25 : vector<1x1500xf32>
    %ge3A = arith.constant 3.000000e+01 : f32
    %ge3A_27 = vector.broadcast %ge3A : f32 to vector<1x1500xf32>
    %ge3A_28 = arith.cmpf oge, %min3A_26, %ge3A_27 : vector<1x1500xf32>
    %convert_element_type3A = arith.extui %ge3A_28 : vector<1x1500xi1> to vector<1x1500xi32>
    %convert_element_type3A_29 = arith.sitofp %convert_element_type3A : vector<1x1500xi32> to vector<1x1500xf32>
    %swap3A = arith.constant 0 : index
    %swap3A_30 = arith.constant 0 : index
    %swap3A_31 = vector.load %arg8[%swap3A, %swap3A_30] : memref<1x50688xf32, #tpu.memory_space<vmem>>, vector<1x1500xf32>
    tpu.vector_store %arg8[%swap3A, %swap3A_30], %convert_element_type3A_29 {strides = array<i32>} : memref<1x50688xf32, #tpu.memory_space<vmem>>, vector<1x1500xf32>,
    %broadcast_in_dim3A = arith.constant 0.000000e+00 : f32
    %broadcast_in_dim3A_32 = vector.broadcast %broadcast_in_dim3A : f32 to vector<1x36xf32>
    %swap3A_33 = arith.constant 0 : index
    %swap3A_34 = arith.constant 1500 : index
    %swap3A_35 = vector.load %arg8[%swap3A_33, %swap3A_34] : memref<1x50688xf32, #tpu.memory_space<vmem>>, vector<1x36xf32>
    tpu.vector_store %arg8[%swap3A_33, %swap3A_34], %broadcast_in_dim3A_32 {strides = array<i32>} : memref<1x50688xf32, #tpu.memory_space<vmem>>, vector<1x36xf32>,
    %slice3A_36 = vector.extract_strided_slice %get3A_1 {offsets = [0, 6000], sizes = [1, 8000], strides = [1, 1]} : vector<1x54000xf32> to vector<1x8000xf32>
    %swap3A_37 = arith.constant 0 : index
    %swap3A_38 = arith.constant 1536 : index
    %swap3A_39 = vector.load %arg8[%swap3A_37, %swap3A_38] : memref<1x50688xf32, #tpu.memory_space<vmem>>, vector<1x8000xf32>
    tpu.vector_store %arg8[%swap3A_37, %swap3A_38], %slice3A_36 {strides = array<i32>} : memref<1x50688xf32, #tpu.memory_space<vmem>>, vector<1x8000xf32>,
    %broadcast_in_dim3A_40 = arith.constant -6.500000e+01 : f32
    %broadcast_in_dim3A_41 = vector.broadcast %broadcast_in_dim3A_40 : f32 to vector<1x192xf32>
    %swap3A_42 = arith.constant 0 : index
    %swap3A_43 = arith.constant 9536 : index
    %swap3A_44 = vector.load %arg8[%swap3A_42, %swap3A_43] : memref<1x50688xf32, #tpu.memory_space<vmem>>, vector<1x192xf32>
    tpu.vector_store %arg8[%swap3A_42, %swap3A_43], %broadcast_in_dim3A_41 {strides = array<i32>} : memref<1x50688xf32, #tpu.memory_space<vmem>>, vector<1x192xf32>,
    %slice3A_45 = vector.extract_strided_slice %get3A_1 {offsets = [0, 14000], sizes = [1, 8000], strides = [1, 1]} : vector<1x54000xf32> to vector<1x8000xf32>
    %swap3A_46 = arith.constant 0 : index
    %swap3A_47 = arith.constant 9728 : index
    %swap3A_48 = vector.load %arg8[%swap3A_46, %swap3A_47] : memref<1x50688xf32, #tpu.memory_space<vmem>>, vector<1x8000xf32>
    tpu.vector_store %arg8[%swap3A_46, %swap3A_47], %slice3A_45 {strides = array<i32>} : memref<1x50688xf32, #tpu.memory_space<vmem>>, vector<1x8000xf32>,
    %broadcast_in_dim3A_49 = arith.constant 0.000000e+00 : f32
    %broadcast_in_dim3A_50 = vector.broadcast %broadcast_in_dim3A_49 : f32 to vector<1x192xf32>
    %swap3A_51 = arith.constant 0 : index
    %swap3A_52 = arith.constant 17728 : index
    %swap3A_53 = vector.load %arg8[%swap3A_51, %swap3A_52] : memref<1x50688xf32, #tpu.memory_space<vmem>>, vector<1x192xf32>
    tpu.vector_store %arg8[%swap3A_51, %swap3A_52], %broadcast_in_dim3A_50 {strides = array<i32>} : memref<1x50688xf32, #tpu.memory_space<vmem>>, vector<1x192xf32>,
    %slice3A_54 = vector.extract_strided_slice %get3A_1 {offsets = [0, 22000], sizes = [1, 8000], strides = [1, 1]} : vector<1x54000xf32> to vector<1x8000xf32>
    %swap3A_55 = arith.constant 0 : index
    %swap3A_56 = arith.constant 17920 : index
    %swap3A_57 = vector.load %arg8[%swap3A_55, %swap3A_56] : memref<1x50688xf32, #tpu.memory_space<vmem>>, vector<1x8000xf32>
    tpu.vector_store %arg8[%swap3A_55, %swap3A_56], %slice3A_54 {strides = array<i32>} : memref<1x50688xf32, #tpu.memory_space<vmem>>, vector<1x8000xf32>,
    %broadcast_in_dim3A_58 = arith.constant 0.000000e+00 : f32
    %broadcast_in_dim3A_59 = vector.broadcast %broadcast_in_dim3A_58 : f32 to vector<1x192xf32>
    %swap3A_60 = arith.constant 0 : index
    %swap3A_61 = arith.constant 25920 : index
    %swap3A_62 = vector.load %arg8[%swap3A_60, %swap3A_61] : memref<1x50688xf32, #tpu.memory_space<vmem>>, vector<1x192xf32>
    tpu.vector_store %arg8[%swap3A_60, %swap3A_61], %broadcast_in_dim3A_59 {strides = array<i32>} : memref<1x50688xf32, #tpu.memory_space<vmem>>, vector<1x192xf32>,
    %slice3A_63 = vector.extract_strided_slice %get3A_1 {offsets = [0, 30000], sizes = [1, 8000], strides = [1, 1]} : vector<1x54000xf32> to vector<1x8000xf32>
    %swap3A_64 = arith.constant 0 : index
    %swap3A_65 = arith.constant 26112 : index
    %swap3A_66 = vector.load %arg8[%swap3A_64, %swap3A_65] : memref<1x50688xf32, #tpu.memory_space<vmem>>, vector<1x8000xf32>
    tpu.vector_store %arg8[%swap3A_64, %swap3A_65], %slice3A_63 {strides = array<i32>} : memref<1x50688xf32, #tpu.memory_space<vmem>>, vector<1x8000xf32>,
    %broadcast_in_dim3A_67 = arith.constant 0.000000e+00 : f32
    %broadcast_in_dim3A_68 = vector.broadcast %broadcast_in_dim3A_67 : f32 to vector<1x192xf32>
    %swap3A_69 = arith.constant 0 : index
    %swap3A_70 = arith.constant 34112 : index
    %swap3A_71 = vector.load %arg8[%swap3A_69, %swap3A_70] : memref<1x50688xf32, #tpu.memory_space<vmem>>, vector<1x192xf32>
    tpu.vector_store %arg8[%swap3A_69, %swap3A_70], %broadcast_in_dim3A_68 {strides = array<i32>} : memref<1x50688xf32, #tpu.memory_space<vmem>>, vector<1x192xf32>,
    %slice3A_72 = vector.extract_strided_slice %get3A_1 {offsets = [0, 38000], sizes = [1, 2500], strides = [1, 1]} : vector<1x54000xf32> to vector<1x2500xf32>
    %swap3A_73 = arith.constant 0 : index
    %swap3A_74 = arith.constant 34304 : index
    %swap3A_75 = vector.load %arg8[%swap3A_73, %swap3A_74] : memref<1x50688xf32, #tpu.memory_space<vmem>>, vector<1x2500xf32>
    tpu.vector_store %arg8[%swap3A_73, %swap3A_74], %slice3A_72 {strides = array<i32>} : memref<1x50688xf32, #tpu.memory_space<vmem>>, vector<1x2500xf32>,
    %broadcast_in_dim3A_76 = arith.constant -6.500000e+01 : f32
    %broadcast_in_dim3A_77 = vector.broadcast %broadcast_in_dim3A_76 : f32 to vector<1x60xf32>
    %swap3A_78 = arith.constant 0 : index
    %swap3A_79 = arith.constant 36804 : index
    %swap3A_80 = vector.load %arg8[%swap3A_78, %swap3A_79] : memref<1x50688xf32, #tpu.memory_space<vmem>>, vector<1x60xf32>
    tpu.vector_store %arg8[%swap3A_78, %swap3A_79], %broadcast_in_dim3A_77 {strides = array<i32>} : memref<1x50688xf32, #tpu.memory_space<vmem>>, vector<1x60xf32>,
    %slice3A_81 = vector.extract_strided_slice %get3A_1 {offsets = [0, 40500], sizes = [1, 2500], strides = [1, 1]} : vector<1x54000xf32> to vector<1x2500xf32>
    %swap3A_82 = arith.constant 0 : index
    %swap3A_83 = arith.constant 36864 : index
    %swap3A_84 = vector.load %arg8[%swap3A_82, %swap3A_83] : memref<1x50688xf32, #tpu.memory_space<vmem>>, vector<1x2500xf32>
    tpu.vector_store %arg8[%swap3A_82, %swap3A_83], %slice3A_81 {strides = array<i32>} : memref<1x50688xf32, #tpu.memory_space<vmem>>, vector<1x2500xf32>,
    %broadcast_in_dim3A_85 = arith.constant 0.000000e+00 : f32
    %broadcast_in_dim3A_86 = vector.broadcast %broadcast_in_dim3A_85 : f32 to vector<1x60xf32>
    %swap3A_87 = arith.constant 0 : index
    %swap3A_88 = arith.constant 39364 : index
    %swap3A_89 = vector.load %arg8[%swap3A_87, %swap3A_88] : memref<1x50688xf32, #tpu.memory_space<vmem>>, vector<1x60xf32>
    tpu.vector_store %arg8[%swap3A_87, %swap3A_88], %broadcast_in_dim3A_86 {strides = array<i32>} : memref<1x50688xf32, #tpu.memory_space<vmem>>, vector<1x60xf32>,
    %slice3A_90 = vector.extract_strided_slice %get3A_1 {offsets = [0, 43000], sizes = [1, 2500], strides = [1, 1]} : vector<1x54000xf32> to vector<1x2500xf32>
    %swap3A_91 = arith.constant 0 : index
    %swap3A_92 = arith.constant 39424 : index
    %swap3A_93 = vector.load %arg8[%swap3A_91, %swap3A_92] : memref<1x50688xf32, #tpu.memory_space<vmem>>, vector<1x2500xf32>
    tpu.vector_store %arg8[%swap3A_91, %swap3A_92], %slice3A_90 {strides = array<i32>} : memref<1x50688xf32, #tpu.memory_space<vmem>>, vector<1x2500xf32>,
    %broadcast_in_dim3A_94 = arith.constant 0.000000e+00 : f32
    %broadcast_in_dim3A_95 = vector.broadcast %broadcast_in_dim3A_94 : f32 to vector<1x60xf32>
    %swap3A_96 = arith.constant 0 : index
    %swap3A_97 = arith.constant 41924 : index
    %swap3A_98 = vector.load %arg8[%swap3A_96, %swap3A_97] : memref<1x50688xf32, #tpu.memory_space<vmem>>, vector<1x60xf32>
    tpu.vector_store %arg8[%swap3A_96, %swap3A_97], %broadcast_in_dim3A_95 {strides = array<i32>} : memref<1x50688xf32, #tpu.memory_space<vmem>>, vector<1x60xf32>,
    %slice3A_99 = vector.extract_strided_slice %get3A_1 {offsets = [0, 45500], sizes = [1, 2500], strides = [1, 1]} : vector<1x54000xf32> to vector<1x2500xf32>
    %swap3A_100 = arith.constant 0 : index
    %swap3A_101 = arith.constant 41984 : index
    %swap3A_102 = vector.load %arg8[%swap3A_100, %swap3A_101] : memref<1x50688xf32, #tpu.memory_space<vmem>>, vector<1x2500xf32>
    tpu.vector_store %arg8[%swap3A_100, %swap3A_101], %slice3A_99 {strides = array<i32>} : memref<1x50688xf32, #tpu.memory_space<vmem>>, vector<1x2500xf32>,
    %broadcast_in_dim3A_103 = arith.constant 0.000000e+00 : f32
    %broadcast_in_dim3A_104 = vector.broadcast %broadcast_in_dim3A_103 : f32 to vector<1x60xf32>
    %swap3A_105 = arith.constant 0 : index
    %swap3A_106 = arith.constant 44484 : index
    %swap3A_107 = vector.load %arg8[%swap3A_105, %swap3A_106] : memref<1x50688xf32, #tpu.memory_space<vmem>>, vector<1x60xf32>
    tpu.vector_store %arg8[%swap3A_105, %swap3A_106], %broadcast_in_dim3A_104 {strides = array<i32>} : memref<1x50688xf32, #tpu.memory_space<vmem>>, vector<1x60xf32>,
    %slice3A_108 = vector.extract_strided_slice %get3A_1 {offsets = [0, 48000], sizes = [1, 1500], strides = [1, 1]} : vector<1x54000xf32> to vector<1x1500xf32>
    %swap3A_109 = arith.constant 0 : index
    %swap3A_110 = arith.constant 44544 : index
    %swap3A_111 = vector.load %arg8[%swap3A_109, %swap3A_110] : memref<1x50688xf32, #tpu.memory_space<vmem>>, vector<1x1500xf32>
    tpu.vector_store %arg8[%swap3A_109, %swap3A_110], %slice3A_108 {strides = array<i32>} : memref<1x50688xf32, #tpu.memory_space<vmem>>, vector<1x1500xf32>,
    %broadcast_in_dim3A_112 = arith.constant -6.500000e+01 : f32
    %broadcast_in_dim3A_113 = vector.broadcast %broadcast_in_dim3A_112 : f32 to vector<1x36xf32>
    %swap3A_114 = arith.constant 0 : index
    %swap3A_115 = arith.constant 46044 : index
    %swap3A_116 = vector.load %arg8[%swap3A_114, %swap3A_115] : memref<1x50688xf32, #tpu.memory_space<vmem>>, vector<1x36xf32>
    tpu.vector_store %arg8[%swap3A_114, %swap3A_115], %broadcast_in_dim3A_113 {strides = array<i32>} : memref<1x50688xf32, #tpu.memory_space<vmem>>, vector<1x36xf32>,
    %slice3A_117 = vector.extract_strided_slice %get3A_1 {offsets = [0, 49500], sizes = [1, 1500], strides = [1, 1]} : vector<1x54000xf32> to vector<1x1500xf32>
    %swap3A_118 = arith.constant 0 : index
    %swap3A_119 = arith.constant 46080 : index
    %swap3A_120 = vector.load %arg8[%swap3A_118, %swap3A_119] : memref<1x50688xf32, #tpu.memory_space<vmem>>, vector<1x1500xf32>
    tpu.vector_store %arg8[%swap3A_118, %swap3A_119], %slice3A_117 {strides = array<i32>} : memref<1x50688xf32, #tpu.memory_space<vmem>>, vector<1x1500xf32>,
    %broadcast_in_dim3A_121 = arith.constant 0.000000e+00 : f32
    %broadcast_in_dim3A_122 = vector.broadcast %broadcast_in_dim3A_121 : f32 to vector<1x36xf32>
    %swap3A_123 = arith.constant 0 : index
    %swap3A_124 = arith.constant 47580 : index
    %swap3A_125 = vector.load %arg8[%swap3A_123, %swap3A_124] : memref<1x50688xf32, #tpu.memory_space<vmem>>, vector<1x36xf32>
    tpu.vector_store %arg8[%swap3A_123, %swap3A_124], %broadcast_in_dim3A_122 {strides = array<i32>} : memref<1x50688xf32, #tpu.memory_space<vmem>>, vector<1x36xf32>,
    %slice3A_126 = vector.extract_strided_slice %get3A_1 {offsets = [0, 51000], sizes = [1, 1500], strides = [1, 1]} : vector<1x54000xf32> to vector<1x1500xf32>
    %swap3A_127 = arith.constant 0 : index
    %swap3A_128 = arith.constant 47616 : index
    %swap3A_129 = vector.load %arg8[%swap3A_127, %swap3A_128] : memref<1x50688xf32, #tpu.memory_space<vmem>>, vector<1x1500xf32>
    tpu.vector_store %arg8[%swap3A_127, %swap3A_128], %slice3A_126 {strides = array<i32>} : memref<1x50688xf32, #tpu.memory_space<vmem>>, vector<1x1500xf32>,
    %broadcast_in_dim3A_130 = arith.constant 0.000000e+00 : f32
    %broadcast_in_dim3A_131 = vector.broadcast %broadcast_in_dim3A_130 : f32 to vector<1x36xf32>
    %swap3A_132 = arith.constant 0 : index
    %swap3A_133 = arith.constant 49116 : index
    %swap3A_134 = vector.load %arg8[%swap3A_132, %swap3A_133] : memref<1x50688xf32, #tpu.memory_space<vmem>>, vector<1x36xf32>
    tpu.vector_store %arg8[%swap3A_132, %swap3A_133], %broadcast_in_dim3A_131 {strides = array<i32>} : memref<1x50688xf32, #tpu.memory_space<vmem>>, vector<1x36xf32>,
    %slice3A_135 = vector.extract_strided_slice %get3A_1 {offsets = [0, 52500], sizes = [1, 1500], strides = [1, 1]} : vector<1x54000xf32> to vector<1x1500xf32>
    %swap3A_136 = arith.constant 0 : index
    %swap3A_137 = arith.constant 49152 : index
    %swap3A_138 = vector.load %arg8[%swap3A_136, %swap3A_137] : memref<1x50688xf32, #tpu.memory_space<vmem>>, vector<1x1500xf32>
    tpu.vector_store %arg8[%swap3A_136, %swap3A_137], %slice3A_135 {strides = array<i32>} : memref<1x50688xf32, #tpu.memory_space<vmem>>, vector<1x1500xf32>,
    %broadcast_in_dim3A_139 = arith.constant 0.000000e+00 : f32
    %broadcast_in_dim3A_140 = vector.broadcast %broadcast_in_dim3A_139 : f32 to vector<1x36xf32>
    %swap3A_141 = arith.constant 0 : index
    %swap3A_142 = arith.constant 50652 : index
    %swap3A_143 = vector.load %arg8[%swap3A_141, %swap3A_142] : memref<1x50688xf32, #tpu.memory_space<vmem>>, vector<1x36xf32>
    tpu.vector_store %arg8[%swap3A_141, %swap3A_142], %broadcast_in_dim3A_140 {strides = array<i32>} : memref<1x50688xf32, #tpu.memory_space<vmem>>, vector<1x36xf32>,
    %get3A_144 = arith.constant 0 : index
    %get3A_145 = arith.constant 0 : index
    %get3A_146 = vector.load %arg4[%get3A_144, %get3A_145] : memref<1500x128xf32, #tpu.memory_space<vmem>>, vector<1500x128xf32>
    %slice3A_147 = vector.extract_strided_slice %get3A_146 {offsets = [0, 0], sizes = [1500, 64], strides = [1, 1]} : vector<1500x128xf32> to vector<1500x64xf32>
    %swap3A_148 = arith.constant 0 : index
    %swap3A_149 = arith.constant 0 : index
    %swap3A_150 = vector.load %arg9[%swap3A_148, %swap3A_149] : memref<14500x128xf32, #tpu.memory_space<vmem>>, vector<1500x64xf32>
    tpu.vector_store %arg9[%swap3A_148, %swap3A_149], %slice3A_147 {strides = array<i32>} : memref<14500x128xf32, #tpu.memory_space<vmem>>, vector<1500x64xf32>,
    %broadcast_in_dim3A_151 = arith.constant 0.000000e+00 : f32
    %broadcast_in_dim3A_152 = vector.broadcast %broadcast_in_dim3A_151 : f32 to vector<1500x64xf32>
    %swap3A_153 = arith.constant 0 : index
    %swap3A_154 = arith.constant 64 : index
    %swap3A_155 = vector.load %arg9[%swap3A_153, %swap3A_154] : memref<14500x128xf32, #tpu.memory_space<vmem>>, vector<1500x64xf32>
    tpu.vector_store %arg9[%swap3A_153, %swap3A_154], %broadcast_in_dim3A_152 {strides = array<i32>} : memref<14500x128xf32, #tpu.memory_space<vmem>>, vector<1500x64xf32>,
    %get3A_156 = arith.constant 0 : index
    %get3A_157 = arith.constant 0 : index
    %get3A_158 = vector.load %arg5[%get3A_156, %get3A_157] : memref<8000x128xf32, #tpu.memory_space<vmem>>, vector<8000x128xf32>
    %slice3A_159 = vector.extract_strided_slice %get3A_158 {offsets = [0, 0], sizes = [8000, 68], strides = [1, 1]} : vector<8000x128xf32> to vector<8000x68xf32>
    %swap3A_160 = arith.constant 1500 : index
    %swap3A_161 = arith.constant 0 : index
    %swap3A_162 = vector.load %arg9[%swap3A_160, %swap3A_161] : memref<14500x128xf32, #tpu.memory_space<vmem>>, vector<8000x68xf32>
    tpu.vector_store %arg9[%swap3A_160, %swap3A_161], %slice3A_159 {strides = array<i32>} : memref<14500x128xf32, #tpu.memory_space<vmem>>, vector<8000x68xf32>,
    %broadcast_in_dim3A_163 = arith.constant 0.000000e+00 : f32
    %broadcast_in_dim3A_164 = vector.broadcast %broadcast_in_dim3A_163 : f32 to vector<8000x60xf32>
    %swap3A_165 = arith.constant 1500 : index
    %swap3A_166 = arith.constant 68 : index
    %swap3A_167 = vector.load %arg9[%swap3A_165, %swap3A_166] : memref<14500x128xf32, #tpu.memory_space<vmem>>, vector<8000x60xf32>
    tpu.vector_store %arg9[%swap3A_165, %swap3A_166], %broadcast_in_dim3A_164 {strides = array<i32>} : memref<14500x128xf32, #tpu.memory_space<vmem>>, vector<8000x60xf32>,
    %get3A_168 = arith.constant 0 : index
    %get3A_169 = arith.constant 0 : index
    %get3A_170 = vector.load %arg6[%get3A_168, %get3A_169] : memref<2500x128xf32, #tpu.memory_space<vmem>>, vector<2500x128xf32>
    %slice3A_171 = vector.extract_strided_slice %get3A_170 {offsets = [0, 0], sizes = [2500, 68], strides = [1, 1]} : vector<2500x128xf32> to vector<2500x68xf32>
    %swap3A_172 = arith.constant 9500 : index
    %swap3A_173 = arith.constant 0 : index
    %swap3A_174 = vector.load %arg9[%swap3A_172, %swap3A_173] : memref<14500x128xf32, #tpu.memory_space<vmem>>, vector<2500x68xf32>
    tpu.vector_store %arg9[%swap3A_172, %swap3A_173], %slice3A_171 {strides = array<i32>} : memref<14500x128xf32, #tpu.memory_space<vmem>>, vector<2500x68xf32>,
    %broadcast_in_dim3A_175 = arith.constant 0.000000e+00 : f32
    %broadcast_in_dim3A_176 = vector.broadcast %broadcast_in_dim3A_175 : f32 to vector<2500x60xf32>
    %swap3A_177 = arith.constant 9500 : index
    %swap3A_178 = arith.constant 68 : index
    %swap3A_179 = vector.load %arg9[%swap3A_177, %swap3A_178] : memref<14500x128xf32, #tpu.memory_space<vmem>>, vector<2500x60xf32>
    tpu.vector_store %arg9[%swap3A_177, %swap3A_178], %broadcast_in_dim3A_176 {strides = array<i32>} : memref<14500x128xf32, #tpu.memory_space<vmem>>, vector<2500x60xf32>,
    %get3A_180 = arith.constant 0 : index
    %get3A_181 = arith.constant 0 : index
    %get3A_182 = vector.load %arg7[%get3A_180, %get3A_181] : memref<2500x128xf32, #tpu.memory_space<vmem>>, vector<2500x128xf32>
    %slice3A_183 = vector.extract_strided_slice %get3A_182 {offsets = [0, 0], sizes = [2500, 92], strides = [1, 1]} : vector<2500x128xf32> to vector<2500x92xf32>
    %swap3A_184 = arith.constant 12000 : index
    %swap3A_185 = arith.constant 0 : index
    %swap3A_186 = vector.load %arg9[%swap3A_184, %swap3A_185] : memref<14500x128xf32, #tpu.memory_space<vmem>>, vector<2500x92xf32>
    tpu.vector_store %arg9[%swap3A_184, %swap3A_185], %slice3A_183 {strides = array<i32>} : memref<14500x128xf32, #tpu.memory_space<vmem>>, vector<2500x92xf32>,
    %broadcast_in_dim3A_187 = arith.constant 0.000000e+00 : f32
    %broadcast_in_dim3A_188 = vector.broadcast %broadcast_in_dim3A_187 : f32 to vector<2500x36xf32>
    %swap3A_189 = arith.constant 12000 : index
    %swap3A_190 = arith.constant 92 : index
    %swap3A_191 = vector.load %arg9[%swap3A_189, %swap3A_190] : memref<14500x128xf32, #tpu.memory_space<vmem>>, vector<2500x36xf32>
    tpu.vector_store %arg9[%swap3A_189, %swap3A_190], %broadcast_in_dim3A_188 {strides = array<i32>} : memref<14500x128xf32, #tpu.memory_space<vmem>>, vector<2500x36xf32>,
    return
  }
  func.func @transform_0(%arg0: i32) -> (i32, i32) {
    %c0_i32 = arith.constant 0 : i32
    %c0_i32_0 = arith.constant 0 : i32
    %c0_i32_1 = arith.constant 0 : i32
    return %c0_i32, %c0_i32_0 : i32, i32
  }
  func.func @transform_1(%arg0: i32) -> (i32, i32) {
    %c0_i32 = arith.constant 0 : i32
    %c0_i32_0 = arith.constant 0 : i32
    %c0_i32_1 = arith.constant 0 : i32
    return %c0_i32, %c0_i32_0 : i32, i32
  }
  func.func @transform_2(%arg0: i32) -> (i32, i32) {
    %c0_i32 = arith.constant 0 : i32
    %c0_i32_0 = arith.constant 0 : i32
    %c0_i32_1 = arith.constant 0 : i32
    return %c0_i32, %c0_i32_0 : i32, i32
  }
  func.func @transform_3(%arg0: i32) -> (i32, i32) {
    %c0_i32 = arith.constant 0 : i32
    %c62_i32 = arith.constant 62 : i32
    %c0_i32_0 = arith.constant 0 : i32
    return %c0_i32, %c62_i32 : i32, i32
  }
  func.func @transform_4(%arg0: i32) -> (i32, i32) {
    %c0_i32 = arith.constant 0 : i32
    %c19_i32 = arith.constant 19 : i32
    %c0_i32_0 = arith.constant 0 : i32
    return %c0_i32, %c19_i32 : i32, i32
  }
  func.func @transform_5(%arg0: i32) -> (i32, i32) {
    %c0_i32 = arith.constant 0 : i32
    %c19_i32 = arith.constant 19 : i32
    %c0_i32_0 = arith.constant 0 : i32
    return %c0_i32, %c19_i32 : i32, i32
  }
  func.func @transform_6(%arg0: i32) -> (i32, i32) {
    %c0_i32 = arith.constant 0 : i32
    %c11_i32 = arith.constant 11 : i32
    %c0_i32_0 = arith.constant 0 : i32
    return %c0_i32, %c11_i32 : i32, i32
  }
  func.func @transform_7(%arg0: i32) -> (i32, i32) {
    %c0_i32 = arith.constant 0 : i32
    %c0_i32_0 = arith.constant 0 : i32
    %c0_i32_1 = arith.constant 0 : i32
    return %c0_i32, %c0_i32_0 : i32, i32
  }
  func.func @transform_8(%arg0: i32) -> (i32, i32) {
    %c0_i32 = arith.constant 0 : i32
    %c0_i32_0 = arith.constant 0 : i32
    %c0_i32_1 = arith.constant 0 : i32
    return %c0_i32, %c0_i32_0 : i32, i32
  }
}

</mosaic_0001>

<sc_bundles>
// kernel: kernel.4.cloned.1.call-start
scs
__scs_entry_jumppad:
0x0: {  	(pc) =	sbr.rel $0x88, $3  }
0x1: {  	(tag) =	ssettag $0x0;
	lr =	simm.s32 $0x1  }
0x2: {  	[smem:$0x3F8B] =	sst lr;
	_ =	strace $0xD0000000  }
0x3: {  	_ = 	snop  }
0x4: {  	_ = 	snop  }
0x5: {  	_ = 	snop  }
0x6: {  	_ = 	snop  }
0x7: {  	_ = 	snop  }
__scs_overlays_trampoline_lowered:
0x8: {  	[smem:$0x3F9A] =	sst s0  }
0x9: {  	[smem:$0x3F9B] =	sst s1  }
0xa: {  	[smem:$0x3F9C] =	sst s2  }
0xb: {  	[smem:$0x3F9D] =	sst s3  }
0xc: {  	[smem:$0x3F9E] =	sst s4  }
0xd: {  	[smem:$0x3F9F] =	sst s5  }
0xe: {  	[smem:$0x3FA0] =	sst s6  }
0xf: {  	[smem:$0x3FA1] =	sst s7  }
0x10: {  	[smem:$0x3FA2] =	sst s8  }
0x11: {  	[smem:$0x3FA3] =	sst s9;
	s0 =	simm.s32 @!p0 $0x0  }
0x12: {  	s1 =	sld [smem:$0x3F89];
	s0 =	simm.s32 @p0 $0x1  }
0x13: {  	[smem:$0x3FA4] =	sst s0;
	s0 =	simm.s32 @!p1 $0x0  }
0x14: {  	s2 =	sld [smem:$0x3F88];
	s0 =	simm.s32 @p1 $0x1  }
0x15: {  	[smem:$0x3FA5] =	sst s0;
	s0 =	simm.s32 @!p2 $0x0  }
0x16: {  	s3 =	sld [smem:$0x3FDB];
	s0 =	simm.s32 @p2 $0x1  }
0x17: {  	s4 =	simm.s32 $0x1BF5;
	[smem:$0x3FA7] =	sst s0  }
0x18: {  	s0 =	sld [smem:$0x3F8A];
	_ =	swait.ge [sflag:s4], $0x0  }
0x19: {  	s7 =	sld [smem:$0x3F8B]  }
0x1a: {  	s8 =	sadd.s32 $0xFFFFE003, lr  }
0x1b: {  	s9 =	sadd.s32 $0xFFFFFEF7, lr;
	s5 =	simm.s32 $0xFFFFFFFF;
	p2 =	slt.u32 s8, $0xFFFFF086  }
0x1c: {  	p1 =	slt.u32 s9, $0xF7A;
	s5 =	simm.s32 @!p2 $0x0  }
0x1d: {  	s5 =	simm.s32 @p1 $0x1;
	p0 =	seq.s32 s7, s2  }
0x1e: {  	s7 =	smul.u32 @!p0 $0xF7A, s2;
	p2 =	seq.s32 @!p0 s5, $0x0  }
0x1f: {  	s9 =	smul.u32 $0xF7A, s1;
	s8 =	simm.s32 @!p0 $0x1BF5;
	p2 =	por !p2, p0  }
0x20: {  	[sflag:s8] =	ssyncset.s32 @!p0 $0xFFFFF086;
	s6 =	sadd.s32 @!p0 s3, s7;
	s7 =	simm.s32 @!p0 $0x108  }
0x21: {  	s3 =	sadd.s32 s3, s9;
	s6 =	sadd.s32 @!p0 $0x88, s6;
	s7 =	simm.s32 @p2 $0x1082  }
0x22: {  	[simem:s7], [sflag:s8] =	dma.local @!p0 [hbm:s6], $0xF7A  }
0x23: {  	s9 =	sor.u32 $0xD0000000, s2;
	s6 =	simm.s32 $0x108;
	_ =	swait.ge @!p0 [sflag:s8], $0x0  }
0x24: {  	s3 =	sadd.s32 $0x88, s3;
	s6 =	simm.s32 @!p1 $0x1082;
	[sflag:s4] =	ssyncset.s32 $0xFFFFF086  }
0x25: {  	[simem:s6], [sflag:s4] =	dma.local [hbm:s3], $0xF7A  }
0x26: {  	[smem:$0x3F8B] =	sst s1;
	(tag) =	ssettag s2;
	_ =	strace s9  }
0x27: {  	s1 =	sld [smem:$0x3F9B]  }
0x28: {  	s2 =	sld [smem:$0x3F9C]  }
0x29: {  	s4 =	sld [smem:$0x3F9E]  }
0x2a: {  	p0 =	seq.s32 s5, $0x0;
	s5 =	sld [smem:$0x3F9F]  }
0x2b: {  	s6 =	sld [smem:$0x3FA0]  }
0x2c: {  	s7 =	sld [smem:$0x3FA1]  }
0x2d: {  	s3 =	simm.s32 $0x108;
	s8 =	sld [smem:$0x3FA2]  }
0x2e: {  	s3 =	simm.s32 @!p0 $0x1082;
	s9 =	sld [smem:$0x3FA3]  }
0x2f: {  	lr =	sadd.s32 s0, s3;
	s0 =	sld [smem:$0x3F9A]  }
0x30: {  	s3 =	sld [smem:$0x3F9D]  }
0x31: {  	[smem:$0x3FA6] =	sst s10  }
0x32: {  	s10 =	sld [smem:$0x3FA4];
	_ =	sdelay $0x3  }
0x33: {  	p0 =	seq.s32 s10, $0x1;
	s10 =	sld [smem:$0x3FA6];
	_ =	sdelay $0x3  }
0x34: {  	[smem:$0x3FA6] =	sst s10  }
0x35: {  	s10 =	sld [smem:$0x3FA5];
	_ =	sdelay $0x3  }
0x36: {  	p1 =	seq.s32 s10, $0x1;
	s10 =	sld [smem:$0x3FA6];
	_ =	sdelay $0x3  }
0x37: {  	[smem:$0x3FA6] =	sst s10  }
0x38: {  	s10 =	sld [smem:$0x3FA7]  }
0x39: {  	_ = 	snop;
	(pc) =	sbr.ind lr, $3  }
0x3a: {  	_ = 	snop  }
0x3b: {  	_ = 	snop  }
0x3c: {  	p2 =	seq.s32 s10, $0x1;
	s10 =	sld [smem:$0x3FA6]  }
0x3d: {  	_ =	shalt  }
0x3e: {  	_ =	shalt  }
0x3f: {  	_ =	shalt  }
0x40: {  	_ =	shalt  }
0x41: {  	_ =	shalt  }
0x42: {  	_ =	shalt  }
0x43: {  	_ =	shalt  }
0x44: {  	_ =	shalt  }
0x45: {  	_ =	shalt  }
0x46: {  	_ =	shalt  }
0x47: {  	_ =	shalt  }
0x48: {  	_ =	shalt  }
0x49: {  	_ =	shalt  }
0x4a: {  	_ =	shalt  }
0x4b: {  	_ =	shalt  }
0x4c: {  	_ =	shalt  }
0x4d: {  	_ =	shalt  }
0x4e: {  	_ =	shalt  }
0x4f: {  	_ =	shalt  }
0x50: {  	_ =	shalt  }
0x51: {  	_ =	shalt  }
0x52: {  	_ =	shalt  }
0x53: {  	_ =	shalt  }
0x54: {  	_ =	shalt  }
0x55: {  	_ =	shalt  }
0x56: {  	_ =	shalt  }
0x57: {  	_ =	shalt  }
0x58: {  	_ =	shalt  }
0x59: {  	_ =	shalt  }
0x5a: {  	_ =	shalt  }
0x5b: {  	_ =	shalt  }
0x5c: {  	_ =	shalt  }
0x5d: {  	_ =	shalt  }
0x5e: {  	_ =	shalt  }
0x5f: {  	_ =	shalt  }
0x60: {  	_ =	shalt  }
0x61: {  	_ =	shalt  }
0x62: {  	_ =	shalt  }
0x63: {  	_ =	shalt  }
0x64: {  	_ =	shalt  }
0x65: {  	_ =	shalt  }
0x66: {  	_ =	shalt  }
0x67: {  	_ =	shalt  }
0x68: {  	_ =	shalt  }
0x69: {  	_ =	shalt  }
0x6a: {  	_ =	shalt  }
0x6b: {  	_ =	shalt  }
0x6c: {  	_ =	shalt  }
0x6d: {  	_ =	shalt  }
0x6e: {  	_ =	shalt  }
0x6f: {  	_ =	shalt  }
0x70: {  	_ =	shalt  }
0x71: {  	_ =	shalt  }
0x72: {  	_ =	shalt  }
0x73: {  	_ =	shalt  }
0x74: {  	_ =	shalt  }
0x75: {  	_ =	shalt  }
0x76: {  	_ =	shalt  }
0x77: {  	_ =	shalt  }
0x78: {  	_ =	shalt  }
0x79: {  	_ =	shalt  }
0x7a: {  	_ =	shalt  }
0x7b: {  	_ =	shalt  }
0x7c: {  	_ =	shalt  }
0x7d: {  	_ =	shalt  }
0x7e: {  	_ =	shalt  }
0x7f: {  	_ =	shalt  }
0x80: {  	_ =	shalt  }
0x81: {  	_ =	shalt  }
0x82: {  	_ =	shalt  }
0x83: {  	_ =	shalt  }
0x84: {  	_ =	shalt  }
0x85: {  	_ =	shalt  }
0x86: {  	_ =	shalt  }
0x87: {  	_ =	shalt  }
.Lfunc_end0:
.L_simem_size_0:
called_computation_lowered:
.L_overlay_start_0:
0x88: {  	s0 =	sld [smem:$0x3FD9]  }
0x89: {  	s1 =	sld [smem:$0x3FFE];
	_ =	sdelay $0x3  }
0x8a: {  	s0 =	sadd.s32 s1, s0  }
0x8b: {  	[smem:$0x3FB2] =	sst s0  }
0x8c: {  	_ = 	snop  }
0x8d: {  	s0 =	sld [smem:$0x3FC7]  }
0x8e: {  	s16 =	sld [smem:$0x3FC5]  }
0x8f: {  	s2 =	sld [smem:$0x3FC4]  }
0x90: {  	s3 =	sld [smem:$0x3FD0];
	(tm) =	ssettm $0x1  }
0x91: {  	s4 =	sld [smem:$0x3FFB];
	_ =	sdelay $0x3  }
0x92: {  	_ =	strace s4  }
0x93: {  	s4 =	sld [smem:$0x3FFC];
	_ =	sdelay $0x3  }
0x94: {  	_ =	strace s4  }
0x95: {  	s4 =	sld [smem:$0x3FFD];
	_ =	sdelay $0x3  }
0x96: {  	_ =	strace s4  }
0x97: {  	_ =	strace $0x8FFFFFFF  }
0x98: {  	s17 =	sld [smem:$0x3FDB];
	_ =	sdelay $0x1  }
0x99: {  	s5 =	simm.s32 $_scs_section_size  }
0x9a: {  	s6 =	simm.s32 $_size__tile_overlayer_lowered;
	s7 =	simm.s32 $_tile_overlayer_lowered  }
0x9b: {  	s20 =	simm.s32 $0x1BFF;
	s19 =	sshll.u32 s7, $0x1;
	s4 =	sadd.s32 s5, s17  }
0x9c: {  	s8 =	simm.s32 $0x0;
	s18 =	sshll.u32 s6, $0x1;
	s6 =	sadd.s32 s19, s4  }
0x9d: {  	[timem:s8], [sflag:s20] =	dma.local [hbm:s6], s18  }
0x9e: {  	_ =	swait.ge [sflag:s20], s18  }
0x9f: {  	s5 =	ssub.s32 $0x0, s18;
	[sflag:s20] =	ssyncset.done $0x0  }
0xa0: {  	[sflag:s20] =	ssyncadd.s32 s5;
	_ =	sdelay $0x1  }
0xa1: {  	s21 =	simm.s32 $0x1B8B  }
0xa2: {  	_ =	swait.ge [sflag:s21], $0x1  }
0xa3: {  	[sflag:s21] =	ssyncset.done $0x0  }
0xa4: {  	s23 =	simm.s32 $0x1B8E;
	s22 =	sld [smem:$0x3FFE];
	[sflag:s21] =	ssyncadd.s32 $0xFFFFFFFF  }
0xa5: {  	s24 =	simm.s32 $execute0_lowered;
	[smem:$0x3FD2] =	sst s23  }
0xa6: {  	s6 =	sshll.u32 s24, $0x1;
	_ =	strace $0x80000046;
	[dreg:$0x1] =	wrdreg $0xFFFFFFFF  }
0xa7: {  	s25 =	simm.s32 $_size_execute0_lowered;
	s4 =	sadd.s32 s4, s6;
	[dreg:$0x0] =	wrdreg $0x0  }
0xa8: {  	s6 =	sshll.u32 s25, $0x1;
	[dreg:$0x2] =	wrdreg s4  }
0xa9: {  	[dreg:$0x3] =	wrdreg s6  }
0xaa: {  	[dreg:$0x4] =	wrdreg $0xC0  }
0xab: {  	_ =	task [dreg:s8], $0x5FFFF  }
0xac: {  	[dreg:$0x1] =	wrdreg $0xFFFFFFFF  }
0xad: {  	[dreg:$0x0] =	wrdreg $0x60  }
0xae: {  	[dreg:$0x2] =	wrdreg s22  }
0xaf: {  	[dreg:$0x3] =	wrdreg s0  }
0xb0: {  	[dreg:$0x4] =	wrdreg s16  }
0xb1: {  	[dreg:$0x5] =	wrdreg s2  }
0xb2: {  	[dreg:$0x6] =	wrdreg s3  }
0xb3: {  	[dreg:$0x7] =	wrdreg $0x71000  }
0xb4: {  	[dreg:$0x8] =	wrdreg $0x9  }
0xb5: {  	_ =	task.clear_ibuf [dreg:s8], $0x9FFFF;
	_ =	strace $0x90000046  }
0xb6: {  	s26 =	simm.s32 $0x9;
	_ =	strace $0x80000048  }
0xb7: {  	_ =	swait.ge [sflag:s26], $0x1  }
0xb8: {  	[sflag:s26] =	ssyncadd.s32 $0xFFFFFFFF  }
0xb9: {  	_ =	strace $0x90000048  }
0xba: {  	_ =	sfence  }
0xbb: {  	s28 =	sld [smem:$0x0];
	_ =	sdelay $0x1  }
0xbc: {  	s29 =	srdreg.scid  }
0xbd: {  	s30 =	sshll.u32 s29, $0xD;
	s31 =	sshrl.u32 s29, $0x2  }
0xbe: {  	s1 =	sand.u32 $0x1, s29;
	s2 =	sand.u32 $0x4000, s30;
	s0 =	sadd.s32 s31, s28  }
0xbf: {  	s1 =	sor.u32 s2, s1;
	s0 =	sshll.u32 s0, $0x11  }
0xc0: {  	s0 =	sor.u32 s0, s1  }
0xc1: {  	s0 =	sadd.s32 $0x8F2B, s0  }
0xc2: {  	[sflag:s0] =	ssyncadd.remote.s32 $0x1  }
0xc3: {  	_ =	sfence.sel $0xFFFF  }
0xc4: {  	[dreg:$0x0] =	wrdreg $0xFFFFFFFF;
	(pc) =	sbr.abs _section_cstart, $3  }
0xc5: {  	[dreg:$0x1] =	wrdreg $0xFFFFFFFF  }
0xc6: {  	_ =	task.clear_ibuf [dreg:s8], $0x2FFFF;
	_ =	strace $0x9FFFFFFF  }
0xc7: {  	(tm) =	ssettm $0x7FFFFFFF  }
tec
execute0_lowered:
.L_overlay_start_1:
0x0: {  	(tag) =	ssettag $0x1  }
0x1: {  	s0 =	rddreg [dreg:$0x0]  }
0x2: {  	s9 =	rddreg [dreg:$0x1];
	s18 =	stileid.u32  }
0x3: {  	s11 =	rddreg [dreg:$0x2];
	s7 =	smul.u32 $0x60, s18  }
0x4: {  	s19 =	rddreg [dreg:$0x5];
	s13 =	simm.s32 $0x0  }
0x5: {  	[smem:$0x7FF] =	sst s13;
	s30 =	sadd.s32 $0x2AA400, s0;
	s1 =	sshrl.u32 s7, $0x3  }
0x6: {  	_ =	strace $0x80000047;
	[dreg:$0x7] =	wrdreg s1;
	s1 =	sadd.s32 s30, s1  }
0x7: {  	s31 =	simm.s32 $0x2;
	[dreg:$0x9] =	wrdreg s1  }
0x8: {  	[tilespmem:s13], [sflag:$0x2] =	stream.linear.gather [hbm4b:s1+s13], $0x60, $0x38;
	[tilespmem:$0x9100] =	vst v63  }
0x9: {  	_ =	swait.ge [sflag:s31], $0x60  }
0xa: {  	s10 =	sadd.s32 $0x271800, s0;
	[sflag:s31] =	ssyncset.done $0x0  }
0xb: {  	v0 =	vimm.f32 $0.0e+00;
	s12 =	sadd.s32 $0x800, s0;
	s0 =	simm.s32 $0x0;
	[sflag:s31] =	ssyncadd.s32 $0xFFFFFFA0  }
.LBB2_1:
0xc: {  	p0 =	sne.s32 s0, $0x7FC0  }
.Ltmp0:
0xd: {  	_ = 	snop;
	(pc) =	sbr.rel @p0 .LBB2_1-.Ltmp0, $3  }
0xe: {  	_ =	sdelay $0x1  }
0xf: {  	s1 =	sshra.s32 s0, $0x2  }
0x10: {  	s0 =	sadd.s32 $0x40, s0;
	[tilespmem:s1+$0x2480] =	vst v0  }
.Ltmp1:
0x11: {  	(pc) =	sbr.rel .LBB2_3-.Ltmp1, $3  }
0x12: {  	_ =	sdelay $0x1  }
0x13: {  	s14 =	simm.s32 $0x2;
	s15 =	simm.s32 $0x0  }
0x14: {  	s16 =	simm.s32 $0x7080;
	s1 =	smov.u32 s7;
	s2 =	simm.s32 $0x0  }
.LBB2_8:
0x15: {  	v1 =	vld [tilespmem:s3+$0x2480];
	_ =	sdelay $0x3  }
0x16: {  	s4 =	sshll.u32 s2, $0x4  }
0x17: {  	s0 =	sshll.u32 s0, $0x4;
	s4 =	sand.u32 $0x70, s4;
	v0 =	vadd.f32 v0, v1  }
0x18: {  	s0 =	sand.u32 $0xFF80, s0;
	s4 =	sadd.s32 s10, s4  }
0x19: {  	s0 =	sadd.s32 s0, s4;
	[tilespmem:s3+$0x2480] =	vst v0  }
0x1a: {  	[tilespmem:s16], [sflag:$0x2] =	stream.linear.gather [hbm4b:s0+s15], $0x80, $0x38;
	[tilespmem:$0x9100] =	vst v63  }
0x1b: {  	_ =	swait.ge [sflag:s14], $0x80  }
0x1c: {  	[sflag:s14] =	ssyncset.done $0x0  }
0x1d: {  	[sflag:s14] =	ssyncadd.s32 $0xFFFFFF80  }
0x1e: {  	v53 =	vld [tilespmem:$0x4380]  }
0x1f: {  	v54 =	vld [tilespmem:$0x7080]  }
0x20: {  	v2 =	vld [tilespmem:$0x4390]  }
0x21: {  	v3 =	vld [tilespmem:$0x7090]  }
0x22: {  	v4 =	vld [tilespmem:$0x43A0]  }
0x23: {  	v5 =	vld [tilespmem:$0x70A0]  }
0x24: {  	v6 =	vld [tilespmem:$0x43B0]  }
0x25: {  	v7 =	vld [tilespmem:$0x70B0]  }
0x26: {  	v8 =	vld [tilespmem:$0x43C0]  }
0x27: {  	v9 =	vld [tilespmem:$0x70C0]  }
0x28: {  	v10 =	vld [tilespmem:$0x43D0]  }
0x29: {  	v11 =	vld [tilespmem:$0x70D0]  }
0x2a: {  	v12 =	vld [tilespmem:$0x43E0]  }
0x2b: {  	v55 =	vld [tilespmem:$0x70E0];
	v0 =	vadd.f32 v54, v53  }
0x2c: {  	v56 =	vld [tilespmem:$0x43F0];
	v2 =	vadd.f32 v3, v2  }
0x2d: {  	v58 =	vld [tilespmem:$0x70F0];
	v57 =	vadd.f32 v5, v4;
	[tilespmem:$0x4380] =	vst v0  }
0x2e: {  	v59 =	vadd.f32 v7, v6;
	[tilespmem:$0x4390] =	vst v2  }
0x2f: {  	v60 =	vadd.f32 v9, v8;
	[tilespmem:$0x43A0] =	vst v57  }
0x30: {  	v61 =	vadd.f32 v11, v10;
	[tilespmem:$0x43B0] =	vst v59  }
0x31: {  	v62 =	vadd.f32 v55, v12;
	[tilespmem:$0x43C0] =	vst v60  }
0x32: {  	v63 =	vadd.f32 v58, v56;
	[tilespmem:$0x43D0] =	vst v61  }
0x33: {  	[tilespmem:$0x43E0] =	vst v62  }
0x34: {  	[tilespmem:$0x43F0] =	vst v63  }
.LBB2_9:
0x35: {  	s2 =	sadd.s32 $0x1, s2  }
0x36: {  	p0 =	sne.s32 s2, $0x60  }
.Ltmp2:
0x37: {  	_ = 	snop;
	(pc) =	sbr.rel @!p0 .LBB2_10-.Ltmp2, $2  }
0x38: {  	_ =	sdelay $0x2  }
0x39: {  	s1 =	sadd.s32 $0x1, s1;
	s13 =	sadd.s32 $0x1, s13  }
.LBB2_3:
0x3a: {  	v0 =	vld [tilespmem:s2+$0x0];
	_ =	sdelay $0x4  }
0x3b: {  	(v2sf) =	vpush v0, $0x0;
	_ =	sdelay $0xe  }
0x3c: {  	s0 =	spop (v2sf)  }
0x3d: {  	p0 =	sgt.f32 s0, $0.0e+00  }
.Ltmp3:
0x3e: {  	_ = 	snop;
	(pc) =	sbr.rel @!p0 .LBB2_9-.Ltmp3, $1  }
0x3f: {  	_ =	sdelay $0x3  }
0x40: {  	s0 =	sshrl.u32 s1, $0x3  }
0x41: {  	s3 =	sand.u32 $0x7, s13;
	s0 =	smul.u32 $0xFC00, s0  }
0x42: {  	s3 =	sshll.u32 s3, $0x7  }
0x43: {  	s0 =	sor.u32 s3, s0  }
0x44: {  	s0 =	sshrl.u32 s0, $0x3  }
0x45: {  	s3 =	sadd.s32 s0, s9  }
0x46: {  	s4 =	simm.s32 $0x0;
	s5 =	simm.s32 $0x500;
	s0 =	sadd.s32 $0x0, s3  }
0x47: {  	[tilespmem:s5], [sflag:$0x2] =	stream.linear.gather [hbm4b:s0+s4], $0x80, $0x38;
	[tilespmem:$0x9100] =	vst v63  }
0x48: {  	_ =	swait.ge [sflag:s14], $0x80  }
0x49: {  	s6 =	simm.s32 $0x80;
	s0 =	sadd.s32 s7, s2;
	[sflag:s14] =	ssyncset.done $0x0  }
.LBB2_5:
0x4a: {  	s8 =	sadd.s32 s6, s3  }
0x4b: {  	[sflag:s14] =	ssyncadd.s32 $0xFFFFFF80;
	s5 =	sadd.s32 $0x80, s5;
	p0 =	sne.s32 s6, $0x1E80  }
0x4c: {  	[tilespmem:s5], [sflag:$0x2] =	stream.linear.gather [hbm4b:s8+s4], $0x80, $0x38;
	[tilespmem:$0x9100] =	vst v63  }
.Ltmp4:
0x4d: {  	_ = 	snop;
	(pc) =	sbr.rel @p0 .LBB2_5-.Ltmp4, $4  }
0x4e: {  	_ = 	snop  }
0x4f: {  	s6 =	sadd.s32 $0x80, s6  }
0x50: {  	_ =	swait.ge [sflag:s14], $0x80  }
0x51: {  	[sflag:s14] =	ssyncset.done $0x0  }
0x52: {  	[sflag:s14] =	ssyncadd.s32 $0xFFFFFF80;
	s3 =	simm.s32 $0x0  }
0x53: {  	s4 =	simm.s32 $0x40;
	v0 =	vld [tilespmem:s3+$0x500]  }
.LBB2_7:
0x54: {  	p0 =	sne.s32 s4, $0x7BC0;
	v1 =	vld [tilespmem:s3+$0x2480];
	_ =	sdelay $0x2  }
.Ltmp5:
0x55: {  	(pc) =	sbr.rel @p0 .LBB2_7-.Ltmp5, $4  }
0x56: {  	_ = 	snop  }
0x57: {  	v1 =	vadd.f32 v0, v1  }
0x58: {  	s5 =	sshra.s32 s4, $0x2  }
0x59: {  	s4 =	sadd.s32 $0x40, s4;
	v0 =	vld [tilespmem:s5+$0x500];
	[tilespmem:s3+$0x2480] =	vst v1;
	s3 =	smov.u32 s5  }
.Ltmp6:
0x5a: {  	_ = 	snop;
	(pc) =	sbr.rel .LBB2_8-.Ltmp6, $1  }
0x5b: {  	_ =	sdelay $0x3  }
.LBB2_10:
0x5c: {  	s0 =	sshll.u32 s18, $0xD  }
0x5d: {  	s13 =	simm.s32 $0x2480;
	s14 =	simm.s32 $0x2;
	s31 =	sadd.s32 s0, s19  }
0x5e: {  	[spmem:s31] =	stream.linear.scatter [tilespmem:s13], [sflag:$0x2], $0x2000, $0x38;
	[tilespmem:$0x9100] =	vst v63  }
0x5f: {  	_ =	swait.ge [sflag:s14], $0x2000  }
0x60: {  	[sflag:s14] =	ssyncset.done $0x0  }
0x61: {  	s13 =	sshll.u32 s18, $0x9;
	[sflag:s14] =	ssyncadd.s32 $0xFFFFE000  }
0x62: {  	s0 =	simm.s32 $0x4480;
	s1 =	sadd.s32 s13, s19;
	[bflag:$0x0] =	sbarrier.arrive $0xFFFF  }
0x63: {  	[tilespmem:s0], [sflag:$0x1] =	stream.linear.gather [spmem:s1], $0x200, $0x38;
	[tilespmem:$0x9100] =	vst v63  }
0x64: {  	s3 =	simm.s32 $0x4680;
	s2 =	sadd.s32 $0x2000, s1  }
0x65: {  	[tilespmem:s3], [sflag:$0x1] =	stream.linear.gather [spmem:s2], $0x200, $0x38;
	[tilespmem:$0x9100] =	vst v63  }
0x66: {  	s16 =	simm.s32 $0x4880;
	s15 =	sadd.s32 $0x4000, s1  }
0x67: {  	[tilespmem:s16], [sflag:$0x1] =	stream.linear.gather [spmem:s15], $0x200, $0x38;
	[tilespmem:$0x9100] =	vst v63  }
0x68: {  	s20 =	simm.s32 $0x4A80;
	s17 =	sadd.s32 $0x6000, s1  }
0x69: {  	[tilespmem:s20], [sflag:$0x1] =	stream.linear.gather [spmem:s17], $0x200, $0x38;
	[tilespmem:$0x9100] =	vst v63  }
0x6a: {  	s22 =	simm.s32 $0x4C80;
	s21 =	sadd.s32 $0x8000, s1  }
0x6b: {  	[tilespmem:s22], [sflag:$0x1] =	stream.linear.gather [spmem:s21], $0x200, $0x38;
	[tilespmem:$0x9100] =	vst v63  }
0x6c: {  	s24 =	simm.s32 $0x4E80;
	s23 =	sadd.s32 $0xA000, s1  }
0x6d: {  	[tilespmem:s24], [sflag:$0x1] =	stream.linear.gather [spmem:s23], $0x200, $0x38;
	[tilespmem:$0x9100] =	vst v63  }
0x6e: {  	s26 =	simm.s32 $0x5080;
	s25 =	sadd.s32 $0xC000, s1  }
0x6f: {  	[tilespmem:s26], [sflag:$0x1] =	stream.linear.gather [spmem:s25], $0x200, $0x38;
	[tilespmem:$0x9100] =	vst v63  }
0x70: {  	s29 =	simm.s32 $0x5280;
	s28 =	sadd.s32 $0xE000, s1  }
0x71: {  	[tilespmem:s29], [sflag:$0x1] =	stream.linear.gather [spmem:s28], $0x200, $0x38;
	[tilespmem:$0x9100] =	vst v63  }
0x72: {  	s5 =	simm.s32 $0x5480;
	s4 =	sadd.s32 $0x10000, s1  }
0x73: {  	[tilespmem:s5], [sflag:$0x1] =	stream.linear.gather [spmem:s4], $0x200, $0x38;
	[tilespmem:$0x9100] =	vst v63  }
0x74: {  	s8 =	simm.s32 $0x5680;
	s6 =	sadd.s32 $0x12000, s1  }
0x75: {  	[tilespmem:s8], [sflag:$0x1] =	stream.linear.gather [spmem:s6], $0x200, $0x38;
	[tilespmem:$0x9100] =	vst v63  }
0x76: {  	s9 =	sadd.s32 $0x14000, s1;
	s14 =	simm.s32 $0x5880  }
0x77: {  	[tilespmem:s14], [sflag:$0x1] =	stream.linear.gather [spmem:s9], $0x200, $0x38;
	[tilespmem:$0x9100] =	vst v63  }
0x78: {  	s15 =	sadd.s32 $0x16000, s1;
	s16 =	simm.s32 $0x5A80  }
0x79: {  	[tilespmem:s16], [sflag:$0x1] =	stream.linear.gather [spmem:s15], $0x200, $0x38;
	[tilespmem:$0x9100] =	vst v63  }
0x7a: {  	s17 =	sadd.s32 $0x18000, s1;
	s20 =	simm.s32 $0x5C80  }
0x7b: {  	[tilespmem:s20], [sflag:$0x1] =	stream.linear.gather [spmem:s17], $0x200, $0x38;
	[tilespmem:$0x9100] =	vst v63  }
0x7c: {  	s21 =	sadd.s32 $0x1A000, s1;
	s22 =	simm.s32 $0x5E80  }
0x7d: {  	[tilespmem:s22], [sflag:$0x1] =	stream.linear.gather [spmem:s21], $0x200, $0x38;
	[tilespmem:$0x9100] =	vst v63  }
0x7e: {  	s23 =	sadd.s32 $0x1C000, s1;
	s24 =	simm.s32 $0x6080  }
0x7f: {  	[tilespmem:s24], [sflag:$0x1] =	stream.linear.gather [spmem:s23], $0x200, $0x38;
	[tilespmem:$0x9100] =	vst v63  }
0x80: {  	s1 =	sadd.s32 $0x1E000, s1;
	s25 =	simm.s32 $0x6280;
	s26 =	simm.s32 $0x1  }
0x81: {  	[tilespmem:s25], [sflag:$0x1] =	stream.linear.gather [spmem:s1], $0x200, $0x38;
	[tilespmem:$0x9100] =	vst v63  }
0x82: {  	_ =	swait.ge [sflag:s26], $0x200  }
0x83: {  	[sflag:s26] =	ssyncset.done $0x0  }
0x84: {  	[sflag:s26] =	ssyncadd.s32 $0xFFFFFE00  }
0x85: {  	_ =	swait.ge [sflag:s26], $0x200  }
0x86: {  	[sflag:s26] =	ssyncset.done $0x0  }
0x87: {  	[sflag:s26] =	ssyncadd.s32 $0xFFFFFE00  }
0x88: {  	_ =	swait.ge [sflag:s26], $0x200  }
0x89: {  	[sflag:s26] =	ssyncset.done $0x0  }
0x8a: {  	[sflag:s26] =	ssyncadd.s32 $0xFFFFFE00  }
0x8b: {  	_ =	swait.ge [sflag:s26], $0x200  }
0x8c: {  	[sflag:s26] =	ssyncset.done $0x0  }
0x8d: {  	[sflag:s26] =	ssyncadd.s32 $0xFFFFFE00  }
0x8e: {  	_ =	swait.ge [sflag:s26], $0x200  }
0x8f: {  	[sflag:s26] =	ssyncset.done $0x0  }
0x90: {  	[sflag:s26] =	ssyncadd.s32 $0xFFFFFE00  }
0x91: {  	_ =	swait.ge [sflag:s26], $0x200  }
0x92: {  	[sflag:s26] =	ssyncset.done $0x0  }
0x93: {  	[sflag:s26] =	ssyncadd.s32 $0xFFFFFE00  }
0x94: {  	_ =	swait.ge [sflag:s26], $0x200  }
0x95: {  	[sflag:s26] =	ssyncset.done $0x0  }
0x96: {  	[sflag:s26] =	ssyncadd.s32 $0xFFFFFE00  }
0x97: {  	_ =	swait.ge [sflag:s26], $0x200  }
0x98: {  	[sflag:s26] =	ssyncset.done $0x0  }
0x99: {  	[sflag:s26] =	ssyncadd.s32 $0xFFFFFE00  }
0x9a: {  	_ =	swait.ge [sflag:s26], $0x200  }
0x9b: {  	[sflag:s26] =	ssyncset.done $0x0  }
0x9c: {  	[sflag:s26] =	ssyncadd.s32 $0xFFFFFE00  }
0x9d: {  	_ =	swait.ge [sflag:s26], $0x200  }
0x9e: {  	[sflag:s26] =	ssyncset.done $0x0  }
0x9f: {  	[sflag:s26] =	ssyncadd.s32 $0xFFFFFE00  }
0xa0: {  	_ =	swait.ge [sflag:s26], $0x200  }
0xa1: {  	[sflag:s26] =	ssyncset.done $0x0  }
0xa2: {  	[sflag:s26] =	ssyncadd.s32 $0xFFFFFE00  }
0xa3: {  	_ =	swait.ge [sflag:s26], $0x200  }
0xa4: {  	[sflag:s26] =	ssyncset.done $0x0  }
0xa5: {  	[sflag:s26] =	ssyncadd.s32 $0xFFFFFE00  }
0xa6: {  	_ =	swait.ge [sflag:s26], $0x200  }
0xa7: {  	[sflag:s26] =	ssyncset.done $0x0  }
0xa8: {  	[sflag:s26] =	ssyncadd.s32 $0xFFFFFE00  }
0xa9: {  	_ =	swait.ge [sflag:s26], $0x200  }
0xaa: {  	[sflag:s26] =	ssyncset.done $0x0  }
0xab: {  	[sflag:s26] =	ssyncadd.s32 $0xFFFFFE00  }
0xac: {  	_ =	swait.ge [sflag:s26], $0x200  }
0xad: {  	[sflag:s26] =	ssyncset.done $0x0  }
0xae: {  	[sflag:s26] =	ssyncadd.s32 $0xFFFFFE00  }
0xaf: {  	_ =	swait.ge [sflag:s26], $0x200  }
0xb0: {  	[sflag:s26] =	ssyncset.done $0x0  }
0xb1: {  	s28 =	simm.s32 $0x0;
	[sflag:s26] =	ssyncadd.s32 $0xFFFFFE00  }
0xb2: {  	s1 =	sand.u32 $0x1F0, s28;
	[bflag:$0x0] =	sbarrier.arrive $0xFFFF  }
0xb3: {  	v0 =	vld [tilespmem:s1+$0x4680]  }
0xb4: {  	v1 =	vld [tilespmem:s0+$0x0];
	_ =	sdelay $0x1  }
0xb5: {  	v2 =	vld [tilespmem:s1+$0x4880];
	_ =	sdelay $0x1  }
0xb6: {  	v3 =	vld [tilespmem:s1+$0x4A80]  }
0xb7: {  	v0 =	vadd.f32 v0, v1  }
0xb8: {  	v1 =	vld [tilespmem:s1+$0x4C80]  }
0xb9: {  	v0 =	vadd.f32 v2, v0  }
0xba: {  	v2 =	vld [tilespmem:s1+$0x4E80]  }
0xbb: {  	v0 =	vadd.f32 v3, v0  }
0xbc: {  	v3 =	vld [tilespmem:s1+$0x5080]  }
0xbd: {  	v0 =	vadd.f32 v1, v0  }
0xbe: {  	v1 =	vld [tilespmem:s1+$0x5280]  }
0xbf: {  	v0 =	vadd.f32 v2, v0  }
0xc0: {  	v2 =	vld [tilespmem:s1+$0x5480]  }
0xc1: {  	v0 =	vadd.f32 v3, v0  }
0xc2: {  	v3 =	vld [tilespmem:s1+$0x5680]  }
0xc3: {  	v0 =	vadd.f32 v1, v0  }
0xc4: {  	v1 =	vld [tilespmem:s1+$0x5880]  }
0xc5: {  	v0 =	vadd.f32 v2, v0  }
0xc6: {  	v2 =	vld [tilespmem:s1+$0x5A80]  }
0xc7: {  	v0 =	vadd.f32 v3, v0  }
0xc8: {  	v3 =	vld [tilespmem:s1+$0x5C80]  }
0xc9: {  	v0 =	vadd.f32 v1, v0  }
0xca: {  	v1 =	vld [tilespmem:s1+$0x5E80]  }
0xcb: {  	v0 =	vadd.f32 v2, v0  }
0xcc: {  	v2 =	vld [tilespmem:s1+$0x6080]  }
0xcd: {  	v0 =	vadd.f32 v3, v0  }
0xce: {  	v3 =	vld [tilespmem:s1+$0x6280]  }
0xcf: {  	v0 =	vadd.f32 v1, v0;
	_ =	sdelay $0x1  }
0xd0: {  	v0 =	vadd.f32 v2, v0;
	_ =	sdelay $0x1  }
0xd1: {  	v0 =	vadd.f32 v3, v0  }
0xd2: {  	s29 =	simm.s32 $0x10;
	s1 =	simm.s32 $0x6480  }
0xd3: {  	s0 =	sand.u32 $0x1F0, s29;
	[tilespmem:s1+$0x0] =	vst v0  }
0xd4: {  	s3 =	simm.s32 $0x20;
	s2 =	simm.s32 $0x4490;
	v0 =	vld [tilespmem:s0+$0x4680]  }
.LBB2_11:
0xd5: {  	p0 =	sne.s32 s3, $0x1F0;
	v1 =	vld [tilespmem:s2+$0x0];
	_ =	sdelay $0x1  }
0xd6: {  	v2 =	vld [tilespmem:s0+$0x4880];
	_ =	sdelay $0x1  }
0xd7: {  	v3 =	vld [tilespmem:s0+$0x4A80]  }
0xd8: {  	v0 =	vadd.f32 v0, v1  }
0xd9: {  	v1 =	vld [tilespmem:s0+$0x4C80]  }
0xda: {  	v0 =	vadd.f32 v2, v0  }
0xdb: {  	v2 =	vld [tilespmem:s0+$0x4E80]  }
0xdc: {  	v0 =	vadd.f32 v3, v0  }
0xdd: {  	v3 =	vld [tilespmem:s0+$0x5080]  }
0xde: {  	v0 =	vadd.f32 v1, v0  }
0xdf: {  	v1 =	vld [tilespmem:s0+$0x5280]  }
0xe0: {  	v0 =	vadd.f32 v2, v0  }
0xe1: {  	v2 =	vld [tilespmem:s0+$0x5480]  }
0xe2: {  	v0 =	vadd.f32 v3, v0  }
0xe3: {  	v3 =	vld [tilespmem:s0+$0x5680]  }
0xe4: {  	v0 =	vadd.f32 v1, v0  }
0xe5: {  	v1 =	vld [tilespmem:s0+$0x5880]  }
0xe6: {  	v0 =	vadd.f32 v2, v0  }
0xe7: {  	v2 =	vld [tilespmem:s0+$0x5A80]  }
0xe8: {  	v0 =	vadd.f32 v3, v0  }
0xe9: {  	v3 =	vld [tilespmem:s0+$0x5C80]  }
0xea: {  	v0 =	vadd.f32 v1, v0  }
0xeb: {  	v1 =	vld [tilespmem:s0+$0x5E80]  }
0xec: {  	v0 =	vadd.f32 v2, v0  }
0xed: {  	v2 =	vld [tilespmem:s0+$0x6080]  }
0xee: {  	v0 =	vadd.f32 v3, v0  }
0xef: {  	v3 =	vld [tilespmem:s0+$0x6280]  }
0xf0: {  	v0 =	vadd.f32 v1, v0;
	_ =	sdelay $0x1  }
0xf1: {  	v0 =	vadd.f32 v2, v0  }
.Ltmp7:
0xf2: {  	(pc) =	sbr.rel @p0 .LBB2_11-.Ltmp7, $4  }
0xf3: {  	v0 =	vadd.f32 v3, v0  }
0xf4: {  	s1 =	sadd.s32 $0x10, s1  }
0xf5: {  	s0 =	sand.u32 $0x1F0, s3;
	[tilespmem:s1+$0x0] =	vst v0  }
0xf6: {  	s2 =	sadd.s32 $0x10, s2;
	s3 =	sadd.s32 $0x10, s3;
	v0 =	vld [tilespmem:s0+$0x4680]  }
0xf7: {  	v1 =	vld [tilespmem:s2+$0x0];
	_ =	sdelay $0x1  }
0xf8: {  	v2 =	vld [tilespmem:s0+$0x4880];
	_ =	sdelay $0x1  }
0xf9: {  	v3 =	vld [tilespmem:s0+$0x4A80]  }
0xfa: {  	v0 =	vadd.f32 v0, v1  }
0xfb: {  	v1 =	vld [tilespmem:s0+$0x4C80]  }
0xfc: {  	v0 =	vadd.f32 v2, v0  }
0xfd: {  	v2 =	vld [tilespmem:s0+$0x4E80]  }
0xfe: {  	v0 =	vadd.f32 v3, v0  }
0xff: {  	v3 =	vld [tilespmem:s0+$0x5080]  }
0x100: {  	v0 =	vadd.f32 v1, v0  }
0x101: {  	v1 =	vld [tilespmem:s0+$0x5280]  }
0x102: {  	v0 =	vadd.f32 v2, v0  }
0x103: {  	v2 =	vld [tilespmem:s0+$0x5480]  }
0x104: {  	v0 =	vadd.f32 v3, v0  }
0x105: {  	v3 =	vld [tilespmem:s0+$0x5680]  }
0x106: {  	v0 =	vadd.f32 v1, v0  }
0x107: {  	v1 =	vld [tilespmem:s0+$0x5880]  }
0x108: {  	v0 =	vadd.f32 v2, v0  }
0x109: {  	v2 =	vld [tilespmem:s0+$0x5A80]  }
0x10a: {  	v0 =	vadd.f32 v3, v0  }
0x10b: {  	v3 =	vld [tilespmem:s0+$0x5C80]  }
0x10c: {  	v0 =	vadd.f32 v1, v0  }
0x10d: {  	v1 =	vld [tilespmem:s0+$0x5E80]  }
0x10e: {  	v0 =	vadd.f32 v2, v0  }
0x10f: {  	v2 =	vld [tilespmem:s0+$0x6080]  }
0x110: {  	v0 =	vadd.f32 v3, v0  }
0x111: {  	v3 =	vld [tilespmem:s0+$0x6280]  }
0x112: {  	v0 =	vadd.f32 v1, v0;
	_ =	sdelay $0x1  }
0x113: {  	v0 =	vadd.f32 v2, v0;
	_ =	sdelay $0x1  }
0x114: {  	s21 =	sshrl.u32 s13, $0x3;
	v0 =	vadd.f32 v3, v0  }
0x115: {  	s1 =	sadd.s32 $0x10, s1;
	s23 =	simm.s32 $0x0;
	s0 =	sadd.s32 s30, s21  }
0x116: {  	s3 =	simm.s32 $0x6880;
	s24 =	simm.s32 $0x2;
	s22 =	sadd.s32 $0xC0, s0;
	[tilespmem:s1+$0x0] =	vst v0  }
0x117: {  	[tilespmem:s3], [sflag:$0x2] =	stream.linear.gather [hbm4b:s22+s23], $0x200, $0x38;
	[tilespmem:$0x9100] =	vst v63  }
0x118: {  	_ =	swait.ge [sflag:s24], $0x200  }
0x119: {  	[sflag:s24] =	ssyncset.done $0x0  }
0x11a: {  	s4 =	simm.s32 $0x6A80;
	s25 =	sadd.s32 $0x4C0, s0;
	[sflag:s24] =	ssyncadd.s32 $0xFFFFFE00  }
0x11b: {  	[tilespmem:s4], [sflag:$0x2] =	stream.linear.gather [hbm4b:s25+s23], $0x200, $0x38;
	[tilespmem:$0x9100] =	vst v63  }
0x11c: {  	_ =	swait.ge [sflag:s24], $0x200  }
0x11d: {  	[sflag:s24] =	ssyncset.done $0x0  }
0x11e: {  	s28 =	simm.s32 $0x6C80;
	s26 =	sadd.s32 $0x8C0, s0;
	[sflag:s24] =	ssyncadd.s32 $0xFFFFFE00  }
0x11f: {  	[tilespmem:s28], [sflag:$0x2] =	stream.linear.gather [hbm4b:s26+s23], $0x200, $0x38;
	[tilespmem:$0x9100] =	vst v63  }
0x120: {  	_ =	swait.ge [sflag:s24], $0x200  }
0x121: {  	[sflag:s24] =	ssyncset.done $0x0  }
0x122: {  	s29 =	simm.s32 $0x6E80;
	s0 =	sadd.s32 $0xCC0, s0;
	[sflag:s24] =	ssyncadd.s32 $0xFFFFFE00  }
0x123: {  	[tilespmem:s29], [sflag:$0x2] =	stream.linear.gather [hbm4b:s0+s23], $0x200, $0x38;
	[tilespmem:$0x9100] =	vst v63  }
0x124: {  	_ =	swait.ge [sflag:s24], $0x200  }
0x125: {  	[sflag:s24] =	ssyncset.done $0x0  }
0x126: {  	s14 =	simm.s32 $0x0;
	[sflag:s24] =	ssyncadd.s32 $0xFFFFFE00  }
0x127: {  	v0 =	vld [tilespmem:s14+$0x6880];
	_ =	sdelay $0x4  }
0x128: {  	v1 =	vmul.f32 $3.999999910e-02, v0;
	_ =	sdelay $0x1  }
0x129: {  	v2 =	vmul.f32 $5.000000000e+00, v0;
	v1 =	vmul.f32 v1, v0  }
0x12a: {  	v3 =	vld [tilespmem:s14+$0x6A80]  }
0x12b: {  	v1 =	vadd.f32 v1, v2  }
0x12c: {  	v2 =	vld [tilespmem:s14+$0x6480]  }
0x12d: {  	v1 =	vadd.f32 $1.400000000e+02, v1;
	_ =	sdelay $0x1  }
0x12e: {  	v1 =	vsub.f32 v1, v3;
	_ =	sdelay $0x1  }
0x12f: {  	v1 =	vadd.f32 v1, v2;
	_ =	sdelay $0x1  }
0x130: {  	v1 =	vmul.f32 $5.000000000e-01, v1;
	_ =	sdelay $0x1  }
0x131: {  	v0 =	vadd.f32 v1, v0;
	_ =	sdelay $0x1  }
0x132: {  	v0 =	vmax.f32 v0, $-9.000000000e+01  }
0x133: {  	v1 =	vld [tilespmem:s14+$0x6C80];
	v0 =	vmin.f32 v0, $4.000000000e+01  }
0x134: {  	v2 =	vmul.f32 $2.000000030e-01, v0;
	_ =	sdelay $0x1  }
0x135: {  	v2 =	vsub.f32 v2, v3  }
0x136: {  	vm0 =	vge.f32 v0, $3.000000000e+01  }
0x137: {  	v0 =	vsel vm0, v1, v0;
	v1 =	vmul.f32 $1.999999960e-02, v2  }
0x138: {  	s2 =	simm.s32 $0x10;
	[tilespmem:s14+$0x6880] =	vst v0;
	v2 =	vld [tilespmem:s14+$0x6E80]  }
0x139: {  	v0 =	vmul.f32 $5.000000000e-01, v1;
	v1 =	vld [tilespmem:s2+$0x6880];
	_ =	sdelay $0x1  }
0x13a: {  	v4 =	vadd.f32 v0, v3;
	_ =	sdelay $0x1  }
0x13b: {  	v0 =	vimm.f32 $0.0e+00;
	v5 =	vadd.f32 v4, v2  }
0x13c: {  	v2 =	vsel vm0, $0x3F800000, v0;
	v3 =	vmul.f32 $3.999999910e-02, v1  }
0x13d: {  	s1 =	simm.s32 $0x80;
	s3 =	simm.s32 $0x0;
	s0 =	simm.s32 $0x40;
	[tilespmem:s14+$0x280] =	vst v2;
	v2 =	vmul.f32 $5.000000000e+00, v1;
	v4 =	vsel vm0, v5, v4  }
.LBB2_13:
0x13e: {  	p0 =	sne.s32 s1, $0x7C0;
	v3 =	vmul.f32 v3, v1;
	[tilespmem:s3+$0x6A80] =	vst v4;
	s4 =	smov.u32 s1;
	s1 =	sadd.s32 $0x40, s1  }
0x13f: {  	s3 =	smov.u32 s2;
	v4 =	vld [tilespmem:s2+$0x6A80]  }
0x140: {  	v2 =	vadd.f32 v3, v2  }
0x141: {  	v3 =	vld [tilespmem:s3+$0x6480]  }
0x142: {  	v2 =	vadd.f32 $1.400000000e+02, v2;
	_ =	sdelay $0x1  }
0x143: {  	v2 =	vsub.f32 v2, v4;
	_ =	sdelay $0x1  }
0x144: {  	v2 =	vadd.f32 v2, v3;
	_ =	sdelay $0x1  }
0x145: {  	v2 =	vmul.f32 $5.000000000e-01, v2;
	_ =	sdelay $0x1  }
0x146: {  	v1 =	vadd.f32 v2, v1;
	_ =	sdelay $0x1  }
0x147: {  	v1 =	vmax.f32 v1, $-9.000000000e+01  }
0x148: {  	v1 =	vmin.f32 v1, $4.000000000e+01;
	v2 =	vld [tilespmem:s3+$0x6C80]  }
0x149: {  	v3 =	vmul.f32 $2.000000030e-01, v1;
	_ =	sdelay $0x1  }
0x14a: {  	v3 =	vsub.f32 v3, v4  }
0x14b: {  	vm0 =	vge.f32 v1, $3.000000000e+01  }
0x14c: {  	v3 =	vmul.f32 $1.999999960e-02, v3;
	v1 =	vsel vm0, v2, v1;
	v2 =	vsel vm0, $0x3F800000, v0  }
0x14d: {  	s2 =	sshra.s32 s4, $0x2;
	[tilespmem:s3+$0x6880] =	vst v1;
	v5 =	vld [tilespmem:s3+$0x6E80]  }
0x14e: {  	v1 =	vld [tilespmem:s2+$0x6880];
	v3 =	vmul.f32 $5.000000000e-01, v3;
	[tilespmem:s3+$0x280] =	vst v2;
	_ =	sdelay $0x1  }
.Ltmp8:
0x14f: {  	v4 =	vadd.f32 v3, v4;
	(pc) =	sbr.rel @p0 .LBB2_13-.Ltmp8, $4  }
0x150: {  	_ = 	snop  }
0x151: {  	v5 =	vadd.f32 v4, v5  }
0x152: {  	v3 =	vmul.f32 $3.999999910e-02, v1;
	v2 =	vmul.f32 $5.000000000e+00, v1  }
0x153: {  	v4 =	vsel vm0, v5, v4  }
0x154: {  	v3 =	vmul.f32 v3, v1;
	[tilespmem:s3+$0x6A80] =	vst v4  }
0x155: {  	v4 =	vld [tilespmem:s2+$0x6A80]  }
0x156: {  	v2 =	vadd.f32 v3, v2  }
0x157: {  	v3 =	vld [tilespmem:s2+$0x6480]  }
0x158: {  	v2 =	vadd.f32 $1.400000000e+02, v2;
	_ =	sdelay $0x1  }
0x159: {  	v2 =	vsub.f32 v2, v4;
	_ =	sdelay $0x1  }
0x15a: {  	v2 =	vadd.f32 v2, v3;
	_ =	sdelay $0x1  }
0x15b: {  	v2 =	vmul.f32 $5.000000000e-01, v2;
	_ =	sdelay $0x1  }
0x15c: {  	v1 =	vadd.f32 v2, v1;
	_ =	sdelay $0x1  }
0x15d: {  	v1 =	vmax.f32 v1, $-9.000000000e+01  }
0x15e: {  	v2 =	vld [tilespmem:s2+$0x6C80];
	v1 =	vmin.f32 v1, $4.000000000e+01  }
0x15f: {  	v3 =	vmul.f32 $2.000000030e-01, v1;
	_ =	sdelay $0x1  }
0x160: {  	v3 =	vsub.f32 v3, v4  }
0x161: {  	vm0 =	vge.f32 v1, $3.000000000e+01  }
0x162: {  	v1 =	vsel vm0, v2, v1;
	v2 =	vmul.f32 $1.999999960e-02, v3  }
0x163: {  	[tilespmem:s2+$0x6880] =	vst v1;
	v1 =	vld [tilespmem:s2+$0x6E80]  }
0x164: {  	v2 =	vmul.f32 $5.000000000e-01, v2;
	_ =	sdelay $0x1  }
0x165: {  	v2 =	vadd.f32 v2, v4;
	_ =	sdelay $0x1  }
0x166: {  	v1 =	vadd.f32 v2, v1  }
0x167: {  	v0 =	vsel vm0, $0x3F800000, v0  }
0x168: {  	[tilespmem:s2+$0x280] =	vst v0;
	v0 =	vsel vm0, v1, v2  }
0x169: {  	[tilespmem:s2+$0x6A80] =	vst v0;
	v0 =	vimm.f32 $0.0e+00  }
.LBB2_15:
0x16a: {  	p0 =	sne.s32 s0, $0x27C0;
	[tilespmem:s14+$0x2480] =	vst v0;
	s1 =	smov.u32 s0;
	s0 =	sadd.s32 $0x40, s0  }
.Ltmp9:
0x16b: {  	(pc) =	sbr.rel @p0 .LBB2_15-.Ltmp9, $2  }
0x16c: {  	_ =	sdelay $0x2  }
0x16d: {  	s14 =	sshra.s32 s1, $0x2  }
.Ltmp10:
0x16e: {  	(pc) =	sbr.rel .LBB2_17-.Ltmp10, $4  }
0x16f: {  	_ = 	snop  }
0x170: {  	s15 =	sadd.s32 $0x5DC0, s10  }
0x171: {  	s16 =	simm.s32 $0x0;
	s1 =	simm.s32 $0x2;
	s2 =	simm.s32 $0x7080  }
0x172: {  	[tilespmem:s14+$0x2480] =	vst v0;
	s14 =	simm.s32 $0x0;
	s0 =	smov.u32 s13;
	s3 =	simm.s32 $0x0  }
.LBB2_22:
0x173: {  	v1 =	vld [tilespmem:s4+$0x2480];
	_ =	sdelay $0x4  }
0x174: {  	v0 =	vadd.f32 v0, v1  }
0x175: {  	s5 =	sshll.u32 s6, $0x4  }
0x176: {  	s29 =	sadd.s32 s5, s15;
	[tilespmem:s4+$0x2480] =	vst v0  }
0x177: {  	[tilespmem:s2], [sflag:$0x2] =	stream.linear.gather [hbm4b:s29+s16], $0x80, $0x38;
	[tilespmem:$0x9100] =	vst v63  }
0x178: {  	_ =	swait.ge [sflag:s1], $0x80  }
0x179: {  	[sflag:s1] =	ssyncset.done $0x0  }
0x17a: {  	[sflag:s1] =	ssyncadd.s32 $0xFFFFFF80  }
0x17b: {  	v53 =	vld [tilespmem:$0x2E00]  }
0x17c: {  	v54 =	vld [tilespmem:$0x7080]  }
0x17d: {  	v2 =	vld [tilespmem:$0x2E10]  }
0x17e: {  	v3 =	vld [tilespmem:$0x7090]  }
0x17f: {  	v4 =	vld [tilespmem:$0x2E20]  }
0x180: {  	v5 =	vld [tilespmem:$0x70A0]  }
0x181: {  	v6 =	vld [tilespmem:$0x2E30]  }
0x182: {  	v7 =	vld [tilespmem:$0x70B0]  }
0x183: {  	v8 =	vld [tilespmem:$0x2E40]  }
0x184: {  	v9 =	vld [tilespmem:$0x70C0]  }
0x185: {  	v10 =	vld [tilespmem:$0x2E50]  }
0x186: {  	v11 =	vld [tilespmem:$0x70D0]  }
0x187: {  	v12 =	vld [tilespmem:$0x2E60]  }
0x188: {  	v55 =	vld [tilespmem:$0x70E0];
	v0 =	vadd.f32 v54, v53  }
0x189: {  	v56 =	vld [tilespmem:$0x2E70];
	v2 =	vadd.f32 v3, v2  }
0x18a: {  	v58 =	vld [tilespmem:$0x70F0];
	v57 =	vadd.f32 v5, v4;
	[tilespmem:$0x2E00] =	vst v0  }
0x18b: {  	v59 =	vadd.f32 v7, v6;
	[tilespmem:$0x2E10] =	vst v2  }
0x18c: {  	v60 =	vadd.f32 v9, v8;
	[tilespmem:$0x2E20] =	vst v57  }
0x18d: {  	v61 =	vadd.f32 v11, v10;
	[tilespmem:$0x2E30] =	vst v59  }
0x18e: {  	v62 =	vadd.f32 v55, v12;
	[tilespmem:$0x2E40] =	vst v60  }
0x18f: {  	v63 =	vadd.f32 v58, v56;
	[tilespmem:$0x2E50] =	vst v61  }
0x190: {  	[tilespmem:$0x2E60] =	vst v62  }
0x191: {  	[tilespmem:$0x2E70] =	vst v63  }
.LBB2_23:
0x192: {  	s3 =	sadd.s32 $0x1, s3  }
0x193: {  	p0 =	sne.s32 s3, $0x200  }
.Ltmp11:
0x194: {  	_ = 	snop;
	(pc) =	sbr.rel @!p0 .LBB2_24-.Ltmp11, $2  }
0x195: {  	_ =	sdelay $0x2  }
0x196: {  	s0 =	sadd.s32 $0x1, s0;
	s14 =	sadd.s32 $0x1, s14  }
.LBB2_17:
0x197: {  	v0 =	vld [tilespmem:s3+$0x280];
	_ =	sdelay $0x4  }
0x198: {  	(v2sf) =	vpush v0, $0x0;
	_ =	sdelay $0xe  }
0x199: {  	s4 =	spop (v2sf)  }
0x19a: {  	p0 =	sgt.f32 s4, $0.0e+00  }
.Ltmp12:
0x19b: {  	_ = 	snop;
	(pc) =	sbr.rel @!p0 .LBB2_23-.Ltmp12, $1  }
0x19c: {  	_ =	sdelay $0x3  }
0x19d: {  	s4 =	sshrl.u32 s0, $0x3  }
0x19e: {  	s5 =	sand.u32 $0x7, s14;
	s4 =	smul.u32 $0x5000, s4  }
0x19f: {  	s5 =	sshll.u32 s5, $0x7  }
0x1a0: {  	s4 =	sor.u32 s5, s4  }
0x1a1: {  	s4 =	sshrl.u32 s4, $0x3  }
0x1a2: {  	s4 =	sadd.s32 s4, s12  }
0x1a3: {  	s9 =	simm.s32 $0x500;
	s5 =	simm.s32 $0x0;
	s6 =	sadd.s32 $0x0, s4  }
0x1a4: {  	[tilespmem:s9], [sflag:$0x2] =	stream.linear.gather [hbm4b:s6+s5], $0x80, $0x38;
	[tilespmem:$0x9100] =	vst v63  }
0x1a5: {  	_ =	swait.ge [sflag:s1], $0x80  }
0x1a6: {  	s8 =	simm.s32 $0x80;
	s6 =	sor.u32 s13, s3;
	[sflag:s1] =	ssyncset.done $0x0  }
.LBB2_19:
0x1a7: {  	s17 =	sadd.s32 s8, s4  }
0x1a8: {  	[sflag:s1] =	ssyncadd.s32 $0xFFFFFF80;
	s9 =	sadd.s32 $0x80, s9;
	p0 =	sne.s32 s8, $0x900  }
0x1a9: {  	[tilespmem:s9], [sflag:$0x2] =	stream.linear.gather [hbm4b:s17+s5], $0x80, $0x38;
	[tilespmem:$0x9100] =	vst v63  }
.Ltmp13:
0x1aa: {  	_ = 	snop;
	(pc) =	sbr.rel @p0 .LBB2_19-.Ltmp13, $4  }
0x1ab: {  	_ = 	snop  }
0x1ac: {  	s8 =	sadd.s32 $0x80, s8  }
0x1ad: {  	_ =	swait.ge [sflag:s1], $0x80  }
0x1ae: {  	[sflag:s1] =	ssyncset.done $0x0  }
0x1af: {  	[sflag:s1] =	ssyncadd.s32 $0xFFFFFF80;
	s4 =	simm.s32 $0x0  }
0x1b0: {  	s5 =	simm.s32 $0x40;
	v0 =	vld [tilespmem:s4+$0x500]  }
.LBB2_21:
0x1b1: {  	p0 =	sne.s32 s5, $0x25C0;
	v1 =	vld [tilespmem:s4+$0x2480];
	_ =	sdelay $0x2  }
.Ltmp14:
0x1b2: {  	(pc) =	sbr.rel @p0 .LBB2_21-.Ltmp14, $4  }
0x1b3: {  	_ = 	snop  }
0x1b4: {  	v1 =	vadd.f32 v0, v1  }
0x1b5: {  	s8 =	sshra.s32 s5, $0x2  }
0x1b6: {  	s5 =	sadd.s32 $0x40, s5;
	v0 =	vld [tilespmem:s8+$0x500];
	[tilespmem:s4+$0x2480] =	vst v1;
	s4 =	smov.u32 s8  }
.Ltmp15:
0x1b7: {  	_ = 	snop;
	(pc) =	sbr.rel .LBB2_22-.Ltmp15, $1  }
0x1b8: {  	_ =	sdelay $0x3  }
.LBB2_24:
0x1b9: {  	s0 =	simm.s32 $0x2480;
	s15 =	simm.s32 $0x2  }
0x1ba: {  	[spmem:s31] =	stream.linear.scatter [tilespmem:s0], [sflag:$0x2], $0xA00, $0x38;
	[tilespmem:$0x9100] =	vst v63  }
0x1bb: {  	_ =	swait.ge [sflag:s15], $0xA00  }
0x1bc: {  	s3 =	smul.u32 $0xA0, s18;
	[sflag:s15] =	ssyncset.done $0x0  }
0x1bd: {  	[sflag:s15] =	ssyncadd.s32 $0xFFFFF600  }
0x1be: {  	s16 =	simm.s32 $0x4480;
	s13 =	sadd.s32 s3, s19;
	[bflag:$0x0] =	sbarrier.arrive $0xFFFF  }
0x1bf: {  	[tilespmem:s16], [sflag:$0x1] =	stream.linear.gather [spmem:s13], $0xA0, $0x38;
	[tilespmem:$0x9100] =	vst v63  }
0x1c0: {  	s1 =	simm.s32 $0x4680;
	s2 =	sadd.s32 $0x2000, s13  }
0x1c1: {  	[tilespmem:s1], [sflag:$0x1] =	stream.linear.gather [spmem:s2], $0xA0, $0x38;
	[tilespmem:$0x9100] =	vst v63  }
0x1c2: {  	s19 =	simm.s32 $0x4880;
	s18 =	sadd.s32 $0x4000, s13  }
0x1c3: {  	[tilespmem:s19], [sflag:$0x1] =	stream.linear.gather [spmem:s18], $0xA0, $0x38;
	[tilespmem:$0x9100] =	vst v63  }
0x1c4: {  	s21 =	simm.s32 $0x4A80;
	s20 =	sadd.s32 $0x6000, s13  }
0x1c5: {  	[tilespmem:s21], [sflag:$0x1] =	stream.linear.gather [spmem:s20], $0xA0, $0x38;
	[tilespmem:$0x9100] =	vst v63  }
0x1c6: {  	s22 =	simm.s32 $0x4C80;
	s17 =	sadd.s32 $0x8000, s13  }
0x1c7: {  	[tilespmem:s22], [sflag:$0x1] =	stream.linear.gather [spmem:s17], $0xA0, $0x38;
	[tilespmem:$0x9100] =	vst v63  }
0x1c8: {  	s23 =	simm.s32 $0x4E80;
	[dreg:$0xb] =	wrdreg s18;
	s18 =	sadd.s32 $0xA000, s13  }
0x1c9: {  	[tilespmem:s23], [sflag:$0x1] =	stream.linear.gather [spmem:s18], $0xA0, $0x38;
	[tilespmem:$0x9100] =	vst v63  }
0x1ca: {  	s24 =	simm.s32 $0x5080;
	s19 =	sadd.s32 $0xC000, s13  }
0x1cb: {  	[tilespmem:s24], [sflag:$0x1] =	stream.linear.gather [spmem:s19], $0xA0, $0x38;
	[tilespmem:$0x9100] =	vst v63  }
0x1cc: {  	s25 =	simm.s32 $0x5280;
	[dreg:$0xc] =	wrdreg s20;
	s20 =	sadd.s32 $0xE000, s13  }
0x1cd: {  	[tilespmem:s25], [sflag:$0x1] =	stream.linear.gather [spmem:s20], $0xA0, $0x38;
	[tilespmem:$0x9100] =	vst v63  }
0x1ce: {  	s26 =	simm.s32 $0x5480;
	s21 =	sadd.s32 $0x10000, s13  }
0x1cf: {  	[tilespmem:s26], [sflag:$0x1] =	stream.linear.gather [spmem:s21], $0xA0, $0x38;
	[tilespmem:$0x9100] =	vst v63  }
0x1d0: {  	[dreg:$0xa] =	wrdreg s2;
	s2 =	simm.s32 $0x5680;
	s22 =	sadd.s32 $0x12000, s13  }
0x1d1: {  	[tilespmem:s2], [sflag:$0x1] =	stream.linear.gather [spmem:s22], $0xA0, $0x38;
	[tilespmem:$0x9100] =	vst v63  }
0x1d2: {  	s4 =	simm.s32 $0x5880;
	s23 =	sadd.s32 $0x14000, s13  }
0x1d3: {  	[tilespmem:s4], [sflag:$0x1] =	stream.linear.gather [spmem:s23], $0xA0, $0x38;
	[tilespmem:$0x9100] =	vst v63  }
0x1d4: {  	s5 =	simm.s32 $0x5A80;
	s24 =	sadd.s32 $0x16000, s13  }
0x1d5: {  	[tilespmem:s5], [sflag:$0x1] =	stream.linear.gather [spmem:s24], $0xA0, $0x38;
	[tilespmem:$0x9100] =	vst v63  }
0x1d6: {  	s6 =	simm.s32 $0x5C80;
	s25 =	sadd.s32 $0x18000, s13  }
0x1d7: {  	[tilespmem:s6], [sflag:$0x1] =	stream.linear.gather [spmem:s25], $0xA0, $0x38;
	[tilespmem:$0x9100] =	vst v63  }
0x1d8: {  	s8 =	simm.s32 $0x5E80;
	s26 =	sadd.s32 $0x1A000, s13  }
0x1d9: {  	[tilespmem:s8], [sflag:$0x1] =	stream.linear.gather [spmem:s26], $0xA0, $0x38;
	[tilespmem:$0x9100] =	vst v63  }
0x1da: {  	s9 =	simm.s32 $0x6080;
	s28 =	sadd.s32 $0x1C000, s13  }
0x1db: {  	[tilespmem:s9], [sflag:$0x1] =	stream.linear.gather [spmem:s28], $0xA0, $0x38;
	[tilespmem:$0x9100] =	vst v63  }
0x1dc: {  	s12 =	simm.s32 $0x6280;
	s14 =	simm.s32 $0x1;
	s29 =	sadd.s32 $0x1E000, s13  }
0x1dd: {  	[tilespmem:s12], [sflag:$0x1] =	stream.linear.gather [spmem:s29], $0xA0, $0x38;
	[tilespmem:$0x9100] =	vst v63  }
0x1de: {  	_ =	swait.ge [sflag:s14], $0xA0  }
0x1df: {  	[sflag:s14] =	ssyncset.done $0x0  }
0x1e0: {  	[sflag:s14] =	ssyncadd.s32 $0xFFFFFF60  }
0x1e1: {  	_ =	swait.ge [sflag:s14], $0xA0  }
0x1e2: {  	[sflag:s14] =	ssyncset.done $0x0  }
0x1e3: {  	[sflag:s14] =	ssyncadd.s32 $0xFFFFFF60  }
0x1e4: {  	_ =	swait.ge [sflag:s14], $0xA0  }
0x1e5: {  	[sflag:s14] =	ssyncset.done $0x0  }
0x1e6: {  	[sflag:s14] =	ssyncadd.s32 $0xFFFFFF60  }
0x1e7: {  	_ =	swait.ge [sflag:s14], $0xA0  }
0x1e8: {  	[sflag:s14] =	ssyncset.done $0x0  }
0x1e9: {  	[sflag:s14] =	ssyncadd.s32 $0xFFFFFF60  }
0x1ea: {  	_ =	swait.ge [sflag:s14], $0xA0  }
0x1eb: {  	[sflag:s14] =	ssyncset.done $0x0  }
0x1ec: {  	[sflag:s14] =	ssyncadd.s32 $0xFFFFFF60  }
0x1ed: {  	_ =	swait.ge [sflag:s14], $0xA0  }
0x1ee: {  	[sflag:s14] =	ssyncset.done $0x0  }
0x1ef: {  	[sflag:s14] =	ssyncadd.s32 $0xFFFFFF60  }
0x1f0: {  	_ =	swait.ge [sflag:s14], $0xA0  }
0x1f1: {  	[sflag:s14] =	ssyncset.done $0x0  }
0x1f2: {  	[sflag:s14] =	ssyncadd.s32 $0xFFFFFF60  }
0x1f3: {  	_ =	swait.ge [sflag:s14], $0xA0  }
0x1f4: {  	[sflag:s14] =	ssyncset.done $0x0  }
0x1f5: {  	[sflag:s14] =	ssyncadd.s32 $0xFFFFFF60  }
0x1f6: {  	_ =	swait.ge [sflag:s14], $0xA0  }
0x1f7: {  	[sflag:s14] =	ssyncset.done $0x0  }
0x1f8: {  	[sflag:s14] =	ssyncadd.s32 $0xFFFFFF60  }
0x1f9: {  	_ =	swait.ge [sflag:s14], $0xA0  }
0x1fa: {  	[sflag:s14] =	ssyncset.done $0x0  }
0x1fb: {  	[sflag:s14] =	ssyncadd.s32 $0xFFFFFF60  }
0x1fc: {  	_ =	swait.ge [sflag:s14], $0xA0  }
0x1fd: {  	[sflag:s14] =	ssyncset.done $0x0  }
0x1fe: {  	[sflag:s14] =	ssyncadd.s32 $0xFFFFFF60  }
0x1ff: {  	_ =	swait.ge [sflag:s14], $0xA0  }
0x200: {  	[sflag:s14] =	ssyncset.done $0x0  }
0x201: {  	[sflag:s14] =	ssyncadd.s32 $0xFFFFFF60  }
0x202: {  	_ =	swait.ge [sflag:s14], $0xA0  }
0x203: {  	[sflag:s14] =	ssyncset.done $0x0  }
0x204: {  	[sflag:s14] =	ssyncadd.s32 $0xFFFFFF60  }
0x205: {  	_ =	swait.ge [sflag:s14], $0xA0  }
0x206: {  	[sflag:s14] =	ssyncset.done $0x0  }
0x207: {  	[sflag:s14] =	ssyncadd.s32 $0xFFFFFF60  }
0x208: {  	_ =	swait.ge [sflag:s14], $0xA0  }
0x209: {  	[sflag:s14] =	ssyncset.done $0x0  }
0x20a: {  	[sflag:s14] =	ssyncadd.s32 $0xFFFFFF60  }
0x20b: {  	_ =	swait.ge [sflag:s14], $0xA0  }
0x20c: {  	[sflag:s14] =	ssyncset.done $0x0  }
0x20d: {  	s15 =	simm.s32 $0x0;
	[sflag:s14] =	ssyncadd.s32 $0xFFFFFF60  }
0x20e: {  	s1 =	sand.u32 $0xF0, s15;
	[bflag:$0x0] =	sbarrier.arrive $0xFFFF  }
0x20f: {  	v0 =	vld [tilespmem:s1+$0x4680]  }
0x210: {  	v1 =	vld [tilespmem:s16+$0x0];
	_ =	sdelay $0x1  }
0x211: {  	v2 =	vld [tilespmem:s1+$0x4880];
	_ =	sdelay $0x1  }
0x212: {  	v3 =	vld [tilespmem:s1+$0x4A80]  }
0x213: {  	v0 =	vadd.f32 v0, v1  }
0x214: {  	v1 =	vld [tilespmem:s1+$0x4C80]  }
0x215: {  	v0 =	vadd.f32 v2, v0  }
0x216: {  	v2 =	vld [tilespmem:s1+$0x4E80]  }
0x217: {  	v0 =	vadd.f32 v3, v0  }
0x218: {  	v3 =	vld [tilespmem:s1+$0x5080]  }
0x219: {  	v0 =	vadd.f32 v1, v0  }
0x21a: {  	v1 =	vld [tilespmem:s1+$0x5280]  }
0x21b: {  	v0 =	vadd.f32 v2, v0  }
0x21c: {  	v2 =	vld [tilespmem:s1+$0x5480]  }
0x21d: {  	v0 =	vadd.f32 v3, v0  }
0x21e: {  	v3 =	vld [tilespmem:s1+$0x5680]  }
0x21f: {  	v0 =	vadd.f32 v1, v0  }
0x220: {  	v1 =	vld [tilespmem:s1+$0x5880]  }
0x221: {  	v0 =	vadd.f32 v2, v0  }
0x222: {  	v2 =	vld [tilespmem:s1+$0x5A80]  }
0x223: {  	v0 =	vadd.f32 v3, v0  }
0x224: {  	v3 =	vld [tilespmem:s1+$0x5C80]  }
0x225: {  	v0 =	vadd.f32 v1, v0  }
0x226: {  	v1 =	vld [tilespmem:s1+$0x5E80]  }
0x227: {  	v0 =	vadd.f32 v2, v0  }
0x228: {  	v2 =	vld [tilespmem:s1+$0x6080]  }
0x229: {  	v0 =	vadd.f32 v3, v0  }
0x22a: {  	v3 =	vld [tilespmem:s1+$0x6280]  }
0x22b: {  	v0 =	vadd.f32 v1, v0;
	_ =	sdelay $0x1  }
0x22c: {  	v0 =	vadd.f32 v2, v0;
	_ =	sdelay $0x1  }
0x22d: {  	v0 =	vadd.f32 v3, v0  }
0x22e: {  	s16 =	simm.s32 $0x10;
	s1 =	simm.s32 $0x6480  }
0x22f: {  	s0 =	sand.u32 $0xF0, s16;
	[tilespmem:s1+$0x0] =	vst v0  }
0x230: {  	s2 =	simm.s32 $0x4490;
	s6 =	simm.s32 $0x20;
	v0 =	vld [tilespmem:s0+$0x4680]  }
.LBB2_25:
0x231: {  	p0 =	sne.s32 s6, $0x90;
	v1 =	vld [tilespmem:s2+$0x0];
	_ =	sdelay $0x1  }
0x232: {  	v2 =	vld [tilespmem:s0+$0x4880];
	_ =	sdelay $0x1  }
0x233: {  	v3 =	vld [tilespmem:s0+$0x4A80]  }
0x234: {  	v0 =	vadd.f32 v0, v1  }
0x235: {  	v1 =	vld [tilespmem:s0+$0x4C80]  }
0x236: {  	v0 =	vadd.f32 v2, v0  }
0x237: {  	v2 =	vld [tilespmem:s0+$0x4E80]  }
0x238: {  	v0 =	vadd.f32 v3, v0  }
0x239: {  	v3 =	vld [tilespmem:s0+$0x5080]  }
0x23a: {  	v0 =	vadd.f32 v1, v0  }
0x23b: {  	v1 =	vld [tilespmem:s0+$0x5280]  }
0x23c: {  	v0 =	vadd.f32 v2, v0  }
0x23d: {  	v2 =	vld [tilespmem:s0+$0x5480]  }
0x23e: {  	v0 =	vadd.f32 v3, v0  }
0x23f: {  	v3 =	vld [tilespmem:s0+$0x5680]  }
0x240: {  	v0 =	vadd.f32 v1, v0  }
0x241: {  	v1 =	vld [tilespmem:s0+$0x5880]  }
0x242: {  	v0 =	vadd.f32 v2, v0  }
0x243: {  	v2 =	vld [tilespmem:s0+$0x5A80]  }
0x244: {  	v0 =	vadd.f32 v3, v0  }
0x245: {  	v3 =	vld [tilespmem:s0+$0x5C80]  }
0x246: {  	v0 =	vadd.f32 v1, v0  }
0x247: {  	v1 =	vld [tilespmem:s0+$0x5E80]  }
0x248: {  	v0 =	vadd.f32 v2, v0  }
0x249: {  	v2 =	vld [tilespmem:s0+$0x6080]  }
0x24a: {  	v0 =	vadd.f32 v3, v0  }
0x24b: {  	v3 =	vld [tilespmem:s0+$0x6280]  }
0x24c: {  	v0 =	vadd.f32 v1, v0;
	_ =	sdelay $0x1  }
0x24d: {  	v0 =	vadd.f32 v2, v0  }
.Ltmp16:
0x24e: {  	(pc) =	sbr.rel @p0 .LBB2_25-.Ltmp16, $4  }
0x24f: {  	v0 =	vadd.f32 v3, v0  }
0x250: {  	s1 =	sadd.s32 $0x10, s1  }
0x251: {  	s0 =	sand.u32 $0xF0, s6;
	[tilespmem:s1+$0x0] =	vst v0  }
0x252: {  	s2 =	sadd.s32 $0x10, s2;
	s6 =	sadd.s32 $0x10, s6;
	v0 =	vld [tilespmem:s0+$0x4680]  }
0x253: {  	v1 =	vld [tilespmem:s2+$0x0];
	_ =	sdelay $0x1  }
0x254: {  	v2 =	vld [tilespmem:s0+$0x4880];
	_ =	sdelay $0x1  }
0x255: {  	v3 =	vld [tilespmem:s0+$0x4A80]  }
0x256: {  	v0 =	vadd.f32 v0, v1  }
0x257: {  	v1 =	vld [tilespmem:s0+$0x4C80]  }
0x258: {  	v0 =	vadd.f32 v2, v0  }
0x259: {  	v2 =	vld [tilespmem:s0+$0x4E80]  }
0x25a: {  	v0 =	vadd.f32 v3, v0  }
0x25b: {  	v3 =	vld [tilespmem:s0+$0x5080]  }
0x25c: {  	v0 =	vadd.f32 v1, v0  }
0x25d: {  	v1 =	vld [tilespmem:s0+$0x5280]  }
0x25e: {  	v0 =	vadd.f32 v2, v0  }
0x25f: {  	v2 =	vld [tilespmem:s0+$0x5480]  }
0x260: {  	v0 =	vadd.f32 v3, v0  }
0x261: {  	v3 =	vld [tilespmem:s0+$0x5680]  }
0x262: {  	v0 =	vadd.f32 v1, v0  }
0x263: {  	v1 =	vld [tilespmem:s0+$0x5880]  }
0x264: {  	v0 =	vadd.f32 v2, v0  }
0x265: {  	v2 =	vld [tilespmem:s0+$0x5A80]  }
0x266: {  	v0 =	vadd.f32 v3, v0  }
0x267: {  	v3 =	vld [tilespmem:s0+$0x5C80]  }
0x268: {  	v0 =	vadd.f32 v1, v0  }
0x269: {  	v1 =	vld [tilespmem:s0+$0x5E80]  }
0x26a: {  	v0 =	vadd.f32 v2, v0  }
0x26b: {  	v2 =	vld [tilespmem:s0+$0x6080]  }
0x26c: {  	v0 =	vadd.f32 v3, v0  }
0x26d: {  	v3 =	vld [tilespmem:s0+$0x6280]  }
0x26e: {  	v0 =	vadd.f32 v1, v0;
	_ =	sdelay $0x1  }
0x26f: {  	v0 =	vadd.f32 v2, v0;
	_ =	sdelay $0x1  }
0x270: {  	s5 =	sshrl.u32 s3, $0x3;
	s1 =	sadd.s32 $0x10, s1;
	v0 =	vadd.f32 v3, v0  }
0x271: {  	[dreg:$0x8] =	wrdreg s30;
	s8 =	simm.s32 $0x0;
	s0 =	sadd.s32 s30, s5  }
0x272: {  	s4 =	simm.s32 $0x6880;
	s9 =	simm.s32 $0x2;
	s6 =	sadd.s32 $0x10C0, s0;
	[tilespmem:s1+$0x0] =	vst v0  }
0x273: {  	[tilespmem:s4], [sflag:$0x2] =	stream.linear.gather [hbm4b:s6+s8], $0xA0, $0x38;
	[tilespmem:$0x9100] =	vst v63  }
0x274: {  	_ =	swait.ge [sflag:s9], $0xA0  }
0x275: {  	[sflag:s9] =	ssyncset.done $0x0  }
0x276: {  	s5 =	simm.s32 $0x6A80;
	s12 =	sadd.s32 $0x1200, s0;
	[sflag:s9] =	ssyncadd.s32 $0xFFFFFF60  }
0x277: {  	[tilespmem:s5], [sflag:$0x2] =	stream.linear.gather [hbm4b:s12+s8], $0xA0, $0x38;
	[tilespmem:$0x9100] =	vst v63  }
0x278: {  	_ =	swait.ge [sflag:s9], $0xA0  }
0x279: {  	[sflag:s9] =	ssyncset.done $0x0  }
0x27a: {  	s15 =	simm.s32 $0x6C80;
	s14 =	sadd.s32 $0x1340, s0;
	[sflag:s9] =	ssyncadd.s32 $0xFFFFFF60  }
0x27b: {  	[tilespmem:s15], [sflag:$0x2] =	stream.linear.gather [hbm4b:s14+s8], $0xA0, $0x38;
	[tilespmem:$0x9100] =	vst v63  }
0x27c: {  	_ =	swait.ge [sflag:s9], $0xA0  }
0x27d: {  	[sflag:s9] =	ssyncset.done $0x0  }
0x27e: {  	s16 =	simm.s32 $0x6E80;
	s0 =	sadd.s32 $0x1480, s0;
	[sflag:s9] =	ssyncadd.s32 $0xFFFFFF60  }
0x27f: {  	[tilespmem:s16], [sflag:$0x2] =	stream.linear.gather [hbm4b:s0+s8], $0xA0, $0x38;
	[tilespmem:$0x9100] =	vst v63  }
0x280: {  	_ =	swait.ge [sflag:s9], $0xA0  }
0x281: {  	[sflag:s9] =	ssyncset.done $0x0  }
0x282: {  	s30 =	simm.s32 $0x0;
	[sflag:s9] =	ssyncadd.s32 $0xFFFFFF60  }
0x283: {  	v0 =	vld [tilespmem:s30+$0x6880];
	_ =	sdelay $0x4  }
0x284: {  	v1 =	vmul.f32 $3.999999910e-02, v0;
	_ =	sdelay $0x1  }
0x285: {  	v2 =	vmul.f32 $5.000000000e+00, v0;
	v1 =	vmul.f32 v1, v0  }
0x286: {  	v3 =	vld [tilespmem:s30+$0x6A80]  }
0x287: {  	v1 =	vadd.f32 v1, v2  }
0x288: {  	v2 =	vld [tilespmem:s30+$0x6480]  }
0x289: {  	v1 =	vadd.f32 $1.400000000e+02, v1;
	_ =	sdelay $0x1  }
0x28a: {  	v1 =	vsub.f32 v1, v3;
	_ =	sdelay $0x1  }
0x28b: {  	v1 =	vadd.f32 v1, v2;
	_ =	sdelay $0x1  }
0x28c: {  	v1 =	vmul.f32 $5.000000000e-01, v1;
	_ =	sdelay $0x1  }
0x28d: {  	v0 =	vadd.f32 v1, v0;
	_ =	sdelay $0x1  }
0x28e: {  	v0 =	vmax.f32 v0, $-9.000000000e+01  }
0x28f: {  	v1 =	vld [tilespmem:s30+$0x6C80];
	v0 =	vmin.f32 v0, $4.000000000e+01  }
0x290: {  	[tilespmem:s30+$0x6680] =	vst v2;
	v2 =	vmul.f32 $2.000000030e-01, v0;
	_ =	sdelay $0x1  }
0x291: {  	v2 =	vsub.f32 v2, v3  }
0x292: {  	vm0 =	vge.f32 v0, $3.000000000e+01  }
0x293: {  	v0 =	vsel vm0, v1, v0;
	v1 =	vmul.f32 $1.999999960e-02, v2  }
0x294: {  	s2 =	simm.s32 $0x10;
	[tilespmem:s30+$0x6880] =	vst v0;
	v2 =	vld [tilespmem:s30+$0x6E80]  }
0x295: {  	v0 =	vmul.f32 $5.000000000e-01, v1;
	v1 =	vld [tilespmem:s2+$0x6880];
	_ =	sdelay $0x1  }
0x296: {  	v4 =	vadd.f32 v0, v3;
	_ =	sdelay $0x1  }
0x297: {  	v0 =	vimm.f32 $0.0e+00;
	v5 =	vadd.f32 v4, v2  }
0x298: {  	v2 =	vsel vm0, $0x3F800000, v0;
	v3 =	vmul.f32 $3.999999910e-02, v1  }
0x299: {  	s1 =	simm.s32 $0x40;
	s6 =	simm.s32 $0x0;
	s0 =	simm.s32 $0x80;
	[tilespmem:s30+$0x0] =	vst v2;
	v2 =	vmul.f32 $5.000000000e+00, v1;
	v4 =	vsel vm0, v5, v4  }
.LBB2_27:
0x29a: {  	p0 =	sne.s32 s0, $0x240;
	v3 =	vmul.f32 v3, v1;
	[tilespmem:s6+$0x6A80] =	vst v4;
	s4 =	smov.u32 s0;
	s0 =	sadd.s32 $0x40, s0  }
0x29b: {  	s6 =	smov.u32 s2;
	v4 =	vld [tilespmem:s2+$0x6A80]  }
0x29c: {  	v2 =	vadd.f32 v3, v2  }
0x29d: {  	v3 =	vld [tilespmem:s6+$0x6480]  }
0x29e: {  	v2 =	vadd.f32 $1.400000000e+02, v2;
	_ =	sdelay $0x1  }
0x29f: {  	v2 =	vsub.f32 v2, v4;
	_ =	sdelay $0x1  }
0x2a0: {  	[tilespmem:s6+$0x6680] =	vst v3;
	v2 =	vadd.f32 v2, v3;
	_ =	sdelay $0x1  }
0x2a1: {  	v2 =	vmul.f32 $5.000000000e-01, v2;
	_ =	sdelay $0x1  }
0x2a2: {  	v1 =	vadd.f32 v2, v1;
	_ =	sdelay $0x1  }
0x2a3: {  	v1 =	vmax.f32 v1, $-9.000000000e+01  }
0x2a4: {  	v1 =	vmin.f32 v1, $4.000000000e+01;
	v2 =	vld [tilespmem:s6+$0x6C80]  }
0x2a5: {  	v3 =	vmul.f32 $2.000000030e-01, v1;
	_ =	sdelay $0x1  }
0x2a6: {  	v3 =	vsub.f32 v3, v4  }
0x2a7: {  	vm0 =	vge.f32 v1, $3.000000000e+01  }
0x2a8: {  	v3 =	vmul.f32 $1.999999960e-02, v3;
	v1 =	vsel vm0, v2, v1  }
0x2a9: {  	s2 =	sshra.s32 s4, $0x2;
	v5 =	vsel vm0, $0x3F800000, v0;
	[tilespmem:s6+$0x6880] =	vst v1;
	v2 =	vld [tilespmem:s6+$0x6E80]  }
0x2aa: {  	v1 =	vld [tilespmem:s2+$0x6880];
	v3 =	vmul.f32 $5.000000000e-01, v3;
	[tilespmem:s6+$0x0] =	vst v5;
	_ =	sdelay $0x1  }
.Ltmp17:
0x2ab: {  	v4 =	vadd.f32 v3, v4;
	(pc) =	sbr.rel @p0 .LBB2_27-.Ltmp17, $4  }
0x2ac: {  	_ = 	snop  }
0x2ad: {  	v5 =	vadd.f32 v4, v2  }
0x2ae: {  	v3 =	vmul.f32 $3.999999910e-02, v1;
	v2 =	vmul.f32 $5.000000000e+00, v1  }
0x2af: {  	v4 =	vsel vm0, v5, v4  }
0x2b0: {  	v3 =	vmul.f32 v3, v1;
	[tilespmem:s6+$0x6A80] =	vst v4  }
0x2b1: {  	v4 =	vld [tilespmem:s2+$0x6A80]  }
0x2b2: {  	v2 =	vadd.f32 v3, v2  }
0x2b3: {  	v3 =	vld [tilespmem:s2+$0x6480]  }
0x2b4: {  	v2 =	vadd.f32 $1.400000000e+02, v2;
	_ =	sdelay $0x1  }
0x2b5: {  	v2 =	vsub.f32 v2, v4;
	_ =	sdelay $0x1  }
0x2b6: {  	v2 =	vadd.f32 v2, v3;
	_ =	sdelay $0x1  }
0x2b7: {  	v2 =	vmul.f32 $5.000000000e-01, v2;
	_ =	sdelay $0x1  }
0x2b8: {  	v1 =	vadd.f32 v2, v1;
	_ =	sdelay $0x1  }
0x2b9: {  	v1 =	vmax.f32 v1, $-9.000000000e+01  }
0x2ba: {  	v2 =	vld [tilespmem:s2+$0x6C80];
	v1 =	vmin.f32 v1, $4.000000000e+01  }
0x2bb: {  	[tilespmem:s2+$0x6680] =	vst v3;
	v3 =	vmul.f32 $2.000000030e-01, v1;
	_ =	sdelay $0x1  }
0x2bc: {  	v3 =	vsub.f32 v3, v4  }
0x2bd: {  	vm0 =	vge.f32 v1, $3.000000000e+01  }
0x2be: {  	v1 =	vsel vm0, v2, v1;
	v2 =	vmul.f32 $1.999999960e-02, v3  }
0x2bf: {  	[tilespmem:s2+$0x6880] =	vst v1;
	v1 =	vld [tilespmem:s2+$0x6E80]  }
0x2c0: {  	v2 =	vmul.f32 $5.000000000e-01, v2;
	_ =	sdelay $0x1  }
0x2c1: {  	v2 =	vadd.f32 v2, v4;
	_ =	sdelay $0x1  }
0x2c2: {  	v1 =	vadd.f32 v2, v1  }
0x2c3: {  	v0 =	vsel vm0, $0x3F800000, v0  }
0x2c4: {  	[tilespmem:s2+$0x0] =	vst v0;
	v0 =	vsel vm0, v1, v2  }
0x2c5: {  	s16 =	smov.u32 s31;
	[tilespmem:s2+$0x6A80] =	vst v0;
	v0 =	vimm.f32 $0.0e+00  }
.LBB2_29:
0x2c6: {  	p0 =	sne.s32 s1, $0x27C0;
	[tilespmem:s30+$0x2480] =	vst v0;
	s0 =	smov.u32 s1;
	s1 =	sadd.s32 $0x40, s1  }
.Ltmp18:
0x2c7: {  	(pc) =	sbr.rel @p0 .LBB2_29-.Ltmp18, $2  }
0x2c8: {  	_ =	sdelay $0x2  }
0x2c9: {  	s30 =	sshra.s32 s0, $0x2  }
.Ltmp19:
0x2ca: {  	(pc) =	sbr.rel .LBB2_31-.Ltmp19, $4  }
0x2cb: {  	_ = 	snop  }
0x2cc: {  	s31 =	sadd.s32 $0x251C0, s10  }
0x2cd: {  	s1 =	simm.s32 $0x0;
	s2 =	simm.s32 $0x2;
	[tilespmem:s30+$0x2480] =	vst v0;
	s30 =	simm.s32 $0x7080  }
0x2ce: {  	s0 =	simm.s32 $0x0;
	s12 =	smov.u32 s3;
	s6 =	simm.s32 $0x0  }
.LBB2_36:
0x2cf: {  	v1 =	vld [tilespmem:s5+$0x2480];
	_ =	sdelay $0x4  }
0x2d0: {  	v0 =	vadd.f32 v0, v1  }
0x2d1: {  	s4 =	sshll.u32 s4, $0x4  }
0x2d2: {  	s4 =	sadd.s32 s4, s31;
	[tilespmem:s5+$0x2480] =	vst v0  }
0x2d3: {  	[tilespmem:s30], [sflag:$0x2] =	stream.linear.gather [hbm4b:s4+s1], $0x80, $0x38;
	[tilespmem:$0x9100] =	vst v63  }
0x2d4: {  	_ =	swait.ge [sflag:s2], $0x80  }
0x2d5: {  	[sflag:s2] =	ssyncset.done $0x0  }
0x2d6: {  	[sflag:s2] =	ssyncadd.s32 $0xFFFFFF80  }
0x2d7: {  	v53 =	vld [tilespmem:$0x2E00]  }
0x2d8: {  	v54 =	vld [tilespmem:$0x7080]  }
0x2d9: {  	v2 =	vld [tilespmem:$0x2E10]  }
0x2da: {  	v3 =	vld [tilespmem:$0x7090]  }
0x2db: {  	v4 =	vld [tilespmem:$0x2E20]  }
0x2dc: {  	v5 =	vld [tilespmem:$0x70A0]  }
0x2dd: {  	v6 =	vld [tilespmem:$0x2E30]  }
0x2de: {  	v7 =	vld [tilespmem:$0x70B0]  }
0x2df: {  	v8 =	vld [tilespmem:$0x2E40]  }
0x2e0: {  	v9 =	vld [tilespmem:$0x70C0]  }
0x2e1: {  	v10 =	vld [tilespmem:$0x2E50]  }
0x2e2: {  	v11 =	vld [tilespmem:$0x70D0]  }
0x2e3: {  	v12 =	vld [tilespmem:$0x2E60]  }
0x2e4: {  	v55 =	vld [tilespmem:$0x70E0];
	v0 =	vadd.f32 v54, v53  }
0x2e5: {  	v56 =	vld [tilespmem:$0x2E70];
	v2 =	vadd.f32 v3, v2  }
0x2e6: {  	v58 =	vld [tilespmem:$0x70F0];
	v57 =	vadd.f32 v5, v4;
	[tilespmem:$0x2E00] =	vst v0  }
0x2e7: {  	v59 =	vadd.f32 v7, v6;
	[tilespmem:$0x2E10] =	vst v2  }
0x2e8: {  	v60 =	vadd.f32 v9, v8;
	[tilespmem:$0x2E20] =	vst v57  }
0x2e9: {  	v61 =	vadd.f32 v11, v10;
	[tilespmem:$0x2E30] =	vst v59  }
0x2ea: {  	v62 =	vadd.f32 v55, v12;
	[tilespmem:$0x2E40] =	vst v60  }
0x2eb: {  	v63 =	vadd.f32 v58, v56;
	[tilespmem:$0x2E50] =	vst v61  }
0x2ec: {  	[tilespmem:$0x2E60] =	vst v62  }
0x2ed: {  	[tilespmem:$0x2E70] =	vst v63  }
.LBB2_37:
0x2ee: {  	s6 =	sadd.s32 $0x1, s6  }
0x2ef: {  	p0 =	sne.s32 s6, $0xA0  }
.Ltmp20:
0x2f0: {  	_ = 	snop;
	(pc) =	sbr.rel @!p0 .LBB2_38-.Ltmp20, $2  }
0x2f1: {  	_ =	sdelay $0x2  }
0x2f2: {  	s12 =	sadd.s32 $0x1, s12;
	s0 =	sadd.s32 $0x1, s0  }
.LBB2_31:
0x2f3: {  	v0 =	vld [tilespmem:s6+$0x0];
	_ =	sdelay $0x4  }
0x2f4: {  	(v2sf) =	vpush v0, $0x0;
	_ =	sdelay $0xe  }
0x2f5: {  	s4 =	spop (v2sf)  }
0x2f6: {  	p0 =	sgt.f32 s4, $0.0e+00  }
.Ltmp21:
0x2f7: {  	_ = 	snop;
	(pc) =	sbr.rel @!p0 .LBB2_37-.Ltmp21, $1  }
0x2f8: {  	_ =	sdelay $0x3  }
0x2f9: {  	s4 =	sshrl.u32 s12, $0x3  }
0x2fa: {  	s5 =	sand.u32 $0x7, s0;
	s4 =	smul.u32 $0x5000, s4  }
0x2fb: {  	s5 =	sshll.u32 s5, $0x7  }
0x2fc: {  	s4 =	sor.u32 s5, s4  }
0x2fd: {  	s4 =	sshrl.u32 s4, $0x3  }
0x2fe: {  	s5 =	sadd.s32 s4, s11  }
0x2ff: {  	s9 =	simm.s32 $0x0;
	s8 =	simm.s32 $0x500;
	s4 =	sadd.s32 $0x0, s5  }
0x300: {  	[tilespmem:s8], [sflag:$0x2] =	stream.linear.gather [hbm4b:s4+s9], $0x80, $0x38;
	[tilespmem:$0x9100] =	vst v63  }
0x301: {  	_ =	swait.ge [sflag:s2], $0x80  }
0x302: {  	s14 =	simm.s32 $0x80;
	s4 =	sadd.s32 s3, s6;
	[sflag:s2] =	ssyncset.done $0x0  }
.LBB2_33:
0x303: {  	s15 =	sadd.s32 s14, s5  }
0x304: {  	[sflag:s2] =	ssyncadd.s32 $0xFFFFFF80;
	s8 =	sadd.s32 $0x80, s8;
	p0 =	sne.s32 s14, $0x900  }
0x305: {  	[tilespmem:s8], [sflag:$0x2] =	stream.linear.gather [hbm4b:s15+s9], $0x80, $0x38;
	[tilespmem:$0x9100] =	vst v63  }
.Ltmp22:
0x306: {  	_ = 	snop;
	(pc) =	sbr.rel @p0 .LBB2_33-.Ltmp22, $4  }
0x307: {  	_ = 	snop  }
0x308: {  	s14 =	sadd.s32 $0x80, s14  }
0x309: {  	_ =	swait.ge [sflag:s2], $0x80  }
0x30a: {  	[sflag:s2] =	ssyncset.done $0x0  }
0x30b: {  	[sflag:s2] =	ssyncadd.s32 $0xFFFFFF80;
	s5 =	simm.s32 $0x0  }
0x30c: {  	s8 =	simm.s32 $0x40;
	v0 =	vld [tilespmem:s5+$0x500]  }
.LBB2_35:
0x30d: {  	p0 =	sne.s32 s8, $0x25C0;
	v1 =	vld [tilespmem:s5+$0x2480];
	_ =	sdelay $0x2  }
.Ltmp23:
0x30e: {  	(pc) =	sbr.rel @p0 .LBB2_35-.Ltmp23, $4  }
0x30f: {  	_ = 	snop  }
0x310: {  	v1 =	vadd.f32 v0, v1  }
0x311: {  	s9 =	sshra.s32 s8, $0x2  }
0x312: {  	s8 =	sadd.s32 $0x40, s8;
	v0 =	vld [tilespmem:s9+$0x500];
	[tilespmem:s5+$0x2480] =	vst v1;
	s5 =	smov.u32 s9  }
.Ltmp24:
0x313: {  	_ = 	snop;
	(pc) =	sbr.rel .LBB2_36-.Ltmp24, $1  }
0x314: {  	_ =	sdelay $0x3  }
.LBB2_38:
0x315: {  	s0 =	simm.s32 $0x2480;
	s9 =	simm.s32 $0x2  }
0x316: {  	[spmem:s16] =	stream.linear.scatter [tilespmem:s0], [sflag:$0x2], $0xA00, $0x38;
	[tilespmem:$0x9100] =	vst v63  }
0x317: {  	_ =	swait.ge [sflag:s9], $0xA00  }
0x318: {  	[sflag:s9] =	ssyncset.done $0x0  }
0x319: {  	[sflag:s9] =	ssyncadd.s32 $0xFFFFF600  }
0x31a: {  	s11 =	simm.s32 $0x4480;
	[bflag:$0x0] =	sbarrier.arrive $0xFFFF  }
0x31b: {  	[tilespmem:s11], [sflag:$0x1] =	stream.linear.gather [spmem:s13], $0xA0, $0x38;
	[tilespmem:$0x9100] =	vst v63  }
0x31c: {  	s1 =	simm.s32 $0x4680;
	s2 =	rddreg [dreg:$0xa]  }
0x31d: {  	[tilespmem:s1], [sflag:$0x1] =	stream.linear.gather [spmem:s2], $0xA0, $0x38;
	[tilespmem:$0x9100] =	vst v63  }
0x31e: {  	s12 =	simm.s32 $0x4880;
	s13 =	rddreg [dreg:$0xb]  }
0x31f: {  	[tilespmem:s12], [sflag:$0x1] =	stream.linear.gather [spmem:s13], $0xA0, $0x38;
	[tilespmem:$0x9100] =	vst v63  }
0x320: {  	s14 =	simm.s32 $0x4A80;
	s15 =	rddreg [dreg:$0xc]  }
0x321: {  	[tilespmem:s14], [sflag:$0x1] =	stream.linear.gather [spmem:s15], $0xA0, $0x38;
	[tilespmem:$0x9100] =	vst v63  }
0x322: {  	s8 =	smov.u32 s16;
	s16 =	simm.s32 $0x4C80  }
0x323: {  	[tilespmem:s16], [sflag:$0x1] =	stream.linear.gather [spmem:s17], $0xA0, $0x38;
	[tilespmem:$0x9100] =	vst v63  }
0x324: {  	s17 =	simm.s32 $0x4E80  }
0x325: {  	[tilespmem:s17], [sflag:$0x1] =	stream.linear.gather [spmem:s18], $0xA0, $0x38;
	[tilespmem:$0x9100] =	vst v63  }
0x326: {  	s18 =	simm.s32 $0x5080  }
0x327: {  	[tilespmem:s18], [sflag:$0x1] =	stream.linear.gather [spmem:s19], $0xA0, $0x38;
	[tilespmem:$0x9100] =	vst v63  }
0x328: {  	s19 =	simm.s32 $0x5280  }
0x329: {  	[tilespmem:s19], [sflag:$0x1] =	stream.linear.gather [spmem:s20], $0xA0, $0x38;
	[tilespmem:$0x9100] =	vst v63  }
0x32a: {  	s20 =	simm.s32 $0x5480  }
0x32b: {  	[tilespmem:s20], [sflag:$0x1] =	stream.linear.gather [spmem:s21], $0xA0, $0x38;
	[tilespmem:$0x9100] =	vst v63  }
0x32c: {  	s21 =	simm.s32 $0x5680  }
0x32d: {  	[tilespmem:s21], [sflag:$0x1] =	stream.linear.gather [spmem:s22], $0xA0, $0x38;
	[tilespmem:$0x9100] =	vst v63  }
0x32e: {  	s22 =	simm.s32 $0x5880  }
0x32f: {  	[tilespmem:s22], [sflag:$0x1] =	stream.linear.gather [spmem:s23], $0xA0, $0x38;
	[tilespmem:$0x9100] =	vst v63  }
0x330: {  	s23 =	simm.s32 $0x5A80  }
0x331: {  	[tilespmem:s23], [sflag:$0x1] =	stream.linear.gather [spmem:s24], $0xA0, $0x38;
	[tilespmem:$0x9100] =	vst v63  }
0x332: {  	s24 =	simm.s32 $0x5C80  }
0x333: {  	[tilespmem:s24], [sflag:$0x1] =	stream.linear.gather [spmem:s25], $0xA0, $0x38;
	[tilespmem:$0x9100] =	vst v63  }
0x334: {  	s25 =	simm.s32 $0x5E80  }
0x335: {  	[tilespmem:s25], [sflag:$0x1] =	stream.linear.gather [spmem:s26], $0xA0, $0x38;
	[tilespmem:$0x9100] =	vst v63  }
0x336: {  	s26 =	simm.s32 $0x6080  }
0x337: {  	[tilespmem:s26], [sflag:$0x1] =	stream.linear.gather [spmem:s28], $0xA0, $0x38;
	[tilespmem:$0x9100] =	vst v63  }
0x338: {  	s28 =	simm.s32 $0x6280  }
0x339: {  	[tilespmem:s28], [sflag:$0x1] =	stream.linear.gather [spmem:s29], $0xA0, $0x38;
	[tilespmem:$0x9100] =	vst v63  }
0x33a: {  	s29 =	simm.s32 $0x1  }
0x33b: {  	_ =	swait.ge [sflag:s29], $0xA0  }
0x33c: {  	[sflag:s29] =	ssyncset.done $0x0  }
0x33d: {  	[sflag:s29] =	ssyncadd.s32 $0xFFFFFF60  }
0x33e: {  	_ =	swait.ge [sflag:s29], $0xA0  }
0x33f: {  	[sflag:s29] =	ssyncset.done $0x0  }
0x340: {  	[sflag:s29] =	ssyncadd.s32 $0xFFFFFF60  }
0x341: {  	_ =	swait.ge [sflag:s29], $0xA0  }
0x342: {  	[sflag:s29] =	ssyncset.done $0x0  }
0x343: {  	[sflag:s29] =	ssyncadd.s32 $0xFFFFFF60  }
0x344: {  	_ =	swait.ge [sflag:s29], $0xA0  }
0x345: {  	[sflag:s29] =	ssyncset.done $0x0  }
0x346: {  	[sflag:s29] =	ssyncadd.s32 $0xFFFFFF60  }
0x347: {  	_ =	swait.ge [sflag:s29], $0xA0  }
0x348: {  	[sflag:s29] =	ssyncset.done $0x0  }
0x349: {  	[sflag:s29] =	ssyncadd.s32 $0xFFFFFF60  }
0x34a: {  	_ =	swait.ge [sflag:s29], $0xA0  }
0x34b: {  	[sflag:s29] =	ssyncset.done $0x0  }
0x34c: {  	[sflag:s29] =	ssyncadd.s32 $0xFFFFFF60  }
0x34d: {  	_ =	swait.ge [sflag:s29], $0xA0  }
0x34e: {  	[sflag:s29] =	ssyncset.done $0x0  }
0x34f: {  	[sflag:s29] =	ssyncadd.s32 $0xFFFFFF60  }
0x350: {  	_ =	swait.ge [sflag:s29], $0xA0  }
0x351: {  	[sflag:s29] =	ssyncset.done $0x0  }
0x352: {  	[sflag:s29] =	ssyncadd.s32 $0xFFFFFF60  }
0x353: {  	_ =	swait.ge [sflag:s29], $0xA0  }
0x354: {  	[sflag:s29] =	ssyncset.done $0x0  }
0x355: {  	[sflag:s29] =	ssyncadd.s32 $0xFFFFFF60  }
0x356: {  	_ =	swait.ge [sflag:s29], $0xA0  }
0x357: {  	[sflag:s29] =	ssyncset.done $0x0  }
0x358: {  	[sflag:s29] =	ssyncadd.s32 $0xFFFFFF60  }
0x359: {  	_ =	swait.ge [sflag:s29], $0xA0  }
0x35a: {  	[sflag:s29] =	ssyncset.done $0x0  }
0x35b: {  	[sflag:s29] =	ssyncadd.s32 $0xFFFFFF60  }
0x35c: {  	_ =	swait.ge [sflag:s29], $0xA0  }
0x35d: {  	[sflag:s29] =	ssyncset.done $0x0  }
0x35e: {  	[sflag:s29] =	ssyncadd.s32 $0xFFFFFF60  }
0x35f: {  	_ =	swait.ge [sflag:s29], $0xA0  }
0x360: {  	[sflag:s29] =	ssyncset.done $0x0  }
0x361: {  	[sflag:s29] =	ssyncadd.s32 $0xFFFFFF60  }
0x362: {  	_ =	swait.ge [sflag:s29], $0xA0  }
0x363: {  	[sflag:s29] =	ssyncset.done $0x0  }
0x364: {  	[sflag:s29] =	ssyncadd.s32 $0xFFFFFF60  }
0x365: {  	_ =	swait.ge [sflag:s29], $0xA0  }
0x366: {  	[sflag:s29] =	ssyncset.done $0x0  }
0x367: {  	[sflag:s29] =	ssyncadd.s32 $0xFFFFFF60  }
0x368: {  	_ =	swait.ge [sflag:s29], $0xA0  }
0x369: {  	[sflag:s29] =	ssyncset.done $0x0  }
0x36a: {  	s30 =	simm.s32 $0x0;
	[sflag:s29] =	ssyncadd.s32 $0xFFFFFF60  }
0x36b: {  	s1 =	sand.u32 $0xF0, s30;
	[bflag:$0x0] =	sbarrier.arrive $0xFFFF  }
0x36c: {  	v0 =	vld [tilespmem:s1+$0x4680]  }
0x36d: {  	v1 =	vld [tilespmem:s11+$0x0];
	_ =	sdelay $0x1  }
0x36e: {  	v2 =	vld [tilespmem:s1+$0x4880];
	_ =	sdelay $0x1  }
0x36f: {  	v3 =	vld [tilespmem:s1+$0x4A80]  }
0x370: {  	v0 =	vadd.f32 v0, v1  }
0x371: {  	v1 =	vld [tilespmem:s1+$0x4C80]  }
0x372: {  	v0 =	vadd.f32 v2, v0  }
0x373: {  	v2 =	vld [tilespmem:s1+$0x4E80]  }
0x374: {  	v0 =	vadd.f32 v3, v0  }
0x375: {  	v3 =	vld [tilespmem:s1+$0x5080]  }
0x376: {  	v0 =	vadd.f32 v1, v0  }
0x377: {  	v1 =	vld [tilespmem:s1+$0x5280]  }
0x378: {  	v0 =	vadd.f32 v2, v0  }
0x379: {  	v2 =	vld [tilespmem:s1+$0x5480]  }
0x37a: {  	v0 =	vadd.f32 v3, v0  }
0x37b: {  	v3 =	vld [tilespmem:s1+$0x5680]  }
0x37c: {  	v0 =	vadd.f32 v1, v0  }
0x37d: {  	v1 =	vld [tilespmem:s1+$0x5880]  }
0x37e: {  	v0 =	vadd.f32 v2, v0  }
0x37f: {  	v2 =	vld [tilespmem:s1+$0x5A80]  }
0x380: {  	v0 =	vadd.f32 v3, v0  }
0x381: {  	v3 =	vld [tilespmem:s1+$0x5C80]  }
0x382: {  	v0 =	vadd.f32 v1, v0  }
0x383: {  	v1 =	vld [tilespmem:s1+$0x5E80]  }
0x384: {  	v0 =	vadd.f32 v2, v0  }
0x385: {  	v2 =	vld [tilespmem:s1+$0x6080]  }
0x386: {  	v0 =	vadd.f32 v3, v0  }
0x387: {  	v3 =	vld [tilespmem:s1+$0x6280]  }
0x388: {  	v0 =	vadd.f32 v1, v0;
	_ =	sdelay $0x1  }
0x389: {  	v0 =	vadd.f32 v2, v0;
	_ =	sdelay $0x1  }
0x38a: {  	v0 =	vadd.f32 v3, v0  }
0x38b: {  	s31 =	simm.s32 $0x10;
	s0 =	simm.s32 $0x6480  }
0x38c: {  	s1 =	sand.u32 $0xF0, s31;
	[tilespmem:s0+$0x0] =	vst v0  }
0x38d: {  	s6 =	simm.s32 $0x20;
	s2 =	simm.s32 $0x4490;
	v0 =	vld [tilespmem:s1+$0x4680]  }
.LBB2_39:
0x38e: {  	p0 =	sne.s32 s6, $0x90;
	v1 =	vld [tilespmem:s2+$0x0];
	_ =	sdelay $0x1  }
0x38f: {  	v2 =	vld [tilespmem:s1+$0x4880];
	_ =	sdelay $0x1  }
0x390: {  	v3 =	vld [tilespmem:s1+$0x4A80]  }
0x391: {  	v0 =	vadd.f32 v0, v1  }
0x392: {  	v1 =	vld [tilespmem:s1+$0x4C80]  }
0x393: {  	v0 =	vadd.f32 v2, v0  }
0x394: {  	v2 =	vld [tilespmem:s1+$0x4E80]  }
0x395: {  	v0 =	vadd.f32 v3, v0  }
0x396: {  	v3 =	vld [tilespmem:s1+$0x5080]  }
0x397: {  	v0 =	vadd.f32 v1, v0  }
0x398: {  	v1 =	vld [tilespmem:s1+$0x5280]  }
0x399: {  	v0 =	vadd.f32 v2, v0  }
0x39a: {  	v2 =	vld [tilespmem:s1+$0x5480]  }
0x39b: {  	v0 =	vadd.f32 v3, v0  }
0x39c: {  	v3 =	vld [tilespmem:s1+$0x5680]  }
0x39d: {  	v0 =	vadd.f32 v1, v0  }
0x39e: {  	v1 =	vld [tilespmem:s1+$0x5880]  }
0x39f: {  	v0 =	vadd.f32 v2, v0  }
0x3a0: {  	v2 =	vld [tilespmem:s1+$0x5A80]  }
0x3a1: {  	v0 =	vadd.f32 v3, v0  }
0x3a2: {  	v3 =	vld [tilespmem:s1+$0x5C80]  }
0x3a3: {  	v0 =	vadd.f32 v1, v0  }
0x3a4: {  	v1 =	vld [tilespmem:s1+$0x5E80]  }
0x3a5: {  	v0 =	vadd.f32 v2, v0  }
0x3a6: {  	v2 =	vld [tilespmem:s1+$0x6080]  }
0x3a7: {  	v0 =	vadd.f32 v3, v0  }
0x3a8: {  	v3 =	vld [tilespmem:s1+$0x6280]  }
0x3a9: {  	v0 =	vadd.f32 v1, v0;
	_ =	sdelay $0x1  }
0x3aa: {  	v0 =	vadd.f32 v2, v0  }
.Ltmp25:
0x3ab: {  	(pc) =	sbr.rel @p0 .LBB2_39-.Ltmp25, $4  }
0x3ac: {  	v0 =	vadd.f32 v3, v0  }
0x3ad: {  	s0 =	sadd.s32 $0x10, s0  }
0x3ae: {  	s1 =	sand.u32 $0xF0, s6;
	[tilespmem:s0+$0x0] =	vst v0  }
0x3af: {  	s2 =	sadd.s32 $0x10, s2;
	s6 =	sadd.s32 $0x10, s6;
	v0 =	vld [tilespmem:s1+$0x4680]  }
0x3b0: {  	v1 =	vld [tilespmem:s2+$0x0];
	_ =	sdelay $0x1  }
0x3b1: {  	v2 =	vld [tilespmem:s1+$0x4880];
	_ =	sdelay $0x1  }
0x3b2: {  	v3 =	vld [tilespmem:s1+$0x4A80]  }
0x3b3: {  	v0 =	vadd.f32 v0, v1  }
0x3b4: {  	v1 =	vld [tilespmem:s1+$0x4C80]  }
0x3b5: {  	v0 =	vadd.f32 v2, v0  }
0x3b6: {  	v2 =	vld [tilespmem:s1+$0x4E80]  }
0x3b7: {  	v0 =	vadd.f32 v3, v0  }
0x3b8: {  	v3 =	vld [tilespmem:s1+$0x5080]  }
0x3b9: {  	v0 =	vadd.f32 v1, v0  }
0x3ba: {  	v1 =	vld [tilespmem:s1+$0x5280]  }
0x3bb: {  	v0 =	vadd.f32 v2, v0  }
0x3bc: {  	v2 =	vld [tilespmem:s1+$0x5480]  }
0x3bd: {  	v0 =	vadd.f32 v3, v0  }
0x3be: {  	v3 =	vld [tilespmem:s1+$0x5680]  }
0x3bf: {  	v0 =	vadd.f32 v1, v0  }
0x3c0: {  	v1 =	vld [tilespmem:s1+$0x5880]  }
0x3c1: {  	v0 =	vadd.f32 v2, v0  }
0x3c2: {  	v2 =	vld [tilespmem:s1+$0x5A80]  }
0x3c3: {  	v0 =	vadd.f32 v3, v0  }
0x3c4: {  	v3 =	vld [tilespmem:s1+$0x5C80]  }
0x3c5: {  	v0 =	vadd.f32 v1, v0  }
0x3c6: {  	v1 =	vld [tilespmem:s1+$0x5E80]  }
0x3c7: {  	v0 =	vadd.f32 v2, v0  }
0x3c8: {  	v2 =	vld [tilespmem:s1+$0x6080]  }
0x3c9: {  	v0 =	vadd.f32 v3, v0  }
0x3ca: {  	v3 =	vld [tilespmem:s1+$0x6280]  }
0x3cb: {  	v0 =	vadd.f32 v1, v0;
	_ =	sdelay $0x1  }
0x3cc: {  	v0 =	vadd.f32 v2, v0;
	_ =	sdelay $0x1  }
0x3cd: {  	v0 =	vadd.f32 v3, v0  }
0x3ce: {  	s0 =	sadd.s32 $0x10, s0  }
0x3cf: {  	[tilespmem:s0+$0x0] =	vst v0;
	s0 =	simm.s32 $0x0  }
0x3d0: {  	v0 =	vld [tilespmem:s0+$0x6880];
	_ =	sdelay $0x4  }
0x3d1: {  	v1 =	vmul.f32 $3.999999910e-02, v0  }
0x3d2: {  	v2 =	vld [tilespmem:s0+$0x6480]  }
0x3d3: {  	v4 =	vld [tilespmem:s0+$0x6680];
	v3 =	vmul.f32 $5.000000000e+00, v0;
	v1 =	vmul.f32 v1, v0  }
0x3d4: {  	v5 =	vld [tilespmem:s0+$0x6A80]  }
0x3d5: {  	v1 =	vadd.f32 v1, v3;
	_ =	sdelay $0x1  }
0x3d6: {  	v1 =	vadd.f32 $1.400000000e+02, v1;
	_ =	sdelay $0x1  }
0x3d7: {  	v2 =	vadd.f32 v4, v2;
	v1 =	vsub.f32 v1, v5;
	_ =	sdelay $0x1  }
0x3d8: {  	v1 =	vadd.f32 v1, v2;
	_ =	sdelay $0x1  }
0x3d9: {  	v1 =	vmul.f32 $5.000000000e-01, v1;
	_ =	sdelay $0x1  }
0x3da: {  	v0 =	vadd.f32 v1, v0;
	_ =	sdelay $0x1  }
0x3db: {  	v0 =	vmax.f32 v0, $-9.000000000e+01  }
0x3dc: {  	v1 =	vld [tilespmem:s0+$0x6C80];
	v0 =	vmin.f32 v0, $4.000000000e+01  }
0x3dd: {  	v2 =	vmul.f32 $2.000000030e-01, v0;
	_ =	sdelay $0x1  }
0x3de: {  	v2 =	vsub.f32 v2, v5  }
0x3df: {  	vm0 =	vge.f32 v0, $3.000000000e+01  }
0x3e0: {  	v0 =	vsel vm0, v1, v0;
	v1 =	vmul.f32 $1.999999960e-02, v2  }
0x3e1: {  	s2 =	simm.s32 $0x10;
	[tilespmem:s0+$0x6880] =	vst v0;
	v2 =	vld [tilespmem:s0+$0x6E80]  }
0x3e2: {  	v0 =	vmul.f32 $5.000000000e-01, v1;
	v1 =	vld [tilespmem:s2+$0x6880];
	_ =	sdelay $0x1  }
0x3e3: {  	v5 =	vadd.f32 v0, v5  }
0x3e4: {  	v0 =	vimm.f32 $0.0e+00  }
0x3e5: {  	v3 =	vsel vm0, $0x3F800000, v0;
	v6 =	vadd.f32 v5, v2  }
0x3e6: {  	s5 =	rddreg [dreg:$0x8];
	[tilespmem:s0+$0x280] =	vst v3;
	v4 =	vmul.f32 $3.999999910e-02, v1  }
0x3e7: {  	s6 =	rddreg [dreg:$0x3];
	s1 =	simm.s32 $0x80;
	v2 =	vld [tilespmem:s2+$0x6480];
	v3 =	vmul.f32 $5.000000000e+00, v1;
	v5 =	vsel vm0, v6, v5  }
.LBB2_41:
0x3e8: {  	p0 =	sne.s32 s1, $0x240;
	v6 =	vld [tilespmem:s2+$0x6680];
	v4 =	vmul.f32 v4, v1;
	[tilespmem:s0+$0x6A80] =	vst v5;
	s4 =	smov.u32 s1;
	s1 =	sadd.s32 $0x40, s1  }
0x3e9: {  	s0 =	smov.u32 s2;
	v5 =	vld [tilespmem:s2+$0x6A80]  }
0x3ea: {  	v3 =	vadd.f32 v4, v3;
	_ =	sdelay $0x1  }
0x3eb: {  	v3 =	vadd.f32 $1.400000000e+02, v3;
	_ =	sdelay $0x1  }
0x3ec: {  	v2 =	vadd.f32 v6, v2;
	v3 =	vsub.f32 v3, v5;
	_ =	sdelay $0x1  }
0x3ed: {  	v2 =	vadd.f32 v3, v2;
	_ =	sdelay $0x1  }
0x3ee: {  	v2 =	vmul.f32 $5.000000000e-01, v2;
	_ =	sdelay $0x1  }
0x3ef: {  	v1 =	vadd.f32 v2, v1;
	_ =	sdelay $0x1  }
0x3f0: {  	v1 =	vmax.f32 v1, $-9.000000000e+01  }
0x3f1: {  	v1 =	vmin.f32 v1, $4.000000000e+01;
	v2 =	vld [tilespmem:s0+$0x6C80]  }
0x3f2: {  	v3 =	vmul.f32 $2.000000030e-01, v1;
	_ =	sdelay $0x1  }
0x3f3: {  	v3 =	vsub.f32 v3, v5  }
0x3f4: {  	vm0 =	vge.f32 v1, $3.000000000e+01  }
0x3f5: {  	v3 =	vmul.f32 $1.999999960e-02, v3;
	v1 =	vsel vm0, v2, v1;
	v2 =	vsel vm0, $0x3F800000, v0  }
0x3f6: {  	s2 =	sshra.s32 s4, $0x2;
	[tilespmem:s0+$0x6880] =	vst v1;
	v4 =	vld [tilespmem:s0+$0x6E80]  }
0x3f7: {  	v1 =	vld [tilespmem:s2+$0x6880];
	v3 =	vmul.f32 $5.000000000e-01, v3;
	[tilespmem:s0+$0x280] =	vst v2  }
0x3f8: {  	v2 =	vld [tilespmem:s2+$0x6480]  }
.Ltmp26:
0x3f9: {  	v5 =	vadd.f32 v3, v5;
	(pc) =	sbr.rel @p0 .LBB2_41-.Ltmp26, $4  }
0x3fa: {  	_ = 	snop  }
0x3fb: {  	v6 =	vadd.f32 v5, v4  }
0x3fc: {  	v4 =	vmul.f32 $3.999999910e-02, v1;
	v3 =	vmul.f32 $5.000000000e+00, v1  }
0x3fd: {  	v5 =	vsel vm0, v6, v5  }
0x3fe: {  	v6 =	vld [tilespmem:s2+$0x6680];
	v4 =	vmul.f32 v4, v1;
	[tilespmem:s0+$0x6A80] =	vst v5  }
0x3ff: {  	v5 =	vld [tilespmem:s2+$0x6A80]  }
0x400: {  	v3 =	vadd.f32 v4, v3;
	_ =	sdelay $0x1  }
0x401: {  	v3 =	vadd.f32 $1.400000000e+02, v3;
	_ =	sdelay $0x1  }
0x402: {  	v2 =	vadd.f32 v6, v2;
	v3 =	vsub.f32 v3, v5;
	_ =	sdelay $0x1  }
0x403: {  	v2 =	vadd.f32 v3, v2;
	_ =	sdelay $0x1  }
0x404: {  	v2 =	vmul.f32 $5.000000000e-01, v2;
	_ =	sdelay $0x1  }
0x405: {  	v1 =	vadd.f32 v2, v1;
	_ =	sdelay $0x1  }
0x406: {  	v1 =	vmax.f32 v1, $-9.000000000e+01  }
0x407: {  	v2 =	vld [tilespmem:s2+$0x6C80];
	v1 =	vmin.f32 v1, $4.000000000e+01  }
0x408: {  	v3 =	vmul.f32 $2.000000030e-01, v1;
	_ =	sdelay $0x1  }
0x409: {  	v3 =	vsub.f32 v3, v5  }
0x40a: {  	vm0 =	vge.f32 v1, $3.000000000e+01  }
0x40b: {  	v1 =	vsel vm0, v2, v1;
	v2 =	vmul.f32 $1.999999960e-02, v3  }
0x40c: {  	[tilespmem:s2+$0x6880] =	vst v1;
	v1 =	vld [tilespmem:s2+$0x6E80]  }
0x40d: {  	v2 =	vmul.f32 $5.000000000e-01, v2;
	_ =	sdelay $0x1  }
0x40e: {  	v2 =	vadd.f32 v2, v5;
	_ =	sdelay $0x1  }
0x40f: {  	v1 =	vadd.f32 v2, v1  }
0x410: {  	v0 =	vsel vm0, $0x3F800000, v0  }
0x411: {  	[tilespmem:s2+$0x280] =	vst v0;
	v0 =	vsel vm0, v1, v2  }
0x412: {  	s1 =	simm.s32 $0x40;
	s0 =	simm.s32 $0x0;
	[tilespmem:s2+$0x6A80] =	vst v0;
	v0 =	vimm.f32 $0.0e+00  }
.LBB2_43:
0x413: {  	p0 =	sne.s32 s1, $0x17C0;
	[tilespmem:s0+$0x2480] =	vst v0;
	s0 =	smov.u32 s1;
	s1 =	sadd.s32 $0x40, s1  }
.Ltmp27:
0x414: {  	(pc) =	sbr.rel @p0 .LBB2_43-.Ltmp27, $2  }
0x415: {  	_ =	sdelay $0x2  }
0x416: {  	s0 =	sshra.s32 s0, $0x2  }
0x417: {  	s10 =	sadd.s32 $0x2EE00, s10;
	s11 =	simm.s32 $0x0  }
.Ltmp28:
0x418: {  	s13 =	simm.s32 $0x500;
	s14 =	simm.s32 $0x2;
	(pc) =	sbr.rel .LBB2_45-.Ltmp28, $4  }
0x419: {  	s15 =	simm.s32 $0x580;
	s16 =	simm.s32 $0x600;
	s17 =	simm.s32 $0x680  }
0x41a: {  	s18 =	simm.s32 $0x700;
	s19 =	simm.s32 $0x780;
	s20 =	simm.s32 $0x800  }
0x41b: {  	s21 =	simm.s32 $0x880;
	s22 =	simm.s32 $0x900;
	s23 =	simm.s32 $0x980  }
0x41c: {  	[tilespmem:s0+$0x2480] =	vst v0;
	s24 =	simm.s32 $0xA00;
	s25 =	simm.s32 $0x7080;
	s26 =	simm.s32 $0x0  }
.LBB2_48:
0x41d: {  	v1 =	vld [tilespmem:s1+$0x2480];
	_ =	sdelay $0x3  }
0x41e: {  	s2 =	sshll.u32 s26, $0x4  }
0x41f: {  	s0 =	sshll.u32 s0, $0x4;
	s2 =	sand.u32 $0x70, s2;
	v0 =	vadd.f32 v0, v1  }
0x420: {  	s0 =	sand.u32 $0x1FF80, s0;
	s2 =	sadd.s32 s2, s10  }
0x421: {  	s0 =	sadd.s32 s0, s2;
	[tilespmem:s1+$0x2480] =	vst v0  }
0x422: {  	[tilespmem:s25], [sflag:$0x2] =	stream.linear.gather [hbm4b:s0+s11], $0x80, $0x38;
	[tilespmem:$0x9100] =	vst v63  }
0x423: {  	_ =	swait.ge [sflag:s14], $0x80  }
0x424: {  	[sflag:s14] =	ssyncset.done $0x0  }
0x425: {  	[sflag:s14] =	ssyncadd.s32 $0xFFFFFF80  }
0x426: {  	v53 =	vld [tilespmem:$0x2A00]  }
0x427: {  	v54 =	vld [tilespmem:$0x7080]  }
0x428: {  	v2 =	vld [tilespmem:$0x2A10]  }
0x429: {  	v3 =	vld [tilespmem:$0x7090]  }
0x42a: {  	v4 =	vld [tilespmem:$0x2A20]  }
0x42b: {  	v5 =	vld [tilespmem:$0x70A0]  }
0x42c: {  	v6 =	vld [tilespmem:$0x2A30]  }
0x42d: {  	v7 =	vld [tilespmem:$0x70B0]  }
0x42e: {  	v8 =	vld [tilespmem:$0x2A40]  }
0x42f: {  	v9 =	vld [tilespmem:$0x70C0]  }
0x430: {  	v10 =	vld [tilespmem:$0x2A50]  }
0x431: {  	v11 =	vld [tilespmem:$0x70D0]  }
0x432: {  	v12 =	vld [tilespmem:$0x2A60]  }
0x433: {  	v55 =	vld [tilespmem:$0x70E0];
	v0 =	vadd.f32 v54, v53  }
0x434: {  	v56 =	vld [tilespmem:$0x2A70];
	v2 =	vadd.f32 v3, v2  }
0x435: {  	v58 =	vld [tilespmem:$0x70F0];
	v57 =	vadd.f32 v5, v4;
	[tilespmem:$0x2A00] =	vst v0  }
0x436: {  	v59 =	vadd.f32 v7, v6;
	[tilespmem:$0x2A10] =	vst v2  }
0x437: {  	v60 =	vadd.f32 v9, v8;
	[tilespmem:$0x2A20] =	vst v57  }
0x438: {  	v61 =	vadd.f32 v11, v10;
	[tilespmem:$0x2A30] =	vst v59  }
0x439: {  	v62 =	vadd.f32 v55, v12;
	[tilespmem:$0x2A40] =	vst v60  }
0x43a: {  	v63 =	vadd.f32 v58, v56;
	[tilespmem:$0x2A50] =	vst v61  }
0x43b: {  	[tilespmem:$0x2A60] =	vst v62  }
0x43c: {  	[tilespmem:$0x2A70] =	vst v63  }
.LBB2_49:
0x43d: {  	s26 =	sadd.s32 $0x1, s26  }
0x43e: {  	p0 =	sne.s32 s26, $0xA0  }
.Ltmp29:
0x43f: {  	_ = 	snop;
	(pc) =	sbr.rel @!p0 .LBB2_50-.Ltmp29, $1  }
0x440: {  	_ =	sdelay $0x3  }
.LBB2_45:
0x441: {  	v0 =	vld [tilespmem:s26+$0x280];
	_ =	sdelay $0x4  }
0x442: {  	(v2sf) =	vpush v0, $0x0;
	_ =	sdelay $0xe  }
0x443: {  	s0 =	spop (v2sf)  }
0x444: {  	p0 =	sgt.f32 s0, $0.0e+00  }
.Ltmp30:
0x445: {  	_ = 	snop;
	(pc) =	sbr.rel @!p0 .LBB2_49-.Ltmp30, $1  }
0x446: {  	_ =	sdelay $0x3  }
0x447: {  	s0 =	sadd.s32 s3, s26  }
0x448: {  	s1 =	sshrl.u32 s0, $0x3  }
0x449: {  	s2 =	sshll.u32 s26, $0x7;
	s1 =	smul.u32 $0x3000, s1  }
0x44a: {  	s2 =	sand.u32 $0x380, s2  }
0x44b: {  	s1 =	sor.u32 s2, s1  }
0x44c: {  	s1 =	sshrl.u32 s1, $0x3  }
0x44d: {  	s2 =	simm.s32 $0x0;
	s1 =	sadd.s32 s6, s1  }
0x44e: {  	[tilespmem:s13], [sflag:$0x2] =	stream.linear.gather [hbm4b:s1+s2], $0x80, $0x38;
	[tilespmem:$0x9100] =	vst v63  }
0x44f: {  	_ =	swait.ge [sflag:s14], $0x80  }
0x450: {  	[sflag:s14] =	ssyncset.done $0x0  }
0x451: {  	s4 =	sadd.s32 $0x80, s1;
	[sflag:s14] =	ssyncadd.s32 $0xFFFFFF80  }
0x452: {  	[tilespmem:s15], [sflag:$0x2] =	stream.linear.gather [hbm4b:s4+s2], $0x80, $0x38;
	[tilespmem:$0x9100] =	vst v63  }
0x453: {  	_ =	swait.ge [sflag:s14], $0x80  }
0x454: {  	[sflag:s14] =	ssyncset.done $0x0  }
0x455: {  	s30 =	sadd.s32 $0x100, s1;
	[sflag:s14] =	ssyncadd.s32 $0xFFFFFF80  }
0x456: {  	[tilespmem:s16], [sflag:$0x2] =	stream.linear.gather [hbm4b:s30+s2], $0x80, $0x38;
	[tilespmem:$0x9100] =	vst v63  }
0x457: {  	_ =	swait.ge [sflag:s14], $0x80  }
0x458: {  	[sflag:s14] =	ssyncset.done $0x0  }
0x459: {  	s31 =	sadd.s32 $0x180, s1;
	[sflag:s14] =	ssyncadd.s32 $0xFFFFFF80  }
0x45a: {  	[tilespmem:s17], [sflag:$0x2] =	stream.linear.gather [hbm4b:s31+s2], $0x80, $0x38;
	[tilespmem:$0x9100] =	vst v63  }
0x45b: {  	_ =	swait.ge [sflag:s14], $0x80  }
0x45c: {  	[sflag:s14] =	ssyncset.done $0x0  }
0x45d: {  	s9 =	sadd.s32 $0x200, s1;
	[sflag:s14] =	ssyncadd.s32 $0xFFFFFF80  }
0x45e: {  	[tilespmem:s18], [sflag:$0x2] =	stream.linear.gather [hbm4b:s9+s2], $0x80, $0x38;
	[tilespmem:$0x9100] =	vst v63  }
0x45f: {  	_ =	swait.ge [sflag:s14], $0x80  }
0x460: {  	[sflag:s14] =	ssyncset.done $0x0  }
0x461: {  	s12 =	sadd.s32 $0x280, s1;
	[sflag:s14] =	ssyncadd.s32 $0xFFFFFF80  }
0x462: {  	[tilespmem:s19], [sflag:$0x2] =	stream.linear.gather [hbm4b:s12+s2], $0x80, $0x38;
	[tilespmem:$0x9100] =	vst v63  }
0x463: {  	_ =	swait.ge [sflag:s14], $0x80  }
0x464: {  	[sflag:s14] =	ssyncset.done $0x0  }
0x465: {  	s28 =	sadd.s32 $0x300, s1;
	[sflag:s14] =	ssyncadd.s32 $0xFFFFFF80  }
0x466: {  	[tilespmem:s20], [sflag:$0x2] =	stream.linear.gather [hbm4b:s28+s2], $0x80, $0x38;
	[tilespmem:$0x9100] =	vst v63  }
0x467: {  	_ =	swait.ge [sflag:s14], $0x80  }
0x468: {  	[sflag:s14] =	ssyncset.done $0x0  }
0x469: {  	s29 =	sadd.s32 $0x380, s1;
	[sflag:s14] =	ssyncadd.s32 $0xFFFFFF80  }
0x46a: {  	[tilespmem:s21], [sflag:$0x2] =	stream.linear.gather [hbm4b:s29+s2], $0x80, $0x38;
	[tilespmem:$0x9100] =	vst v63  }
0x46b: {  	_ =	swait.ge [sflag:s14], $0x80  }
0x46c: {  	[sflag:s14] =	ssyncset.done $0x0  }
0x46d: {  	s30 =	sadd.s32 $0x400, s1;
	[sflag:s14] =	ssyncadd.s32 $0xFFFFFF80  }
0x46e: {  	[tilespmem:s22], [sflag:$0x2] =	stream.linear.gather [hbm4b:s30+s2], $0x80, $0x38;
	[tilespmem:$0x9100] =	vst v63  }
0x46f: {  	_ =	swait.ge [sflag:s14], $0x80  }
0x470: {  	[sflag:s14] =	ssyncset.done $0x0  }
0x471: {  	s31 =	sadd.s32 $0x480, s1;
	[sflag:s14] =	ssyncadd.s32 $0xFFFFFF80  }
0x472: {  	[tilespmem:s23], [sflag:$0x2] =	stream.linear.gather [hbm4b:s31+s2], $0x80, $0x38;
	[tilespmem:$0x9100] =	vst v63  }
0x473: {  	_ =	swait.ge [sflag:s14], $0x80  }
0x474: {  	[sflag:s14] =	ssyncset.done $0x0  }
0x475: {  	s1 =	sadd.s32 $0x500, s1;
	[sflag:s14] =	ssyncadd.s32 $0xFFFFFF80  }
0x476: {  	[tilespmem:s24], [sflag:$0x2] =	stream.linear.gather [hbm4b:s1+s2], $0x80, $0x38;
	[tilespmem:$0x9100] =	vst v63  }
0x477: {  	_ =	swait.ge [sflag:s14], $0x80  }
0x478: {  	[sflag:s14] =	ssyncset.done $0x0  }
0x479: {  	s1 =	simm.s32 $0x0;
	[sflag:s14] =	ssyncadd.s32 $0xFFFFFF80  }
0x47a: {  	s2 =	simm.s32 $0x40;
	v0 =	vld [tilespmem:s1+$0x500]  }
.LBB2_47:
0x47b: {  	p0 =	sne.s32 s2, $0x15C0;
	v1 =	vld [tilespmem:s1+$0x2480];
	_ =	sdelay $0x2  }
.Ltmp31:
0x47c: {  	(pc) =	sbr.rel @p0 .LBB2_47-.Ltmp31, $4  }
0x47d: {  	_ = 	snop  }
0x47e: {  	v1 =	vadd.f32 v0, v1  }
0x47f: {  	s4 =	sshra.s32 s2, $0x2  }
0x480: {  	s2 =	sadd.s32 $0x40, s2;
	v0 =	vld [tilespmem:s4+$0x500];
	[tilespmem:s1+$0x2480] =	vst v1;
	s1 =	smov.u32 s4  }
.Ltmp32:
0x481: {  	_ = 	snop;
	(pc) =	sbr.rel .LBB2_48-.Ltmp32, $1  }
0x482: {  	_ =	sdelay $0x3  }
.LBB2_50:
0x483: {  	s0 =	simm.s32 $0x2480  }
0x484: {  	[spmem:s8] =	stream.linear.scatter [tilespmem:s0], [sflag:$0x2], $0x600, $0x38;
	[tilespmem:$0x9100] =	vst v63  }
0x485: {  	s8 =	simm.s32 $0x2  }
0x486: {  	_ =	swait.ge [sflag:s8], $0x600  }
0x487: {  	[sflag:s8] =	ssyncset.done $0x0  }
0x488: {  	[sflag:s8] =	ssyncadd.s32 $0xFFFFFA00  }
0x489: {  	s3 =	rddreg [dreg:$0x5]  }
0x48a: {  	s1 =	simm.s32 $0x4480;
	[bflag:$0x0] =	sbarrier.arrive $0xFFFF;
	s0 =	sadd.s32 s7, s3  }
0x48b: {  	[tilespmem:s1], [sflag:$0x1] =	stream.linear.gather [spmem:s0], $0x60, $0x38;
	[tilespmem:$0x9100] =	vst v63  }
0x48c: {  	s2 =	simm.s32 $0x4680;
	s16 =	sadd.s32 $0x2000, s0  }
0x48d: {  	[tilespmem:s2], [sflag:$0x1] =	stream.linear.gather [spmem:s16], $0x60, $0x38;
	[tilespmem:$0x9100] =	vst v63  }
0x48e: {  	s18 =	simm.s32 $0x4880;
	s17 =	sadd.s32 $0x4000, s0  }
0x48f: {  	[tilespmem:s18], [sflag:$0x1] =	stream.linear.gather [spmem:s17], $0x60, $0x38;
	[tilespmem:$0x9100] =	vst v63  }
0x490: {  	s20 =	simm.s32 $0x4A80;
	s19 =	sadd.s32 $0x6000, s0  }
0x491: {  	[tilespmem:s20], [sflag:$0x1] =	stream.linear.gather [spmem:s19], $0x60, $0x38;
	[tilespmem:$0x9100] =	vst v63  }
0x492: {  	s22 =	simm.s32 $0x4C80;
	s21 =	sadd.s32 $0x8000, s0  }
0x493: {  	[tilespmem:s22], [sflag:$0x1] =	stream.linear.gather [spmem:s21], $0x60, $0x38;
	[tilespmem:$0x9100] =	vst v63  }
0x494: {  	s24 =	simm.s32 $0x4E80;
	s7 =	sor.u32 $0xC000, s7;
	s23 =	sadd.s32 $0xA000, s0  }
0x495: {  	[tilespmem:s24], [sflag:$0x1] =	stream.linear.gather [spmem:s23], $0x60, $0x38;
	[tilespmem:$0x9100] =	vst v63  }
0x496: {  	s26 =	simm.s32 $0x5080;
	s25 =	sadd.s32 s7, s3  }
0x497: {  	[tilespmem:s26], [sflag:$0x1] =	stream.linear.gather [spmem:s25], $0x60, $0x38;
	[tilespmem:$0x9100] =	vst v63  }
0x498: {  	s29 =	simm.s32 $0x5280;
	s28 =	sadd.s32 $0xE000, s0  }
0x499: {  	[tilespmem:s29], [sflag:$0x1] =	stream.linear.gather [spmem:s28], $0x60, $0x38;
	[tilespmem:$0x9100] =	vst v63  }
0x49a: {  	s31 =	simm.s32 $0x5480;
	s30 =	sadd.s32 $0x10000, s0  }
0x49b: {  	[tilespmem:s31], [sflag:$0x1] =	stream.linear.gather [spmem:s30], $0x60, $0x38;
	[tilespmem:$0x9100] =	vst v63  }
0x49c: {  	s4 =	simm.s32 $0x5680;
	s3 =	sadd.s32 $0x12000, s0  }
0x49d: {  	[tilespmem:s4], [sflag:$0x1] =	stream.linear.gather [spmem:s3], $0x60, $0x38;
	[tilespmem:$0x9100] =	vst v63  }
0x49e: {  	s9 =	simm.s32 $0x5880;
	s6 =	sadd.s32 $0x14000, s0  }
0x49f: {  	[tilespmem:s9], [sflag:$0x1] =	stream.linear.gather [spmem:s6], $0x60, $0x38;
	[tilespmem:$0x9100] =	vst v63  }
0x4a0: {  	s11 =	simm.s32 $0x5A80;
	s10 =	sadd.s32 $0x16000, s0  }
0x4a1: {  	[tilespmem:s11], [sflag:$0x1] =	stream.linear.gather [spmem:s10], $0x60, $0x38;
	[tilespmem:$0x9100] =	vst v63  }
0x4a2: {  	s13 =	simm.s32 $0x5C80;
	s12 =	sadd.s32 $0x18000, s0  }
0x4a3: {  	[tilespmem:s13], [sflag:$0x1] =	stream.linear.gather [spmem:s12], $0x60, $0x38;
	[tilespmem:$0x9100] =	vst v63  }
0x4a4: {  	s15 =	simm.s32 $0x5E80;
	s14 =	sadd.s32 $0x1A000, s0  }
0x4a5: {  	[tilespmem:s15], [sflag:$0x1] =	stream.linear.gather [spmem:s14], $0x60, $0x38;
	[tilespmem:$0x9100] =	vst v63  }
0x4a6: {  	s16 =	sadd.s32 $0x1C000, s0;
	s17 =	simm.s32 $0x6080  }
0x4a7: {  	[tilespmem:s17], [sflag:$0x1] =	stream.linear.gather [spmem:s16], $0x60, $0x38;
	[tilespmem:$0x9100] =	vst v63  }
0x4a8: {  	s0 =	sadd.s32 $0x1E000, s0;
	s18 =	simm.s32 $0x6280;
	s19 =	simm.s32 $0x1  }
0x4a9: {  	[tilespmem:s18], [sflag:$0x1] =	stream.linear.gather [spmem:s0], $0x60, $0x38;
	[tilespmem:$0x9100] =	vst v63  }
0x4aa: {  	_ =	swait.ge [sflag:s19], $0x60  }
0x4ab: {  	[sflag:s19] =	ssyncset.done $0x0  }
0x4ac: {  	[sflag:s19] =	ssyncadd.s32 $0xFFFFFFA0  }
0x4ad: {  	_ =	swait.ge [sflag:s19], $0x60  }
0x4ae: {  	[sflag:s19] =	ssyncset.done $0x0  }
0x4af: {  	[sflag:s19] =	ssyncadd.s32 $0xFFFFFFA0  }
0x4b0: {  	_ =	swait.ge [sflag:s19], $0x60  }
0x4b1: {  	[sflag:s19] =	ssyncset.done $0x0  }
0x4b2: {  	[sflag:s19] =	ssyncadd.s32 $0xFFFFFFA0  }
0x4b3: {  	_ =	swait.ge [sflag:s19], $0x60  }
0x4b4: {  	[sflag:s19] =	ssyncset.done $0x0  }
0x4b5: {  	[sflag:s19] =	ssyncadd.s32 $0xFFFFFFA0  }
0x4b6: {  	_ =	swait.ge [sflag:s19], $0x60  }
0x4b7: {  	[sflag:s19] =	ssyncset.done $0x0  }
0x4b8: {  	[sflag:s19] =	ssyncadd.s32 $0xFFFFFFA0  }
0x4b9: {  	_ =	swait.ge [sflag:s19], $0x60  }
0x4ba: {  	[sflag:s19] =	ssyncset.done $0x0  }
0x4bb: {  	[sflag:s19] =	ssyncadd.s32 $0xFFFFFFA0  }
0x4bc: {  	_ =	swait.ge [sflag:s19], $0x60  }
0x4bd: {  	[sflag:s19] =	ssyncset.done $0x0  }
0x4be: {  	[sflag:s19] =	ssyncadd.s32 $0xFFFFFFA0  }
0x4bf: {  	_ =	swait.ge [sflag:s19], $0x60  }
0x4c0: {  	[sflag:s19] =	ssyncset.done $0x0  }
0x4c1: {  	[sflag:s19] =	ssyncadd.s32 $0xFFFFFFA0  }
0x4c2: {  	_ =	swait.ge [sflag:s19], $0x60  }
0x4c3: {  	[sflag:s19] =	ssyncset.done $0x0  }
0x4c4: {  	[sflag:s19] =	ssyncadd.s32 $0xFFFFFFA0  }
0x4c5: {  	_ =	swait.ge [sflag:s19], $0x60  }
0x4c6: {  	[sflag:s19] =	ssyncset.done $0x0  }
0x4c7: {  	[sflag:s19] =	ssyncadd.s32 $0xFFFFFFA0  }
0x4c8: {  	_ =	swait.ge [sflag:s19], $0x60  }
0x4c9: {  	[sflag:s19] =	ssyncset.done $0x0  }
0x4ca: {  	[sflag:s19] =	ssyncadd.s32 $0xFFFFFFA0  }
0x4cb: {  	_ =	swait.ge [sflag:s19], $0x60  }
0x4cc: {  	[sflag:s19] =	ssyncset.done $0x0  }
0x4cd: {  	[sflag:s19] =	ssyncadd.s32 $0xFFFFFFA0  }
0x4ce: {  	_ =	swait.ge [sflag:s19], $0x60  }
0x4cf: {  	[sflag:s19] =	ssyncset.done $0x0  }
0x4d0: {  	[sflag:s19] =	ssyncadd.s32 $0xFFFFFFA0  }
0x4d1: {  	_ =	swait.ge [sflag:s19], $0x60  }
0x4d2: {  	[sflag:s19] =	ssyncset.done $0x0  }
0x4d3: {  	[sflag:s19] =	ssyncadd.s32 $0xFFFFFFA0  }
0x4d4: {  	_ =	swait.ge [sflag:s19], $0x60  }
0x4d5: {  	[sflag:s19] =	ssyncset.done $0x0  }
0x4d6: {  	[sflag:s19] =	ssyncadd.s32 $0xFFFFFFA0  }
0x4d7: {  	_ =	swait.ge [sflag:s19], $0x60  }
0x4d8: {  	[sflag:s19] =	ssyncset.done $0x0  }
0x4d9: {  	[sflag:s19] =	ssyncadd.s32 $0xFFFFFFA0  }
0x4da: {  	[bflag:$0x0] =	sbarrier.arrive $0xFFFF  }
0x4db: {  	v0 =	vld [tilespmem:$0x4480]  }
0x4dc: {  	v1 =	vld [tilespmem:$0x4680]  }
0x4dd: {  	v2 =	vld [tilespmem:$0x4880]  }
0x4de: {  	v3 =	vld [tilespmem:$0x4A80]  }
0x4df: {  	v4 =	vld [tilespmem:$0x4C80]  }
0x4e0: {  	v5 =	vld [tilespmem:$0x4E80]  }
0x4e1: {  	v6 =	vld [tilespmem:$0x5080]  }
0x4e2: {  	v7 =	vld [tilespmem:$0x5280]  }
0x4e3: {  	v8 =	vld [tilespmem:$0x5480]  }
0x4e4: {  	v9 =	vld [tilespmem:$0x5680]  }
0x4e5: {  	v10 =	vld [tilespmem:$0x5880]  }
0x4e6: {  	v11 =	vld [tilespmem:$0x5A80]  }
0x4e7: {  	v12 =	vld [tilespmem:$0x5C80]  }
0x4e8: {  	v13 =	vld [tilespmem:$0x5E80]  }
0x4e9: {  	v14 =	vld [tilespmem:$0x6080]  }
0x4ea: {  	v15 =	vld [tilespmem:$0x6280]  }
0x4eb: {  	v16 =	vld [tilespmem:$0x4490]  }
0x4ec: {  	v17 =	vld [tilespmem:$0x4690]  }
0x4ed: {  	v18 =	vld [tilespmem:$0x4890]  }
0x4ee: {  	v19 =	vld [tilespmem:$0x4A90]  }
0x4ef: {  	v20 =	vld [tilespmem:$0x4C90]  }
0x4f0: {  	v21 =	vld [tilespmem:$0x4E90]  }
0x4f1: {  	v22 =	vld [tilespmem:$0x5090]  }
0x4f2: {  	v23 =	vld [tilespmem:$0x5290]  }
0x4f3: {  	v24 =	vld [tilespmem:$0x5490]  }
0x4f4: {  	v25 =	vld [tilespmem:$0x5690]  }
0x4f5: {  	v26 =	vld [tilespmem:$0x5890]  }
0x4f6: {  	v27 =	vld [tilespmem:$0x5A90]  }
0x4f7: {  	v28 =	vld [tilespmem:$0x5C90]  }
0x4f8: {  	v29 =	vld [tilespmem:$0x5E90]  }
0x4f9: {  	v30 =	vld [tilespmem:$0x6090]  }
0x4fa: {  	v31 =	vld [tilespmem:$0x6290]  }
0x4fb: {  	v32 =	vld [tilespmem:$0x44A0]  }
0x4fc: {  	v33 =	vld [tilespmem:$0x46A0]  }
0x4fd: {  	v34 =	vld [tilespmem:$0x48A0]  }
0x4fe: {  	v35 =	vld [tilespmem:$0x4AA0]  }
0x4ff: {  	v36 =	vld [tilespmem:$0x4CA0]  }
0x500: {  	v37 =	vld [tilespmem:$0x4EA0]  }
0x501: {  	v38 =	vld [tilespmem:$0x50A0]  }
0x502: {  	v39 =	vld [tilespmem:$0x52A0]  }
0x503: {  	v40 =	vld [tilespmem:$0x54A0]  }
0x504: {  	v47 =	vld [tilespmem:$0x44B0]  }
0x505: {  	v48 =	vld [tilespmem:$0x46B0]  }
0x506: {  	v49 =	vld [tilespmem:$0x48B0];
	v0 =	vadd.f32 v1, v0  }
0x507: {  	v50 =	vld [tilespmem:$0x4AB0]  }
0x508: {  	v51 =	vld [tilespmem:$0x4CB0];
	v0 =	vadd.f32 v2, v0  }
0x509: {  	v52 =	vld [tilespmem:$0x4EB0]  }
0x50a: {  	v53 =	vld [tilespmem:$0x50B0];
	v0 =	vadd.f32 v3, v0  }
0x50b: {  	v54 =	vld [tilespmem:$0x52B0]  }
0x50c: {  	v55 =	vld [tilespmem:$0x54B0];
	v0 =	vadd.f32 v4, v0  }
0x50d: {  	v56 =	vld [tilespmem:$0x56B0]  }
0x50e: {  	v57 =	vld [tilespmem:$0x44C0];
	v16 =	vadd.f32 v17, v16;
	v0 =	vadd.f32 v5, v0  }
0x50f: {  	v58 =	vld [tilespmem:$0x46C0]  }
0x510: {  	v59 =	vld [tilespmem:$0x44D0];
	v16 =	vadd.f32 v18, v16;
	v0 =	vadd.f32 v6, v0  }
0x511: {  	v60 =	vld [tilespmem:$0x46D0]  }
0x512: {  	v61 =	vld [tilespmem:$0x48C0];
	v16 =	vadd.f32 v19, v16;
	v0 =	vadd.f32 v7, v0  }
0x513: {  	v63 =	vld [tilespmem:$0x48D0]  }
0x514: {  	v41 =	vld [tilespmem:$0x4CC0];
	v16 =	vadd.f32 v20, v16;
	v0 =	vadd.f32 v8, v0  }
0x515: {  	v42 =	vld [tilespmem:$0x4CD0]  }
0x516: {  	v44 =	vld [tilespmem:$0x4EC0];
	v16 =	vadd.f32 v21, v16;
	v0 =	vadd.f32 v9, v0  }
0x517: {  	v45 =	vld [tilespmem:$0x4ED0];
	v5 =	vadd.f32 v48, v47  }
0x518: {  	v46 =	vld [tilespmem:$0x50C0];
	v16 =	vadd.f32 v22, v16;
	v0 =	vadd.f32 v10, v0  }
0x519: {  	v1 =	vld [tilespmem:$0x56A0];
	v5 =	vadd.f32 v49, v5  }
0x51a: {  	v17 =	vld [tilespmem:$0x58A0];
	v16 =	vadd.f32 v23, v16;
	v0 =	vadd.f32 v11, v0  }
0x51b: {  	v62 =	vadd.f32 v33, v32;
	v33 =	vld [tilespmem:$0x4AC0];
	v5 =	vadd.f32 v50, v5  }
0x51c: {  	v2 =	vld [tilespmem:$0x5AA0];
	v16 =	vadd.f32 v24, v16;
	v0 =	vadd.f32 v12, v0  }
0x51d: {  	v18 =	vld [tilespmem:$0x5CA0];
	v5 =	vadd.f32 v51, v5  }
0x51e: {  	v3 =	vld [tilespmem:$0x5EA0];
	v16 =	vadd.f32 v25, v16;
	v0 =	vadd.f32 v13, v0  }
0x51f: {  	v19 =	vld [tilespmem:$0x60A0];
	v5 =	vadd.f32 v52, v5  }
0x520: {  	v4 =	vld [tilespmem:$0x62A0];
	v16 =	vadd.f32 v26, v16;
	v0 =	vadd.f32 v14, v0  }
0x521: {  	v47 =	vld [tilespmem:$0x50D0];
	v5 =	vadd.f32 v53, v5;
	v13 =	vadd.f32 v58, v57  }
0x522: {  	v0 =	vadd.f32 v15, v0;
	v15 =	vadd.f32 v34, v62;
	v34 =	vld [tilespmem:$0x4AD0]  }
0x523: {  	v48 =	vld [tilespmem:$0x52C0];
	v16 =	vadd.f32 v27, v16;
	v14 =	vadd.f32 v60, v59  }
0x524: {  	v49 =	vld [tilespmem:$0x52D0];
	v5 =	vadd.f32 v54, v5;
	v13 =	vadd.f32 v61, v13  }
0x525: {  	v50 =	vld [tilespmem:$0x54C0];
	v43 =	vadd.f32 v63, v14;
	v15 =	vadd.f32 v35, v15  }
0x526: {  	v51 =	vld [tilespmem:$0x54D0];
	v16 =	vadd.f32 v28, v16;
	v13 =	vadd.f32 v33, v13  }
0x527: {  	v25 =	vld [tilespmem:$0x58B0];
	v15 =	vadd.f32 v36, v15;
	v6 =	vadd.f32 v34, v43  }
0x528: {  	v52 =	vld [tilespmem:$0x56C0];
	v5 =	vadd.f32 v55, v5;
	v13 =	vadd.f32 v41, v13  }
0x529: {  	v10 =	vld [tilespmem:$0x5AB0];
	v15 =	vadd.f32 v37, v15;
	v6 =	vadd.f32 v42, v6  }
0x52a: {  	v26 =	vld [tilespmem:$0x5CB0];
	v16 =	vadd.f32 v29, v16;
	v13 =	vadd.f32 v44, v13  }
0x52b: {  	v53 =	vld [tilespmem:$0x56D0];
	v15 =	vadd.f32 v38, v15;
	v6 =	vadd.f32 v45, v6  }
0x52c: {  	v11 =	vld [tilespmem:$0x5EB0];
	v5 =	vadd.f32 v56, v5;
	v13 =	vadd.f32 v46, v13  }
0x52d: {  	v27 =	vld [tilespmem:$0x60B0];
	v15 =	vadd.f32 v39, v15;
	v6 =	vadd.f32 v47, v6  }
0x52e: {  	v54 =	vld [tilespmem:$0x58C0];
	v16 =	vadd.f32 v30, v16;
	v7 =	vadd.f32 v48, v13  }
0x52f: {  	v12 =	vld [tilespmem:$0x62B0];
	v15 =	vadd.f32 v40, v15;
	v6 =	vadd.f32 v49, v6  }
0x530: {  	v55 =	vld [tilespmem:$0x58D0];
	v5 =	vadd.f32 v25, v5;
	v7 =	vadd.f32 v50, v7  }
0x531: {  	v56 =	vld [tilespmem:$0x5AC0];
	v1 =	vadd.f32 v1, v15;
	v6 =	vadd.f32 v51, v6  }
0x532: {  	v57 =	vld [tilespmem:$0x5AD0];
	v16 =	vadd.f32 v31, v16;
	v7 =	vadd.f32 v52, v7  }
0x533: {  	v58 =	vld [tilespmem:$0x5CC0];
	v1 =	vadd.f32 v17, v1;
	v6 =	vadd.f32 v53, v6  }
0x534: {  	v60 =	vld [tilespmem:$0x5CD0];
	v5 =	vadd.f32 v10, v5;
	v59 =	vadd.f32 v54, v7  }
0x535: {  	v61 =	vld [tilespmem:$0x5EC0];
	v1 =	vadd.f32 v2, v1;
	v6 =	vadd.f32 v55, v6  }
0x536: {  	v62 =	vld [tilespmem:$0x5ED0];
	v5 =	vadd.f32 v26, v5;
	v2 =	vadd.f32 v56, v59  }
0x537: {  	v63 =	vld [tilespmem:$0x60C0];
	v1 =	vadd.f32 v18, v1;
	v6 =	vadd.f32 v57, v6  }
0x538: {  	v5 =	vadd.f32 v11, v5;
	v15 =	vld [tilespmem:$0x60D0];
	v2 =	vadd.f32 v58, v2  }
0x539: {  	v17 =	vld [tilespmem:$0x62C0];
	v1 =	vadd.f32 v3, v1;
	v6 =	vadd.f32 v60, v6  }
0x53a: {  	v5 =	vadd.f32 v27, v5;
	v18 =	vld [tilespmem:$0x62D0];
	v2 =	vadd.f32 v61, v2  }
0x53b: {  	v1 =	vadd.f32 v19, v1;
	v6 =	vadd.f32 v62, v6  }
0x53c: {  	[tilespmem:$0x6480] =	vst v0;
	v21 =	vadd.f32 v12, v5;
	v20 =	vadd.f32 v63, v2  }
0x53d: {  	[tilespmem:$0x6490] =	vst v16;
	v19 =	vadd.f32 v4, v1;
	v3 =	vadd.f32 v15, v6  }
0x53e: {  	[tilespmem:$0x64B0] =	vst v21;
	v22 =	vadd.f32 v17, v20  }
0x53f: {  	[tilespmem:$0x64A0] =	vst v19;
	v23 =	vadd.f32 v18, v3  }
0x540: {  	s20 =	rddreg [dreg:$0x9];
	[tilespmem:$0x64C0] =	vst v22  }
0x541: {  	s6 =	simm.s32 $0x0;
	s9 =	simm.s32 $0x6880;
	s21 =	sadd.s32 $0x15C0, s20;
	[tilespmem:$0x64D0] =	vst v23  }
0x542: {  	[tilespmem:s9], [sflag:$0x2] =	stream.linear.gather [hbm4b:s21+s6], $0x60, $0x38;
	[tilespmem:$0x9100] =	vst v63  }
0x543: {  	_ =	swait.ge [sflag:s8], $0x60  }
0x544: {  	[sflag:s8] =	ssyncset.done $0x0  }
0x545: {  	s23 =	simm.s32 $0x6A80;
	s22 =	sadd.s32 $0x1680, s20;
	[sflag:s8] =	ssyncadd.s32 $0xFFFFFFA0  }
0x546: {  	[tilespmem:s23], [sflag:$0x2] =	stream.linear.gather [hbm4b:s22+s6], $0x60, $0x38;
	[tilespmem:$0x9100] =	vst v63  }
0x547: {  	_ =	swait.ge [sflag:s8], $0x60  }
0x548: {  	[sflag:s8] =	ssyncset.done $0x0  }
0x549: {  	s25 =	simm.s32 $0x6C80;
	s24 =	sadd.s32 $0x1740, s20;
	[sflag:s8] =	ssyncadd.s32 $0xFFFFFFA0  }
0x54a: {  	[tilespmem:s25], [sflag:$0x2] =	stream.linear.gather [hbm4b:s24+s6], $0x60, $0x38;
	[tilespmem:$0x9100] =	vst v63  }
0x54b: {  	_ =	swait.ge [sflag:s8], $0x60  }
0x54c: {  	s26 =	sshrl.u32 s7, $0x3;
	[sflag:s8] =	ssyncset.done $0x0  }
0x54d: {  	s28 =	simm.s32 $0x6E80;
	s0 =	sadd.s32 s5, s26;
	[sflag:s8] =	ssyncadd.s32 $0xFFFFFFA0  }
0x54e: {  	[tilespmem:s28], [sflag:$0x2] =	stream.linear.gather [hbm4b:s0+s6], $0x60, $0x38;
	[tilespmem:$0x9100] =	vst v63  }
0x54f: {  	_ =	swait.ge [sflag:s8], $0x60  }
0x550: {  	[sflag:s8] =	ssyncset.done $0x0  }
0x551: {  	[sflag:s8] =	ssyncadd.s32 $0xFFFFFFA0  }
0x552: {  	v24 =	vld [tilespmem:$0x6880];
	_ =	sdelay $0x4  }
0x553: {  	v25 =	vmul.f32 $3.999999910e-02, v24;
	_ =	sdelay $0x1  }
0x554: {  	v26 =	vmul.f32 $5.000000000e+00, v24;
	v1 =	vmul.f32 v25, v24  }
0x555: {  	v27 =	vld [tilespmem:$0x6A80]  }
0x556: {  	v1 =	vadd.f32 v1, v26  }
0x557: {  	v28 =	vld [tilespmem:$0x6480]  }
0x558: {  	v1 =	vadd.f32 $1.400000000e+02, v1;
	_ =	sdelay $0x1  }
0x559: {  	v29 =	vld [tilespmem:$0x6890];
	v1 =	vsub.f32 v1, v27;
	_ =	sdelay $0x1  }
0x55a: {  	v36 =	vld [tilespmem:$0x68B0];
	v1 =	vadd.f32 v1, v28;
	_ =	sdelay $0x1  }
0x55b: {  	v1 =	vmul.f32 $5.000000000e-01, v1  }
0x55c: {  	v34 =	vld [tilespmem:$0x68A0];
	v30 =	vmul.f32 $3.999999910e-02, v29  }
0x55d: {  	v39 =	vld [tilespmem:$0x68C0];
	v31 =	vmul.f32 $5.000000000e+00, v29;
	v0 =	vadd.f32 v1, v24  }
0x55e: {  	v45 =	vld [tilespmem:$0x68D0];
	v43 =	vmul.f32 $3.999999910e-02, v36;
	v1 =	vmul.f32 v30, v29  }
0x55f: {  	v32 =	vld [tilespmem:$0x6A90];
	v48 =	vmul.f32 $5.000000000e+00, v36;
	v0 =	vmax.f32 v0, $-9.000000000e+01  }
0x560: {  	v35 =	vld [tilespmem:$0x6490];
	v47 =	vmul.f32 v43, v36;
	v1 =	vadd.f32 v1, v31;
	v0 =	vmin.f32 v0, $4.000000000e+01  }
0x561: {  	v49 =	vld [tilespmem:$0x6AB0];
	v38 =	vmul.f32 $3.999999910e-02, v34;
	v33 =	vmul.f32 $2.000000030e-01, v0  }
0x562: {  	v41 =	vmul.f32 $5.000000000e+00, v34;
	v12 =	vadd.f32 v47, v48;
	v1 =	vadd.f32 $1.400000000e+02, v1  }
0x563: {  	v51 =	vld [tilespmem:$0x64B0];
	v50 =	vmul.f32 $3.999999910e-02, v39;
	v53 =	vmul.f32 $3.999999910e-02, v45;
	v6 =	vsub.f32 v33, v27  }
0x564: {  	v58 =	vmul.f32 $5.000000000e+00, v45;
	v12 =	vadd.f32 $1.400000000e+02, v12;
	v1 =	vsub.f32 v1, v32  }
0x565: {  	v37 =	vld [tilespmem:$0x6C80];
	v57 =	vmul.f32 v53, v45;
	v6 =	vmul.f32 $1.999999960e-02, v6  }
0x566: {  	v59 =	vld [tilespmem:$0x6AD0];
	v10 =	vmul.f32 v38, v34;
	v12 =	vsub.f32 v12, v49;
	v1 =	vadd.f32 v1, v35  }
0x567: {  	v42 =	vld [tilespmem:$0x6AA0];
	v52 =	vmul.f32 $5.000000000e+00, v39;
	v61 =	vadd.f32 v57, v58;
	v6 =	vmul.f32 $5.000000000e-01, v6  }
0x568: {  	v40 =	vld [tilespmem:$0x6E80];
	v44 =	vadd.f32 v10, v41;
	v60 =	vadd.f32 v12, v51;
	v1 =	vmul.f32 $5.000000000e-01, v1  }
0x569: {  	v46 =	vld [tilespmem:$0x64A0];
	v15 =	vmul.f32 v50, v39;
	v12 =	vadd.f32 $1.400000000e+02, v61;
	v3 =	vadd.f32 v6, v27  }
0x56a: {  	v1 =	vadd.f32 v1, v29;
	v6 =	vadd.f32 $1.400000000e+02, v44  }
0x56b: {  	v22 =	vimm.f32 $0.0e+00;
	v55 =	vadd.f32 v15, v52;
	v24 =	vsub.f32 v12, v59;
	v27 =	vld [tilespmem:$0x6C90]  }
0x56c: {  	v17 =	vld [tilespmem:$0x6AC0];
	vm0 =	vge.f32 v0, $3.000000000e+01;
	v1 =	vmax.f32 v1, $-9.000000000e+01;
	v6 =	vsub.f32 v6, v42  }
0x56d: {  	v21 =	vld [tilespmem:$0x64D0];
	v0 =	vsel vm0, v37, v0;
	v11 =	vadd.f32 v3, v40;
	v1 =	vmin.f32 v1, $4.000000000e+01  }
0x56e: {  	v56 =	vld [tilespmem:$0x64C0];
	v54 =	vmul.f32 $2.000000030e-01, v1;
	v4 =	vadd.f32 v6, v46;
	v6 =	vadd.f32 $1.400000000e+02, v55  }
0x56f: {  	v3 =	vsel vm0, v11, v3;
	v11 =	vmul.f32 $5.000000000e-01, v60;
	vm11 =	vge.f32 v1, $3.000000000e+01  }
0x570: {  	v26 =	vsel vm0, $0x3F800000, v22;
	v30 =	vsel vm11, v27, v1;
	v19 =	vsub.f32 v54, v32  }
0x571: {  	v4 =	vmul.f32 $5.000000000e-01, v4;
	v63 =	vsub.f32 v6, v17;
	v8 =	vadd.f32 v11, v36  }
0x572: {  	v38 =	vld [tilespmem:$0x6CB0];
	v37 =	vsel vm11, $0x3F800000, v22;
	v6 =	vadd.f32 v24, v21;
	v62 =	vmul.f32 $1.999999960e-02, v19  }
0x573: {  	v2 =	vadd.f32 v4, v34;
	v4 =	vadd.f32 v63, v56;
	v8 =	vmax.f32 v8, $-9.000000000e+01  }
0x574: {  	v6 =	vmul.f32 $5.000000000e-01, v6;
	v8 =	vmin.f32 v8, $4.000000000e+01;
	v14 =	vmul.f32 $5.000000000e-01, v62  }
0x575: {  	v23 =	vld [tilespmem:$0x6E90];
	v2 =	vmax.f32 v2, $-9.000000000e+01;
	v4 =	vmul.f32 $5.000000000e-01, v4;
	v28 =	vmul.f32 $2.000000030e-01, v8  }
0x576: {  	v6 =	vadd.f32 v6, v45;
	vm13 =	vge.f32 v8, $3.000000000e+01;
	v2 =	vmin.f32 v2, $4.000000000e+01  }
0x577: {  	v52 =	vsel vm13, v38, v8;
	v25 =	vmul.f32 $2.000000030e-01, v2;
	v4 =	vadd.f32 v4, v39  }
0x578: {  	[tilespmem:$0x6880] =	vst v0;
	v56 =	vsel vm13, $0x3F800000, v22;
	v5 =	vadd.f32 v14, v32;
	v7 =	vsub.f32 v28, v49  }
0x579: {  	[tilespmem:$0x0] =	vst v26;
	v29 =	vld [tilespmem:$0x6EA0];
	v6 =	vmax.f32 v6, $-9.000000000e+01;
	v12 =	vsub.f32 v25, v42;
	v4 =	vmax.f32 v4, $-9.000000000e+01  }
0x57a: {  	v55 =	vld [tilespmem:$0x6CD0];
	[tilespmem:$0x6A80] =	vst v3;
	v15 =	vadd.f32 v5, v23;
	v35 =	vmul.f32 $1.999999960e-02, v7;
	v4 =	vmin.f32 v4, $4.000000000e+01  }
0x57b: {  	[tilespmem:$0x6890] =	vst v30;
	v6 =	vmin.f32 v6, $4.000000000e+01;
	v12 =	vmul.f32 $1.999999960e-02, v12;
	v33 =	vmul.f32 $2.000000030e-01, v4  }
0x57c: {  	v36 =	vld [tilespmem:$0x6EB0];
	[tilespmem:$0x10] =	vst v37;
	vm12 =	vge.f32 v2, $3.000000000e+01;
	v39 =	vmul.f32 $2.000000030e-01, v6;
	v34 =	vsel vm11, v15, v5  }
0x57d: {  	v32 =	vld [tilespmem:$0x6CA0];
	[tilespmem:$0x68B0] =	vst v52;
	v5 =	vmul.f32 $5.000000000e-01, v35;
	v31 =	vmul.f32 $5.000000000e-01, v12;
	v12 =	vsub.f32 v33, v17  }
0x57e: {  	[tilespmem:$0x30] =	vst v56;
	v47 =	vsel vm12, $0x3F800000, v22;
	vm15 =	vge.f32 v6, $3.000000000e+01;
	v45 =	vsub.f32 v39, v59  }
0x57f: {  	[tilespmem:$0x20] =	vst v47;
	v61 =	vsel vm15, v55, v6;
	v43 =	vadd.f32 v5, v49;
	v49 =	vld [tilespmem:$0x6CC0];
	v41 =	vmul.f32 $1.999999960e-02, v12  }
0x580: {  	v44 =	vld [tilespmem:$0x6EC0];
	v63 =	vsel vm15, $0x3F800000, v22;
	[tilespmem:$0x68D0] =	vst v61;
	v51 =	vmul.f32 $1.999999960e-02, v45;
	v1 =	vadd.f32 v31, v42  }
0x581: {  	v53 =	vld [tilespmem:$0x6ED0];
	[tilespmem:$0x50] =	vst v63;
	v50 =	vadd.f32 v43, v36;
	v48 =	vmul.f32 $5.000000000e-01, v41  }
0x582: {  	[tilespmem:$0x6A90] =	vst v34;
	v42 =	vsel vm12, v32, v2;
	v54 =	vmul.f32 $5.000000000e-01, v51;
	v40 =	vadd.f32 v1, v29  }
0x583: {  	vm14 =	vge.f32 v4, $3.000000000e+01;
	[tilespmem:$0x68A0] =	vst v42;
	v0 =	vsel vm13, v50, v43;
	v3 =	vadd.f32 v48, v17  }
0x584: {  	[tilespmem:$0x6AB0] =	vst v0;
	v57 =	vsel vm14, v49, v4;
	v46 =	vsel vm12, v40, v1;
	v1 =	vadd.f32 v54, v59  }
0x585: {  	[tilespmem:$0x68C0] =	vst v57;
	v5 =	vadd.f32 v3, v44  }
0x586: {  	v59 =	vsel vm14, $0x3F800000, v22;
	[tilespmem:$0x6AA0] =	vst v46;
	v60 =	vadd.f32 v1, v53  }
0x587: {  	s30 =	rddreg [dreg:$0x7];
	[tilespmem:$0x40] =	vst v59;
	v58 =	vsel vm14, v5, v3  }
0x588: {  	s29 =	rddreg [dreg:$0x4];
	v62 =	vsel vm15, v60, v1;
	[tilespmem:$0x6AC0] =	vst v58  }
0x589: {  	s0 =	sadd.s32 s29, s30;
	[tilespmem:$0x6AD0] =	vst v62  }
0x58a: {  	[hbm4b:s0+s6] =	stream.linear.scatter [tilespmem:s9], [sflag:$0x2], $0x60, $0x38;
	[tilespmem:$0x9100] =	vst v63  }
0x58b: {  	_ =	swait.ge [sflag:s8], $0x60  }
0x58c: {  	[sflag:s8] =	ssyncset.done $0x0  }
0x58d: {  	[sflag:s8] =	ssyncadd.s32 $0xFFFFFFA0  }
0x58e: {  	_ =	sfence.sel $0x180000  }
0x58f: {  	[bflag:$0x0] =	sbarrier.arrive $0xFFFF  }
0x590: {  	_ =	strace $0x90000047  }
0x591: {  	s31 =	stileid.u32;
	[bflag:$0x2] =	sbarrier.arrive $0xFFFF  }
0x592: {  	p0 =	sne.s32 s31, $0x0;
	s0 =	rddreg [dreg:$0x6]  }
0x593: {  	s0 =	sadd.s32 @!p0 $0x100000, s0  }
0x594: {  	[sflag:s0] =	ssyncadd.tile.s32 @!p0 $0x1;
	_ =	shalt  }
.Lfunc_end2:
_tile_overlayer_lowered:
.L_overlay_start_2:
0x595: {  	(tag) =	ssettag $0x2  }
0x596: {  	s0 =	rddreg [dreg:$0x0];
	s2 =	stileid.u32  }
0x597: {  	s1 =	rddreg [dreg:$0x1];
	p0 =	sne.s32 s2, $0x0  }
0x598: {  	s3 =	rddreg [dreg:$0x2];
	[bflag:$0x3] =	sbarrier.arrive $0xFFFF;
	s2 =	simm.s32 @!p0 $0x1C02  }
0x599: {  	[timem:s3], [sflag:s2] =	dma.local @!p0 [hbm:s0], s1  }
0x59a: {  	s0 =	simm.s32 @!p0 $0x2  }
0x59b: {  	_ =	swait.ge @!p0 [sflag:s0], s1  }
0x59c: {  	s1 =	ssub.s32 @!p0 $0x0, s1;
	[sflag:s0] =	ssyncset.done @!p0 $0x0  }
0x59d: {  	[sflag:s0] =	ssyncadd.s32 @!p0 s1  }
0x59e: {  	[bflag:$0x3] =	sbarrier.arrive $0xFFFF  }
0x59f: {  	_ =	shalt  }

</sc_bundles>
